<compile_context>
chip_gen: v7x
topology: tpu7x:2x2x1
jax: 0.10.2.dev20260603
libtpu: 0.0.44.dev20260713+nightly
codegen_flags: <defaults>
</compile_context>

<pallas_src>
import functools

import jax
import jax.numpy as jnp
from jax import lax
from jax.experimental import pallas as pl
from jax.experimental.pallas import tpu as pltpu
from jax.experimental.pallas import tpu_sc as plsc

_N = 10000
_E = 160000
_EMB = 256
_HALF = 128
_G = 256
_L = 5
_NC = 2
_NS = 16
_NPAD = 10240
_EPAD = 160256
_EPW = _EPAD // (_NC * _NS)
_EPS = _E // _NS
_EB = 40
_RB = 1000
_NB = _N // _RB
_F32 = jnp.float32
_HI = lax.Precision.HIGHEST

def _dot(a, b):
    return jax.lax.dot_general(a, b, (((1,), (0,)), ((), ())),
                               precision=_HI, preferred_element_type=_F32)


def _dott(a, b):
    return jax.lax.dot_general(a, b, (((0,), (0,)), ((), ())),
                               precision=_HI, preferred_element_type=_F32)


def _sc_deg_body(rows_hbm, z16_hbm, out_hbm, rowb, msg, acc):
    c = lax.axis_index("c")
    s = lax.axis_index("s")
    per = (_NPAD // 16) // _NS
    pltpu.sync_copy(z16_hbm.at[pl.ds(s * per, per)], acc.at[pl.ds(s * per, per)])
    wid = s * _NC + c
    pltpu.sync_copy(rows_hbm.at[pl.ds(wid * _EPW, _EPW)], rowb)
    plsc.subcore_barrier()
    i16 = lax.iota(jnp.int32, 16)

    def _step(k, _):
        r16 = rowb[pl.ds(k * 16, 16)]
        ri16 = lax.shift_right_logical(r16, 4)
        ci16 = jnp.bitwise_and(r16, 15)
        for i in range(16):
            msg[i, :] = (i16 == ci16[i]).astype(_F32)
        pltpu.sync_copy(msg, acc.at[ri16], add=True)
        return 0
    lax.fori_loop(0, _EPW // 16, _step, 0)

    plsc.subcore_barrier()
    pltpu.sync_copy(acc.at[pl.ds(s * per, per)],
                    out_hbm.at[c, pl.ds(s * per, per)])


def _sc_s_body(rows_hbm, cols_hbm, combos_hbm, dis_hbm, z16_hbm, out_hbm,
          rowb, colb, combob, disb, msg, acc):
    c = lax.axis_index("c")
    s = lax.axis_index("s")
    per = _NPAD // _NS
    pltpu.sync_copy(z16_hbm.at[pl.ds(s * per, per)], acc.at[pl.ds(s * per, per)])
    wid = s * _NC + c
    pltpu.sync_copy(rows_hbm.at[pl.ds(wid * _EPW, _EPW)], rowb)
    pltpu.sync_copy(cols_hbm.at[pl.ds(wid * _EPW, _EPW)], colb)
    pltpu.sync_copy(combos_hbm.at[pl.ds(wid * _EPW, _EPW)], combob)
    pltpu.sync_copy(dis_hbm, disb)
    plsc.subcore_barrier()
    i16 = lax.iota(jnp.int32, 16)

    def _step(k, _):
        base = k * 16
        c16 = colb[pl.ds(base, 16)]
        k16 = combob[pl.ds(base, 16)]
        r16 = rowb[pl.ds(base, 16)]
        nr16 = plsc.load_gather(disb, [r16])
        for i in range(16):
            msg[i, :] = jnp.where(i16 == k16[i], nr16[i], 0.0)
        pltpu.sync_copy(msg, acc.at[c16], add=True)
        return 0
    lax.fori_loop(0, _EPW // 16, _step, 0)

    plsc.subcore_barrier()
    pltpu.sync_copy(acc.at[pl.ds(s * per, per)],
                    out_hbm.at[c, pl.ds(s * per, per)])


def _sc_agg_body(hxs_hbm, row_hbm, rowp_hbm, col_hbm, z128_hbm, out_hbm,
                 ir, ic, rows0, rows1, rows2, rows3, rows4,
                 acc, sg0, sg1, sg2, sg3, sg4, ss0, ss1, ss2, ss3, ss4):
    c = lax.axis_index("c")
    s = lax.axis_index("s")
    per = _NPAD // _NS
    nblk = _EPS // _EB
    nbuf = 5
    ngrp = nblk // nbuf - 1
    bufs = [(rows0, sg0, ss0), (rows1, sg1, ss1), (rows2, sg2, ss2),
            (rows3, sg3, ss3), (rows4, sg4, ss4)]
    pltpu.sync_copy(z128_hbm.at[pl.ds(s * per, per)],
                    acc.at[pl.ds(s * per, per)])
    base0 = s * _EPS

    @pl.when(c == 0)
    def _():
        pltpu.sync_copy(row_hbm.at[pl.ds(base0, _EPS)], ir)

    @pl.when(c == 1)
    def _():
        pltpu.sync_copy(rowp_hbm.at[pl.ds(base0, _EPS)], ir)

    pltpu.sync_copy(col_hbm.at[pl.ds(base0, _EPS)], ic)
    plsc.subcore_barrier()

    def gat(j, buf, sem):
        pltpu.async_copy(hxs_hbm.at[ir.at[pl.ds(j * _EB, _EB)]], buf, sem)

    def gat_wait(buf, sem):
        pltpu.make_async_copy(hxs_hbm.at[ir.at[pl.ds(0, _EB)]], buf,
                              sem).wait()

    def sca(j, buf, sem):
        pltpu.async_copy(buf, acc.at[ic.at[pl.ds(j * _EB, _EB)]], sem,
                         add=True)

    def sca_wait(buf, sem):
        pltpu.make_async_copy(buf, acc.at[ic.at[pl.ds(0, _EB)]], sem).wait()

    for b in range(nbuf):
        gat(b, bufs[b][0], bufs[b][1])

    def _grp(k, _):
        j0 = nbuf * k
        for b in range(nbuf):
            gat_wait(bufs[b][0], bufs[b][1])
            sca(j0 + b, bufs[b][0], bufs[b][2])
        for b in range(nbuf):
            sca_wait(bufs[b][0], bufs[b][2])
            gat(j0 + nbuf + b, bufs[b][0], bufs[b][1])
        return 0
    lax.fori_loop(0, ngrp, _grp, 0)

    for b in range(nbuf):
        gat_wait(bufs[b][0], bufs[b][1])
        sca(nbuf * ngrp + b, bufs[b][0], bufs[b][2])
    for b in range(nbuf):
        sca_wait(bufs[b][0], bufs[b][2])
    plsc.subcore_barrier()
    pltpu.sync_copy(acc.at[pl.ds(s * per, per)],
                    out_hbm.at[c, pl.ds(s * per, per)])


@functools.lru_cache(maxsize=None)
def _sc_kernels():
    mesh = plsc.VectorSubcoreMesh(
        core_axis_name="c", subcore_axis_name="s",
        num_cores=_NC, num_subcores=_NS)
    cp = pltpu.CompilerParams(needs_layout_passes=False)
    deg = pl.kernel(
        _sc_deg_body,
        out_type=jax.ShapeDtypeStruct((_NC, _NPAD // 16, 16), _F32),
        mesh=mesh,
        compiler_params=cp,
        scratch_types=[
            pltpu.VMEM((_EPW,), jnp.int32),
            pltpu.VMEM((16, 16), _F32),
            pltpu.VMEM_SHARED((_NPAD // 16, 16), _F32),
        ])
    smat = pl.kernel(
        _sc_s_body,
        out_type=jax.ShapeDtypeStruct((_NC, _NPAD, 16), _F32),
        mesh=mesh,
        compiler_params=cp,
        scratch_types=[
            pltpu.VMEM((_EPW,), jnp.int32),
            pltpu.VMEM((_EPW,), jnp.int32),
            pltpu.VMEM((_EPW,), jnp.int32),
            pltpu.VMEM((_NPAD,), _F32),
            pltpu.VMEM((16, 16), _F32),
            pltpu.VMEM_SHARED((_NPAD, 16), _F32),
        ])
    agg = pl.kernel(
        _sc_agg_body,
        out_type=jax.ShapeDtypeStruct((_NC, _NPAD, _HALF), _F32),
        mesh=mesh,
        compiler_params=cp,
        scratch_types=[
            pltpu.VMEM((_EPS,), jnp.int32),
            pltpu.VMEM((_EPS,), jnp.int32),
            pltpu.VMEM((_EB, _HALF), _F32),
            pltpu.VMEM((_EB, _HALF), _F32),
            pltpu.VMEM((_EB, _HALF), _F32),
            pltpu.VMEM((_EB, _HALF), _F32),
            pltpu.VMEM((_EB, _HALF), _F32),
            pltpu.VMEM_SHARED((_NPAD, _HALF), _F32),
        ] + [pltpu.SemaphoreType.DMA] * 10)
    return deg, smat, agg


def _embed_body(x0_ref, x1_ref, e1_ref, e2_ref, d0_ref, d1_ref, w_ref, b_ref,
                hxs_ref, dis_ref):
    x0 = x0_ref[0, 0, :]
    x1 = x1_ref[0, 0, :]
    oh0 = (x0[:, None] == lax.broadcasted_iota(jnp.int32, (_RB, 8), 1)
           ).astype(_F32)
    oh1 = (x1[:, None] == lax.broadcasted_iota(jnp.int32, (_RB, 8), 1)
           ).astype(_F32)
    h = _dot(oh0, e1_ref[...]) + _dot(oh1, e2_ref[...])
    deg = d0_ref[0, 0, :] + d1_ref[0, 0, :] + 1.0
    dis = lax.rsqrt(deg)
    dis_ref[0, 0, :] = dis
    hx = _dot(h, w_ref[...]) + b_ref[...]
    hxs = dis[:, None] * hx
    hxs_ref[0] = hxs[:, :_HALF]
    hxs_ref[1] = hxs[:, _HALF:]


def _tc_embed(x0r, x1r, e1, e2, d0r, d1r, w0, b0):
    return pl.pallas_call(
        _embed_body,
        grid=(_NB,),
        in_specs=[
            pl.BlockSpec((1, 1, _RB), lambda i: (i, 0, 0)),
            pl.BlockSpec((1, 1, _RB), lambda i: (i, 0, 0)),
            pl.BlockSpec((8, _EMB), lambda i: (0, 0)),
            pl.BlockSpec((8, _EMB), lambda i: (0, 0)),
            pl.BlockSpec((1, 1, _RB), lambda i: (i, 0, 0)),
            pl.BlockSpec((1, 1, _RB), lambda i: (i, 0, 0)),
            pl.BlockSpec((_EMB, _EMB), lambda i: (0, 0)),
            pl.BlockSpec((1, _EMB), lambda i: (0, 0)),
        ],
        out_specs=[
            pl.BlockSpec((2, _RB, _HALF), lambda i: (0, i, 0)),
            pl.BlockSpec((1, 1, _RB), lambda i: (i, 0, 0)),
        ],
        out_shape=[
            jax.ShapeDtypeStruct((2, _N, _HALF), _F32),
            jax.ShapeDtypeStruct((_NB, 1, _RB), _F32),
        ],
    )(x0r, x1r, e1, e2, d0r, d1r, w0, b0)


def _post_body(agg_ref, hxs_ref, sp_ref, tab_ref, dis_ref,
               z_ref, sum_ref, sumsq_ref):
    i = pl.program_id(0)
    aggf = jnp.concatenate([agg_ref[0], agg_ref[1]], axis=1)
    hxsf = jnp.concatenate([hxs_ref[0], hxs_ref[1]], axis=1)
    smat = sp_ref[0] + sp_ref[1]
    dis = dis_ref[0, 0, :]
    oh12 = (lax.broadcasted_iota(jnp.int32, (1, 16), 1) == 12).astype(_F32)
    smat = smat + dis[:, None] * oh12
    z = dis[:, None] * (aggf + hxsf + _dot(smat, tab_ref[...]))
    z_ref[...] = z

    @pl.when(i == 0)
    def _():
        sum_ref[...] = jnp.zeros_like(sum_ref)
        sumsq_ref[...] = jnp.zeros_like(sumsq_ref)

    sum_ref[...] += jnp.sum(z, axis=0, keepdims=True)
    sumsq_ref[...] += jnp.sum(z * z, axis=0, keepdims=True)


def _tc_post(agg, hxs, sp, tab, disr):
    return pl.pallas_call(
        _post_body,
        grid=(_NB,),
        in_specs=[
            pl.BlockSpec((2, _RB, _HALF), lambda i: (0, i, 0)),
            pl.BlockSpec((2, _RB, _HALF), lambda i: (0, i, 0)),
            pl.BlockSpec((2, _RB, 16), lambda i: (0, i, 0)),
            pl.BlockSpec((16, _EMB), lambda i: (0, 0)),
            pl.BlockSpec((1, 1, _RB), lambda i: (i, 0, 0)),
        ],
        out_specs=[
            pl.BlockSpec((_RB, _EMB), lambda i: (i, 0)),
            pl.BlockSpec((1, _EMB), lambda i: (0, 0)),
            pl.BlockSpec((1, _EMB), lambda i: (0, 0)),
        ],
        out_shape=[
            jax.ShapeDtypeStruct((_N, _EMB), _F32),
            jax.ShapeDtypeStruct((1, _EMB), _F32),
            jax.ShapeDtypeStruct((1, _EMB), _F32),
        ],
    )(agg, hxs, sp, tab, disr)


def _pre_body(z_ref, sum_ref, sumsq_ref, g_ref, bb_ref, w_ref, b_ref, dis_ref,
              hxs_ref):
    m = sum_ref[...] * (1.0 / _N)
    var = sumsq_ref[...] * (1.0 / _N) - m * m
    inv = lax.rsqrt(var + 1e-5)
    h = (z_ref[...] - m) * (inv * g_ref[...]) + bb_ref[...]
    h = jnp.maximum(h, 0.0)
    hx = _dot(h, w_ref[...]) + b_ref[...]
    hxs = dis_ref[0, 0, :][:, None] * hx
    hxs_ref[0] = hxs[:, :_HALF]
    hxs_ref[1] = hxs[:, _HALF:]


def _tc_pre(z, sums, sumsq, g, bb, w, b, disr):
    return pl.pallas_call(
        _pre_body,
        grid=(_NB,),
        in_specs=[
            pl.BlockSpec((_RB, _EMB), lambda i: (i, 0)),
            pl.BlockSpec((1, _EMB), lambda i: (0, 0)),
            pl.BlockSpec((1, _EMB), lambda i: (0, 0)),
            pl.BlockSpec((1, _EMB), lambda i: (0, 0)),
            pl.BlockSpec((1, _EMB), lambda i: (0, 0)),
            pl.BlockSpec((_EMB, _EMB), lambda i: (0, 0)),
            pl.BlockSpec((1, _EMB), lambda i: (0, 0)),
            pl.BlockSpec((1, 1, _RB), lambda i: (i, 0, 0)),
        ],
        out_specs=pl.BlockSpec((2, _RB, _HALF), lambda i: (0, i, 0)),
        out_shape=jax.ShapeDtypeStruct((2, _N, _HALF), _F32),
    )(z, sums, sumsq, g, bb, w, b, disr)


def _pool_body(z_ref, sum_ref, sumsq_ref, g_ref, bb_ref, batch_ref,
               fw_ref, fb_ref, p1w_ref, p1b_ref, p2w_ref, p2b_ref,
               hg_ref, out_ref, segsum, segcnt):
    i = pl.program_id(0)
    m = sum_ref[...] * (1.0 / _N)
    var = sumsq_ref[...] * (1.0 / _N) - m * m
    inv = lax.rsqrt(var + 1e-5)
    h = (z_ref[...] - m) * (inv * g_ref[...]) + bb_ref[...]
    b_ = batch_ref[0, 0, :]
    oh = (b_[:, None] == lax.broadcasted_iota(jnp.int32, (_RB, _G), 1)
          ).astype(_F32)

    @pl.when(i == 0)
    def _():
        segsum[...] = jnp.zeros_like(segsum)
        segcnt[...] = jnp.zeros_like(segcnt)

    segsum[...] += _dott(oh, h)
    segcnt[...] += _dott(oh, jnp.ones((_RB, 8), _F32))

    @pl.when(i == _NB - 1)
    def _():
        cnt = jnp.maximum(segcnt[:, :1], 1.0)
        hg = _dot(segsum[...] / cnt, fw_ref[...]) + fb_ref[...]
        hg_ref[...] = hg
        t = jnp.maximum(_dot(hg, p1w_ref[...]) + p1b_ref[...], 0.0)
        out_ref[...] = _dot(t, p2w_ref[...]) + p2b_ref[...]


def _tc_pool(z, sums, sumsq, g, bb, batchr, fw, fb, p1w, p1b, p2w, p2b):
    return pl.pallas_call(
        _pool_body,
        grid=(_NB,),
        in_specs=[
            pl.BlockSpec((_RB, _EMB), lambda i: (i, 0)),
            pl.BlockSpec((1, _EMB), lambda i: (0, 0)),
            pl.BlockSpec((1, _EMB), lambda i: (0, 0)),
            pl.BlockSpec((1, _EMB), lambda i: (0, 0)),
            pl.BlockSpec((1, _EMB), lambda i: (0, 0)),
            pl.BlockSpec((1, 1, _RB), lambda i: (i, 0, 0)),
            pl.BlockSpec((_EMB, _EMB), lambda i: (0, 0)),
            pl.BlockSpec((1, _EMB), lambda i: (0, 0)),
            pl.BlockSpec((_EMB, _EMB), lambda i: (0, 0)),
            pl.BlockSpec((1, _EMB), lambda i: (0, 0)),
            pl.BlockSpec((_EMB, _HALF), lambda i: (0, 0)),
            pl.BlockSpec((1, _HALF), lambda i: (0, 0)),
        ],
        out_specs=[
            pl.BlockSpec((_G, _EMB), lambda i: (0, 0)),
            pl.BlockSpec((_G, _HALF), lambda i: (0, 0)),
        ],
        out_shape=[
            jax.ShapeDtypeStruct((_G, _EMB), _F32),
            jax.ShapeDtypeStruct((_G, _HALF), _F32),
        ],
        scratch_shapes=[
            pltpu.VMEM((_G, _EMB), _F32),
            pltpu.VMEM((_G, 8), _F32),
        ],
    )(z, sums, sumsq, g, bb, batchr, fw, fb, p1w, p1b, p2w, p2b)


def kernel(x, edge_index, edge_attr, batch, x_emb1, x_emb2, lin_W, lin_b,
           ee1, ee2, bn_g, bn_b, feat_W, feat_b, p1_W, p1_b, p2_W, p2_b):
    f32 = _F32
    row = edge_index[0].astype(jnp.int32)
    col = edge_index[1].astype(jnp.int32)
    combo = (edge_attr[:, 0] * 3 + edge_attr[:, 1]).astype(jnp.int32)
    npad = _EPAD - _E
    trash = jnp.full((npad,), _NPAD - 1, jnp.int32)
    rowpad = jnp.concatenate([row, trash])
    colpad = jnp.concatenate([col, trash])
    combopad = jnp.concatenate([combo, jnp.full((npad,), 15, jnp.int32)])
    rowp = row + _N

    z16 = jnp.zeros((_NPAD // 16, 16), f32)
    z16b = jnp.zeros((_NPAD, 16), f32)
    z128 = jnp.zeros((_NPAD, _HALF), f32)

    x0r = x[:, 0].astype(jnp.int32).reshape(_NB, 1, _RB)
    x1r = x[:, 1].astype(jnp.int32).reshape(_NB, 1, _RB)
    e1 = x_emb1[:8].astype(f32)
    e2 = jnp.concatenate([x_emb2, jnp.zeros((5, _EMB), f32)], axis=0)
    batchr = batch.astype(jnp.int32).reshape(_NB, 1, _RB)

    tabs = (ee1[:, :, None, :] + ee2[:, None, :, :]).reshape(_L, 15, _EMB)
    tabs = jnp.concatenate([tabs, jnp.zeros((_L, 1, _EMB), f32)], axis=1)

    sc_deg, sc_s, sc_agg = _sc_kernels()
    deg2 = sc_deg(rowpad, z16)
    degf = (deg2[0] + deg2[1]).reshape(_NPAD)[:_N]
    d0r = deg2[0].reshape(_NPAD)[:_N].reshape(_NB, 1, _RB)
    d1r = deg2[1].reshape(_NPAD)[:_N].reshape(_NB, 1, _RB)
    del degf

    hxs, disr = _tc_embed(x0r, x1r, e1, e2, d0r, d1r,
                          lin_W[0], lin_b[0].reshape(1, _EMB))
    dis_padded = jnp.concatenate(
        [disr.reshape(_N), jnp.ones((_NPAD - _N,), f32)])

    sp = sc_s(rowpad, colpad, combopad, dis_padded, z16b)

    z = sums = sumsq = None
    for l in range(_L):
        agg = sc_agg(hxs.reshape(2 * _N, _HALF), row, rowp, col, z128)
        z, sums, sumsq = _tc_post(agg, hxs, sp, tabs[l], disr)
        if l < _L - 1:
            hxs = _tc_pre(z, sums, sumsq, bn_g[l].reshape(1, _EMB),
                          bn_b[l].reshape(1, _EMB), lin_W[l + 1],
                          lin_b[l + 1].reshape(1, _EMB), disr)

    hg, out = _tc_pool(z, sums, sumsq, bn_g[_L - 1].reshape(1, _EMB),
                       bn_b[_L - 1].reshape(1, _EMB), batchr,
                       feat_W, feat_b.reshape(1, _EMB),
                       p1_W, p1_b.reshape(1, _EMB),
                       p2_W, p2_b.reshape(1, _HALF))
    return (hg, out)

# --- scband reference (transcript-rebuilt; emitter-appended) ---
"""Pipeline reference for scband-gcn-43344809951346 (READ-ONLY COPY).

The authoritative reference and input builder live on the scoring server;
editing this copy changes nothing except your own understanding.
"""

import jax, jax.numpy as jnp
import numpy as np

N = 10000
E = 160000
EMB = 256
FEAT = 256
G = 256
L = 5

def setup_inputs(seed: int = 0) -> dict:
    key = jax.random.key(seed)
    ks = jax.random.split(key, 16)
    inp = {}
    inp["x"] = jax.random.randint(ks[0], (N, 2), 0, 3)
    inp["edge_index"] = jax.random.randint(ks[1], (2, E), 0, N)
    inp["edge_attr"] = jax.random.randint(ks[2], (E, 2), 0, 3)
    inp["batch"] = jnp.sort(jax.random.randint(ks[3], (N,), 0, G))
    s = 0.05
    inp["x_emb1"] = jax.random.normal(ks[4], (119, EMB)) * s
    inp["x_emb2"] = jax.random.normal(ks[5], (3, EMB)) * s
    inp["lin_W"] = jax.random.normal(ks[6], (L, EMB, EMB)) * (1.0 / np.sqrt(EMB))
    inp["lin_b"] = jnp.zeros((L, EMB))
    inp["ee1"] = jax.random.normal(ks[7], (L, 5, EMB)) * s
    inp["ee2"] = jax.random.normal(ks[8], (L, 3, EMB)) * s
    inp["bn_g"] = jnp.ones((L, EMB))
    inp["bn_b"] = jnp.zeros((L, EMB))
    inp["feat_W"] = jax.random.normal(ks[9], (EMB, FEAT)) * (1.0 / np.sqrt(EMB))
    inp["feat_b"] = jnp.zeros((FEAT,))
    inp["p1_W"] = jax.random.normal(ks[10], (FEAT, FEAT)) * (1.0 / np.sqrt(FEAT))
    inp["p1_b"] = jnp.zeros((FEAT,))
    inp["p2_W"] = jax.random.normal(ks[11], (FEAT, FEAT // 2)) * (1.0 / np.sqrt(FEAT))
    inp["p2_b"] = jnp.zeros((FEAT // 2,))
    return inp

def _gcn_conv(h, edge_index, edge_attr, W, b, e1, e2):
    n = h.shape[0]
    sl = jnp.arange(n, dtype=edge_index.dtype)
    ei = jnp.concatenate([edge_index, jnp.stack([sl, sl], axis=0)], axis=1)
    sl_attr = jnp.stack([jnp.full((n,), 4, dtype=edge_attr.dtype), jnp.zeros((n,), dtype=edge_attr.dtype)], axis=1)
    ea = jnp.concatenate([edge_attr, sl_attr], axis=0)
    edge_emb = e1[ea[:, 0]] + e2[ea[:, 1]]
    row, col = ei[0], ei[1]
    deg = jnp.zeros((n,), dtype=h.dtype).at[row].add(1.0)
    dis = jax.lax.rsqrt(deg)
    norm = dis[row] * dis[col]
    hx = h @ W + b
    msg = norm[:, None] * (hx[row] + edge_emb)
    return jnp.zeros_like(hx).at[col].add(msg)

def _bn(h, g, bb):
    m = jnp.mean(h, axis=0)
    v = jnp.mean((h - m) ** 2, axis=0)
    return (h - m) / jnp.sqrt(v + 1e-5) * g + bb

def reference(x, edge_index, edge_attr, batch, x_emb1, x_emb2, lin_W, lin_b, ee1, ee2, bn_g, bn_b, feat_W, feat_b, p1_W, p1_b, p2_W, p2_b):
    h = x_emb1[x[:, 0]] + x_emb2[x[:, 1]]
    for l in range(L):
        h = _gcn_conv(h, edge_index, edge_attr, lin_W[l], lin_b[l], ee1[l], ee2[l])
        h = _bn(h, bn_g[l], bn_b[l])
        if l < L - 1:
            h = jax.nn.relu(h)
    sums = jax.ops.segment_sum(h, batch, num_segments=G)
    cnts = jax.ops.segment_sum(jnp.ones((h.shape[0],), h.dtype), batch, num_segments=G)
    hg = sums / jnp.clip(cnts, 1.0, None)[:, None]
    hg = hg @ feat_W + feat_b
    out = jax.nn.relu(hg @ p1_W + p1_b) @ p2_W + p2_b
    return (hg, out)

if __name__ == "__main__":
    import jax
    _d = setup_inputs()
    print(jax.jit(kernel)(*tuple(_d.values())))

</pallas_src>

<mosaic_0001>
#map = affine_map<(d0, d1) -> (0)>
#map1 = affine_map<(d0, d1) -> (0, 0)>
#map2 = affine_map<(d0, d1) -> (0, 0, 0)>
module attributes {stable_mosaic.version = 14 : i64} {
  func.func @_sc_deg_body(%arg0: i32, %arg1: i32, %arg2: memref<160256xi32, #tpu.memory_space<hbm>>, %arg3: memref<640x16xf32, #tpu.memory_space<hbm>>, %arg4: memref<2x640x16xf32, #tpu.memory_space<hbm>>, %arg5: memref<5008xi32, #tpu.memory_space<vmem>>, %arg6: memref<16x16xf32, #tpu.memory_space<vmem>>, %arg7: memref<640x16xf32, #tpu.memory_space<vmem_shared>>) attributes {dimension_semantics = [#tpu.dimension_semantics<core_parallel>, #tpu.dimension_semantics<subcore_parallel>], iteration_bounds = array<i64: 2, 16>, scalar_prefetch = 0 : i64, scratch_operands = 3 : i64, tpu.core_type = #tpu.core_type<sc_vector_subcore>, window_params = [{transform_indices = #map}, {transform_indices = #map1}, {transform_indices = #map2}]} {
    %mul3A = arith.constant 40 : i32
    %mul3A_0 = arith.muli %arg1, %mul3A : i32
    %mul3A_1 = arith.constant 40 : i32
    %mul3A_2 = arith.muli %arg1, %mul3A_1 : i32
    "tpu.region"() ({
      %run_scoped3A = tpu.sem_alloc : memref<!tpu.dma_semaphore, #tpu.memory_space<semaphore_mem>>
      %dma_start3A = arith.constant 0 : i32
      %dma_start3A_18 = tpu.memref_slice %arg7[%mul3A_2, %dma_start3A] : memref<640x16xf32, #tpu.memory_space<vmem_shared>> -> memref<40x16xf32, #tpu.memory_space<vmem_shared>>
      %dma_start3A_19 = arith.constant 0 : i32
      %dma_start3A_20 = tpu.memref_slice %arg3[%mul3A_0, %dma_start3A_19] : memref<640x16xf32, #tpu.memory_space<hbm>> -> memref<40x16xf32, #tpu.memory_space<hbm>>
      tpu.enqueue_dma source(%dma_start3A_20 : memref<40x16xf32, #tpu.memory_space<hbm>>) target(%dma_start3A_18 : memref<40x16xf32, #tpu.memory_space<vmem_shared>>) target_semaphore(%run_scoped3A : memref<!tpu.dma_semaphore, #tpu.memory_space<semaphore_mem>>)
      %dma_wait3A = arith.constant 0 : i32
      %dma_wait3A_21 = tpu.memref_slice %arg7[%mul3A_2, %dma_wait3A] : memref<640x16xf32, #tpu.memory_space<vmem_shared>> -> memref<40x16xf32, #tpu.memory_space<vmem_shared>>
      %dma_wait3A_22 = arith.constant 0 : i32
      %dma_wait3A_23 = tpu.memref_slice %arg3[%mul3A_0, %dma_wait3A_22] : memref<640x16xf32, #tpu.memory_space<hbm>> -> memref<40x16xf32, #tpu.memory_space<hbm>>
      tpu.wait_dma2 semaphore(%run_scoped3A : memref<!tpu.dma_semaphore, #tpu.memory_space<semaphore_mem>>) src(%dma_wait3A_23 : memref<40x16xf32, #tpu.memory_space<hbm>>) dst(%dma_wait3A_21 : memref<40x16xf32, #tpu.memory_space<vmem_shared>>)
      tpu.yield
    }) : () -> ()
    %mul3A_3 = arith.constant 2 : i32
    %mul3A_4 = arith.muli %arg1, %mul3A_3 : i32
    %add3A = arith.addi %mul3A_4, %arg0 : i32
    %mul3A_5 = arith.constant 5008 : i32
    %mul3A_6 = arith.muli %add3A, %mul3A_5 : i32
    "tpu.region"() ({
      %run_scoped3A = tpu.sem_alloc : memref<!tpu.dma_semaphore, #tpu.memory_space<semaphore_mem>>
      %dma_start3A = tpu.memref_slice %arg2[%mul3A_6] : memref<160256xi32, #tpu.memory_space<hbm>> -> memref<5008xi32, #tpu.memory_space<hbm>>
      %dma_start3A_18 = tpu.memref_slice %arg2[%mul3A_6] : memref<160256xi32, #tpu.memory_space<hbm>> -> memref<5008xi32, #tpu.memory_space<hbm>>
      tpu.enqueue_dma source(%dma_start3A_18 : memref<5008xi32, #tpu.memory_space<hbm>>) target(%arg5 : memref<5008xi32, #tpu.memory_space<vmem>>) target_semaphore(%run_scoped3A : memref<!tpu.dma_semaphore, #tpu.memory_space<semaphore_mem>>)
      %dma_wait3A = tpu.memref_slice %arg2[%mul3A_6] : memref<160256xi32, #tpu.memory_space<hbm>> -> memref<5008xi32, #tpu.memory_space<hbm>>
      %dma_wait3A_19 = tpu.memref_slice %arg2[%mul3A_6] : memref<160256xi32, #tpu.memory_space<hbm>> -> memref<5008xi32, #tpu.memory_space<hbm>>
      tpu.wait_dma2 semaphore(%run_scoped3A : memref<!tpu.dma_semaphore, #tpu.memory_space<semaphore_mem>>) src(%dma_wait3A_19 : memref<5008xi32, #tpu.memory_space<hbm>>) dst(%arg5 : memref<5008xi32, #tpu.memory_space<vmem>>)
      tpu.yield
    }) : () -> ()
    %barrier3A = arith.constant 0 : index
    tpu.barrier barrier_id(%barrier3A)
    %iota3A = tpu.iota {dimensions = array<i32: 0>} : vector<16xi32>
    %scan3A = arith.constant 0 : i32
    %scan3A_7 = arith.constant 0 : i32
    %scan3A_8 = arith.constant 313 : i32
    %scan3A_9 = arith.addi %scan3A_7, %scan3A_8 : i32
    %scan3A_10 = arith.constant 1 : i32
    %scan3A_11 = scf.for %scan3A_18 = %scan3A_7 to %scan3A_9 step %scan3A_10 iter_args(%scan3A_19 = %scan3A) -> (i32)  : i32 {
      %mul3A_20 = arith.constant 16 : i32
      %mul3A_21 = arith.muli %scan3A_18, %mul3A_20 : i32
      %get3A = arith.index_cast %mul3A_21 : i32 to index
      %get3A_22 = tpu.vector_load %arg5[%get3A] {strides = array<i32>} : memref<5008xi32, #tpu.memory_space<vmem>>, vector<16xi32>,
      %shift_right_logical3A = arith.constant 4 : i32
      %shift_right_logical3A_23 = vector.broadcast %shift_right_logical3A : i32 to vector<16xi32>
      %shift_right_logical3A_24 = arith.shrui %get3A_22, %shift_right_logical3A_23 : vector<16xi32>
      %and3A = arith.constant 15 : i32
      %and3A_25 = vector.broadcast %and3A : i32 to vector<16xi32>
      %and3A_26 = arith.andi %get3A_22, %and3A_25 : vector<16xi32>
      %slice3A = vector.extract_strided_slice %and3A_26 {offsets = [0], sizes = [1], strides = [1]} : vector<16xi32> to vector<1xi32>
      %squeeze3A = vector.extract %slice3A[0] : i32 from vector<1xi32>
      %eq3A = vector.broadcast %squeeze3A : i32 to vector<16xi32>
      %eq3A_27 = arith.cmpi eq, %iota3A, %eq3A : vector<16xi32>
      %convert_element_type3A = arith.extui %eq3A_27 : vector<16xi1> to vector<16xi32>
      %convert_element_type3A_28 = arith.sitofp %convert_element_type3A : vector<16xi32> to vector<16xf32>
      %swap3A = arith.constant 0 : i32
      %swap3A_29 = arith.index_cast %swap3A : i32 to index
      %swap3A_30 = arith.constant 0 : index
      %swap3A_31 = tpu.vector_load %arg6[%swap3A_29, %swap3A_30] {strides = array<i32>} : memref<16x16xf32, #tpu.memory_space<vmem>>, vector<16xf32>,
      tpu.vector_store %arg6[%swap3A_29, %swap3A_30], %convert_element_type3A_28 {strides = array<i32>} : memref<16x16xf32, #tpu.memory_space<vmem>>, vector<16xf32>,
      %slice3A_32 = vector.extract_strided_slice %and3A_26 {offsets = [1], sizes = [1], strides = [1]} : vector<16xi32> to vector<1xi32>
      %squeeze3A_33 = vector.extract %slice3A_32[0] : i32 from vector<1xi32>
      %eq3A_34 = vector.broadcast %squeeze3A_33 : i32 to vector<16xi32>
      %eq3A_35 = arith.cmpi eq, %iota3A, %eq3A_34 : vector<16xi32>
      %convert_element_type3A_36 = arith.extui %eq3A_35 : vector<16xi1> to vector<16xi32>
      %convert_element_type3A_37 = arith.sitofp %convert_element_type3A_36 : vector<16xi32> to vector<16xf32>
      %swap3A_38 = arith.constant 1 : i32
      %swap3A_39 = arith.index_cast %swap3A_38 : i32 to index
      %swap3A_40 = arith.constant 0 : index
      %swap3A_41 = tpu.vector_load %arg6[%swap3A_39, %swap3A_40] {strides = array<i32>} : memref<16x16xf32, #tpu.memory_space<vmem>>, vector<16xf32>,
      tpu.vector_store %arg6[%swap3A_39, %swap3A_40], %convert_element_type3A_37 {strides = array<i32>} : memref<16x16xf32, #tpu.memory_space<vmem>>, vector<16xf32>,
      %slice3A_42 = vector.extract_strided_slice %and3A_26 {offsets = [2], sizes = [1], strides = [1]} : vector<16xi32> to vector<1xi32>
      %squeeze3A_43 = vector.extract %slice3A_42[0] : i32 from vector<1xi32>
      %eq3A_44 = vector.broadcast %squeeze3A_43 : i32 to vector<16xi32>
      %eq3A_45 = arith.cmpi eq, %iota3A, %eq3A_44 : vector<16xi32>
      %convert_element_type3A_46 = arith.extui %eq3A_45 : vector<16xi1> to vector<16xi32>
      %convert_element_type3A_47 = arith.sitofp %convert_element_type3A_46 : vector<16xi32> to vector<16xf32>
      %swap3A_48 = arith.constant 2 : i32
      %swap3A_49 = arith.index_cast %swap3A_48 : i32 to index
      %swap3A_50 = arith.constant 0 : index
      %swap3A_51 = tpu.vector_load %arg6[%swap3A_49, %swap3A_50] {strides = array<i32>} : memref<16x16xf32, #tpu.memory_space<vmem>>, vector<16xf32>,
      tpu.vector_store %arg6[%swap3A_49, %swap3A_50], %convert_element_type3A_47 {strides = array<i32>} : memref<16x16xf32, #tpu.memory_space<vmem>>, vector<16xf32>,
      %slice3A_52 = vector.extract_strided_slice %and3A_26 {offsets = [3], sizes = [1], strides = [1]} : vector<16xi32> to vector<1xi32>
      %squeeze3A_53 = vector.extract %slice3A_52[0] : i32 from vector<1xi32>
      %eq3A_54 = vector.broadcast %squeeze3A_53 : i32 to vector<16xi32>
      %eq3A_55 = arith.cmpi eq, %iota3A, %eq3A_54 : vector<16xi32>
      %convert_element_type3A_56 = arith.extui %eq3A_55 : vector<16xi1> to vector<16xi32>
      %convert_element_type3A_57 = arith.sitofp %convert_element_type3A_56 : vector<16xi32> to vector<16xf32>
      %swap3A_58 = arith.constant 3 : i32
      %swap3A_59 = arith.index_cast %swap3A_58 : i32 to index
      %swap3A_60 = arith.constant 0 : index
      %swap3A_61 = tpu.vector_load %arg6[%swap3A_59, %swap3A_60] {strides = array<i32>} : memref<16x16xf32, #tpu.memory_space<vmem>>, vector<16xf32>,
      tpu.vector_store %arg6[%swap3A_59, %swap3A_60], %convert_element_type3A_57 {strides = array<i32>} : memref<16x16xf32, #tpu.memory_space<vmem>>, vector<16xf32>,
      %slice3A_62 = vector.extract_strided_slice %and3A_26 {offsets = [4], sizes = [1], strides = [1]} : vector<16xi32> to vector<1xi32>
      %squeeze3A_63 = vector.extract %slice3A_62[0] : i32 from vector<1xi32>
      %eq3A_64 = vector.broadcast %squeeze3A_63 : i32 to vector<16xi32>
      %eq3A_65 = arith.cmpi eq, %iota3A, %eq3A_64 : vector<16xi32>
      %convert_element_type3A_66 = arith.extui %eq3A_65 : vector<16xi1> to vector<16xi32>
      %convert_element_type3A_67 = arith.sitofp %convert_element_type3A_66 : vector<16xi32> to vector<16xf32>
      %swap3A_68 = arith.constant 4 : i32
      %swap3A_69 = arith.index_cast %swap3A_68 : i32 to index
      %swap3A_70 = arith.constant 0 : index
      %swap3A_71 = tpu.vector_load %arg6[%swap3A_69, %swap3A_70] {strides = array<i32>} : memref<16x16xf32, #tpu.memory_space<vmem>>, vector<16xf32>,
      tpu.vector_store %arg6[%swap3A_69, %swap3A_70], %convert_element_type3A_67 {strides = array<i32>} : memref<16x16xf32, #tpu.memory_space<vmem>>, vector<16xf32>,
      %slice3A_72 = vector.extract_strided_slice %and3A_26 {offsets = [5], sizes = [1], strides = [1]} : vector<16xi32> to vector<1xi32>
      %squeeze3A_73 = vector.extract %slice3A_72[0] : i32 from vector<1xi32>
      %eq3A_74 = vector.broadcast %squeeze3A_73 : i32 to vector<16xi32>
      %eq3A_75 = arith.cmpi eq, %iota3A, %eq3A_74 : vector<16xi32>
      %convert_element_type3A_76 = arith.extui %eq3A_75 : vector<16xi1> to vector<16xi32>
      %convert_element_type3A_77 = arith.sitofp %convert_element_type3A_76 : vector<16xi32> to vector<16xf32>
      %swap3A_78 = arith.constant 5 : i32
      %swap3A_79 = arith.index_cast %swap3A_78 : i32 to index
      %swap3A_80 = arith.constant 0 : index
      %swap3A_81 = tpu.vector_load %arg6[%swap3A_79, %swap3A_80] {strides = array<i32>} : memref<16x16xf32, #tpu.memory_space<vmem>>, vector<16xf32>,
      tpu.vector_store %arg6[%swap3A_79, %swap3A_80], %convert_element_type3A_77 {strides = array<i32>} : memref<16x16xf32, #tpu.memory_space<vmem>>, vector<16xf32>,
      %slice3A_82 = vector.extract_strided_slice %and3A_26 {offsets = [6], sizes = [1], strides = [1]} : vector<16xi32> to vector<1xi32>
      %squeeze3A_83 = vector.extract %slice3A_82[0] : i32 from vector<1xi32>
      %eq3A_84 = vector.broadcast %squeeze3A_83 : i32 to vector<16xi32>
      %eq3A_85 = arith.cmpi eq, %iota3A, %eq3A_84 : vector<16xi32>
      %convert_element_type3A_86 = arith.extui %eq3A_85 : vector<16xi1> to vector<16xi32>
      %convert_element_type3A_87 = arith.sitofp %convert_element_type3A_86 : vector<16xi32> to vector<16xf32>
      %swap3A_88 = arith.constant 6 : i32
      %swap3A_89 = arith.index_cast %swap3A_88 : i32 to index
      %swap3A_90 = arith.constant 0 : index
      %swap3A_91 = tpu.vector_load %arg6[%swap3A_89, %swap3A_90] {strides = array<i32>} : memref<16x16xf32, #tpu.memory_space<vmem>>, vector<16xf32>,
      tpu.vector_store %arg6[%swap3A_89, %swap3A_90], %convert_element_type3A_87 {strides = array<i32>} : memref<16x16xf32, #tpu.memory_space<vmem>>, vector<16xf32>,
      %slice3A_92 = vector.extract_strided_slice %and3A_26 {offsets = [7], sizes = [1], strides = [1]} : vector<16xi32> to vector<1xi32>
      %squeeze3A_93 = vector.extract %slice3A_92[0] : i32 from vector<1xi32>
      %eq3A_94 = vector.broadcast %squeeze3A_93 : i32 to vector<16xi32>
      %eq3A_95 = arith.cmpi eq, %iota3A, %eq3A_94 : vector<16xi32>
      %convert_element_type3A_96 = arith.extui %eq3A_95 : vector<16xi1> to vector<16xi32>
      %convert_element_type3A_97 = arith.sitofp %convert_element_type3A_96 : vector<16xi32> to vector<16xf32>
      %swap3A_98 = arith.constant 7 : i32
      %swap3A_99 = arith.index_cast %swap3A_98 : i32 to index
      %swap3A_100 = arith.constant 0 : index
      %swap3A_101 = tpu.vector_load %arg6[%swap3A_99, %swap3A_100] {strides = array<i32>} : memref<16x16xf32, #tpu.memory_space<vmem>>, vector<16xf32>,
      tpu.vector_store %arg6[%swap3A_99, %swap3A_100], %convert_element_type3A_97 {strides = array<i32>} : memref<16x16xf32, #tpu.memory_space<vmem>>, vector<16xf32>,
      %slice3A_102 = vector.extract_strided_slice %and3A_26 {offsets = [8], sizes = [1], strides = [1]} : vector<16xi32> to vector<1xi32>
      %squeeze3A_103 = vector.extract %slice3A_102[0] : i32 from vector<1xi32>
      %eq3A_104 = vector.broadcast %squeeze3A_103 : i32 to vector<16xi32>
      %eq3A_105 = arith.cmpi eq, %iota3A, %eq3A_104 : vector<16xi32>
      %convert_element_type3A_106 = arith.extui %eq3A_105 : vector<16xi1> to vector<16xi32>
      %convert_element_type3A_107 = arith.sitofp %convert_element_type3A_106 : vector<16xi32> to vector<16xf32>
      %swap3A_108 = arith.constant 8 : i32
      %swap3A_109 = arith.index_cast %swap3A_108 : i32 to index
      %swap3A_110 = arith.constant 0 : index
      %swap3A_111 = tpu.vector_load %arg6[%swap3A_109, %swap3A_110] {strides = array<i32>} : memref<16x16xf32, #tpu.memory_space<vmem>>, vector<16xf32>,
      tpu.vector_store %arg6[%swap3A_109, %swap3A_110], %convert_element_type3A_107 {strides = array<i32>} : memref<16x16xf32, #tpu.memory_space<vmem>>, vector<16xf32>,
      %slice3A_112 = vector.extract_strided_slice %and3A_26 {offsets = [9], sizes = [1], strides = [1]} : vector<16xi32> to vector<1xi32>
      %squeeze3A_113 = vector.extract %slice3A_112[0] : i32 from vector<1xi32>
      %eq3A_114 = vector.broadcast %squeeze3A_113 : i32 to vector<16xi32>
      %eq3A_115 = arith.cmpi eq, %iota3A, %eq3A_114 : vector<16xi32>
      %convert_element_type3A_116 = arith.extui %eq3A_115 : vector<16xi1> to vector<16xi32>
      %convert_element_type3A_117 = arith.sitofp %convert_element_type3A_116 : vector<16xi32> to vector<16xf32>
      %swap3A_118 = arith.constant 9 : i32
      %swap3A_119 = arith.index_cast %swap3A_118 : i32 to index
      %swap3A_120 = arith.constant 0 : index
      %swap3A_121 = tpu.vector_load %arg6[%swap3A_119, %swap3A_120] {strides = array<i32>} : memref<16x16xf32, #tpu.memory_space<vmem>>, vector<16xf32>,
      tpu.vector_store %arg6[%swap3A_119, %swap3A_120], %convert_element_type3A_117 {strides = array<i32>} : memref<16x16xf32, #tpu.memory_space<vmem>>, vector<16xf32>,
      %slice3A_122 = vector.extract_strided_slice %and3A_26 {offsets = [10], sizes = [1], strides = [1]} : vector<16xi32> to vector<1xi32>
      %squeeze3A_123 = vector.extract %slice3A_122[0] : i32 from vector<1xi32>
      %eq3A_124 = vector.broadcast %squeeze3A_123 : i32 to vector<16xi32>
      %eq3A_125 = arith.cmpi eq, %iota3A, %eq3A_124 : vector<16xi32>
      %convert_element_type3A_126 = arith.extui %eq3A_125 : vector<16xi1> to vector<16xi32>
      %convert_element_type3A_127 = arith.sitofp %convert_element_type3A_126 : vector<16xi32> to vector<16xf32>
      %swap3A_128 = arith.constant 10 : i32
      %swap3A_129 = arith.index_cast %swap3A_128 : i32 to index
      %swap3A_130 = arith.constant 0 : index
      %swap3A_131 = tpu.vector_load %arg6[%swap3A_129, %swap3A_130] {strides = array<i32>} : memref<16x16xf32, #tpu.memory_space<vmem>>, vector<16xf32>,
      tpu.vector_store %arg6[%swap3A_129, %swap3A_130], %convert_element_type3A_127 {strides = array<i32>} : memref<16x16xf32, #tpu.memory_space<vmem>>, vector<16xf32>,
      %slice3A_132 = vector.extract_strided_slice %and3A_26 {offsets = [11], sizes = [1], strides = [1]} : vector<16xi32> to vector<1xi32>
      %squeeze3A_133 = vector.extract %slice3A_132[0] : i32 from vector<1xi32>
      %eq3A_134 = vector.broadcast %squeeze3A_133 : i32 to vector<16xi32>
      %eq3A_135 = arith.cmpi eq, %iota3A, %eq3A_134 : vector<16xi32>
      %convert_element_type3A_136 = arith.extui %eq3A_135 : vector<16xi1> to vector<16xi32>
      %convert_element_type3A_137 = arith.sitofp %convert_element_type3A_136 : vector<16xi32> to vector<16xf32>
      %swap3A_138 = arith.constant 11 : i32
      %swap3A_139 = arith.index_cast %swap3A_138 : i32 to index
      %swap3A_140 = arith.constant 0 : index
      %swap3A_141 = tpu.vector_load %arg6[%swap3A_139, %swap3A_140] {strides = array<i32>} : memref<16x16xf32, #tpu.memory_space<vmem>>, vector<16xf32>,
      tpu.vector_store %arg6[%swap3A_139, %swap3A_140], %convert_element_type3A_137 {strides = array<i32>} : memref<16x16xf32, #tpu.memory_space<vmem>>, vector<16xf32>,
      %slice3A_142 = vector.extract_strided_slice %and3A_26 {offsets = [12], sizes = [1], strides = [1]} : vector<16xi32> to vector<1xi32>
      %squeeze3A_143 = vector.extract %slice3A_142[0] : i32 from vector<1xi32>
      %eq3A_144 = vector.broadcast %squeeze3A_143 : i32 to vector<16xi32>
      %eq3A_145 = arith.cmpi eq, %iota3A, %eq3A_144 : vector<16xi32>
      %convert_element_type3A_146 = arith.extui %eq3A_145 : vector<16xi1> to vector<16xi32>
      %convert_element_type3A_147 = arith.sitofp %convert_element_type3A_146 : vector<16xi32> to vector<16xf32>
      %swap3A_148 = arith.constant 12 : i32
      %swap3A_149 = arith.index_cast %swap3A_148 : i32 to index
      %swap3A_150 = arith.constant 0 : index
      %swap3A_151 = tpu.vector_load %arg6[%swap3A_149, %swap3A_150] {strides = array<i32>} : memref<16x16xf32, #tpu.memory_space<vmem>>, vector<16xf32>,
      tpu.vector_store %arg6[%swap3A_149, %swap3A_150], %convert_element_type3A_147 {strides = array<i32>} : memref<16x16xf32, #tpu.memory_space<vmem>>, vector<16xf32>,
      %slice3A_152 = vector.extract_strided_slice %and3A_26 {offsets = [13], sizes = [1], strides = [1]} : vector<16xi32> to vector<1xi32>
      %squeeze3A_153 = vector.extract %slice3A_152[0] : i32 from vector<1xi32>
      %eq3A_154 = vector.broadcast %squeeze3A_153 : i32 to vector<16xi32>
      %eq3A_155 = arith.cmpi eq, %iota3A, %eq3A_154 : vector<16xi32>
      %convert_element_type3A_156 = arith.extui %eq3A_155 : vector<16xi1> to vector<16xi32>
      %convert_element_type3A_157 = arith.sitofp %convert_element_type3A_156 : vector<16xi32> to vector<16xf32>
      %swap3A_158 = arith.constant 13 : i32
      %swap3A_159 = arith.index_cast %swap3A_158 : i32 to index
      %swap3A_160 = arith.constant 0 : index
      %swap3A_161 = tpu.vector_load %arg6[%swap3A_159, %swap3A_160] {strides = array<i32>} : memref<16x16xf32, #tpu.memory_space<vmem>>, vector<16xf32>,
      tpu.vector_store %arg6[%swap3A_159, %swap3A_160], %convert_element_type3A_157 {strides = array<i32>} : memref<16x16xf32, #tpu.memory_space<vmem>>, vector<16xf32>,
      %slice3A_162 = vector.extract_strided_slice %and3A_26 {offsets = [14], sizes = [1], strides = [1]} : vector<16xi32> to vector<1xi32>
      %squeeze3A_163 = vector.extract %slice3A_162[0] : i32 from vector<1xi32>
      %eq3A_164 = vector.broadcast %squeeze3A_163 : i32 to vector<16xi32>
      %eq3A_165 = arith.cmpi eq, %iota3A, %eq3A_164 : vector<16xi32>
      %convert_element_type3A_166 = arith.extui %eq3A_165 : vector<16xi1> to vector<16xi32>
      %convert_element_type3A_167 = arith.sitofp %convert_element_type3A_166 : vector<16xi32> to vector<16xf32>
      %swap3A_168 = arith.constant 14 : i32
      %swap3A_169 = arith.index_cast %swap3A_168 : i32 to index
      %swap3A_170 = arith.constant 0 : index
      %swap3A_171 = tpu.vector_load %arg6[%swap3A_169, %swap3A_170] {strides = array<i32>} : memref<16x16xf32, #tpu.memory_space<vmem>>, vector<16xf32>,
      tpu.vector_store %arg6[%swap3A_169, %swap3A_170], %convert_element_type3A_167 {strides = array<i32>} : memref<16x16xf32, #tpu.memory_space<vmem>>, vector<16xf32>,
      %slice3A_172 = vector.extract_strided_slice %and3A_26 {offsets = [15], sizes = [1], strides = [1]} : vector<16xi32> to vector<1xi32>
      %squeeze3A_173 = vector.extract %slice3A_172[0] : i32 from vector<1xi32>
      %eq3A_174 = vector.broadcast %squeeze3A_173 : i32 to vector<16xi32>
      %eq3A_175 = arith.cmpi eq, %iota3A, %eq3A_174 : vector<16xi32>
      %convert_element_type3A_176 = arith.extui %eq3A_175 : vector<16xi1> to vector<16xi32>
      %convert_element_type3A_177 = arith.sitofp %convert_element_type3A_176 : vector<16xi32> to vector<16xf32>
      %swap3A_178 = arith.constant 15 : i32
      %swap3A_179 = arith.index_cast %swap3A_178 : i32 to index
      %swap3A_180 = arith.constant 0 : index
      %swap3A_181 = tpu.vector_load %arg6[%swap3A_179, %swap3A_180] {strides = array<i32>} : memref<16x16xf32, #tpu.memory_space<vmem>>, vector<16xf32>,
      tpu.vector_store %arg6[%swap3A_179, %swap3A_180], %convert_element_type3A_177 {strides = array<i32>} : memref<16x16xf32, #tpu.memory_space<vmem>>, vector<16xf32>,
      "tpu.region"() ({
        %run_scoped3A = tpu.sem_alloc : memref<!tpu.dma_semaphore, #tpu.memory_space<semaphore_mem>>
        %dma_start3A = arith.constant 0 : i32
        %dma_start3A_183 = arith.constant 0 : i32
        %dma_start3A_184 = tpu.memref_slice %arg7[%dma_start3A, %dma_start3A_183] : memref<640x16xf32, #tpu.memory_space<vmem_shared>> -> memref<640x16xf32, #tpu.memory_space<vmem_shared>>
        tpu.enqueue_indirect_dma source(%arg6 : memref<16x16xf32, #tpu.memory_space<vmem>>) target(%dma_start3A_184 : memref<640x16xf32, #tpu.memory_space<vmem_shared>>) offsets(%shift_right_logical3A_24 : vector<16xi32>) semaphore(%run_scoped3A : memref<!tpu.dma_semaphore, #tpu.memory_space<semaphore_mem>>) {add = true}
        %dma_wait3A = arith.constant 0 : i32
        %dma_wait3A_185 = arith.constant 0 : i32
        %dma_wait3A_186 = tpu.memref_slice %arg7[%dma_wait3A, %dma_wait3A_185] : memref<640x16xf32, #tpu.memory_space<vmem_shared>> -> memref<640x16xf32, #tpu.memory_space<vmem_shared>>
        tpu.wait_indirect_dma semaphore(%run_scoped3A : memref<!tpu.dma_semaphore, #tpu.memory_space<semaphore_mem>>) src(%arg6 : memref<16x16xf32, #tpu.memory_space<vmem>>) dst(%dma_wait3A_186 : memref<640x16xf32, #tpu.memory_space<vmem_shared>>)
        tpu.yield
      }) : () -> ()
      %scan3A_182 = arith.constant 0 : i32
      scf.yield %scan3A_182 : i32
    }
    %scan3A_12 = arith.constant 313 : i32
    %barrier3A_13 = arith.constant 0 : index
    tpu.barrier barrier_id(%barrier3A_13)
    %mul3A_14 = arith.constant 40 : i32
    %mul3A_15 = arith.muli %arg1, %mul3A_14 : i32
    %mul3A_16 = arith.constant 40 : i32
    %mul3A_17 = arith.muli %arg1, %mul3A_16 : i32
    "tpu.region"() ({
      %run_scoped3A = tpu.sem_alloc : memref<!tpu.dma_semaphore, #tpu.memory_space<semaphore_mem>>
      %dma_start3A = arith.constant 0 : i32
      %dma_start3A_18 = tpu.memref_slice %arg4[%arg0, %mul3A_17, %dma_start3A] : memref<2x640x16xf32, #tpu.memory_space<hbm>> -> memref<1x40x16xf32, #tpu.memory_space<hbm>>
      %dma_start3A_19 = tpu.memref_squeeze %dma_start3A_18 : memref<1x40x16xf32, #tpu.memory_space<hbm>> -> memref<40x16xf32, #tpu.memory_space<hbm>>
      %dma_start3A_20 = arith.constant 0 : i32
      %dma_start3A_21 = tpu.memref_slice %arg7[%mul3A_15, %dma_start3A_20] : memref<640x16xf32, #tpu.memory_space<vmem_shared>> -> memref<40x16xf32, #tpu.memory_space<vmem_shared>>
      tpu.enqueue_dma source(%dma_start3A_21 : memref<40x16xf32, #tpu.memory_space<vmem_shared>>) target(%dma_start3A_19 : memref<40x16xf32, #tpu.memory_space<hbm>>) target_semaphore(%run_scoped3A : memref<!tpu.dma_semaphore, #tpu.memory_space<semaphore_mem>>)
      %dma_wait3A = arith.constant 0 : i32
      %dma_wait3A_22 = tpu.memref_slice %arg4[%arg0, %mul3A_17, %dma_wait3A] : memref<2x640x16xf32, #tpu.memory_space<hbm>> -> memref<1x40x16xf32, #tpu.memory_space<hbm>>
      %dma_wait3A_23 = tpu.memref_squeeze %dma_wait3A_22 : memref<1x40x16xf32, #tpu.memory_space<hbm>> -> memref<40x16xf32, #tpu.memory_space<hbm>>
      %dma_wait3A_24 = arith.constant 0 : i32
      %dma_wait3A_25 = tpu.memref_slice %arg7[%mul3A_15, %dma_wait3A_24] : memref<640x16xf32, #tpu.memory_space<vmem_shared>> -> memref<40x16xf32, #tpu.memory_space<vmem_shared>>
      tpu.wait_dma2 semaphore(%run_scoped3A : memref<!tpu.dma_semaphore, #tpu.memory_space<semaphore_mem>>) src(%dma_wait3A_25 : memref<40x16xf32, #tpu.memory_space<vmem_shared>>) dst(%dma_wait3A_23 : memref<40x16xf32, #tpu.memory_space<hbm>>)
      tpu.yield
    }) : () -> ()
    return
  }
}

#map = affine_map<(d0, d1) -> (0, 0)>
#map1 = affine_map<(d0, d1) -> (0)>
#map2 = affine_map<(d0, d1) -> (0, 0, 0)>
module attributes {stable_mosaic.version = 14 : i64} {
  func.func @_sc_agg_body(%arg0: i32, %arg1: i32, %arg2: memref<20000x128xf32, #tpu.memory_space<hbm>>, %arg3: memref<160000xi32, #tpu.memory_space<hbm>>, %arg4: memref<160000xi32, #tpu.memory_space<hbm>>, %arg5: memref<160000xi32, #tpu.memory_space<hbm>>, %arg6: memref<10240x128xf32, #tpu.memory_space<hbm>>, %arg7: memref<2x10240x128xf32, #tpu.memory_space<hbm>>, %arg8: memref<10000xi32, #tpu.memory_space<vmem>>, %arg9: memref<10000xi32, #tpu.memory_space<vmem>>, %arg10: memref<40x128xf32, #tpu.memory_space<vmem>>, %arg11: memref<40x128xf32, #tpu.memory_space<vmem>>, %arg12: memref<40x128xf32, #tpu.memory_space<vmem>>, %arg13: memref<40x128xf32, #tpu.memory_space<vmem>>, %arg14: memref<40x128xf32, #tpu.memory_space<vmem>>, %arg15: memref<10240x128xf32, #tpu.memory_space<vmem_shared>>, %arg16: memref<!tpu.dma_semaphore, #tpu.memory_space<semaphore_mem>>, %arg17: memref<!tpu.dma_semaphore, #tpu.memory_space<semaphore_mem>>, %arg18: memref<!tpu.dma_semaphore, #tpu.memory_space<semaphore_mem>>, %arg19: memref<!tpu.dma_semaphore, #tpu.memory_space<semaphore_mem>>, %arg20: memref<!tpu.dma_semaphore, #tpu.memory_space<semaphore_mem>>, %arg21: memref<!tpu.dma_semaphore, #tpu.memory_space<semaphore_mem>>, %arg22: memref<!tpu.dma_semaphore, #tpu.memory_space<semaphore_mem>>, %arg23: memref<!tpu.dma_semaphore, #tpu.memory_space<semaphore_mem>>, %arg24: memref<!tpu.dma_semaphore, #tpu.memory_space<semaphore_mem>>, %arg25: memref<!tpu.dma_semaphore, #tpu.memory_space<semaphore_mem>>) attributes {dimension_semantics = [#tpu.dimension_semantics<core_parallel>, #tpu.dimension_semantics<subcore_parallel>], iteration_bounds = array<i64: 2, 16>, scalar_prefetch = 0 : i64, scratch_operands = 18 : i64, tpu.core_type = #tpu.core_type<sc_vector_subcore>, window_params = [{transform_indices = #map}, {transform_indices = #map1}, {transform_indices = #map1}, {transform_indices = #map1}, {transform_indices = #map}, {transform_indices = #map2}]} {
    %mul3A = arith.constant 640 : i32
    %mul3A_0 = arith.muli %arg1, %mul3A : i32
    %mul3A_1 = arith.constant 640 : i32
    %mul3A_2 = arith.muli %arg1, %mul3A_1 : i32
    "tpu.region"() ({
      %run_scoped3A = tpu.sem_alloc : memref<!tpu.dma_semaphore, #tpu.memory_space<semaphore_mem>>
      %dma_start3A_121 = arith.constant 0 : i32
      %dma_start3A_122 = tpu.memref_slice %arg15[%mul3A_2, %dma_start3A_121] : memref<10240x128xf32, #tpu.memory_space<vmem_shared>> -> memref<640x128xf32, #tpu.memory_space<vmem_shared>>
      %dma_start3A_123 = arith.constant 0 : i32
      %dma_start3A_124 = tpu.memref_slice %arg6[%mul3A_0, %dma_start3A_123] : memref<10240x128xf32, #tpu.memory_space<hbm>> -> memref<640x128xf32, #tpu.memory_space<hbm>>
      tpu.enqueue_dma source(%dma_start3A_124 : memref<640x128xf32, #tpu.memory_space<hbm>>) target(%dma_start3A_122 : memref<640x128xf32, #tpu.memory_space<vmem_shared>>) target_semaphore(%run_scoped3A : memref<!tpu.dma_semaphore, #tpu.memory_space<semaphore_mem>>)
      %dma_wait3A_125 = arith.constant 0 : i32
      %dma_wait3A_126 = tpu.memref_slice %arg15[%mul3A_2, %dma_wait3A_125] : memref<10240x128xf32, #tpu.memory_space<vmem_shared>> -> memref<640x128xf32, #tpu.memory_space<vmem_shared>>
      %dma_wait3A_127 = arith.constant 0 : i32
      %dma_wait3A_128 = tpu.memref_slice %arg6[%mul3A_0, %dma_wait3A_127] : memref<10240x128xf32, #tpu.memory_space<hbm>> -> memref<640x128xf32, #tpu.memory_space<hbm>>
      tpu.wait_dma2 semaphore(%run_scoped3A : memref<!tpu.dma_semaphore, #tpu.memory_space<semaphore_mem>>) src(%dma_wait3A_128 : memref<640x128xf32, #tpu.memory_space<hbm>>) dst(%dma_wait3A_126 : memref<640x128xf32, #tpu.memory_space<vmem_shared>>)
      tpu.yield
    }) : () -> ()
    %mul3A_3 = arith.constant 10000 : i32
    %mul3A_4 = arith.muli %arg1, %mul3A_3 : i32
    %eq3A = arith.constant 0 : i32
    %eq3A_5 = arith.cmpi eq, %arg0, %eq3A : i32
    %convert_element_type3A = arith.extui %eq3A_5 : i1 to i32
    %cond3A = arith.constant 0 : i32
    %cond3A_6 = arith.cmpi ne, %convert_element_type3A, %cond3A : i32
    scf.if %cond3A_6 {
      "tpu.region"() ({
        %run_scoped3A = tpu.sem_alloc : memref<!tpu.dma_semaphore, #tpu.memory_space<semaphore_mem>>
        %dma_start3A_121 = tpu.memref_slice %arg3[%mul3A_4] : memref<160000xi32, #tpu.memory_space<hbm>> -> memref<10000xi32, #tpu.memory_space<hbm>>
        %dma_start3A_122 = tpu.memref_slice %arg3[%mul3A_4] : memref<160000xi32, #tpu.memory_space<hbm>> -> memref<10000xi32, #tpu.memory_space<hbm>>
        tpu.enqueue_dma source(%dma_start3A_122 : memref<10000xi32, #tpu.memory_space<hbm>>) target(%arg8 : memref<10000xi32, #tpu.memory_space<vmem>>) target_semaphore(%run_scoped3A : memref<!tpu.dma_semaphore, #tpu.memory_space<semaphore_mem>>)
        %dma_wait3A_123 = tpu.memref_slice %arg3[%mul3A_4] : memref<160000xi32, #tpu.memory_space<hbm>> -> memref<10000xi32, #tpu.memory_space<hbm>>
        %dma_wait3A_124 = tpu.memref_slice %arg3[%mul3A_4] : memref<160000xi32, #tpu.memory_space<hbm>> -> memref<10000xi32, #tpu.memory_space<hbm>>
        tpu.wait_dma2 semaphore(%run_scoped3A : memref<!tpu.dma_semaphore, #tpu.memory_space<semaphore_mem>>) src(%dma_wait3A_124 : memref<10000xi32, #tpu.memory_space<hbm>>) dst(%arg8 : memref<10000xi32, #tpu.memory_space<vmem>>)
        tpu.yield
      }) : () -> ()
    } else {
    }
    %eq3A_7 = arith.constant 1 : i32
    %eq3A_8 = arith.cmpi eq, %arg0, %eq3A_7 : i32
    %convert_element_type3A_9 = arith.extui %eq3A_8 : i1 to i32
    %cond3A_10 = arith.constant 0 : i32
    %cond3A_11 = arith.cmpi ne, %convert_element_type3A_9, %cond3A_10 : i32
    scf.if %cond3A_11 {
      "tpu.region"() ({
        %run_scoped3A = tpu.sem_alloc : memref<!tpu.dma_semaphore, #tpu.memory_space<semaphore_mem>>
        %dma_start3A_121 = tpu.memref_slice %arg4[%mul3A_4] : memref<160000xi32, #tpu.memory_space<hbm>> -> memref<10000xi32, #tpu.memory_space<hbm>>
        %dma_start3A_122 = tpu.memref_slice %arg4[%mul3A_4] : memref<160000xi32, #tpu.memory_space<hbm>> -> memref<10000xi32, #tpu.memory_space<hbm>>
        tpu.enqueue_dma source(%dma_start3A_122 : memref<10000xi32, #tpu.memory_space<hbm>>) target(%arg8 : memref<10000xi32, #tpu.memory_space<vmem>>) target_semaphore(%run_scoped3A : memref<!tpu.dma_semaphore, #tpu.memory_space<semaphore_mem>>)
        %dma_wait3A_123 = tpu.memref_slice %arg4[%mul3A_4] : memref<160000xi32, #tpu.memory_space<hbm>> -> memref<10000xi32, #tpu.memory_space<hbm>>
        %dma_wait3A_124 = tpu.memref_slice %arg4[%mul3A_4] : memref<160000xi32, #tpu.memory_space<hbm>> -> memref<10000xi32, #tpu.memory_space<hbm>>
        tpu.wait_dma2 semaphore(%run_scoped3A : memref<!tpu.dma_semaphore, #tpu.memory_space<semaphore_mem>>) src(%dma_wait3A_124 : memref<10000xi32, #tpu.memory_space<hbm>>) dst(%arg8 : memref<10000xi32, #tpu.memory_space<vmem>>)
        tpu.yield
      }) : () -> ()
    } else {
    }
    "tpu.region"() ({
      %run_scoped3A = tpu.sem_alloc : memref<!tpu.dma_semaphore, #tpu.memory_space<semaphore_mem>>
      %dma_start3A_121 = tpu.memref_slice %arg5[%mul3A_4] : memref<160000xi32, #tpu.memory_space<hbm>> -> memref<10000xi32, #tpu.memory_space<hbm>>
      %dma_start3A_122 = tpu.memref_slice %arg5[%mul3A_4] : memref<160000xi32, #tpu.memory_space<hbm>> -> memref<10000xi32, #tpu.memory_space<hbm>>
      tpu.enqueue_dma source(%dma_start3A_122 : memref<10000xi32, #tpu.memory_space<hbm>>) target(%arg9 : memref<10000xi32, #tpu.memory_space<vmem>>) target_semaphore(%run_scoped3A : memref<!tpu.dma_semaphore, #tpu.memory_space<semaphore_mem>>)
      %dma_wait3A_123 = tpu.memref_slice %arg5[%mul3A_4] : memref<160000xi32, #tpu.memory_space<hbm>> -> memref<10000xi32, #tpu.memory_space<hbm>>
      %dma_wait3A_124 = tpu.memref_slice %arg5[%mul3A_4] : memref<160000xi32, #tpu.memory_space<hbm>> -> memref<10000xi32, #tpu.memory_space<hbm>>
      tpu.wait_dma2 semaphore(%run_scoped3A : memref<!tpu.dma_semaphore, #tpu.memory_space<semaphore_mem>>) src(%dma_wait3A_124 : memref<10000xi32, #tpu.memory_space<hbm>>) dst(%arg9 : memref<10000xi32, #tpu.memory_space<vmem>>)
      tpu.yield
    }) : () -> ()
    %barrier3A = arith.constant 0 : index
    tpu.barrier barrier_id(%barrier3A)
    %dma_start3A = arith.constant 0 : i32
    %dma_start3A_12 = tpu.memref_slice %arg8[%dma_start3A] : memref<10000xi32, #tpu.memory_space<vmem>> -> memref<40xi32, #tpu.memory_space<vmem>>
    %dma_start3A_13 = arith.constant 0 : i32
    %dma_start3A_14 = arith.constant 0 : i32
    %dma_start3A_15 = tpu.memref_slice %arg2[%dma_start3A_13, %dma_start3A_14] : memref<20000x128xf32, #tpu.memory_space<hbm>> -> memref<20000x128xf32, #tpu.memory_space<hbm>>
    tpu.enqueue_indirect_dma source(%dma_start3A_15 : memref<20000x128xf32, #tpu.memory_space<hbm>>) target(%arg10 : memref<40x128xf32, #tpu.memory_space<vmem>>) offsets(%dma_start3A_12 : memref<40xi32, #tpu.memory_space<vmem>>) semaphore(%arg16 : memref<!tpu.dma_semaphore, #tpu.memory_space<semaphore_mem>>)
    %dma_start3A_16 = arith.constant 40 : i32
    %dma_start3A_17 = tpu.memref_slice %arg8[%dma_start3A_16] : memref<10000xi32, #tpu.memory_space<vmem>> -> memref<40xi32, #tpu.memory_space<vmem>>
    %dma_start3A_18 = arith.constant 0 : i32
    %dma_start3A_19 = arith.constant 0 : i32
    %dma_start3A_20 = tpu.memref_slice %arg2[%dma_start3A_18, %dma_start3A_19] : memref<20000x128xf32, #tpu.memory_space<hbm>> -> memref<20000x128xf32, #tpu.memory_space<hbm>>
    tpu.enqueue_indirect_dma source(%dma_start3A_20 : memref<20000x128xf32, #tpu.memory_space<hbm>>) target(%arg11 : memref<40x128xf32, #tpu.memory_space<vmem>>) offsets(%dma_start3A_17 : memref<40xi32, #tpu.memory_space<vmem>>) semaphore(%arg17 : memref<!tpu.dma_semaphore, #tpu.memory_space<semaphore_mem>>)
    %dma_start3A_21 = arith.constant 80 : i32
    %dma_start3A_22 = tpu.memref_slice %arg8[%dma_start3A_21] : memref<10000xi32, #tpu.memory_space<vmem>> -> memref<40xi32, #tpu.memory_space<vmem>>
    %dma_start3A_23 = arith.constant 0 : i32
    %dma_start3A_24 = arith.constant 0 : i32
    %dma_start3A_25 = tpu.memref_slice %arg2[%dma_start3A_23, %dma_start3A_24] : memref<20000x128xf32, #tpu.memory_space<hbm>> -> memref<20000x128xf32, #tpu.memory_space<hbm>>
    tpu.enqueue_indirect_dma source(%dma_start3A_25 : memref<20000x128xf32, #tpu.memory_space<hbm>>) target(%arg12 : memref<40x128xf32, #tpu.memory_space<vmem>>) offsets(%dma_start3A_22 : memref<40xi32, #tpu.memory_space<vmem>>) semaphore(%arg18 : memref<!tpu.dma_semaphore, #tpu.memory_space<semaphore_mem>>)
    %dma_start3A_26 = arith.constant 120 : i32
    %dma_start3A_27 = tpu.memref_slice %arg8[%dma_start3A_26] : memref<10000xi32, #tpu.memory_space<vmem>> -> memref<40xi32, #tpu.memory_space<vmem>>
    %dma_start3A_28 = arith.constant 0 : i32
    %dma_start3A_29 = arith.constant 0 : i32
    %dma_start3A_30 = tpu.memref_slice %arg2[%dma_start3A_28, %dma_start3A_29] : memref<20000x128xf32, #tpu.memory_space<hbm>> -> memref<20000x128xf32, #tpu.memory_space<hbm>>
    tpu.enqueue_indirect_dma source(%dma_start3A_30 : memref<20000x128xf32, #tpu.memory_space<hbm>>) target(%arg13 : memref<40x128xf32, #tpu.memory_space<vmem>>) offsets(%dma_start3A_27 : memref<40xi32, #tpu.memory_space<vmem>>) semaphore(%arg19 : memref<!tpu.dma_semaphore, #tpu.memory_space<semaphore_mem>>)
    %dma_start3A_31 = arith.constant 160 : i32
    %dma_start3A_32 = tpu.memref_slice %arg8[%dma_start3A_31] : memref<10000xi32, #tpu.memory_space<vmem>> -> memref<40xi32, #tpu.memory_space<vmem>>
    %dma_start3A_33 = arith.constant 0 : i32
    %dma_start3A_34 = arith.constant 0 : i32
    %dma_start3A_35 = tpu.memref_slice %arg2[%dma_start3A_33, %dma_start3A_34] : memref<20000x128xf32, #tpu.memory_space<hbm>> -> memref<20000x128xf32, #tpu.memory_space<hbm>>
    tpu.enqueue_indirect_dma source(%dma_start3A_35 : memref<20000x128xf32, #tpu.memory_space<hbm>>) target(%arg14 : memref<40x128xf32, #tpu.memory_space<vmem>>) offsets(%dma_start3A_32 : memref<40xi32, #tpu.memory_space<vmem>>) semaphore(%arg20 : memref<!tpu.dma_semaphore, #tpu.memory_space<semaphore_mem>>)
    %scan3A = arith.constant 0 : i32
    %scan3A_36 = arith.constant 0 : i32
    %scan3A_37 = arith.constant 49 : i32
    %scan3A_38 = arith.addi %scan3A_36, %scan3A_37 : i32
    %scan3A_39 = arith.constant 1 : i32
    %scan3A_40 = scf.for %scan3A_121 = %scan3A_36 to %scan3A_38 step %scan3A_39 iter_args(%scan3A_122 = %scan3A) -> (i32)  : i32 {
      %mul3A_123 = arith.constant 5 : i32
      %mul3A_124 = arith.muli %mul3A_123, %scan3A_121 : i32
      %dma_wait3A_125 = arith.constant 0 : i32
      %dma_wait3A_126 = tpu.memref_slice %arg8[%dma_wait3A_125] : memref<10000xi32, #tpu.memory_space<vmem>> -> memref<40xi32, #tpu.memory_space<vmem>>
      %dma_wait3A_127 = arith.constant 0 : i32
      %dma_wait3A_128 = arith.constant 0 : i32
      %dma_wait3A_129 = tpu.memref_slice %arg2[%dma_wait3A_127, %dma_wait3A_128] : memref<20000x128xf32, #tpu.memory_space<hbm>> -> memref<20000x128xf32, #tpu.memory_space<hbm>>
      tpu.wait_indirect_dma semaphore(%arg16 : memref<!tpu.dma_semaphore, #tpu.memory_space<semaphore_mem>>) src(%dma_wait3A_129 : memref<20000x128xf32, #tpu.memory_space<hbm>>) dst(%arg10 : memref<40x128xf32, #tpu.memory_space<vmem>>)
      %add3A = arith.constant 0 : i32
      %add3A_130 = arith.addi %mul3A_124, %add3A : i32
      %mul3A_131 = arith.constant 40 : i32
      %mul3A_132 = arith.muli %add3A_130, %mul3A_131 : i32
      %dma_start3A_133 = tpu.memref_slice %arg9[%mul3A_132] : memref<10000xi32, #tpu.memory_space<vmem>> -> memref<40xi32, #tpu.memory_space<vmem>>
      %dma_start3A_134 = arith.constant 0 : i32
      %dma_start3A_135 = arith.constant 0 : i32
      %dma_start3A_136 = tpu.memref_slice %arg15[%dma_start3A_134, %dma_start3A_135] : memref<10240x128xf32, #tpu.memory_space<vmem_shared>> -> memref<10240x128xf32, #tpu.memory_space<vmem_shared>>
      tpu.enqueue_indirect_dma source(%arg10 : memref<40x128xf32, #tpu.memory_space<vmem>>) target(%dma_start3A_136 : memref<10240x128xf32, #tpu.memory_space<vmem_shared>>) offsets(%dma_start3A_133 : memref<40xi32, #tpu.memory_space<vmem>>) semaphore(%arg21 : memref<!tpu.dma_semaphore, #tpu.memory_space<semaphore_mem>>) {add = true}
      %dma_wait3A_137 = arith.constant 0 : i32
      %dma_wait3A_138 = tpu.memref_slice %arg8[%dma_wait3A_137] : memref<10000xi32, #tpu.memory_space<vmem>> -> memref<40xi32, #tpu.memory_space<vmem>>
      %dma_wait3A_139 = arith.constant 0 : i32
      %dma_wait3A_140 = arith.constant 0 : i32
      %dma_wait3A_141 = tpu.memref_slice %arg2[%dma_wait3A_139, %dma_wait3A_140] : memref<20000x128xf32, #tpu.memory_space<hbm>> -> memref<20000x128xf32, #tpu.memory_space<hbm>>
      tpu.wait_indirect_dma semaphore(%arg17 : memref<!tpu.dma_semaphore, #tpu.memory_space<semaphore_mem>>) src(%dma_wait3A_141 : memref<20000x128xf32, #tpu.memory_space<hbm>>) dst(%arg11 : memref<40x128xf32, #tpu.memory_space<vmem>>)
      %add3A_142 = arith.constant 1 : i32
      %add3A_143 = arith.addi %mul3A_124, %add3A_142 : i32
      %mul3A_144 = arith.constant 40 : i32
      %mul3A_145 = arith.muli %add3A_143, %mul3A_144 : i32
      %dma_start3A_146 = tpu.memref_slice %arg9[%mul3A_145] : memref<10000xi32, #tpu.memory_space<vmem>> -> memref<40xi32, #tpu.memory_space<vmem>>
      %dma_start3A_147 = arith.constant 0 : i32
      %dma_start3A_148 = arith.constant 0 : i32
      %dma_start3A_149 = tpu.memref_slice %arg15[%dma_start3A_147, %dma_start3A_148] : memref<10240x128xf32, #tpu.memory_space<vmem_shared>> -> memref<10240x128xf32, #tpu.memory_space<vmem_shared>>
      tpu.enqueue_indirect_dma source(%arg11 : memref<40x128xf32, #tpu.memory_space<vmem>>) target(%dma_start3A_149 : memref<10240x128xf32, #tpu.memory_space<vmem_shared>>) offsets(%dma_start3A_146 : memref<40xi32, #tpu.memory_space<vmem>>) semaphore(%arg22 : memref<!tpu.dma_semaphore, #tpu.memory_space<semaphore_mem>>) {add = true}
      %dma_wait3A_150 = arith.constant 0 : i32
      %dma_wait3A_151 = tpu.memref_slice %arg8[%dma_wait3A_150] : memref<10000xi32, #tpu.memory_space<vmem>> -> memref<40xi32, #tpu.memory_space<vmem>>
      %dma_wait3A_152 = arith.constant 0 : i32
      %dma_wait3A_153 = arith.constant 0 : i32
      %dma_wait3A_154 = tpu.memref_slice %arg2[%dma_wait3A_152, %dma_wait3A_153] : memref<20000x128xf32, #tpu.memory_space<hbm>> -> memref<20000x128xf32, #tpu.memory_space<hbm>>
      tpu.wait_indirect_dma semaphore(%arg18 : memref<!tpu.dma_semaphore, #tpu.memory_space<semaphore_mem>>) src(%dma_wait3A_154 : memref<20000x128xf32, #tpu.memory_space<hbm>>) dst(%arg12 : memref<40x128xf32, #tpu.memory_space<vmem>>)
      %add3A_155 = arith.constant 2 : i32
      %add3A_156 = arith.addi %mul3A_124, %add3A_155 : i32
      %mul3A_157 = arith.constant 40 : i32
      %mul3A_158 = arith.muli %add3A_156, %mul3A_157 : i32
      %dma_start3A_159 = tpu.memref_slice %arg9[%mul3A_158] : memref<10000xi32, #tpu.memory_space<vmem>> -> memref<40xi32, #tpu.memory_space<vmem>>
      %dma_start3A_160 = arith.constant 0 : i32
      %dma_start3A_161 = arith.constant 0 : i32
      %dma_start3A_162 = tpu.memref_slice %arg15[%dma_start3A_160, %dma_start3A_161] : memref<10240x128xf32, #tpu.memory_space<vmem_shared>> -> memref<10240x128xf32, #tpu.memory_space<vmem_shared>>
      tpu.enqueue_indirect_dma source(%arg12 : memref<40x128xf32, #tpu.memory_space<vmem>>) target(%dma_start3A_162 : memref<10240x128xf32, #tpu.memory_space<vmem_shared>>) offsets(%dma_start3A_159 : memref<40xi32, #tpu.memory_space<vmem>>) semaphore(%arg23 : memref<!tpu.dma_semaphore, #tpu.memory_space<semaphore_mem>>) {add = true}
      %dma_wait3A_163 = arith.constant 0 : i32
      %dma_wait3A_164 = tpu.memref_slice %arg8[%dma_wait3A_163] : memref<10000xi32, #tpu.memory_space<vmem>> -> memref<40xi32, #tpu.memory_space<vmem>>
      %dma_wait3A_165 = arith.constant 0 : i32
      %dma_wait3A_166 = arith.constant 0 : i32
      %dma_wait3A_167 = tpu.memref_slice %arg2[%dma_wait3A_165, %dma_wait3A_166] : memref<20000x128xf32, #tpu.memory_space<hbm>> -> memref<20000x128xf32, #tpu.memory_space<hbm>>
      tpu.wait_indirect_dma semaphore(%arg19 : memref<!tpu.dma_semaphore, #tpu.memory_space<semaphore_mem>>) src(%dma_wait3A_167 : memref<20000x128xf32, #tpu.memory_space<hbm>>) dst(%arg13 : memref<40x128xf32, #tpu.memory_space<vmem>>)
      %add3A_168 = arith.constant 3 : i32
      %add3A_169 = arith.addi %mul3A_124, %add3A_168 : i32
      %mul3A_170 = arith.constant 40 : i32
      %mul3A_171 = arith.muli %add3A_169, %mul3A_170 : i32
      %dma_start3A_172 = tpu.memref_slice %arg9[%mul3A_171] : memref<10000xi32, #tpu.memory_space<vmem>> -> memref<40xi32, #tpu.memory_space<vmem>>
      %dma_start3A_173 = arith.constant 0 : i32
      %dma_start3A_174 = arith.constant 0 : i32
      %dma_start3A_175 = tpu.memref_slice %arg15[%dma_start3A_173, %dma_start3A_174] : memref<10240x128xf32, #tpu.memory_space<vmem_shared>> -> memref<10240x128xf32, #tpu.memory_space<vmem_shared>>
      tpu.enqueue_indirect_dma source(%arg13 : memref<40x128xf32, #tpu.memory_space<vmem>>) target(%dma_start3A_175 : memref<10240x128xf32, #tpu.memory_space<vmem_shared>>) offsets(%dma_start3A_172 : memref<40xi32, #tpu.memory_space<vmem>>) semaphore(%arg24 : memref<!tpu.dma_semaphore, #tpu.memory_space<semaphore_mem>>) {add = true}
      %dma_wait3A_176 = arith.constant 0 : i32
      %dma_wait3A_177 = tpu.memref_slice %arg8[%dma_wait3A_176] : memref<10000xi32, #tpu.memory_space<vmem>> -> memref<40xi32, #tpu.memory_space<vmem>>
      %dma_wait3A_178 = arith.constant 0 : i32
      %dma_wait3A_179 = arith.constant 0 : i32
      %dma_wait3A_180 = tpu.memref_slice %arg2[%dma_wait3A_178, %dma_wait3A_179] : memref<20000x128xf32, #tpu.memory_space<hbm>> -> memref<20000x128xf32, #tpu.memory_space<hbm>>
      tpu.wait_indirect_dma semaphore(%arg20 : memref<!tpu.dma_semaphore, #tpu.memory_space<semaphore_mem>>) src(%dma_wait3A_180 : memref<20000x128xf32, #tpu.memory_space<hbm>>) dst(%arg14 : memref<40x128xf32, #tpu.memory_space<vmem>>)
      %add3A_181 = arith.constant 4 : i32
      %add3A_182 = arith.addi %mul3A_124, %add3A_181 : i32
      %mul3A_183 = arith.constant 40 : i32
      %mul3A_184 = arith.muli %add3A_182, %mul3A_183 : i32
      %dma_start3A_185 = tpu.memref_slice %arg9[%mul3A_184] : memref<10000xi32, #tpu.memory_space<vmem>> -> memref<40xi32, #tpu.memory_space<vmem>>
      %dma_start3A_186 = arith.constant 0 : i32
      %dma_start3A_187 = arith.constant 0 : i32
      %dma_start3A_188 = tpu.memref_slice %arg15[%dma_start3A_186, %dma_start3A_187] : memref<10240x128xf32, #tpu.memory_space<vmem_shared>> -> memref<10240x128xf32, #tpu.memory_space<vmem_shared>>
      tpu.enqueue_indirect_dma source(%arg14 : memref<40x128xf32, #tpu.memory_space<vmem>>) target(%dma_start3A_188 : memref<10240x128xf32, #tpu.memory_space<vmem_shared>>) offsets(%dma_start3A_185 : memref<40xi32, #tpu.memory_space<vmem>>) semaphore(%arg25 : memref<!tpu.dma_semaphore, #tpu.memory_space<semaphore_mem>>) {add = true}
      %dma_wait3A_189 = arith.constant 0 : i32
      %dma_wait3A_190 = tpu.memref_slice %arg9[%dma_wait3A_189] : memref<10000xi32, #tpu.memory_space<vmem>> -> memref<40xi32, #tpu.memory_space<vmem>>
      %dma_wait3A_191 = arith.constant 0 : i32
      %dma_wait3A_192 = arith.constant 0 : i32
      %dma_wait3A_193 = tpu.memref_slice %arg15[%dma_wait3A_191, %dma_wait3A_192] : memref<10240x128xf32, #tpu.memory_space<vmem_shared>> -> memref<10240x128xf32, #tpu.memory_space<vmem_shared>>
      tpu.wait_indirect_dma semaphore(%arg21 : memref<!tpu.dma_semaphore, #tpu.memory_space<semaphore_mem>>) src(%arg10 : memref<40x128xf32, #tpu.memory_space<vmem>>) dst(%dma_wait3A_193 : memref<10240x128xf32, #tpu.memory_space<vmem_shared>>)
      %add3A_194 = arith.constant 5 : i32
      %add3A_195 = arith.addi %mul3A_124, %add3A_194 : i32
      %add3A_196 = arith.constant 0 : i32
      %add3A_197 = arith.addi %add3A_195, %add3A_196 : i32
      %mul3A_198 = arith.constant 40 : i32
      %mul3A_199 = arith.muli %add3A_197, %mul3A_198 : i32
      %dma_start3A_200 = tpu.memref_slice %arg8[%mul3A_199] : memref<10000xi32, #tpu.memory_space<vmem>> -> memref<40xi32, #tpu.memory_space<vmem>>
      %dma_start3A_201 = arith.constant 0 : i32
      %dma_start3A_202 = arith.constant 0 : i32
      %dma_start3A_203 = tpu.memref_slice %arg2[%dma_start3A_201, %dma_start3A_202] : memref<20000x128xf32, #tpu.memory_space<hbm>> -> memref<20000x128xf32, #tpu.memory_space<hbm>>
      tpu.enqueue_indirect_dma source(%dma_start3A_203 : memref<20000x128xf32, #tpu.memory_space<hbm>>) target(%arg10 : memref<40x128xf32, #tpu.memory_space<vmem>>) offsets(%dma_start3A_200 : memref<40xi32, #tpu.memory_space<vmem>>) semaphore(%arg16 : memref<!tpu.dma_semaphore, #tpu.memory_space<semaphore_mem>>)
      %dma_wait3A_204 = arith.constant 0 : i32
      %dma_wait3A_205 = tpu.memref_slice %arg9[%dma_wait3A_204] : memref<10000xi32, #tpu.memory_space<vmem>> -> memref<40xi32, #tpu.memory_space<vmem>>
      %dma_wait3A_206 = arith.constant 0 : i32
      %dma_wait3A_207 = arith.constant 0 : i32
      %dma_wait3A_208 = tpu.memref_slice %arg15[%dma_wait3A_206, %dma_wait3A_207] : memref<10240x128xf32, #tpu.memory_space<vmem_shared>> -> memref<10240x128xf32, #tpu.memory_space<vmem_shared>>
      tpu.wait_indirect_dma semaphore(%arg22 : memref<!tpu.dma_semaphore, #tpu.memory_space<semaphore_mem>>) src(%arg11 : memref<40x128xf32, #tpu.memory_space<vmem>>) dst(%dma_wait3A_208 : memref<10240x128xf32, #tpu.memory_space<vmem_shared>>)
      %add3A_209 = arith.constant 5 : i32
      %add3A_210 = arith.addi %mul3A_124, %add3A_209 : i32
      %add3A_211 = arith.constant 1 : i32
      %add3A_212 = arith.addi %add3A_210, %add3A_211 : i32
      %mul3A_213 = arith.constant 40 : i32
      %mul3A_214 = arith.muli %add3A_212, %mul3A_213 : i32
      %dma_start3A_215 = tpu.memref_slice %arg8[%mul3A_214] : memref<10000xi32, #tpu.memory_space<vmem>> -> memref<40xi32, #tpu.memory_space<vmem>>
      %dma_start3A_216 = arith.constant 0 : i32
      %dma_start3A_217 = arith.constant 0 : i32
      %dma_start3A_218 = tpu.memref_slice %arg2[%dma_start3A_216, %dma_start3A_217] : memref<20000x128xf32, #tpu.memory_space<hbm>> -> memref<20000x128xf32, #tpu.memory_space<hbm>>
      tpu.enqueue_indirect_dma source(%dma_start3A_218 : memref<20000x128xf32, #tpu.memory_space<hbm>>) target(%arg11 : memref<40x128xf32, #tpu.memory_space<vmem>>) offsets(%dma_start3A_215 : memref<40xi32, #tpu.memory_space<vmem>>) semaphore(%arg17 : memref<!tpu.dma_semaphore, #tpu.memory_space<semaphore_mem>>)
      %dma_wait3A_219 = arith.constant 0 : i32
      %dma_wait3A_220 = tpu.memref_slice %arg9[%dma_wait3A_219] : memref<10000xi32, #tpu.memory_space<vmem>> -> memref<40xi32, #tpu.memory_space<vmem>>
      %dma_wait3A_221 = arith.constant 0 : i32
      %dma_wait3A_222 = arith.constant 0 : i32
      %dma_wait3A_223 = tpu.memref_slice %arg15[%dma_wait3A_221, %dma_wait3A_222] : memref<10240x128xf32, #tpu.memory_space<vmem_shared>> -> memref<10240x128xf32, #tpu.memory_space<vmem_shared>>
      tpu.wait_indirect_dma semaphore(%arg23 : memref<!tpu.dma_semaphore, #tpu.memory_space<semaphore_mem>>) src(%arg12 : memref<40x128xf32, #tpu.memory_space<vmem>>) dst(%dma_wait3A_223 : memref<10240x128xf32, #tpu.memory_space<vmem_shared>>)
      %add3A_224 = arith.constant 5 : i32
      %add3A_225 = arith.addi %mul3A_124, %add3A_224 : i32
      %add3A_226 = arith.constant 2 : i32
      %add3A_227 = arith.addi %add3A_225, %add3A_226 : i32
      %mul3A_228 = arith.constant 40 : i32
      %mul3A_229 = arith.muli %add3A_227, %mul3A_228 : i32
      %dma_start3A_230 = tpu.memref_slice %arg8[%mul3A_229] : memref<10000xi32, #tpu.memory_space<vmem>> -> memref<40xi32, #tpu.memory_space<vmem>>
      %dma_start3A_231 = arith.constant 0 : i32
      %dma_start3A_232 = arith.constant 0 : i32
      %dma_start3A_233 = tpu.memref_slice %arg2[%dma_start3A_231, %dma_start3A_232] : memref<20000x128xf32, #tpu.memory_space<hbm>> -> memref<20000x128xf32, #tpu.memory_space<hbm>>
      tpu.enqueue_indirect_dma source(%dma_start3A_233 : memref<20000x128xf32, #tpu.memory_space<hbm>>) target(%arg12 : memref<40x128xf32, #tpu.memory_space<vmem>>) offsets(%dma_start3A_230 : memref<40xi32, #tpu.memory_space<vmem>>) semaphore(%arg18 : memref<!tpu.dma_semaphore, #tpu.memory_space<semaphore_mem>>)
      %dma_wait3A_234 = arith.constant 0 : i32
      %dma_wait3A_235 = tpu.memref_slice %arg9[%dma_wait3A_234] : memref<10000xi32, #tpu.memory_space<vmem>> -> memref<40xi32, #tpu.memory_space<vmem>>
      %dma_wait3A_236 = arith.constant 0 : i32
      %dma_wait3A_237 = arith.constant 0 : i32
      %dma_wait3A_238 = tpu.memref_slice %arg15[%dma_wait3A_236, %dma_wait3A_237] : memref<10240x128xf32, #tpu.memory_space<vmem_shared>> -> memref<10240x128xf32, #tpu.memory_space<vmem_shared>>
      tpu.wait_indirect_dma semaphore(%arg24 : memref<!tpu.dma_semaphore, #tpu.memory_space<semaphore_mem>>) src(%arg13 : memref<40x128xf32, #tpu.memory_space<vmem>>) dst(%dma_wait3A_238 : memref<10240x128xf32, #tpu.memory_space<vmem_shared>>)
      %add3A_239 = arith.constant 5 : i32
      %add3A_240 = arith.addi %mul3A_124, %add3A_239 : i32
      %add3A_241 = arith.constant 3 : i32
      %add3A_242 = arith.addi %add3A_240, %add3A_241 : i32
      %mul3A_243 = arith.constant 40 : i32
      %mul3A_244 = arith.muli %add3A_242, %mul3A_243 : i32
      %dma_start3A_245 = tpu.memref_slice %arg8[%mul3A_244] : memref<10000xi32, #tpu.memory_space<vmem>> -> memref<40xi32, #tpu.memory_space<vmem>>
      %dma_start3A_246 = arith.constant 0 : i32
      %dma_start3A_247 = arith.constant 0 : i32
      %dma_start3A_248 = tpu.memref_slice %arg2[%dma_start3A_246, %dma_start3A_247] : memref<20000x128xf32, #tpu.memory_space<hbm>> -> memref<20000x128xf32, #tpu.memory_space<hbm>>
      tpu.enqueue_indirect_dma source(%dma_start3A_248 : memref<20000x128xf32, #tpu.memory_space<hbm>>) target(%arg13 : memref<40x128xf32, #tpu.memory_space<vmem>>) offsets(%dma_start3A_245 : memref<40xi32, #tpu.memory_space<vmem>>) semaphore(%arg19 : memref<!tpu.dma_semaphore, #tpu.memory_space<semaphore_mem>>)
      %dma_wait3A_249 = arith.constant 0 : i32
      %dma_wait3A_250 = tpu.memref_slice %arg9[%dma_wait3A_249] : memref<10000xi32, #tpu.memory_space<vmem>> -> memref<40xi32, #tpu.memory_space<vmem>>
      %dma_wait3A_251 = arith.constant 0 : i32
      %dma_wait3A_252 = arith.constant 0 : i32
      %dma_wait3A_253 = tpu.memref_slice %arg15[%dma_wait3A_251, %dma_wait3A_252] : memref<10240x128xf32, #tpu.memory_space<vmem_shared>> -> memref<10240x128xf32, #tpu.memory_space<vmem_shared>>
      tpu.wait_indirect_dma semaphore(%arg25 : memref<!tpu.dma_semaphore, #tpu.memory_space<semaphore_mem>>) src(%arg14 : memref<40x128xf32, #tpu.memory_space<vmem>>) dst(%dma_wait3A_253 : memref<10240x128xf32, #tpu.memory_space<vmem_shared>>)
      %add3A_254 = arith.constant 5 : i32
      %add3A_255 = arith.addi %mul3A_124, %add3A_254 : i32
      %add3A_256 = arith.constant 4 : i32
      %add3A_257 = arith.addi %add3A_255, %add3A_256 : i32
      %mul3A_258 = arith.constant 40 : i32
      %mul3A_259 = arith.muli %add3A_257, %mul3A_258 : i32
      %dma_start3A_260 = tpu.memref_slice %arg8[%mul3A_259] : memref<10000xi32, #tpu.memory_space<vmem>> -> memref<40xi32, #tpu.memory_space<vmem>>
      %dma_start3A_261 = arith.constant 0 : i32
      %dma_start3A_262 = arith.constant 0 : i32
      %dma_start3A_263 = tpu.memref_slice %arg2[%dma_start3A_261, %dma_start3A_262] : memref<20000x128xf32, #tpu.memory_space<hbm>> -> memref<20000x128xf32, #tpu.memory_space<hbm>>
      tpu.enqueue_indirect_dma source(%dma_start3A_263 : memref<20000x128xf32, #tpu.memory_space<hbm>>) target(%arg14 : memref<40x128xf32, #tpu.memory_space<vmem>>) offsets(%dma_start3A_260 : memref<40xi32, #tpu.memory_space<vmem>>) semaphore(%arg20 : memref<!tpu.dma_semaphore, #tpu.memory_space<semaphore_mem>>)
      %scan3A_264 = arith.constant 0 : i32
      scf.yield %scan3A_264 : i32
    }
    %scan3A_41 = arith.constant 49 : i32
    %dma_wait3A = arith.constant 0 : i32
    %dma_wait3A_42 = tpu.memref_slice %arg8[%dma_wait3A] : memref<10000xi32, #tpu.memory_space<vmem>> -> memref<40xi32, #tpu.memory_space<vmem>>
    %dma_wait3A_43 = arith.constant 0 : i32
    %dma_wait3A_44 = arith.constant 0 : i32
    %dma_wait3A_45 = tpu.memref_slice %arg2[%dma_wait3A_43, %dma_wait3A_44] : memref<20000x128xf32, #tpu.memory_space<hbm>> -> memref<20000x128xf32, #tpu.memory_space<hbm>>
    tpu.wait_indirect_dma semaphore(%arg16 : memref<!tpu.dma_semaphore, #tpu.memory_space<semaphore_mem>>) src(%dma_wait3A_45 : memref<20000x128xf32, #tpu.memory_space<hbm>>) dst(%arg10 : memref<40x128xf32, #tpu.memory_space<vmem>>)
    %dma_start3A_46 = arith.constant 9800 : i32
    %dma_start3A_47 = tpu.memref_slice %arg9[%dma_start3A_46] : memref<10000xi32, #tpu.memory_space<vmem>> -> memref<40xi32, #tpu.memory_space<vmem>>
    %dma_start3A_48 = arith.constant 0 : i32
    %dma_start3A_49 = arith.constant 0 : i32
    %dma_start3A_50 = tpu.memref_slice %arg15[%dma_start3A_48, %dma_start3A_49] : memref<10240x128xf32, #tpu.memory_space<vmem_shared>> -> memref<10240x128xf32, #tpu.memory_space<vmem_shared>>
    tpu.enqueue_indirect_dma source(%arg10 : memref<40x128xf32, #tpu.memory_space<vmem>>) target(%dma_start3A_50 : memref<10240x128xf32, #tpu.memory_space<vmem_shared>>) offsets(%dma_start3A_47 : memref<40xi32, #tpu.memory_space<vmem>>) semaphore(%arg21 : memref<!tpu.dma_semaphore, #tpu.memory_space<semaphore_mem>>) {add = true}
    %dma_wait3A_51 = arith.constant 0 : i32
    %dma_wait3A_52 = tpu.memref_slice %arg8[%dma_wait3A_51] : memref<10000xi32, #tpu.memory_space<vmem>> -> memref<40xi32, #tpu.memory_space<vmem>>
    %dma_wait3A_53 = arith.constant 0 : i32
    %dma_wait3A_54 = arith.constant 0 : i32
    %dma_wait3A_55 = tpu.memref_slice %arg2[%dma_wait3A_53, %dma_wait3A_54] : memref<20000x128xf32, #tpu.memory_space<hbm>> -> memref<20000x128xf32, #tpu.memory_space<hbm>>
    tpu.wait_indirect_dma semaphore(%arg17 : memref<!tpu.dma_semaphore, #tpu.memory_space<semaphore_mem>>) src(%dma_wait3A_55 : memref<20000x128xf32, #tpu.memory_space<hbm>>) dst(%arg11 : memref<40x128xf32, #tpu.memory_space<vmem>>)
    %dma_start3A_56 = arith.constant 9840 : i32
    %dma_start3A_57 = tpu.memref_slice %arg9[%dma_start3A_56] : memref<10000xi32, #tpu.memory_space<vmem>> -> memref<40xi32, #tpu.memory_space<vmem>>
    %dma_start3A_58 = arith.constant 0 : i32
    %dma_start3A_59 = arith.constant 0 : i32
    %dma_start3A_60 = tpu.memref_slice %arg15[%dma_start3A_58, %dma_start3A_59] : memref<10240x128xf32, #tpu.memory_space<vmem_shared>> -> memref<10240x128xf32, #tpu.memory_space<vmem_shared>>
    tpu.enqueue_indirect_dma source(%arg11 : memref<40x128xf32, #tpu.memory_space<vmem>>) target(%dma_start3A_60 : memref<10240x128xf32, #tpu.memory_space<vmem_shared>>) offsets(%dma_start3A_57 : memref<40xi32, #tpu.memory_space<vmem>>) semaphore(%arg22 : memref<!tpu.dma_semaphore, #tpu.memory_space<semaphore_mem>>) {add = true}
    %dma_wait3A_61 = arith.constant 0 : i32
    %dma_wait3A_62 = tpu.memref_slice %arg8[%dma_wait3A_61] : memref<10000xi32, #tpu.memory_space<vmem>> -> memref<40xi32, #tpu.memory_space<vmem>>
    %dma_wait3A_63 = arith.constant 0 : i32
    %dma_wait3A_64 = arith.constant 0 : i32
    %dma_wait3A_65 = tpu.memref_slice %arg2[%dma_wait3A_63, %dma_wait3A_64] : memref<20000x128xf32, #tpu.memory_space<hbm>> -> memref<20000x128xf32, #tpu.memory_space<hbm>>
    tpu.wait_indirect_dma semaphore(%arg18 : memref<!tpu.dma_semaphore, #tpu.memory_space<semaphore_mem>>) src(%dma_wait3A_65 : memref<20000x128xf32, #tpu.memory_space<hbm>>) dst(%arg12 : memref<40x128xf32, #tpu.memory_space<vmem>>)
    %dma_start3A_66 = arith.constant 9880 : i32
    %dma_start3A_67 = tpu.memref_slice %arg9[%dma_start3A_66] : memref<10000xi32, #tpu.memory_space<vmem>> -> memref<40xi32, #tpu.memory_space<vmem>>
    %dma_start3A_68 = arith.constant 0 : i32
    %dma_start3A_69 = arith.constant 0 : i32
    %dma_start3A_70 = tpu.memref_slice %arg15[%dma_start3A_68, %dma_start3A_69] : memref<10240x128xf32, #tpu.memory_space<vmem_shared>> -> memref<10240x128xf32, #tpu.memory_space<vmem_shared>>
    tpu.enqueue_indirect_dma source(%arg12 : memref<40x128xf32, #tpu.memory_space<vmem>>) target(%dma_start3A_70 : memref<10240x128xf32, #tpu.memory_space<vmem_shared>>) offsets(%dma_start3A_67 : memref<40xi32, #tpu.memory_space<vmem>>) semaphore(%arg23 : memref<!tpu.dma_semaphore, #tpu.memory_space<semaphore_mem>>) {add = true}
    %dma_wait3A_71 = arith.constant 0 : i32
    %dma_wait3A_72 = tpu.memref_slice %arg8[%dma_wait3A_71] : memref<10000xi32, #tpu.memory_space<vmem>> -> memref<40xi32, #tpu.memory_space<vmem>>
    %dma_wait3A_73 = arith.constant 0 : i32
    %dma_wait3A_74 = arith.constant 0 : i32
    %dma_wait3A_75 = tpu.memref_slice %arg2[%dma_wait3A_73, %dma_wait3A_74] : memref<20000x128xf32, #tpu.memory_space<hbm>> -> memref<20000x128xf32, #tpu.memory_space<hbm>>
    tpu.wait_indirect_dma semaphore(%arg19 : memref<!tpu.dma_semaphore, #tpu.memory_space<semaphore_mem>>) src(%dma_wait3A_75 : memref<20000x128xf32, #tpu.memory_space<hbm>>) dst(%arg13 : memref<40x128xf32, #tpu.memory_space<vmem>>)
    %dma_start3A_76 = arith.constant 9920 : i32
    %dma_start3A_77 = tpu.memref_slice %arg9[%dma_start3A_76] : memref<10000xi32, #tpu.memory_space<vmem>> -> memref<40xi32, #tpu.memory_space<vmem>>
    %dma_start3A_78 = arith.constant 0 : i32
    %dma_start3A_79 = arith.constant 0 : i32
    %dma_start3A_80 = tpu.memref_slice %arg15[%dma_start3A_78, %dma_start3A_79] : memref<10240x128xf32, #tpu.memory_space<vmem_shared>> -> memref<10240x128xf32, #tpu.memory_space<vmem_shared>>
    tpu.enqueue_indirect_dma source(%arg13 : memref<40x128xf32, #tpu.memory_space<vmem>>) target(%dma_start3A_80 : memref<10240x128xf32, #tpu.memory_space<vmem_shared>>) offsets(%dma_start3A_77 : memref<40xi32, #tpu.memory_space<vmem>>) semaphore(%arg24 : memref<!tpu.dma_semaphore, #tpu.memory_space<semaphore_mem>>) {add = true}
    %dma_wait3A_81 = arith.constant 0 : i32
    %dma_wait3A_82 = tpu.memref_slice %arg8[%dma_wait3A_81] : memref<10000xi32, #tpu.memory_space<vmem>> -> memref<40xi32, #tpu.memory_space<vmem>>
    %dma_wait3A_83 = arith.constant 0 : i32
    %dma_wait3A_84 = arith.constant 0 : i32
    %dma_wait3A_85 = tpu.memref_slice %arg2[%dma_wait3A_83, %dma_wait3A_84] : memref<20000x128xf32, #tpu.memory_space<hbm>> -> memref<20000x128xf32, #tpu.memory_space<hbm>>
    tpu.wait_indirect_dma semaphore(%arg20 : memref<!tpu.dma_semaphore, #tpu.memory_space<semaphore_mem>>) src(%dma_wait3A_85 : memref<20000x128xf32, #tpu.memory_space<hbm>>) dst(%arg14 : memref<40x128xf32, #tpu.memory_space<vmem>>)
    %dma_start3A_86 = arith.constant 9960 : i32
    %dma_start3A_87 = tpu.memref_slice %arg9[%dma_start3A_86] : memref<10000xi32, #tpu.memory_space<vmem>> -> memref<40xi32, #tpu.memory_space<vmem>>
    %dma_start3A_88 = arith.constant 0 : i32
    %dma_start3A_89 = arith.constant 0 : i32
    %dma_start3A_90 = tpu.memref_slice %arg15[%dma_start3A_88, %dma_start3A_89] : memref<10240x128xf32, #tpu.memory_space<vmem_shared>> -> memref<10240x128xf32, #tpu.memory_space<vmem_shared>>
    tpu.enqueue_indirect_dma source(%arg14 : memref<40x128xf32, #tpu.memory_space<vmem>>) target(%dma_start3A_90 : memref<10240x128xf32, #tpu.memory_space<vmem_shared>>) offsets(%dma_start3A_87 : memref<40xi32, #tpu.memory_space<vmem>>) semaphore(%arg25 : memref<!tpu.dma_semaphore, #tpu.memory_space<semaphore_mem>>) {add = true}
    %dma_wait3A_91 = arith.constant 0 : i32
    %dma_wait3A_92 = tpu.memref_slice %arg9[%dma_wait3A_91] : memref<10000xi32, #tpu.memory_space<vmem>> -> memref<40xi32, #tpu.memory_space<vmem>>
    %dma_wait3A_93 = arith.constant 0 : i32
    %dma_wait3A_94 = arith.constant 0 : i32
    %dma_wait3A_95 = tpu.memref_slice %arg15[%dma_wait3A_93, %dma_wait3A_94] : memref<10240x128xf32, #tpu.memory_space<vmem_shared>> -> memref<10240x128xf32, #tpu.memory_space<vmem_shared>>
    tpu.wait_indirect_dma semaphore(%arg21 : memref<!tpu.dma_semaphore, #tpu.memory_space<semaphore_mem>>) src(%arg10 : memref<40x128xf32, #tpu.memory_space<vmem>>) dst(%dma_wait3A_95 : memref<10240x128xf32, #tpu.memory_space<vmem_shared>>)
    %dma_wait3A_96 = arith.constant 0 : i32
    %dma_wait3A_97 = tpu.memref_slice %arg9[%dma_wait3A_96] : memref<10000xi32, #tpu.memory_space<vmem>> -> memref<40xi32, #tpu.memory_space<vmem>>
    %dma_wait3A_98 = arith.constant 0 : i32
    %dma_wait3A_99 = arith.constant 0 : i32
    %dma_wait3A_100 = tpu.memref_slice %arg15[%dma_wait3A_98, %dma_wait3A_99] : memref<10240x128xf32, #tpu.memory_space<vmem_shared>> -> memref<10240x128xf32, #tpu.memory_space<vmem_shared>>
    tpu.wait_indirect_dma semaphore(%arg22 : memref<!tpu.dma_semaphore, #tpu.memory_space<semaphore_mem>>) src(%arg11 : memref<40x128xf32, #tpu.memory_space<vmem>>) dst(%dma_wait3A_100 : memref<10240x128xf32, #tpu.memory_space<vmem_shared>>)
    %dma_wait3A_101 = arith.constant 0 : i32
    %dma_wait3A_102 = tpu.memref_slice %arg9[%dma_wait3A_101] : memref<10000xi32, #tpu.memory_space<vmem>> -> memref<40xi32, #tpu.memory_space<vmem>>
    %dma_wait3A_103 = arith.constant 0 : i32
    %dma_wait3A_104 = arith.constant 0 : i32
    %dma_wait3A_105 = tpu.memref_slice %arg15[%dma_wait3A_103, %dma_wait3A_104] : memref<10240x128xf32, #tpu.memory_space<vmem_shared>> -> memref<10240x128xf32, #tpu.memory_space<vmem_shared>>
    tpu.wait_indirect_dma semaphore(%arg23 : memref<!tpu.dma_semaphore, #tpu.memory_space<semaphore_mem>>) src(%arg12 : memref<40x128xf32, #tpu.memory_space<vmem>>) dst(%dma_wait3A_105 : memref<10240x128xf32, #tpu.memory_space<vmem_shared>>)
    %dma_wait3A_106 = arith.constant 0 : i32
    %dma_wait3A_107 = tpu.memref_slice %arg9[%dma_wait3A_106] : memref<10000xi32, #tpu.memory_space<vmem>> -> memref<40xi32, #tpu.memory_space<vmem>>
    %dma_wait3A_108 = arith.constant 0 : i32
    %dma_wait3A_109 = arith.constant 0 : i32
    %dma_wait3A_110 = tpu.memref_slice %arg15[%dma_wait3A_108, %dma_wait3A_109] : memref<10240x128xf32, #tpu.memory_space<vmem_shared>> -> memref<10240x128xf32, #tpu.memory_space<vmem_shared>>
    tpu.wait_indirect_dma semaphore(%arg24 : memref<!tpu.dma_semaphore, #tpu.memory_space<semaphore_mem>>) src(%arg13 : memref<40x128xf32, #tpu.memory_space<vmem>>) dst(%dma_wait3A_110 : memref<10240x128xf32, #tpu.memory_space<vmem_shared>>)
    %dma_wait3A_111 = arith.constant 0 : i32
    %dma_wait3A_112 = tpu.memref_slice %arg9[%dma_wait3A_111] : memref<10000xi32, #tpu.memory_space<vmem>> -> memref<40xi32, #tpu.memory_space<vmem>>
    %dma_wait3A_113 = arith.constant 0 : i32
    %dma_wait3A_114 = arith.constant 0 : i32
    %dma_wait3A_115 = tpu.memref_slice %arg15[%dma_wait3A_113, %dma_wait3A_114] : memref<10240x128xf32, #tpu.memory_space<vmem_shared>> -> memref<10240x128xf32, #tpu.memory_space<vmem_shared>>
    tpu.wait_indirect_dma semaphore(%arg25 : memref<!tpu.dma_semaphore, #tpu.memory_space<semaphore_mem>>) src(%arg14 : memref<40x128xf32, #tpu.memory_space<vmem>>) dst(%dma_wait3A_115 : memref<10240x128xf32, #tpu.memory_space<vmem_shared>>)
    %barrier3A_116 = arith.constant 0 : index
    tpu.barrier barrier_id(%barrier3A_116)
    %mul3A_117 = arith.constant 640 : i32
    %mul3A_118 = arith.muli %arg1, %mul3A_117 : i32
    %mul3A_119 = arith.constant 640 : i32
    %mul3A_120 = arith.muli %arg1, %mul3A_119 : i32
    "tpu.region"() ({
      %run_scoped3A = tpu.sem_alloc : memref<!tpu.dma_semaphore, #tpu.memory_space<semaphore_mem>>
      %dma_start3A_121 = arith.constant 0 : i32
      %dma_start3A_122 = tpu.memref_slice %arg7[%arg0, %mul3A_120, %dma_start3A_121] : memref<2x10240x128xf32, #tpu.memory_space<hbm>> -> memref<1x640x128xf32, #tpu.memory_space<hbm>>
      %dma_start3A_123 = tpu.memref_squeeze %dma_start3A_122 : memref<1x640x128xf32, #tpu.memory_space<hbm>> -> memref<640x128xf32, #tpu.memory_space<hbm>>
      %dma_start3A_124 = arith.constant 0 : i32
      %dma_start3A_125 = tpu.memref_slice %arg15[%mul3A_118, %dma_start3A_124] : memref<10240x128xf32, #tpu.memory_space<vmem_shared>> -> memref<640x128xf32, #tpu.memory_space<vmem_shared>>
      tpu.enqueue_dma source(%dma_start3A_125 : memref<640x128xf32, #tpu.memory_space<vmem_shared>>) target(%dma_start3A_123 : memref<640x128xf32, #tpu.memory_space<hbm>>) target_semaphore(%run_scoped3A : memref<!tpu.dma_semaphore, #tpu.memory_space<semaphore_mem>>)
      %dma_wait3A_126 = arith.constant 0 : i32
      %dma_wait3A_127 = tpu.memref_slice %arg7[%arg0, %mul3A_120, %dma_wait3A_126] : memref<2x10240x128xf32, #tpu.memory_space<hbm>> -> memref<1x640x128xf32, #tpu.memory_space<hbm>>
      %dma_wait3A_128 = tpu.memref_squeeze %dma_wait3A_127 : memref<1x640x128xf32, #tpu.memory_space<hbm>> -> memref<640x128xf32, #tpu.memory_space<hbm>>
      %dma_wait3A_129 = arith.constant 0 : i32
      %dma_wait3A_130 = tpu.memref_slice %arg15[%mul3A_118, %dma_wait3A_129] : memref<10240x128xf32, #tpu.memory_space<vmem_shared>> -> memref<640x128xf32, #tpu.memory_space<vmem_shared>>
      tpu.wait_dma2 semaphore(%run_scoped3A : memref<!tpu.dma_semaphore, #tpu.memory_space<semaphore_mem>>) src(%dma_wait3A_130 : memref<640x128xf32, #tpu.memory_space<vmem_shared>>) dst(%dma_wait3A_128 : memref<640x128xf32, #tpu.memory_space<hbm>>)
      tpu.yield
    }) : () -> ()
    return
  }
}

#map = affine_map<(d0, d1) -> (0)>
#map1 = affine_map<(d0, d1) -> (0, 0)>
#map2 = affine_map<(d0, d1) -> (0, 0, 0)>
module attributes {stable_mosaic.version = 14 : i64} {
  func.func @_sc_s_body(%arg0: i32, %arg1: i32, %arg2: memref<160256xi32, #tpu.memory_space<hbm>>, %arg3: memref<160256xi32, #tpu.memory_space<hbm>>, %arg4: memref<160256xi32, #tpu.memory_space<hbm>>, %arg5: memref<10240xf32, #tpu.memory_space<hbm>>, %arg6: memref<10240x16xf32, #tpu.memory_space<hbm>>, %arg7: memref<2x10240x16xf32, #tpu.memory_space<hbm>>, %arg8: memref<5008xi32, #tpu.memory_space<vmem>>, %arg9: memref<5008xi32, #tpu.memory_space<vmem>>, %arg10: memref<5008xi32, #tpu.memory_space<vmem>>, %arg11: memref<10240xf32, #tpu.memory_space<vmem>>, %arg12: memref<16x16xf32, #tpu.memory_space<vmem>>, %arg13: memref<10240x16xf32, #tpu.memory_space<vmem_shared>>) attributes {dimension_semantics = [#tpu.dimension_semantics<core_parallel>, #tpu.dimension_semantics<subcore_parallel>], iteration_bounds = array<i64: 2, 16>, scalar_prefetch = 0 : i64, scratch_operands = 6 : i64, tpu.core_type = #tpu.core_type<sc_vector_subcore>, window_params = [{transform_indices = #map}, {transform_indices = #map}, {transform_indices = #map}, {transform_indices = #map}, {transform_indices = #map1}, {transform_indices = #map2}]} {
    %mul3A = arith.constant 640 : i32
    %mul3A_0 = arith.muli %arg1, %mul3A : i32
    %mul3A_1 = arith.constant 640 : i32
    %mul3A_2 = arith.muli %arg1, %mul3A_1 : i32
    "tpu.region"() ({
      %run_scoped3A = tpu.sem_alloc : memref<!tpu.dma_semaphore, #tpu.memory_space<semaphore_mem>>
      %dma_start3A = arith.constant 0 : i32
      %dma_start3A_22 = tpu.memref_slice %arg13[%mul3A_2, %dma_start3A] : memref<10240x16xf32, #tpu.memory_space<vmem_shared>> -> memref<640x16xf32, #tpu.memory_space<vmem_shared>>
      %dma_start3A_23 = arith.constant 0 : i32
      %dma_start3A_24 = tpu.memref_slice %arg6[%mul3A_0, %dma_start3A_23] : memref<10240x16xf32, #tpu.memory_space<hbm>> -> memref<640x16xf32, #tpu.memory_space<hbm>>
      tpu.enqueue_dma source(%dma_start3A_24 : memref<640x16xf32, #tpu.memory_space<hbm>>) target(%dma_start3A_22 : memref<640x16xf32, #tpu.memory_space<vmem_shared>>) target_semaphore(%run_scoped3A : memref<!tpu.dma_semaphore, #tpu.memory_space<semaphore_mem>>)
      %dma_wait3A = arith.constant 0 : i32
      %dma_wait3A_25 = tpu.memref_slice %arg13[%mul3A_2, %dma_wait3A] : memref<10240x16xf32, #tpu.memory_space<vmem_shared>> -> memref<640x16xf32, #tpu.memory_space<vmem_shared>>
      %dma_wait3A_26 = arith.constant 0 : i32
      %dma_wait3A_27 = tpu.memref_slice %arg6[%mul3A_0, %dma_wait3A_26] : memref<10240x16xf32, #tpu.memory_space<hbm>> -> memref<640x16xf32, #tpu.memory_space<hbm>>
      tpu.wait_dma2 semaphore(%run_scoped3A : memref<!tpu.dma_semaphore, #tpu.memory_space<semaphore_mem>>) src(%dma_wait3A_27 : memref<640x16xf32, #tpu.memory_space<hbm>>) dst(%dma_wait3A_25 : memref<640x16xf32, #tpu.memory_space<vmem_shared>>)
      tpu.yield
    }) : () -> ()
    %mul3A_3 = arith.constant 2 : i32
    %mul3A_4 = arith.muli %arg1, %mul3A_3 : i32
    %add3A = arith.addi %mul3A_4, %arg0 : i32
    %mul3A_5 = arith.constant 5008 : i32
    %mul3A_6 = arith.muli %add3A, %mul3A_5 : i32
    "tpu.region"() ({
      %run_scoped3A = tpu.sem_alloc : memref<!tpu.dma_semaphore, #tpu.memory_space<semaphore_mem>>
      %dma_start3A = tpu.memref_slice %arg2[%mul3A_6] : memref<160256xi32, #tpu.memory_space<hbm>> -> memref<5008xi32, #tpu.memory_space<hbm>>
      %dma_start3A_22 = tpu.memref_slice %arg2[%mul3A_6] : memref<160256xi32, #tpu.memory_space<hbm>> -> memref<5008xi32, #tpu.memory_space<hbm>>
      tpu.enqueue_dma source(%dma_start3A_22 : memref<5008xi32, #tpu.memory_space<hbm>>) target(%arg8 : memref<5008xi32, #tpu.memory_space<vmem>>) target_semaphore(%run_scoped3A : memref<!tpu.dma_semaphore, #tpu.memory_space<semaphore_mem>>)
      %dma_wait3A = tpu.memref_slice %arg2[%mul3A_6] : memref<160256xi32, #tpu.memory_space<hbm>> -> memref<5008xi32, #tpu.memory_space<hbm>>
      %dma_wait3A_23 = tpu.memref_slice %arg2[%mul3A_6] : memref<160256xi32, #tpu.memory_space<hbm>> -> memref<5008xi32, #tpu.memory_space<hbm>>
      tpu.wait_dma2 semaphore(%run_scoped3A : memref<!tpu.dma_semaphore, #tpu.memory_space<semaphore_mem>>) src(%dma_wait3A_23 : memref<5008xi32, #tpu.memory_space<hbm>>) dst(%arg8 : memref<5008xi32, #tpu.memory_space<vmem>>)
      tpu.yield
    }) : () -> ()
    %mul3A_7 = arith.constant 5008 : i32
    %mul3A_8 = arith.muli %add3A, %mul3A_7 : i32
    "tpu.region"() ({
      %run_scoped3A = tpu.sem_alloc : memref<!tpu.dma_semaphore, #tpu.memory_space<semaphore_mem>>
      %dma_start3A = tpu.memref_slice %arg3[%mul3A_8] : memref<160256xi32, #tpu.memory_space<hbm>> -> memref<5008xi32, #tpu.memory_space<hbm>>
      %dma_start3A_22 = tpu.memref_slice %arg3[%mul3A_8] : memref<160256xi32, #tpu.memory_space<hbm>> -> memref<5008xi32, #tpu.memory_space<hbm>>
      tpu.enqueue_dma source(%dma_start3A_22 : memref<5008xi32, #tpu.memory_space<hbm>>) target(%arg9 : memref<5008xi32, #tpu.memory_space<vmem>>) target_semaphore(%run_scoped3A : memref<!tpu.dma_semaphore, #tpu.memory_space<semaphore_mem>>)
      %dma_wait3A = tpu.memref_slice %arg3[%mul3A_8] : memref<160256xi32, #tpu.memory_space<hbm>> -> memref<5008xi32, #tpu.memory_space<hbm>>
      %dma_wait3A_23 = tpu.memref_slice %arg3[%mul3A_8] : memref<160256xi32, #tpu.memory_space<hbm>> -> memref<5008xi32, #tpu.memory_space<hbm>>
      tpu.wait_dma2 semaphore(%run_scoped3A : memref<!tpu.dma_semaphore, #tpu.memory_space<semaphore_mem>>) src(%dma_wait3A_23 : memref<5008xi32, #tpu.memory_space<hbm>>) dst(%arg9 : memref<5008xi32, #tpu.memory_space<vmem>>)
      tpu.yield
    }) : () -> ()
    %mul3A_9 = arith.constant 5008 : i32
    %mul3A_10 = arith.muli %add3A, %mul3A_9 : i32
    "tpu.region"() ({
      %run_scoped3A = tpu.sem_alloc : memref<!tpu.dma_semaphore, #tpu.memory_space<semaphore_mem>>
      %dma_start3A = tpu.memref_slice %arg4[%mul3A_10] : memref<160256xi32, #tpu.memory_space<hbm>> -> memref<5008xi32, #tpu.memory_space<hbm>>
      %dma_start3A_22 = tpu.memref_slice %arg4[%mul3A_10] : memref<160256xi32, #tpu.memory_space<hbm>> -> memref<5008xi32, #tpu.memory_space<hbm>>
      tpu.enqueue_dma source(%dma_start3A_22 : memref<5008xi32, #tpu.memory_space<hbm>>) target(%arg10 : memref<5008xi32, #tpu.memory_space<vmem>>) target_semaphore(%run_scoped3A : memref<!tpu.dma_semaphore, #tpu.memory_space<semaphore_mem>>)
      %dma_wait3A = tpu.memref_slice %arg4[%mul3A_10] : memref<160256xi32, #tpu.memory_space<hbm>> -> memref<5008xi32, #tpu.memory_space<hbm>>
      %dma_wait3A_23 = tpu.memref_slice %arg4[%mul3A_10] : memref<160256xi32, #tpu.memory_space<hbm>> -> memref<5008xi32, #tpu.memory_space<hbm>>
      tpu.wait_dma2 semaphore(%run_scoped3A : memref<!tpu.dma_semaphore, #tpu.memory_space<semaphore_mem>>) src(%dma_wait3A_23 : memref<5008xi32, #tpu.memory_space<hbm>>) dst(%arg10 : memref<5008xi32, #tpu.memory_space<vmem>>)
      tpu.yield
    }) : () -> ()
    "tpu.region"() ({
      %run_scoped3A = tpu.sem_alloc : memref<!tpu.dma_semaphore, #tpu.memory_space<semaphore_mem>>
      tpu.enqueue_dma source(%arg5 : memref<10240xf32, #tpu.memory_space<hbm>>) target(%arg11 : memref<10240xf32, #tpu.memory_space<vmem>>) target_semaphore(%run_scoped3A : memref<!tpu.dma_semaphore, #tpu.memory_space<semaphore_mem>>)
      tpu.wait_dma2 semaphore(%run_scoped3A : memref<!tpu.dma_semaphore, #tpu.memory_space<semaphore_mem>>) src(%arg5 : memref<10240xf32, #tpu.memory_space<hbm>>) dst(%arg11 : memref<10240xf32, #tpu.memory_space<vmem>>)
      tpu.yield
    }) : () -> ()
    %barrier3A = arith.constant 0 : index
    tpu.barrier barrier_id(%barrier3A)
    %iota3A = tpu.iota {dimensions = array<i32: 0>} : vector<16xi32>
    %scan3A = arith.constant 0 : i32
    %scan3A_11 = arith.constant 0 : i32
    %scan3A_12 = arith.constant 313 : i32
    %scan3A_13 = arith.addi %scan3A_11, %scan3A_12 : i32
    %scan3A_14 = arith.constant 1 : i32
    %scan3A_15 = scf.for %scan3A_22 = %scan3A_11 to %scan3A_13 step %scan3A_14 iter_args(%scan3A_23 = %scan3A) -> (i32)  : i32 {
      %mul3A_24 = arith.constant 16 : i32
      %mul3A_25 = arith.muli %scan3A_22, %mul3A_24 : i32
      %get3A = arith.index_cast %mul3A_25 : i32 to index
      %get3A_26 = tpu.vector_load %arg9[%get3A] {strides = array<i32>} : memref<5008xi32, #tpu.memory_space<vmem>>, vector<16xi32>,
      %get3A_27 = arith.index_cast %mul3A_25 : i32 to index
      %get3A_28 = tpu.vector_load %arg10[%get3A_27] {strides = array<i32>} : memref<5008xi32, #tpu.memory_space<vmem>>, vector<16xi32>,
      %get3A_29 = arith.index_cast %mul3A_25 : i32 to index
      %get3A_30 = tpu.vector_load %arg8[%get3A_29] {strides = array<i32>} : memref<5008xi32, #tpu.memory_space<vmem>>, vector<16xi32>,
      %gather3A = tpu.vector_load_idx %arg11[%get3A_30] : memref<10240xf32, #tpu.memory_space<vmem>>[vector<16xi32>], vector<16xf32>,
      %slice3A = vector.extract_strided_slice %get3A_28 {offsets = [0], sizes = [1], strides = [1]} : vector<16xi32> to vector<1xi32>
      %squeeze3A = vector.extract %slice3A[0] : i32 from vector<1xi32>
      %eq3A = vector.broadcast %squeeze3A : i32 to vector<16xi32>
      %eq3A_31 = arith.cmpi eq, %iota3A, %eq3A : vector<16xi32>
      %slice3A_32 = vector.extract_strided_slice %gather3A {offsets = [0], sizes = [1], strides = [1]} : vector<16xf32> to vector<1xf32>
      %squeeze3A_33 = vector.extract %slice3A_32[0] : f32 from vector<1xf32>
      %jit3A = arith.constant 0.000000e+00 : f32
      %broadcast_in_dim3A = vector.broadcast %squeeze3A_33 : f32 to vector<16xf32>
      %broadcast_in_dim3A_34 = vector.broadcast %jit3A : f32 to vector<16xf32>
      %select_n3A = arith.select %eq3A_31, %broadcast_in_dim3A, %broadcast_in_dim3A_34 : vector<16xi1>, vector<16xf32>
      %swap3A = arith.constant 0 : i32
      %swap3A_35 = arith.index_cast %swap3A : i32 to index
      %swap3A_36 = arith.constant 0 : index
      %swap3A_37 = tpu.vector_load %arg12[%swap3A_35, %swap3A_36] {strides = array<i32>} : memref<16x16xf32, #tpu.memory_space<vmem>>, vector<16xf32>,
      tpu.vector_store %arg12[%swap3A_35, %swap3A_36], %select_n3A {strides = array<i32>} : memref<16x16xf32, #tpu.memory_space<vmem>>, vector<16xf32>,
      %slice3A_38 = vector.extract_strided_slice %get3A_28 {offsets = [1], sizes = [1], strides = [1]} : vector<16xi32> to vector<1xi32>
      %squeeze3A_39 = vector.extract %slice3A_38[0] : i32 from vector<1xi32>
      %eq3A_40 = vector.broadcast %squeeze3A_39 : i32 to vector<16xi32>
      %eq3A_41 = arith.cmpi eq, %iota3A, %eq3A_40 : vector<16xi32>
      %slice3A_42 = vector.extract_strided_slice %gather3A {offsets = [1], sizes = [1], strides = [1]} : vector<16xf32> to vector<1xf32>
      %squeeze3A_43 = vector.extract %slice3A_42[0] : f32 from vector<1xf32>
      %jit3A_44 = arith.constant 0.000000e+00 : f32
      %broadcast_in_dim3A_45 = vector.broadcast %squeeze3A_43 : f32 to vector<16xf32>
      %broadcast_in_dim3A_46 = vector.broadcast %jit3A_44 : f32 to vector<16xf32>
      %select_n3A_47 = arith.select %eq3A_41, %broadcast_in_dim3A_45, %broadcast_in_dim3A_46 : vector<16xi1>, vector<16xf32>
      %swap3A_48 = arith.constant 1 : i32
      %swap3A_49 = arith.index_cast %swap3A_48 : i32 to index
      %swap3A_50 = arith.constant 0 : index
      %swap3A_51 = tpu.vector_load %arg12[%swap3A_49, %swap3A_50] {strides = array<i32>} : memref<16x16xf32, #tpu.memory_space<vmem>>, vector<16xf32>,
      tpu.vector_store %arg12[%swap3A_49, %swap3A_50], %select_n3A_47 {strides = array<i32>} : memref<16x16xf32, #tpu.memory_space<vmem>>, vector<16xf32>,
      %slice3A_52 = vector.extract_strided_slice %get3A_28 {offsets = [2], sizes = [1], strides = [1]} : vector<16xi32> to vector<1xi32>
      %squeeze3A_53 = vector.extract %slice3A_52[0] : i32 from vector<1xi32>
      %eq3A_54 = vector.broadcast %squeeze3A_53 : i32 to vector<16xi32>
      %eq3A_55 = arith.cmpi eq, %iota3A, %eq3A_54 : vector<16xi32>
      %slice3A_56 = vector.extract_strided_slice %gather3A {offsets = [2], sizes = [1], strides = [1]} : vector<16xf32> to vector<1xf32>
      %squeeze3A_57 = vector.extract %slice3A_56[0] : f32 from vector<1xf32>
      %jit3A_58 = arith.constant 0.000000e+00 : f32
      %broadcast_in_dim3A_59 = vector.broadcast %squeeze3A_57 : f32 to vector<16xf32>
      %broadcast_in_dim3A_60 = vector.broadcast %jit3A_58 : f32 to vector<16xf32>
      %select_n3A_61 = arith.select %eq3A_55, %broadcast_in_dim3A_59, %broadcast_in_dim3A_60 : vector<16xi1>, vector<16xf32>
      %swap3A_62 = arith.constant 2 : i32
      %swap3A_63 = arith.index_cast %swap3A_62 : i32 to index
      %swap3A_64 = arith.constant 0 : index
      %swap3A_65 = tpu.vector_load %arg12[%swap3A_63, %swap3A_64] {strides = array<i32>} : memref<16x16xf32, #tpu.memory_space<vmem>>, vector<16xf32>,
      tpu.vector_store %arg12[%swap3A_63, %swap3A_64], %select_n3A_61 {strides = array<i32>} : memref<16x16xf32, #tpu.memory_space<vmem>>, vector<16xf32>,
      %slice3A_66 = vector.extract_strided_slice %get3A_28 {offsets = [3], sizes = [1], strides = [1]} : vector<16xi32> to vector<1xi32>
      %squeeze3A_67 = vector.extract %slice3A_66[0] : i32 from vector<1xi32>
      %eq3A_68 = vector.broadcast %squeeze3A_67 : i32 to vector<16xi32>
      %eq3A_69 = arith.cmpi eq, %iota3A, %eq3A_68 : vector<16xi32>
      %slice3A_70 = vector.extract_strided_slice %gather3A {offsets = [3], sizes = [1], strides = [1]} : vector<16xf32> to vector<1xf32>
      %squeeze3A_71 = vector.extract %slice3A_70[0] : f32 from vector<1xf32>
      %jit3A_72 = arith.constant 0.000000e+00 : f32
      %broadcast_in_dim3A_73 = vector.broadcast %squeeze3A_71 : f32 to vector<16xf32>
      %broadcast_in_dim3A_74 = vector.broadcast %jit3A_72 : f32 to vector<16xf32>
      %select_n3A_75 = arith.select %eq3A_69, %broadcast_in_dim3A_73, %broadcast_in_dim3A_74 : vector<16xi1>, vector<16xf32>
      %swap3A_76 = arith.constant 3 : i32
      %swap3A_77 = arith.index_cast %swap3A_76 : i32 to index
      %swap3A_78 = arith.constant 0 : index
      %swap3A_79 = tpu.vector_load %arg12[%swap3A_77, %swap3A_78] {strides = array<i32>} : memref<16x16xf32, #tpu.memory_space<vmem>>, vector<16xf32>,
      tpu.vector_store %arg12[%swap3A_77, %swap3A_78], %select_n3A_75 {strides = array<i32>} : memref<16x16xf32, #tpu.memory_space<vmem>>, vector<16xf32>,
      %slice3A_80 = vector.extract_strided_slice %get3A_28 {offsets = [4], sizes = [1], strides = [1]} : vector<16xi32> to vector<1xi32>
      %squeeze3A_81 = vector.extract %slice3A_80[0] : i32 from vector<1xi32>
      %eq3A_82 = vector.broadcast %squeeze3A_81 : i32 to vector<16xi32>
      %eq3A_83 = arith.cmpi eq, %iota3A, %eq3A_82 : vector<16xi32>
      %slice3A_84 = vector.extract_strided_slice %gather3A {offsets = [4], sizes = [1], strides = [1]} : vector<16xf32> to vector<1xf32>
      %squeeze3A_85 = vector.extract %slice3A_84[0] : f32 from vector<1xf32>
      %jit3A_86 = arith.constant 0.000000e+00 : f32
      %broadcast_in_dim3A_87 = vector.broadcast %squeeze3A_85 : f32 to vector<16xf32>
      %broadcast_in_dim3A_88 = vector.broadcast %jit3A_86 : f32 to vector<16xf32>
      %select_n3A_89 = arith.select %eq3A_83, %broadcast_in_dim3A_87, %broadcast_in_dim3A_88 : vector<16xi1>, vector<16xf32>
      %swap3A_90 = arith.constant 4 : i32
      %swap3A_91 = arith.index_cast %swap3A_90 : i32 to index
      %swap3A_92 = arith.constant 0 : index
      %swap3A_93 = tpu.vector_load %arg12[%swap3A_91, %swap3A_92] {strides = array<i32>} : memref<16x16xf32, #tpu.memory_space<vmem>>, vector<16xf32>,
      tpu.vector_store %arg12[%swap3A_91, %swap3A_92], %select_n3A_89 {strides = array<i32>} : memref<16x16xf32, #tpu.memory_space<vmem>>, vector<16xf32>,
      %slice3A_94 = vector.extract_strided_slice %get3A_28 {offsets = [5], sizes = [1], strides = [1]} : vector<16xi32> to vector<1xi32>
      %squeeze3A_95 = vector.extract %slice3A_94[0] : i32 from vector<1xi32>
      %eq3A_96 = vector.broadcast %squeeze3A_95 : i32 to vector<16xi32>
      %eq3A_97 = arith.cmpi eq, %iota3A, %eq3A_96 : vector<16xi32>
      %slice3A_98 = vector.extract_strided_slice %gather3A {offsets = [5], sizes = [1], strides = [1]} : vector<16xf32> to vector<1xf32>
      %squeeze3A_99 = vector.extract %slice3A_98[0] : f32 from vector<1xf32>
      %jit3A_100 = arith.constant 0.000000e+00 : f32
      %broadcast_in_dim3A_101 = vector.broadcast %squeeze3A_99 : f32 to vector<16xf32>
      %broadcast_in_dim3A_102 = vector.broadcast %jit3A_100 : f32 to vector<16xf32>
      %select_n3A_103 = arith.select %eq3A_97, %broadcast_in_dim3A_101, %broadcast_in_dim3A_102 : vector<16xi1>, vector<16xf32>
      %swap3A_104 = arith.constant 5 : i32
      %swap3A_105 = arith.index_cast %swap3A_104 : i32 to index
      %swap3A_106 = arith.constant 0 : index
      %swap3A_107 = tpu.vector_load %arg12[%swap3A_105, %swap3A_106] {strides = array<i32>} : memref<16x16xf32, #tpu.memory_space<vmem>>, vector<16xf32>,
      tpu.vector_store %arg12[%swap3A_105, %swap3A_106], %select_n3A_103 {strides = array<i32>} : memref<16x16xf32, #tpu.memory_space<vmem>>, vector<16xf32>,
      %slice3A_108 = vector.extract_strided_slice %get3A_28 {offsets = [6], sizes = [1], strides = [1]} : vector<16xi32> to vector<1xi32>
      %squeeze3A_109 = vector.extract %slice3A_108[0] : i32 from vector<1xi32>
      %eq3A_110 = vector.broadcast %squeeze3A_109 : i32 to vector<16xi32>
      %eq3A_111 = arith.cmpi eq, %iota3A, %eq3A_110 : vector<16xi32>
      %slice3A_112 = vector.extract_strided_slice %gather3A {offsets = [6], sizes = [1], strides = [1]} : vector<16xf32> to vector<1xf32>
      %squeeze3A_113 = vector.extract %slice3A_112[0] : f32 from vector<1xf32>
      %jit3A_114 = arith.constant 0.000000e+00 : f32
      %broadcast_in_dim3A_115 = vector.broadcast %squeeze3A_113 : f32 to vector<16xf32>
      %broadcast_in_dim3A_116 = vector.broadcast %jit3A_114 : f32 to vector<16xf32>
      %select_n3A_117 = arith.select %eq3A_111, %broadcast_in_dim3A_115, %broadcast_in_dim3A_116 : vector<16xi1>, vector<16xf32>
      %swap3A_118 = arith.constant 6 : i32
      %swap3A_119 = arith.index_cast %swap3A_118 : i32 to index
      %swap3A_120 = arith.constant 0 : index
      %swap3A_121 = tpu.vector_load %arg12[%swap3A_119, %swap3A_120] {strides = array<i32>} : memref<16x16xf32, #tpu.memory_space<vmem>>, vector<16xf32>,
      tpu.vector_store %arg12[%swap3A_119, %swap3A_120], %select_n3A_117 {strides = array<i32>} : memref<16x16xf32, #tpu.memory_space<vmem>>, vector<16xf32>,
      %slice3A_122 = vector.extract_strided_slice %get3A_28 {offsets = [7], sizes = [1], strides = [1]} : vector<16xi32> to vector<1xi32>
      %squeeze3A_123 = vector.extract %slice3A_122[0] : i32 from vector<1xi32>
      %eq3A_124 = vector.broadcast %squeeze3A_123 : i32 to vector<16xi32>
      %eq3A_125 = arith.cmpi eq, %iota3A, %eq3A_124 : vector<16xi32>
      %slice3A_126 = vector.extract_strided_slice %gather3A {offsets = [7], sizes = [1], strides = [1]} : vector<16xf32> to vector<1xf32>
      %squeeze3A_127 = vector.extract %slice3A_126[0] : f32 from vector<1xf32>
      %jit3A_128 = arith.constant 0.000000e+00 : f32
      %broadcast_in_dim3A_129 = vector.broadcast %squeeze3A_127 : f32 to vector<16xf32>
      %broadcast_in_dim3A_130 = vector.broadcast %jit3A_128 : f32 to vector<16xf32>
      %select_n3A_131 = arith.select %eq3A_125, %broadcast_in_dim3A_129, %broadcast_in_dim3A_130 : vector<16xi1>, vector<16xf32>
      %swap3A_132 = arith.constant 7 : i32
      %swap3A_133 = arith.index_cast %swap3A_132 : i32 to index
      %swap3A_134 = arith.constant 0 : index
      %swap3A_135 = tpu.vector_load %arg12[%swap3A_133, %swap3A_134] {strides = array<i32>} : memref<16x16xf32, #tpu.memory_space<vmem>>, vector<16xf32>,
      tpu.vector_store %arg12[%swap3A_133, %swap3A_134], %select_n3A_131 {strides = array<i32>} : memref<16x16xf32, #tpu.memory_space<vmem>>, vector<16xf32>,
      %slice3A_136 = vector.extract_strided_slice %get3A_28 {offsets = [8], sizes = [1], strides = [1]} : vector<16xi32> to vector<1xi32>
      %squeeze3A_137 = vector.extract %slice3A_136[0] : i32 from vector<1xi32>
      %eq3A_138 = vector.broadcast %squeeze3A_137 : i32 to vector<16xi32>
      %eq3A_139 = arith.cmpi eq, %iota3A, %eq3A_138 : vector<16xi32>
      %slice3A_140 = vector.extract_strided_slice %gather3A {offsets = [8], sizes = [1], strides = [1]} : vector<16xf32> to vector<1xf32>
      %squeeze3A_141 = vector.extract %slice3A_140[0] : f32 from vector<1xf32>
      %jit3A_142 = arith.constant 0.000000e+00 : f32
      %broadcast_in_dim3A_143 = vector.broadcast %squeeze3A_141 : f32 to vector<16xf32>
      %broadcast_in_dim3A_144 = vector.broadcast %jit3A_142 : f32 to vector<16xf32>
      %select_n3A_145 = arith.select %eq3A_139, %broadcast_in_dim3A_143, %broadcast_in_dim3A_144 : vector<16xi1>, vector<16xf32>
      %swap3A_146 = arith.constant 8 : i32
      %swap3A_147 = arith.index_cast %swap3A_146 : i32 to index
      %swap3A_148 = arith.constant 0 : index
      %swap3A_149 = tpu.vector_load %arg12[%swap3A_147, %swap3A_148] {strides = array<i32>} : memref<16x16xf32, #tpu.memory_space<vmem>>, vector<16xf32>,
      tpu.vector_store %arg12[%swap3A_147, %swap3A_148], %select_n3A_145 {strides = array<i32>} : memref<16x16xf32, #tpu.memory_space<vmem>>, vector<16xf32>,
      %slice3A_150 = vector.extract_strided_slice %get3A_28 {offsets = [9], sizes = [1], strides = [1]} : vector<16xi32> to vector<1xi32>
      %squeeze3A_151 = vector.extract %slice3A_150[0] : i32 from vector<1xi32>
      %eq3A_152 = vector.broadcast %squeeze3A_151 : i32 to vector<16xi32>
      %eq3A_153 = arith.cmpi eq, %iota3A, %eq3A_152 : vector<16xi32>
      %slice3A_154 = vector.extract_strided_slice %gather3A {offsets = [9], sizes = [1], strides = [1]} : vector<16xf32> to vector<1xf32>
      %squeeze3A_155 = vector.extract %slice3A_154[0] : f32 from vector<1xf32>
      %jit3A_156 = arith.constant 0.000000e+00 : f32
      %broadcast_in_dim3A_157 = vector.broadcast %squeeze3A_155 : f32 to vector<16xf32>
      %broadcast_in_dim3A_158 = vector.broadcast %jit3A_156 : f32 to vector<16xf32>
      %select_n3A_159 = arith.select %eq3A_153, %broadcast_in_dim3A_157, %broadcast_in_dim3A_158 : vector<16xi1>, vector<16xf32>
      %swap3A_160 = arith.constant 9 : i32
      %swap3A_161 = arith.index_cast %swap3A_160 : i32 to index
      %swap3A_162 = arith.constant 0 : index
      %swap3A_163 = tpu.vector_load %arg12[%swap3A_161, %swap3A_162] {strides = array<i32>} : memref<16x16xf32, #tpu.memory_space<vmem>>, vector<16xf32>,
      tpu.vector_store %arg12[%swap3A_161, %swap3A_162], %select_n3A_159 {strides = array<i32>} : memref<16x16xf32, #tpu.memory_space<vmem>>, vector<16xf32>,
      %slice3A_164 = vector.extract_strided_slice %get3A_28 {offsets = [10], sizes = [1], strides = [1]} : vector<16xi32> to vector<1xi32>
      %squeeze3A_165 = vector.extract %slice3A_164[0] : i32 from vector<1xi32>
      %eq3A_166 = vector.broadcast %squeeze3A_165 : i32 to vector<16xi32>
      %eq3A_167 = arith.cmpi eq, %iota3A, %eq3A_166 : vector<16xi32>
      %slice3A_168 = vector.extract_strided_slice %gather3A {offsets = [10], sizes = [1], strides = [1]} : vector<16xf32> to vector<1xf32>
      %squeeze3A_169 = vector.extract %slice3A_168[0] : f32 from vector<1xf32>
      %jit3A_170 = arith.constant 0.000000e+00 : f32
      %broadcast_in_dim3A_171 = vector.broadcast %squeeze3A_169 : f32 to vector<16xf32>
      %broadcast_in_dim3A_172 = vector.broadcast %jit3A_170 : f32 to vector<16xf32>
      %select_n3A_173 = arith.select %eq3A_167, %broadcast_in_dim3A_171, %broadcast_in_dim3A_172 : vector<16xi1>, vector<16xf32>
      %swap3A_174 = arith.constant 10 : i32
      %swap3A_175 = arith.index_cast %swap3A_174 : i32 to index
      %swap3A_176 = arith.constant 0 : index
      %swap3A_177 = tpu.vector_load %arg12[%swap3A_175, %swap3A_176] {strides = array<i32>} : memref<16x16xf32, #tpu.memory_space<vmem>>, vector<16xf32>,
      tpu.vector_store %arg12[%swap3A_175, %swap3A_176], %select_n3A_173 {strides = array<i32>} : memref<16x16xf32, #tpu.memory_space<vmem>>, vector<16xf32>,
      %slice3A_178 = vector.extract_strided_slice %get3A_28 {offsets = [11], sizes = [1], strides = [1]} : vector<16xi32> to vector<1xi32>
      %squeeze3A_179 = vector.extract %slice3A_178[0] : i32 from vector<1xi32>
      %eq3A_180 = vector.broadcast %squeeze3A_179 : i32 to vector<16xi32>
      %eq3A_181 = arith.cmpi eq, %iota3A, %eq3A_180 : vector<16xi32>
      %slice3A_182 = vector.extract_strided_slice %gather3A {offsets = [11], sizes = [1], strides = [1]} : vector<16xf32> to vector<1xf32>
      %squeeze3A_183 = vector.extract %slice3A_182[0] : f32 from vector<1xf32>
      %jit3A_184 = arith.constant 0.000000e+00 : f32
      %broadcast_in_dim3A_185 = vector.broadcast %squeeze3A_183 : f32 to vector<16xf32>
      %broadcast_in_dim3A_186 = vector.broadcast %jit3A_184 : f32 to vector<16xf32>
      %select_n3A_187 = arith.select %eq3A_181, %broadcast_in_dim3A_185, %broadcast_in_dim3A_186 : vector<16xi1>, vector<16xf32>
      %swap3A_188 = arith.constant 11 : i32
      %swap3A_189 = arith.index_cast %swap3A_188 : i32 to index
      %swap3A_190 = arith.constant 0 : index
      %swap3A_191 = tpu.vector_load %arg12[%swap3A_189, %swap3A_190] {strides = array<i32>} : memref<16x16xf32, #tpu.memory_space<vmem>>, vector<16xf32>,
      tpu.vector_store %arg12[%swap3A_189, %swap3A_190], %select_n3A_187 {strides = array<i32>} : memref<16x16xf32, #tpu.memory_space<vmem>>, vector<16xf32>,
      %slice3A_192 = vector.extract_strided_slice %get3A_28 {offsets = [12], sizes = [1], strides = [1]} : vector<16xi32> to vector<1xi32>
      %squeeze3A_193 = vector.extract %slice3A_192[0] : i32 from vector<1xi32>
      %eq3A_194 = vector.broadcast %squeeze3A_193 : i32 to vector<16xi32>
      %eq3A_195 = arith.cmpi eq, %iota3A, %eq3A_194 : vector<16xi32>
      %slice3A_196 = vector.extract_strided_slice %gather3A {offsets = [12], sizes = [1], strides = [1]} : vector<16xf32> to vector<1xf32>
      %squeeze3A_197 = vector.extract %slice3A_196[0] : f32 from vector<1xf32>
      %jit3A_198 = arith.constant 0.000000e+00 : f32
      %broadcast_in_dim3A_199 = vector.broadcast %squeeze3A_197 : f32 to vector<16xf32>
      %broadcast_in_dim3A_200 = vector.broadcast %jit3A_198 : f32 to vector<16xf32>
      %select_n3A_201 = arith.select %eq3A_195, %broadcast_in_dim3A_199, %broadcast_in_dim3A_200 : vector<16xi1>, vector<16xf32>
      %swap3A_202 = arith.constant 12 : i32
      %swap3A_203 = arith.index_cast %swap3A_202 : i32 to index
      %swap3A_204 = arith.constant 0 : index
      %swap3A_205 = tpu.vector_load %arg12[%swap3A_203, %swap3A_204] {strides = array<i32>} : memref<16x16xf32, #tpu.memory_space<vmem>>, vector<16xf32>,
      tpu.vector_store %arg12[%swap3A_203, %swap3A_204], %select_n3A_201 {strides = array<i32>} : memref<16x16xf32, #tpu.memory_space<vmem>>, vector<16xf32>,
      %slice3A_206 = vector.extract_strided_slice %get3A_28 {offsets = [13], sizes = [1], strides = [1]} : vector<16xi32> to vector<1xi32>
      %squeeze3A_207 = vector.extract %slice3A_206[0] : i32 from vector<1xi32>
      %eq3A_208 = vector.broadcast %squeeze3A_207 : i32 to vector<16xi32>
      %eq3A_209 = arith.cmpi eq, %iota3A, %eq3A_208 : vector<16xi32>
      %slice3A_210 = vector.extract_strided_slice %gather3A {offsets = [13], sizes = [1], strides = [1]} : vector<16xf32> to vector<1xf32>
      %squeeze3A_211 = vector.extract %slice3A_210[0] : f32 from vector<1xf32>
      %jit3A_212 = arith.constant 0.000000e+00 : f32
      %broadcast_in_dim3A_213 = vector.broadcast %squeeze3A_211 : f32 to vector<16xf32>
      %broadcast_in_dim3A_214 = vector.broadcast %jit3A_212 : f32 to vector<16xf32>
      %select_n3A_215 = arith.select %eq3A_209, %broadcast_in_dim3A_213, %broadcast_in_dim3A_214 : vector<16xi1>, vector<16xf32>
      %swap3A_216 = arith.constant 13 : i32
      %swap3A_217 = arith.index_cast %swap3A_216 : i32 to index
      %swap3A_218 = arith.constant 0 : index
      %swap3A_219 = tpu.vector_load %arg12[%swap3A_217, %swap3A_218] {strides = array<i32>} : memref<16x16xf32, #tpu.memory_space<vmem>>, vector<16xf32>,
      tpu.vector_store %arg12[%swap3A_217, %swap3A_218], %select_n3A_215 {strides = array<i32>} : memref<16x16xf32, #tpu.memory_space<vmem>>, vector<16xf32>,
      %slice3A_220 = vector.extract_strided_slice %get3A_28 {offsets = [14], sizes = [1], strides = [1]} : vector<16xi32> to vector<1xi32>
      %squeeze3A_221 = vector.extract %slice3A_220[0] : i32 from vector<1xi32>
      %eq3A_222 = vector.broadcast %squeeze3A_221 : i32 to vector<16xi32>
      %eq3A_223 = arith.cmpi eq, %iota3A, %eq3A_222 : vector<16xi32>
      %slice3A_224 = vector.extract_strided_slice %gather3A {offsets = [14], sizes = [1], strides = [1]} : vector<16xf32> to vector<1xf32>
      %squeeze3A_225 = vector.extract %slice3A_224[0] : f32 from vector<1xf32>
      %jit3A_226 = arith.constant 0.000000e+00 : f32
      %broadcast_in_dim3A_227 = vector.broadcast %squeeze3A_225 : f32 to vector<16xf32>
      %broadcast_in_dim3A_228 = vector.broadcast %jit3A_226 : f32 to vector<16xf32>
      %select_n3A_229 = arith.select %eq3A_223, %broadcast_in_dim3A_227, %broadcast_in_dim3A_228 : vector<16xi1>, vector<16xf32>
      %swap3A_230 = arith.constant 14 : i32
      %swap3A_231 = arith.index_cast %swap3A_230 : i32 to index
      %swap3A_232 = arith.constant 0 : index
      %swap3A_233 = tpu.vector_load %arg12[%swap3A_231, %swap3A_232] {strides = array<i32>} : memref<16x16xf32, #tpu.memory_space<vmem>>, vector<16xf32>,
      tpu.vector_store %arg12[%swap3A_231, %swap3A_232], %select_n3A_229 {strides = array<i32>} : memref<16x16xf32, #tpu.memory_space<vmem>>, vector<16xf32>,
      %slice3A_234 = vector.extract_strided_slice %get3A_28 {offsets = [15], sizes = [1], strides = [1]} : vector<16xi32> to vector<1xi32>
      %squeeze3A_235 = vector.extract %slice3A_234[0] : i32 from vector<1xi32>
      %eq3A_236 = vector.broadcast %squeeze3A_235 : i32 to vector<16xi32>
      %eq3A_237 = arith.cmpi eq, %iota3A, %eq3A_236 : vector<16xi32>
      %slice3A_238 = vector.extract_strided_slice %gather3A {offsets = [15], sizes = [1], strides = [1]} : vector<16xf32> to vector<1xf32>
      %squeeze3A_239 = vector.extract %slice3A_238[0] : f32 from vector<1xf32>
      %jit3A_240 = arith.constant 0.000000e+00 : f32
      %broadcast_in_dim3A_241 = vector.broadcast %squeeze3A_239 : f32 to vector<16xf32>
      %broadcast_in_dim3A_242 = vector.broadcast %jit3A_240 : f32 to vector<16xf32>
      %select_n3A_243 = arith.select %eq3A_237, %broadcast_in_dim3A_241, %broadcast_in_dim3A_242 : vector<16xi1>, vector<16xf32>
      %swap3A_244 = arith.constant 15 : i32
      %swap3A_245 = arith.index_cast %swap3A_244 : i32 to index
      %swap3A_246 = arith.constant 0 : index
      %swap3A_247 = tpu.vector_load %arg12[%swap3A_245, %swap3A_246] {strides = array<i32>} : memref<16x16xf32, #tpu.memory_space<vmem>>, vector<16xf32>,
      tpu.vector_store %arg12[%swap3A_245, %swap3A_246], %select_n3A_243 {strides = array<i32>} : memref<16x16xf32, #tpu.memory_space<vmem>>, vector<16xf32>,
      "tpu.region"() ({
        %run_scoped3A = tpu.sem_alloc : memref<!tpu.dma_semaphore, #tpu.memory_space<semaphore_mem>>
        %dma_start3A = arith.constant 0 : i32
        %dma_start3A_249 = arith.constant 0 : i32
        %dma_start3A_250 = tpu.memref_slice %arg13[%dma_start3A, %dma_start3A_249] : memref<10240x16xf32, #tpu.memory_space<vmem_shared>> -> memref<10240x16xf32, #tpu.memory_space<vmem_shared>>
        tpu.enqueue_indirect_dma source(%arg12 : memref<16x16xf32, #tpu.memory_space<vmem>>) target(%dma_start3A_250 : memref<10240x16xf32, #tpu.memory_space<vmem_shared>>) offsets(%get3A_26 : vector<16xi32>) semaphore(%run_scoped3A : memref<!tpu.dma_semaphore, #tpu.memory_space<semaphore_mem>>) {add = true}
        %dma_wait3A = arith.constant 0 : i32
        %dma_wait3A_251 = arith.constant 0 : i32
        %dma_wait3A_252 = tpu.memref_slice %arg13[%dma_wait3A, %dma_wait3A_251] : memref<10240x16xf32, #tpu.memory_space<vmem_shared>> -> memref<10240x16xf32, #tpu.memory_space<vmem_shared>>
        tpu.wait_indirect_dma semaphore(%run_scoped3A : memref<!tpu.dma_semaphore, #tpu.memory_space<semaphore_mem>>) src(%arg12 : memref<16x16xf32, #tpu.memory_space<vmem>>) dst(%dma_wait3A_252 : memref<10240x16xf32, #tpu.memory_space<vmem_shared>>)
        tpu.yield
      }) : () -> ()
      %scan3A_248 = arith.constant 0 : i32
      scf.yield %scan3A_248 : i32
    }
    %scan3A_16 = arith.constant 313 : i32
    %barrier3A_17 = arith.constant 0 : index
    tpu.barrier barrier_id(%barrier3A_17)
    %mul3A_18 = arith.constant 640 : i32
    %mul3A_19 = arith.muli %arg1, %mul3A_18 : i32
    %mul3A_20 = arith.constant 640 : i32
    %mul3A_21 = arith.muli %arg1, %mul3A_20 : i32
    "tpu.region"() ({
      %run_scoped3A = tpu.sem_alloc : memref<!tpu.dma_semaphore, #tpu.memory_space<semaphore_mem>>
      %dma_start3A = arith.constant 0 : i32
      %dma_start3A_22 = tpu.memref_slice %arg7[%arg0, %mul3A_21, %dma_start3A] : memref<2x10240x16xf32, #tpu.memory_space<hbm>> -> memref<1x640x16xf32, #tpu.memory_space<hbm>>
      %dma_start3A_23 = tpu.memref_squeeze %dma_start3A_22 : memref<1x640x16xf32, #tpu.memory_space<hbm>> -> memref<640x16xf32, #tpu.memory_space<hbm>>
      %dma_start3A_24 = arith.constant 0 : i32
      %dma_start3A_25 = tpu.memref_slice %arg13[%mul3A_19, %dma_start3A_24] : memref<10240x16xf32, #tpu.memory_space<vmem_shared>> -> memref<640x16xf32, #tpu.memory_space<vmem_shared>>
      tpu.enqueue_dma source(%dma_start3A_25 : memref<640x16xf32, #tpu.memory_space<vmem_shared>>) target(%dma_start3A_23 : memref<640x16xf32, #tpu.memory_space<hbm>>) target_semaphore(%run_scoped3A : memref<!tpu.dma_semaphore, #tpu.memory_space<semaphore_mem>>)
      %dma_wait3A = arith.constant 0 : i32
      %dma_wait3A_26 = tpu.memref_slice %arg7[%arg0, %mul3A_21, %dma_wait3A] : memref<2x10240x16xf32, #tpu.memory_space<hbm>> -> memref<1x640x16xf32, #tpu.memory_space<hbm>>
      %dma_wait3A_27 = tpu.memref_squeeze %dma_wait3A_26 : memref<1x640x16xf32, #tpu.memory_space<hbm>> -> memref<640x16xf32, #tpu.memory_space<hbm>>
      %dma_wait3A_28 = arith.constant 0 : i32
      %dma_wait3A_29 = tpu.memref_slice %arg13[%mul3A_19, %dma_wait3A_28] : memref<10240x16xf32, #tpu.memory_space<vmem_shared>> -> memref<640x16xf32, #tpu.memory_space<vmem_shared>>
      tpu.wait_dma2 semaphore(%run_scoped3A : memref<!tpu.dma_semaphore, #tpu.memory_space<semaphore_mem>>) src(%dma_wait3A_29 : memref<640x16xf32, #tpu.memory_space<vmem_shared>>) dst(%dma_wait3A_27 : memref<640x16xf32, #tpu.memory_space<hbm>>)
      tpu.yield
    }) : () -> ()
    return
  }
}

#map = affine_map<(d0, d1) -> (0, 0)>
#map1 = affine_map<(d0, d1) -> (0)>
#map2 = affine_map<(d0, d1) -> (0, 0, 0)>
module attributes {stable_mosaic.version = 14 : i64} {
  func.func @_sc_agg_body(%arg0: i32, %arg1: i32, %arg2: memref<20000x128xf32, #tpu.memory_space<hbm>>, %arg3: memref<160000xi32, #tpu.memory_space<hbm>>, %arg4: memref<160000xi32, #tpu.memory_space<hbm>>, %arg5: memref<160000xi32, #tpu.memory_space<hbm>>, %arg6: memref<10240x128xf32, #tpu.memory_space<hbm>>, %arg7: memref<2x10240x128xf32, #tpu.memory_space<hbm>>, %arg8: memref<10000xi32, #tpu.memory_space<vmem>>, %arg9: memref<10000xi32, #tpu.memory_space<vmem>>, %arg10: memref<40x128xf32, #tpu.memory_space<vmem>>, %arg11: memref<40x128xf32, #tpu.memory_space<vmem>>, %arg12: memref<40x128xf32, #tpu.memory_space<vmem>>, %arg13: memref<40x128xf32, #tpu.memory_space<vmem>>, %arg14: memref<40x128xf32, #tpu.memory_space<vmem>>, %arg15: memref<10240x128xf32, #tpu.memory_space<vmem_shared>>, %arg16: memref<!tpu.dma_semaphore, #tpu.memory_space<semaphore_mem>>, %arg17: memref<!tpu.dma_semaphore, #tpu.memory_space<semaphore_mem>>, %arg18: memref<!tpu.dma_semaphore, #tpu.memory_space<semaphore_mem>>, %arg19: memref<!tpu.dma_semaphore, #tpu.memory_space<semaphore_mem>>, %arg20: memref<!tpu.dma_semaphore, #tpu.memory_space<semaphore_mem>>, %arg21: memref<!tpu.dma_semaphore, #tpu.memory_space<semaphore_mem>>, %arg22: memref<!tpu.dma_semaphore, #tpu.memory_space<semaphore_mem>>, %arg23: memref<!tpu.dma_semaphore, #tpu.memory_space<semaphore_mem>>, %arg24: memref<!tpu.dma_semaphore, #tpu.memory_space<semaphore_mem>>, %arg25: memref<!tpu.dma_semaphore, #tpu.memory_space<semaphore_mem>>) attributes {dimension_semantics = [#tpu.dimension_semantics<core_parallel>, #tpu.dimension_semantics<subcore_parallel>], iteration_bounds = array<i64: 2, 16>, scalar_prefetch = 0 : i64, scratch_operands = 18 : i64, tpu.core_type = #tpu.core_type<sc_vector_subcore>, window_params = [{transform_indices = #map}, {transform_indices = #map1}, {transform_indices = #map1}, {transform_indices = #map1}, {transform_indices = #map}, {transform_indices = #map2}]} {
    %mul3A = arith.constant 640 : i32
    %mul3A_0 = arith.muli %arg1, %mul3A : i32
    %mul3A_1 = arith.constant 640 : i32
    %mul3A_2 = arith.muli %arg1, %mul3A_1 : i32
    "tpu.region"() ({
      %run_scoped3A = tpu.sem_alloc : memref<!tpu.dma_semaphore, #tpu.memory_space<semaphore_mem>>
      %dma_start3A_121 = arith.constant 0 : i32
      %dma_start3A_122 = tpu.memref_slice %arg15[%mul3A_2, %dma_start3A_121] : memref<10240x128xf32, #tpu.memory_space<vmem_shared>> -> memref<640x128xf32, #tpu.memory_space<vmem_shared>>
      %dma_start3A_123 = arith.constant 0 : i32
      %dma_start3A_124 = tpu.memref_slice %arg6[%mul3A_0, %dma_start3A_123] : memref<10240x128xf32, #tpu.memory_space<hbm>> -> memref<640x128xf32, #tpu.memory_space<hbm>>
      tpu.enqueue_dma source(%dma_start3A_124 : memref<640x128xf32, #tpu.memory_space<hbm>>) target(%dma_start3A_122 : memref<640x128xf32, #tpu.memory_space<vmem_shared>>) target_semaphore(%run_scoped3A : memref<!tpu.dma_semaphore, #tpu.memory_space<semaphore_mem>>)
      %dma_wait3A_125 = arith.constant 0 : i32
      %dma_wait3A_126 = tpu.memref_slice %arg15[%mul3A_2, %dma_wait3A_125] : memref<10240x128xf32, #tpu.memory_space<vmem_shared>> -> memref<640x128xf32, #tpu.memory_space<vmem_shared>>
      %dma_wait3A_127 = arith.constant 0 : i32
      %dma_wait3A_128 = tpu.memref_slice %arg6[%mul3A_0, %dma_wait3A_127] : memref<10240x128xf32, #tpu.memory_space<hbm>> -> memref<640x128xf32, #tpu.memory_space<hbm>>
      tpu.wait_dma2 semaphore(%run_scoped3A : memref<!tpu.dma_semaphore, #tpu.memory_space<semaphore_mem>>) src(%dma_wait3A_128 : memref<640x128xf32, #tpu.memory_space<hbm>>) dst(%dma_wait3A_126 : memref<640x128xf32, #tpu.memory_space<vmem_shared>>)
      tpu.yield
    }) : () -> ()
    %mul3A_3 = arith.constant 10000 : i32
    %mul3A_4 = arith.muli %arg1, %mul3A_3 : i32
    %eq3A = arith.constant 0 : i32
    %eq3A_5 = arith.cmpi eq, %arg0, %eq3A : i32
    %convert_element_type3A = arith.extui %eq3A_5 : i1 to i32
    %cond3A = arith.constant 0 : i32
    %cond3A_6 = arith.cmpi ne, %convert_element_type3A, %cond3A : i32
    scf.if %cond3A_6 {
      "tpu.region"() ({
        %run_scoped3A = tpu.sem_alloc : memref<!tpu.dma_semaphore, #tpu.memory_space<semaphore_mem>>
        %dma_start3A_121 = tpu.memref_slice %arg3[%mul3A_4] : memref<160000xi32, #tpu.memory_space<hbm>> -> memref<10000xi32, #tpu.memory_space<hbm>>
        %dma_start3A_122 = tpu.memref_slice %arg3[%mul3A_4] : memref<160000xi32, #tpu.memory_space<hbm>> -> memref<10000xi32, #tpu.memory_space<hbm>>
        tpu.enqueue_dma source(%dma_start3A_122 : memref<10000xi32, #tpu.memory_space<hbm>>) target(%arg8 : memref<10000xi32, #tpu.memory_space<vmem>>) target_semaphore(%run_scoped3A : memref<!tpu.dma_semaphore, #tpu.memory_space<semaphore_mem>>)
        %dma_wait3A_123 = tpu.memref_slice %arg3[%mul3A_4] : memref<160000xi32, #tpu.memory_space<hbm>> -> memref<10000xi32, #tpu.memory_space<hbm>>
        %dma_wait3A_124 = tpu.memref_slice %arg3[%mul3A_4] : memref<160000xi32, #tpu.memory_space<hbm>> -> memref<10000xi32, #tpu.memory_space<hbm>>
        tpu.wait_dma2 semaphore(%run_scoped3A : memref<!tpu.dma_semaphore, #tpu.memory_space<semaphore_mem>>) src(%dma_wait3A_124 : memref<10000xi32, #tpu.memory_space<hbm>>) dst(%arg8 : memref<10000xi32, #tpu.memory_space<vmem>>)
        tpu.yield
      }) : () -> ()
    } else {
    }
    %eq3A_7 = arith.constant 1 : i32
    %eq3A_8 = arith.cmpi eq, %arg0, %eq3A_7 : i32
    %convert_element_type3A_9 = arith.extui %eq3A_8 : i1 to i32
    %cond3A_10 = arith.constant 0 : i32
    %cond3A_11 = arith.cmpi ne, %convert_element_type3A_9, %cond3A_10 : i32
    scf.if %cond3A_11 {
      "tpu.region"() ({
        %run_scoped3A = tpu.sem_alloc : memref<!tpu.dma_semaphore, #tpu.memory_space<semaphore_mem>>
        %dma_start3A_121 = tpu.memref_slice %arg4[%mul3A_4] : memref<160000xi32, #tpu.memory_space<hbm>> -> memref<10000xi32, #tpu.memory_space<hbm>>
        %dma_start3A_122 = tpu.memref_slice %arg4[%mul3A_4] : memref<160000xi32, #tpu.memory_space<hbm>> -> memref<10000xi32, #tpu.memory_space<hbm>>
        tpu.enqueue_dma source(%dma_start3A_122 : memref<10000xi32, #tpu.memory_space<hbm>>) target(%arg8 : memref<10000xi32, #tpu.memory_space<vmem>>) target_semaphore(%run_scoped3A : memref<!tpu.dma_semaphore, #tpu.memory_space<semaphore_mem>>)
        %dma_wait3A_123 = tpu.memref_slice %arg4[%mul3A_4] : memref<160000xi32, #tpu.memory_space<hbm>> -> memref<10000xi32, #tpu.memory_space<hbm>>
        %dma_wait3A_124 = tpu.memref_slice %arg4[%mul3A_4] : memref<160000xi32, #tpu.memory_space<hbm>> -> memref<10000xi32, #tpu.memory_space<hbm>>
        tpu.wait_dma2 semaphore(%run_scoped3A : memref<!tpu.dma_semaphore, #tpu.memory_space<semaphore_mem>>) src(%dma_wait3A_124 : memref<10000xi32, #tpu.memory_space<hbm>>) dst(%arg8 : memref<10000xi32, #tpu.memory_space<vmem>>)
        tpu.yield
      }) : () -> ()
    } else {
    }
    "tpu.region"() ({
      %run_scoped3A = tpu.sem_alloc : memref<!tpu.dma_semaphore, #tpu.memory_space<semaphore_mem>>
      %dma_start3A_121 = tpu.memref_slice %arg5[%mul3A_4] : memref<160000xi32, #tpu.memory_space<hbm>> -> memref<10000xi32, #tpu.memory_space<hbm>>
      %dma_start3A_122 = tpu.memref_slice %arg5[%mul3A_4] : memref<160000xi32, #tpu.memory_space<hbm>> -> memref<10000xi32, #tpu.memory_space<hbm>>
      tpu.enqueue_dma source(%dma_start3A_122 : memref<10000xi32, #tpu.memory_space<hbm>>) target(%arg9 : memref<10000xi32, #tpu.memory_space<vmem>>) target_semaphore(%run_scoped3A : memref<!tpu.dma_semaphore, #tpu.memory_space<semaphore_mem>>)
      %dma_wait3A_123 = tpu.memref_slice %arg5[%mul3A_4] : memref<160000xi32, #tpu.memory_space<hbm>> -> memref<10000xi32, #tpu.memory_space<hbm>>
      %dma_wait3A_124 = tpu.memref_slice %arg5[%mul3A_4] : memref<160000xi32, #tpu.memory_space<hbm>> -> memref<10000xi32, #tpu.memory_space<hbm>>
      tpu.wait_dma2 semaphore(%run_scoped3A : memref<!tpu.dma_semaphore, #tpu.memory_space<semaphore_mem>>) src(%dma_wait3A_124 : memref<10000xi32, #tpu.memory_space<hbm>>) dst(%arg9 : memref<10000xi32, #tpu.memory_space<vmem>>)
      tpu.yield
    }) : () -> ()
    %barrier3A = arith.constant 0 : index
    tpu.barrier barrier_id(%barrier3A)
    %dma_start3A = arith.constant 0 : i32
    %dma_start3A_12 = tpu.memref_slice %arg8[%dma_start3A] : memref<10000xi32, #tpu.memory_space<vmem>> -> memref<40xi32, #tpu.memory_space<vmem>>
    %dma_start3A_13 = arith.constant 0 : i32
    %dma_start3A_14 = arith.constant 0 : i32
    %dma_start3A_15 = tpu.memref_slice %arg2[%dma_start3A_13, %dma_start3A_14] : memref<20000x128xf32, #tpu.memory_space<hbm>> -> memref<20000x128xf32, #tpu.memory_space<hbm>>
    tpu.enqueue_indirect_dma source(%dma_start3A_15 : memref<20000x128xf32, #tpu.memory_space<hbm>>) target(%arg10 : memref<40x128xf32, #tpu.memory_space<vmem>>) offsets(%dma_start3A_12 : memref<40xi32, #tpu.memory_space<vmem>>) semaphore(%arg16 : memref<!tpu.dma_semaphore, #tpu.memory_space<semaphore_mem>>)
    %dma_start3A_16 = arith.constant 40 : i32
    %dma_start3A_17 = tpu.memref_slice %arg8[%dma_start3A_16] : memref<10000xi32, #tpu.memory_space<vmem>> -> memref<40xi32, #tpu.memory_space<vmem>>
    %dma_start3A_18 = arith.constant 0 : i32
    %dma_start3A_19 = arith.constant 0 : i32
    %dma_start3A_20 = tpu.memref_slice %arg2[%dma_start3A_18, %dma_start3A_19] : memref<20000x128xf32, #tpu.memory_space<hbm>> -> memref<20000x128xf32, #tpu.memory_space<hbm>>
    tpu.enqueue_indirect_dma source(%dma_start3A_20 : memref<20000x128xf32, #tpu.memory_space<hbm>>) target(%arg11 : memref<40x128xf32, #tpu.memory_space<vmem>>) offsets(%dma_start3A_17 : memref<40xi32, #tpu.memory_space<vmem>>) semaphore(%arg17 : memref<!tpu.dma_semaphore, #tpu.memory_space<semaphore_mem>>)
    %dma_start3A_21 = arith.constant 80 : i32
    %dma_start3A_22 = tpu.memref_slice %arg8[%dma_start3A_21] : memref<10000xi32, #tpu.memory_space<vmem>> -> memref<40xi32, #tpu.memory_space<vmem>>
    %dma_start3A_23 = arith.constant 0 : i32
    %dma_start3A_24 = arith.constant 0 : i32
    %dma_start3A_25 = tpu.memref_slice %arg2[%dma_start3A_23, %dma_start3A_24] : memref<20000x128xf32, #tpu.memory_space<hbm>> -> memref<20000x128xf32, #tpu.memory_space<hbm>>
    tpu.enqueue_indirect_dma source(%dma_start3A_25 : memref<20000x128xf32, #tpu.memory_space<hbm>>) target(%arg12 : memref<40x128xf32, #tpu.memory_space<vmem>>) offsets(%dma_start3A_22 : memref<40xi32, #tpu.memory_space<vmem>>) semaphore(%arg18 : memref<!tpu.dma_semaphore, #tpu.memory_space<semaphore_mem>>)
    %dma_start3A_26 = arith.constant 120 : i32
    %dma_start3A_27 = tpu.memref_slice %arg8[%dma_start3A_26] : memref<10000xi32, #tpu.memory_space<vmem>> -> memref<40xi32, #tpu.memory_space<vmem>>
    %dma_start3A_28 = arith.constant 0 : i32
    %dma_start3A_29 = arith.constant 0 : i32
    %dma_start3A_30 = tpu.memref_slice %arg2[%dma_start3A_28, %dma_start3A_29] : memref<20000x128xf32, #tpu.memory_space<hbm>> -> memref<20000x128xf32, #tpu.memory_space<hbm>>
    tpu.enqueue_indirect_dma source(%dma_start3A_30 : memref<20000x128xf32, #tpu.memory_space<hbm>>) target(%arg13 : memref<40x128xf32, #tpu.memory_space<vmem>>) offsets(%dma_start3A_27 : memref<40xi32, #tpu.memory_space<vmem>>) semaphore(%arg19 : memref<!tpu.dma_semaphore, #tpu.memory_space<semaphore_mem>>)
    %dma_start3A_31 = arith.constant 160 : i32
    %dma_start3A_32 = tpu.memref_slice %arg8[%dma_start3A_31] : memref<10000xi32, #tpu.memory_space<vmem>> -> memref<40xi32, #tpu.memory_space<vmem>>
    %dma_start3A_33 = arith.constant 0 : i32
    %dma_start3A_34 = arith.constant 0 : i32
    %dma_start3A_35 = tpu.memref_slice %arg2[%dma_start3A_33, %dma_start3A_34] : memref<20000x128xf32, #tpu.memory_space<hbm>> -> memref<20000x128xf32, #tpu.memory_space<hbm>>
    tpu.enqueue_indirect_dma source(%dma_start3A_35 : memref<20000x128xf32, #tpu.memory_space<hbm>>) target(%arg14 : memref<40x128xf32, #tpu.memory_space<vmem>>) offsets(%dma_start3A_32 : memref<40xi32, #tpu.memory_space<vmem>>) semaphore(%arg20 : memref<!tpu.dma_semaphore, #tpu.memory_space<semaphore_mem>>)
    %scan3A = arith.constant 0 : i32
    %scan3A_36 = arith.constant 0 : i32
    %scan3A_37 = arith.constant 49 : i32
    %scan3A_38 = arith.addi %scan3A_36, %scan3A_37 : i32
    %scan3A_39 = arith.constant 1 : i32
    %scan3A_40 = scf.for %scan3A_121 = %scan3A_36 to %scan3A_38 step %scan3A_39 iter_args(%scan3A_122 = %scan3A) -> (i32)  : i32 {
      %mul3A_123 = arith.constant 5 : i32
      %mul3A_124 = arith.muli %mul3A_123, %scan3A_121 : i32
      %dma_wait3A_125 = arith.constant 0 : i32
      %dma_wait3A_126 = tpu.memref_slice %arg8[%dma_wait3A_125] : memref<10000xi32, #tpu.memory_space<vmem>> -> memref<40xi32, #tpu.memory_space<vmem>>
      %dma_wait3A_127 = arith.constant 0 : i32
      %dma_wait3A_128 = arith.constant 0 : i32
      %dma_wait3A_129 = tpu.memref_slice %arg2[%dma_wait3A_127, %dma_wait3A_128] : memref<20000x128xf32, #tpu.memory_space<hbm>> -> memref<20000x128xf32, #tpu.memory_space<hbm>>
      tpu.wait_indirect_dma semaphore(%arg16 : memref<!tpu.dma_semaphore, #tpu.memory_space<semaphore_mem>>) src(%dma_wait3A_129 : memref<20000x128xf32, #tpu.memory_space<hbm>>) dst(%arg10 : memref<40x128xf32, #tpu.memory_space<vmem>>)
      %add3A = arith.constant 0 : i32
      %add3A_130 = arith.addi %mul3A_124, %add3A : i32
      %mul3A_131 = arith.constant 40 : i32
      %mul3A_132 = arith.muli %add3A_130, %mul3A_131 : i32
      %dma_start3A_133 = tpu.memref_slice %arg9[%mul3A_132] : memref<10000xi32, #tpu.memory_space<vmem>> -> memref<40xi32, #tpu.memory_space<vmem>>
      %dma_start3A_134 = arith.constant 0 : i32
      %dma_start3A_135 = arith.constant 0 : i32
      %dma_start3A_136 = tpu.memref_slice %arg15[%dma_start3A_134, %dma_start3A_135] : memref<10240x128xf32, #tpu.memory_space<vmem_shared>> -> memref<10240x128xf32, #tpu.memory_space<vmem_shared>>
      tpu.enqueue_indirect_dma source(%arg10 : memref<40x128xf32, #tpu.memory_space<vmem>>) target(%dma_start3A_136 : memref<10240x128xf32, #tpu.memory_space<vmem_shared>>) offsets(%dma_start3A_133 : memref<40xi32, #tpu.memory_space<vmem>>) semaphore(%arg21 : memref<!tpu.dma_semaphore, #tpu.memory_space<semaphore_mem>>) {add = true}
      %dma_wait3A_137 = arith.constant 0 : i32
      %dma_wait3A_138 = tpu.memref_slice %arg8[%dma_wait3A_137] : memref<10000xi32, #tpu.memory_space<vmem>> -> memref<40xi32, #tpu.memory_space<vmem>>
      %dma_wait3A_139 = arith.constant 0 : i32
      %dma_wait3A_140 = arith.constant 0 : i32
      %dma_wait3A_141 = tpu.memref_slice %arg2[%dma_wait3A_139, %dma_wait3A_140] : memref<20000x128xf32, #tpu.memory_space<hbm>> -> memref<20000x128xf32, #tpu.memory_space<hbm>>
      tpu.wait_indirect_dma semaphore(%arg17 : memref<!tpu.dma_semaphore, #tpu.memory_space<semaphore_mem>>) src(%dma_wait3A_141 : memref<20000x128xf32, #tpu.memory_space<hbm>>) dst(%arg11 : memref<40x128xf32, #tpu.memory_space<vmem>>)
      %add3A_142 = arith.constant 1 : i32
      %add3A_143 = arith.addi %mul3A_124, %add3A_142 : i32
      %mul3A_144 = arith.constant 40 : i32
      %mul3A_145 = arith.muli %add3A_143, %mul3A_144 : i32
      %dma_start3A_146 = tpu.memref_slice %arg9[%mul3A_145] : memref<10000xi32, #tpu.memory_space<vmem>> -> memref<40xi32, #tpu.memory_space<vmem>>
      %dma_start3A_147 = arith.constant 0 : i32
      %dma_start3A_148 = arith.constant 0 : i32
      %dma_start3A_149 = tpu.memref_slice %arg15[%dma_start3A_147, %dma_start3A_148] : memref<10240x128xf32, #tpu.memory_space<vmem_shared>> -> memref<10240x128xf32, #tpu.memory_space<vmem_shared>>
      tpu.enqueue_indirect_dma source(%arg11 : memref<40x128xf32, #tpu.memory_space<vmem>>) target(%dma_start3A_149 : memref<10240x128xf32, #tpu.memory_space<vmem_shared>>) offsets(%dma_start3A_146 : memref<40xi32, #tpu.memory_space<vmem>>) semaphore(%arg22 : memref<!tpu.dma_semaphore, #tpu.memory_space<semaphore_mem>>) {add = true}
      %dma_wait3A_150 = arith.constant 0 : i32
      %dma_wait3A_151 = tpu.memref_slice %arg8[%dma_wait3A_150] : memref<10000xi32, #tpu.memory_space<vmem>> -> memref<40xi32, #tpu.memory_space<vmem>>
      %dma_wait3A_152 = arith.constant 0 : i32
      %dma_wait3A_153 = arith.constant 0 : i32
      %dma_wait3A_154 = tpu.memref_slice %arg2[%dma_wait3A_152, %dma_wait3A_153] : memref<20000x128xf32, #tpu.memory_space<hbm>> -> memref<20000x128xf32, #tpu.memory_space<hbm>>
      tpu.wait_indirect_dma semaphore(%arg18 : memref<!tpu.dma_semaphore, #tpu.memory_space<semaphore_mem>>) src(%dma_wait3A_154 : memref<20000x128xf32, #tpu.memory_space<hbm>>) dst(%arg12 : memref<40x128xf32, #tpu.memory_space<vmem>>)
      %add3A_155 = arith.constant 2 : i32
      %add3A_156 = arith.addi %mul3A_124, %add3A_155 : i32
      %mul3A_157 = arith.constant 40 : i32
      %mul3A_158 = arith.muli %add3A_156, %mul3A_157 : i32
      %dma_start3A_159 = tpu.memref_slice %arg9[%mul3A_158] : memref<10000xi32, #tpu.memory_space<vmem>> -> memref<40xi32, #tpu.memory_space<vmem>>
      %dma_start3A_160 = arith.constant 0 : i32
      %dma_start3A_161 = arith.constant 0 : i32
      %dma_start3A_162 = tpu.memref_slice %arg15[%dma_start3A_160, %dma_start3A_161] : memref<10240x128xf32, #tpu.memory_space<vmem_shared>> -> memref<10240x128xf32, #tpu.memory_space<vmem_shared>>
      tpu.enqueue_indirect_dma source(%arg12 : memref<40x128xf32, #tpu.memory_space<vmem>>) target(%dma_start3A_162 : memref<10240x128xf32, #tpu.memory_space<vmem_shared>>) offsets(%dma_start3A_159 : memref<40xi32, #tpu.memory_space<vmem>>) semaphore(%arg23 : memref<!tpu.dma_semaphore, #tpu.memory_space<semaphore_mem>>) {add = true}
      %dma_wait3A_163 = arith.constant 0 : i32
      %dma_wait3A_164 = tpu.memref_slice %arg8[%dma_wait3A_163] : memref<10000xi32, #tpu.memory_space<vmem>> -> memref<40xi32, #tpu.memory_space<vmem>>
      %dma_wait3A_165 = arith.constant 0 : i32
      %dma_wait3A_166 = arith.constant 0 : i32
      %dma_wait3A_167 = tpu.memref_slice %arg2[%dma_wait3A_165, %dma_wait3A_166] : memref<20000x128xf32, #tpu.memory_space<hbm>> -> memref<20000x128xf32, #tpu.memory_space<hbm>>
      tpu.wait_indirect_dma semaphore(%arg19 : memref<!tpu.dma_semaphore, #tpu.memory_space<semaphore_mem>>) src(%dma_wait3A_167 : memref<20000x128xf32, #tpu.memory_space<hbm>>) dst(%arg13 : memref<40x128xf32, #tpu.memory_space<vmem>>)
      %add3A_168 = arith.constant 3 : i32
      %add3A_169 = arith.addi %mul3A_124, %add3A_168 : i32
      %mul3A_170 = arith.constant 40 : i32
      %mul3A_171 = arith.muli %add3A_169, %mul3A_170 : i32
      %dma_start3A_172 = tpu.memref_slice %arg9[%mul3A_171] : memref<10000xi32, #tpu.memory_space<vmem>> -> memref<40xi32, #tpu.memory_space<vmem>>
      %dma_start3A_173 = arith.constant 0 : i32
      %dma_start3A_174 = arith.constant 0 : i32
      %dma_start3A_175 = tpu.memref_slice %arg15[%dma_start3A_173, %dma_start3A_174] : memref<10240x128xf32, #tpu.memory_space<vmem_shared>> -> memref<10240x128xf32, #tpu.memory_space<vmem_shared>>
      tpu.enqueue_indirect_dma source(%arg13 : memref<40x128xf32, #tpu.memory_space<vmem>>) target(%dma_start3A_175 : memref<10240x128xf32, #tpu.memory_space<vmem_shared>>) offsets(%dma_start3A_172 : memref<40xi32, #tpu.memory_space<vmem>>) semaphore(%arg24 : memref<!tpu.dma_semaphore, #tpu.memory_space<semaphore_mem>>) {add = true}
      %dma_wait3A_176 = arith.constant 0 : i32
      %dma_wait3A_177 = tpu.memref_slice %arg8[%dma_wait3A_176] : memref<10000xi32, #tpu.memory_space<vmem>> -> memref<40xi32, #tpu.memory_space<vmem>>
      %dma_wait3A_178 = arith.constant 0 : i32
      %dma_wait3A_179 = arith.constant 0 : i32
      %dma_wait3A_180 = tpu.memref_slice %arg2[%dma_wait3A_178, %dma_wait3A_179] : memref<20000x128xf32, #tpu.memory_space<hbm>> -> memref<20000x128xf32, #tpu.memory_space<hbm>>
      tpu.wait_indirect_dma semaphore(%arg20 : memref<!tpu.dma_semaphore, #tpu.memory_space<semaphore_mem>>) src(%dma_wait3A_180 : memref<20000x128xf32, #tpu.memory_space<hbm>>) dst(%arg14 : memref<40x128xf32, #tpu.memory_space<vmem>>)
      %add3A_181 = arith.constant 4 : i32
      %add3A_182 = arith.addi %mul3A_124, %add3A_181 : i32
      %mul3A_183 = arith.constant 40 : i32
      %mul3A_184 = arith.muli %add3A_182, %mul3A_183 : i32
      %dma_start3A_185 = tpu.memref_slice %arg9[%mul3A_184] : memref<10000xi32, #tpu.memory_space<vmem>> -> memref<40xi32, #tpu.memory_space<vmem>>
      %dma_start3A_186 = arith.constant 0 : i32
      %dma_start3A_187 = arith.constant 0 : i32
      %dma_start3A_188 = tpu.memref_slice %arg15[%dma_start3A_186, %dma_start3A_187] : memref<10240x128xf32, #tpu.memory_space<vmem_shared>> -> memref<10240x128xf32, #tpu.memory_space<vmem_shared>>
      tpu.enqueue_indirect_dma source(%arg14 : memref<40x128xf32, #tpu.memory_space<vmem>>) target(%dma_start3A_188 : memref<10240x128xf32, #tpu.memory_space<vmem_shared>>) offsets(%dma_start3A_185 : memref<40xi32, #tpu.memory_space<vmem>>) semaphore(%arg25 : memref<!tpu.dma_semaphore, #tpu.memory_space<semaphore_mem>>) {add = true}
      %dma_wait3A_189 = arith.constant 0 : i32
      %dma_wait3A_190 = tpu.memref_slice %arg9[%dma_wait3A_189] : memref<10000xi32, #tpu.memory_space<vmem>> -> memref<40xi32, #tpu.memory_space<vmem>>
      %dma_wait3A_191 = arith.constant 0 : i32
      %dma_wait3A_192 = arith.constant 0 : i32
      %dma_wait3A_193 = tpu.memref_slice %arg15[%dma_wait3A_191, %dma_wait3A_192] : memref<10240x128xf32, #tpu.memory_space<vmem_shared>> -> memref<10240x128xf32, #tpu.memory_space<vmem_shared>>
      tpu.wait_indirect_dma semaphore(%arg21 : memref<!tpu.dma_semaphore, #tpu.memory_space<semaphore_mem>>) src(%arg10 : memref<40x128xf32, #tpu.memory_space<vmem>>) dst(%dma_wait3A_193 : memref<10240x128xf32, #tpu.memory_space<vmem_shared>>)
      %add3A_194 = arith.constant 5 : i32
      %add3A_195 = arith.addi %mul3A_124, %add3A_194 : i32
      %add3A_196 = arith.constant 0 : i32
      %add3A_197 = arith.addi %add3A_195, %add3A_196 : i32
      %mul3A_198 = arith.constant 40 : i32
      %mul3A_199 = arith.muli %add3A_197, %mul3A_198 : i32
      %dma_start3A_200 = tpu.memref_slice %arg8[%mul3A_199] : memref<10000xi32, #tpu.memory_space<vmem>> -> memref<40xi32, #tpu.memory_space<vmem>>
      %dma_start3A_201 = arith.constant 0 : i32
      %dma_start3A_202 = arith.constant 0 : i32
      %dma_start3A_203 = tpu.memref_slice %arg2[%dma_start3A_201, %dma_start3A_202] : memref<20000x128xf32, #tpu.memory_space<hbm>> -> memref<20000x128xf32, #tpu.memory_space<hbm>>
      tpu.enqueue_indirect_dma source(%dma_start3A_203 : memref<20000x128xf32, #tpu.memory_space<hbm>>) target(%arg10 : memref<40x128xf32, #tpu.memory_space<vmem>>) offsets(%dma_start3A_200 : memref<40xi32, #tpu.memory_space<vmem>>) semaphore(%arg16 : memref<!tpu.dma_semaphore, #tpu.memory_space<semaphore_mem>>)
      %dma_wait3A_204 = arith.constant 0 : i32
      %dma_wait3A_205 = tpu.memref_slice %arg9[%dma_wait3A_204] : memref<10000xi32, #tpu.memory_space<vmem>> -> memref<40xi32, #tpu.memory_space<vmem>>
      %dma_wait3A_206 = arith.constant 0 : i32
      %dma_wait3A_207 = arith.constant 0 : i32
      %dma_wait3A_208 = tpu.memref_slice %arg15[%dma_wait3A_206, %dma_wait3A_207] : memref<10240x128xf32, #tpu.memory_space<vmem_shared>> -> memref<10240x128xf32, #tpu.memory_space<vmem_shared>>
      tpu.wait_indirect_dma semaphore(%arg22 : memref<!tpu.dma_semaphore, #tpu.memory_space<semaphore_mem>>) src(%arg11 : memref<40x128xf32, #tpu.memory_space<vmem>>) dst(%dma_wait3A_208 : memref<10240x128xf32, #tpu.memory_space<vmem_shared>>)
      %add3A_209 = arith.constant 5 : i32
      %add3A_210 = arith.addi %mul3A_124, %add3A_209 : i32
      %add3A_211 = arith.constant 1 : i32
      %add3A_212 = arith.addi %add3A_210, %add3A_211 : i32
      %mul3A_213 = arith.constant 40 : i32
      %mul3A_214 = arith.muli %add3A_212, %mul3A_213 : i32
      %dma_start3A_215 = tpu.memref_slice %arg8[%mul3A_214] : memref<10000xi32, #tpu.memory_space<vmem>> -> memref<40xi32, #tpu.memory_space<vmem>>
      %dma_start3A_216 = arith.constant 0 : i32
      %dma_start3A_217 = arith.constant 0 : i32
      %dma_start3A_218 = tpu.memref_slice %arg2[%dma_start3A_216, %dma_start3A_217] : memref<20000x128xf32, #tpu.memory_space<hbm>> -> memref<20000x128xf32, #tpu.memory_space<hbm>>
      tpu.enqueue_indirect_dma source(%dma_start3A_218 : memref<20000x128xf32, #tpu.memory_space<hbm>>) target(%arg11 : memref<40x128xf32, #tpu.memory_space<vmem>>) offsets(%dma_start3A_215 : memref<40xi32, #tpu.memory_space<vmem>>) semaphore(%arg17 : memref<!tpu.dma_semaphore, #tpu.memory_space<semaphore_mem>>)
      %dma_wait3A_219 = arith.constant 0 : i32
      %dma_wait3A_220 = tpu.memref_slice %arg9[%dma_wait3A_219] : memref<10000xi32, #tpu.memory_space<vmem>> -> memref<40xi32, #tpu.memory_space<vmem>>
      %dma_wait3A_221 = arith.constant 0 : i32
      %dma_wait3A_222 = arith.constant 0 : i32
      %dma_wait3A_223 = tpu.memref_slice %arg15[%dma_wait3A_221, %dma_wait3A_222] : memref<10240x128xf32, #tpu.memory_space<vmem_shared>> -> memref<10240x128xf32, #tpu.memory_space<vmem_shared>>
      tpu.wait_indirect_dma semaphore(%arg23 : memref<!tpu.dma_semaphore, #tpu.memory_space<semaphore_mem>>) src(%arg12 : memref<40x128xf32, #tpu.memory_space<vmem>>) dst(%dma_wait3A_223 : memref<10240x128xf32, #tpu.memory_space<vmem_shared>>)
      %add3A_224 = arith.constant 5 : i32
      %add3A_225 = arith.addi %mul3A_124, %add3A_224 : i32
      %add3A_226 = arith.constant 2 : i32
      %add3A_227 = arith.addi %add3A_225, %add3A_226 : i32
      %mul3A_228 = arith.constant 40 : i32
      %mul3A_229 = arith.muli %add3A_227, %mul3A_228 : i32
      %dma_start3A_230 = tpu.memref_slice %arg8[%mul3A_229] : memref<10000xi32, #tpu.memory_space<vmem>> -> memref<40xi32, #tpu.memory_space<vmem>>
      %dma_start3A_231 = arith.constant 0 : i32
      %dma_start3A_232 = arith.constant 0 : i32
      %dma_start3A_233 = tpu.memref_slice %arg2[%dma_start3A_231, %dma_start3A_232] : memref<20000x128xf32, #tpu.memory_space<hbm>> -> memref<20000x128xf32, #tpu.memory_space<hbm>>
      tpu.enqueue_indirect_dma source(%dma_start3A_233 : memref<20000x128xf32, #tpu.memory_space<hbm>>) target(%arg12 : memref<40x128xf32, #tpu.memory_space<vmem>>) offsets(%dma_start3A_230 : memref<40xi32, #tpu.memory_space<vmem>>) semaphore(%arg18 : memref<!tpu.dma_semaphore, #tpu.memory_space<semaphore_mem>>)
      %dma_wait3A_234 = arith.constant 0 : i32
      %dma_wait3A_235 = tpu.memref_slice %arg9[%dma_wait3A_234] : memref<10000xi32, #tpu.memory_space<vmem>> -> memref<40xi32, #tpu.memory_space<vmem>>
      %dma_wait3A_236 = arith.constant 0 : i32
      %dma_wait3A_237 = arith.constant 0 : i32
      %dma_wait3A_238 = tpu.memref_slice %arg15[%dma_wait3A_236, %dma_wait3A_237] : memref<10240x128xf32, #tpu.memory_space<vmem_shared>> -> memref<10240x128xf32, #tpu.memory_space<vmem_shared>>
      tpu.wait_indirect_dma semaphore(%arg24 : memref<!tpu.dma_semaphore, #tpu.memory_space<semaphore_mem>>) src(%arg13 : memref<40x128xf32, #tpu.memory_space<vmem>>) dst(%dma_wait3A_238 : memref<10240x128xf32, #tpu.memory_space<vmem_shared>>)
      %add3A_239 = arith.constant 5 : i32
      %add3A_240 = arith.addi %mul3A_124, %add3A_239 : i32
      %add3A_241 = arith.constant 3 : i32
      %add3A_242 = arith.addi %add3A_240, %add3A_241 : i32
      %mul3A_243 = arith.constant 40 : i32
      %mul3A_244 = arith.muli %add3A_242, %mul3A_243 : i32
      %dma_start3A_245 = tpu.memref_slice %arg8[%mul3A_244] : memref<10000xi32, #tpu.memory_space<vmem>> -> memref<40xi32, #tpu.memory_space<vmem>>
      %dma_start3A_246 = arith.constant 0 : i32
      %dma_start3A_247 = arith.constant 0 : i32
      %dma_start3A_248 = tpu.memref_slice %arg2[%dma_start3A_246, %dma_start3A_247] : memref<20000x128xf32, #tpu.memory_space<hbm>> -> memref<20000x128xf32, #tpu.memory_space<hbm>>
      tpu.enqueue_indirect_dma source(%dma_start3A_248 : memref<20000x128xf32, #tpu.memory_space<hbm>>) target(%arg13 : memref<40x128xf32, #tpu.memory_space<vmem>>) offsets(%dma_start3A_245 : memref<40xi32, #tpu.memory_space<vmem>>) semaphore(%arg19 : memref<!tpu.dma_semaphore, #tpu.memory_space<semaphore_mem>>)
      %dma_wait3A_249 = arith.constant 0 : i32
      %dma_wait3A_250 = tpu.memref_slice %arg9[%dma_wait3A_249] : memref<10000xi32, #tpu.memory_space<vmem>> -> memref<40xi32, #tpu.memory_space<vmem>>
      %dma_wait3A_251 = arith.constant 0 : i32
      %dma_wait3A_252 = arith.constant 0 : i32
      %dma_wait3A_253 = tpu.memref_slice %arg15[%dma_wait3A_251, %dma_wait3A_252] : memref<10240x128xf32, #tpu.memory_space<vmem_shared>> -> memref<10240x128xf32, #tpu.memory_space<vmem_shared>>
      tpu.wait_indirect_dma semaphore(%arg25 : memref<!tpu.dma_semaphore, #tpu.memory_space<semaphore_mem>>) src(%arg14 : memref<40x128xf32, #tpu.memory_space<vmem>>) dst(%dma_wait3A_253 : memref<10240x128xf32, #tpu.memory_space<vmem_shared>>)
      %add3A_254 = arith.constant 5 : i32
      %add3A_255 = arith.addi %mul3A_124, %add3A_254 : i32
      %add3A_256 = arith.constant 4 : i32
      %add3A_257 = arith.addi %add3A_255, %add3A_256 : i32
      %mul3A_258 = arith.constant 40 : i32
      %mul3A_259 = arith.muli %add3A_257, %mul3A_258 : i32
      %dma_start3A_260 = tpu.memref_slice %arg8[%mul3A_259] : memref<10000xi32, #tpu.memory_space<vmem>> -> memref<40xi32, #tpu.memory_space<vmem>>
      %dma_start3A_261 = arith.constant 0 : i32
      %dma_start3A_262 = arith.constant 0 : i32
      %dma_start3A_263 = tpu.memref_slice %arg2[%dma_start3A_261, %dma_start3A_262] : memref<20000x128xf32, #tpu.memory_space<hbm>> -> memref<20000x128xf32, #tpu.memory_space<hbm>>
      tpu.enqueue_indirect_dma source(%dma_start3A_263 : memref<20000x128xf32, #tpu.memory_space<hbm>>) target(%arg14 : memref<40x128xf32, #tpu.memory_space<vmem>>) offsets(%dma_start3A_260 : memref<40xi32, #tpu.memory_space<vmem>>) semaphore(%arg20 : memref<!tpu.dma_semaphore, #tpu.memory_space<semaphore_mem>>)
      %scan3A_264 = arith.constant 0 : i32
      scf.yield %scan3A_264 : i32
    }
    %scan3A_41 = arith.constant 49 : i32
    %dma_wait3A = arith.constant 0 : i32
    %dma_wait3A_42 = tpu.memref_slice %arg8[%dma_wait3A] : memref<10000xi32, #tpu.memory_space<vmem>> -> memref<40xi32, #tpu.memory_space<vmem>>
    %dma_wait3A_43 = arith.constant 0 : i32
    %dma_wait3A_44 = arith.constant 0 : i32
    %dma_wait3A_45 = tpu.memref_slice %arg2[%dma_wait3A_43, %dma_wait3A_44] : memref<20000x128xf32, #tpu.memory_space<hbm>> -> memref<20000x128xf32, #tpu.memory_space<hbm>>
    tpu.wait_indirect_dma semaphore(%arg16 : memref<!tpu.dma_semaphore, #tpu.memory_space<semaphore_mem>>) src(%dma_wait3A_45 : memref<20000x128xf32, #tpu.memory_space<hbm>>) dst(%arg10 : memref<40x128xf32, #tpu.memory_space<vmem>>)
    %dma_start3A_46 = arith.constant 9800 : i32
    %dma_start3A_47 = tpu.memref_slice %arg9[%dma_start3A_46] : memref<10000xi32, #tpu.memory_space<vmem>> -> memref<40xi32, #tpu.memory_space<vmem>>
    %dma_start3A_48 = arith.constant 0 : i32
    %dma_start3A_49 = arith.constant 0 : i32
    %dma_start3A_50 = tpu.memref_slice %arg15[%dma_start3A_48, %dma_start3A_49] : memref<10240x128xf32, #tpu.memory_space<vmem_shared>> -> memref<10240x128xf32, #tpu.memory_space<vmem_shared>>
    tpu.enqueue_indirect_dma source(%arg10 : memref<40x128xf32, #tpu.memory_space<vmem>>) target(%dma_start3A_50 : memref<10240x128xf32, #tpu.memory_space<vmem_shared>>) offsets(%dma_start3A_47 : memref<40xi32, #tpu.memory_space<vmem>>) semaphore(%arg21 : memref<!tpu.dma_semaphore, #tpu.memory_space<semaphore_mem>>) {add = true}
    %dma_wait3A_51 = arith.constant 0 : i32
    %dma_wait3A_52 = tpu.memref_slice %arg8[%dma_wait3A_51] : memref<10000xi32, #tpu.memory_space<vmem>> -> memref<40xi32, #tpu.memory_space<vmem>>
    %dma_wait3A_53 = arith.constant 0 : i32
    %dma_wait3A_54 = arith.constant 0 : i32
    %dma_wait3A_55 = tpu.memref_slice %arg2[%dma_wait3A_53, %dma_wait3A_54] : memref<20000x128xf32, #tpu.memory_space<hbm>> -> memref<20000x128xf32, #tpu.memory_space<hbm>>
    tpu.wait_indirect_dma semaphore(%arg17 : memref<!tpu.dma_semaphore, #tpu.memory_space<semaphore_mem>>) src(%dma_wait3A_55 : memref<20000x128xf32, #tpu.memory_space<hbm>>) dst(%arg11 : memref<40x128xf32, #tpu.memory_space<vmem>>)
    %dma_start3A_56 = arith.constant 9840 : i32
    %dma_start3A_57 = tpu.memref_slice %arg9[%dma_start3A_56] : memref<10000xi32, #tpu.memory_space<vmem>> -> memref<40xi32, #tpu.memory_space<vmem>>
    %dma_start3A_58 = arith.constant 0 : i32
    %dma_start3A_59 = arith.constant 0 : i32
    %dma_start3A_60 = tpu.memref_slice %arg15[%dma_start3A_58, %dma_start3A_59] : memref<10240x128xf32, #tpu.memory_space<vmem_shared>> -> memref<10240x128xf32, #tpu.memory_space<vmem_shared>>
    tpu.enqueue_indirect_dma source(%arg11 : memref<40x128xf32, #tpu.memory_space<vmem>>) target(%dma_start3A_60 : memref<10240x128xf32, #tpu.memory_space<vmem_shared>>) offsets(%dma_start3A_57 : memref<40xi32, #tpu.memory_space<vmem>>) semaphore(%arg22 : memref<!tpu.dma_semaphore, #tpu.memory_space<semaphore_mem>>) {add = true}
    %dma_wait3A_61 = arith.constant 0 : i32
    %dma_wait3A_62 = tpu.memref_slice %arg8[%dma_wait3A_61] : memref<10000xi32, #tpu.memory_space<vmem>> -> memref<40xi32, #tpu.memory_space<vmem>>
    %dma_wait3A_63 = arith.constant 0 : i32
    %dma_wait3A_64 = arith.constant 0 : i32
    %dma_wait3A_65 = tpu.memref_slice %arg2[%dma_wait3A_63, %dma_wait3A_64] : memref<20000x128xf32, #tpu.memory_space<hbm>> -> memref<20000x128xf32, #tpu.memory_space<hbm>>
    tpu.wait_indirect_dma semaphore(%arg18 : memref<!tpu.dma_semaphore, #tpu.memory_space<semaphore_mem>>) src(%dma_wait3A_65 : memref<20000x128xf32, #tpu.memory_space<hbm>>) dst(%arg12 : memref<40x128xf32, #tpu.memory_space<vmem>>)
    %dma_start3A_66 = arith.constant 9880 : i32
    %dma_start3A_67 = tpu.memref_slice %arg9[%dma_start3A_66] : memref<10000xi32, #tpu.memory_space<vmem>> -> memref<40xi32, #tpu.memory_space<vmem>>
    %dma_start3A_68 = arith.constant 0 : i32
    %dma_start3A_69 = arith.constant 0 : i32
    %dma_start3A_70 = tpu.memref_slice %arg15[%dma_start3A_68, %dma_start3A_69] : memref<10240x128xf32, #tpu.memory_space<vmem_shared>> -> memref<10240x128xf32, #tpu.memory_space<vmem_shared>>
    tpu.enqueue_indirect_dma source(%arg12 : memref<40x128xf32, #tpu.memory_space<vmem>>) target(%dma_start3A_70 : memref<10240x128xf32, #tpu.memory_space<vmem_shared>>) offsets(%dma_start3A_67 : memref<40xi32, #tpu.memory_space<vmem>>) semaphore(%arg23 : memref<!tpu.dma_semaphore, #tpu.memory_space<semaphore_mem>>) {add = true}
    %dma_wait3A_71 = arith.constant 0 : i32
    %dma_wait3A_72 = tpu.memref_slice %arg8[%dma_wait3A_71] : memref<10000xi32, #tpu.memory_space<vmem>> -> memref<40xi32, #tpu.memory_space<vmem>>
    %dma_wait3A_73 = arith.constant 0 : i32
    %dma_wait3A_74 = arith.constant 0 : i32
    %dma_wait3A_75 = tpu.memref_slice %arg2[%dma_wait3A_73, %dma_wait3A_74] : memref<20000x128xf32, #tpu.memory_space<hbm>> -> memref<20000x128xf32, #tpu.memory_space<hbm>>
    tpu.wait_indirect_dma semaphore(%arg19 : memref<!tpu.dma_semaphore, #tpu.memory_space<semaphore_mem>>) src(%dma_wait3A_75 : memref<20000x128xf32, #tpu.memory_space<hbm>>) dst(%arg13 : memref<40x128xf32, #tpu.memory_space<vmem>>)
    %dma_start3A_76 = arith.constant 9920 : i32
    %dma_start3A_77 = tpu.memref_slice %arg9[%dma_start3A_76] : memref<10000xi32, #tpu.memory_space<vmem>> -> memref<40xi32, #tpu.memory_space<vmem>>
    %dma_start3A_78 = arith.constant 0 : i32
    %dma_start3A_79 = arith.constant 0 : i32
    %dma_start3A_80 = tpu.memref_slice %arg15[%dma_start3A_78, %dma_start3A_79] : memref<10240x128xf32, #tpu.memory_space<vmem_shared>> -> memref<10240x128xf32, #tpu.memory_space<vmem_shared>>
    tpu.enqueue_indirect_dma source(%arg13 : memref<40x128xf32, #tpu.memory_space<vmem>>) target(%dma_start3A_80 : memref<10240x128xf32, #tpu.memory_space<vmem_shared>>) offsets(%dma_start3A_77 : memref<40xi32, #tpu.memory_space<vmem>>) semaphore(%arg24 : memref<!tpu.dma_semaphore, #tpu.memory_space<semaphore_mem>>) {add = true}
    %dma_wait3A_81 = arith.constant 0 : i32
    %dma_wait3A_82 = tpu.memref_slice %arg8[%dma_wait3A_81] : memref<10000xi32, #tpu.memory_space<vmem>> -> memref<40xi32, #tpu.memory_space<vmem>>
    %dma_wait3A_83 = arith.constant 0 : i32
    %dma_wait3A_84 = arith.constant 0 : i32
    %dma_wait3A_85 = tpu.memref_slice %arg2[%dma_wait3A_83, %dma_wait3A_84] : memref<20000x128xf32, #tpu.memory_space<hbm>> -> memref<20000x128xf32, #tpu.memory_space<hbm>>
    tpu.wait_indirect_dma semaphore(%arg20 : memref<!tpu.dma_semaphore, #tpu.memory_space<semaphore_mem>>) src(%dma_wait3A_85 : memref<20000x128xf32, #tpu.memory_space<hbm>>) dst(%arg14 : memref<40x128xf32, #tpu.memory_space<vmem>>)
    %dma_start3A_86 = arith.constant 9960 : i32
    %dma_start3A_87 = tpu.memref_slice %arg9[%dma_start3A_86] : memref<10000xi32, #tpu.memory_space<vmem>> -> memref<40xi32, #tpu.memory_space<vmem>>
    %dma_start3A_88 = arith.constant 0 : i32
    %dma_start3A_89 = arith.constant 0 : i32
    %dma_start3A_90 = tpu.memref_slice %arg15[%dma_start3A_88, %dma_start3A_89] : memref<10240x128xf32, #tpu.memory_space<vmem_shared>> -> memref<10240x128xf32, #tpu.memory_space<vmem_shared>>
    tpu.enqueue_indirect_dma source(%arg14 : memref<40x128xf32, #tpu.memory_space<vmem>>) target(%dma_start3A_90 : memref<10240x128xf32, #tpu.memory_space<vmem_shared>>) offsets(%dma_start3A_87 : memref<40xi32, #tpu.memory_space<vmem>>) semaphore(%arg25 : memref<!tpu.dma_semaphore, #tpu.memory_space<semaphore_mem>>) {add = true}
    %dma_wait3A_91 = arith.constant 0 : i32
    %dma_wait3A_92 = tpu.memref_slice %arg9[%dma_wait3A_91] : memref<10000xi32, #tpu.memory_space<vmem>> -> memref<40xi32, #tpu.memory_space<vmem>>
    %dma_wait3A_93 = arith.constant 0 : i32
    %dma_wait3A_94 = arith.constant 0 : i32
    %dma_wait3A_95 = tpu.memref_slice %arg15[%dma_wait3A_93, %dma_wait3A_94] : memref<10240x128xf32, #tpu.memory_space<vmem_shared>> -> memref<10240x128xf32, #tpu.memory_space<vmem_shared>>
    tpu.wait_indirect_dma semaphore(%arg21 : memref<!tpu.dma_semaphore, #tpu.memory_space<semaphore_mem>>) src(%arg10 : memref<40x128xf32, #tpu.memory_space<vmem>>) dst(%dma_wait3A_95 : memref<10240x128xf32, #tpu.memory_space<vmem_shared>>)
    %dma_wait3A_96 = arith.constant 0 : i32
    %dma_wait3A_97 = tpu.memref_slice %arg9[%dma_wait3A_96] : memref<10000xi32, #tpu.memory_space<vmem>> -> memref<40xi32, #tpu.memory_space<vmem>>
    %dma_wait3A_98 = arith.constant 0 : i32
    %dma_wait3A_99 = arith.constant 0 : i32
    %dma_wait3A_100 = tpu.memref_slice %arg15[%dma_wait3A_98, %dma_wait3A_99] : memref<10240x128xf32, #tpu.memory_space<vmem_shared>> -> memref<10240x128xf32, #tpu.memory_space<vmem_shared>>
    tpu.wait_indirect_dma semaphore(%arg22 : memref<!tpu.dma_semaphore, #tpu.memory_space<semaphore_mem>>) src(%arg11 : memref<40x128xf32, #tpu.memory_space<vmem>>) dst(%dma_wait3A_100 : memref<10240x128xf32, #tpu.memory_space<vmem_shared>>)
    %dma_wait3A_101 = arith.constant 0 : i32
    %dma_wait3A_102 = tpu.memref_slice %arg9[%dma_wait3A_101] : memref<10000xi32, #tpu.memory_space<vmem>> -> memref<40xi32, #tpu.memory_space<vmem>>
    %dma_wait3A_103 = arith.constant 0 : i32
    %dma_wait3A_104 = arith.constant 0 : i32
    %dma_wait3A_105 = tpu.memref_slice %arg15[%dma_wait3A_103, %dma_wait3A_104] : memref<10240x128xf32, #tpu.memory_space<vmem_shared>> -> memref<10240x128xf32, #tpu.memory_space<vmem_shared>>
    tpu.wait_indirect_dma semaphore(%arg23 : memref<!tpu.dma_semaphore, #tpu.memory_space<semaphore_mem>>) src(%arg12 : memref<40x128xf32, #tpu.memory_space<vmem>>) dst(%dma_wait3A_105 : memref<10240x128xf32, #tpu.memory_space<vmem_shared>>)
    %dma_wait3A_106 = arith.constant 0 : i32
    %dma_wait3A_107 = tpu.memref_slice %arg9[%dma_wait3A_106] : memref<10000xi32, #tpu.memory_space<vmem>> -> memref<40xi32, #tpu.memory_space<vmem>>
    %dma_wait3A_108 = arith.constant 0 : i32
    %dma_wait3A_109 = arith.constant 0 : i32
    %dma_wait3A_110 = tpu.memref_slice %arg15[%dma_wait3A_108, %dma_wait3A_109] : memref<10240x128xf32, #tpu.memory_space<vmem_shared>> -> memref<10240x128xf32, #tpu.memory_space<vmem_shared>>
    tpu.wait_indirect_dma semaphore(%arg24 : memref<!tpu.dma_semaphore, #tpu.memory_space<semaphore_mem>>) src(%arg13 : memref<40x128xf32, #tpu.memory_space<vmem>>) dst(%dma_wait3A_110 : memref<10240x128xf32, #tpu.memory_space<vmem_shared>>)
    %dma_wait3A_111 = arith.constant 0 : i32
    %dma_wait3A_112 = tpu.memref_slice %arg9[%dma_wait3A_111] : memref<10000xi32, #tpu.memory_space<vmem>> -> memref<40xi32, #tpu.memory_space<vmem>>
    %dma_wait3A_113 = arith.constant 0 : i32
    %dma_wait3A_114 = arith.constant 0 : i32
    %dma_wait3A_115 = tpu.memref_slice %arg15[%dma_wait3A_113, %dma_wait3A_114] : memref<10240x128xf32, #tpu.memory_space<vmem_shared>> -> memref<10240x128xf32, #tpu.memory_space<vmem_shared>>
    tpu.wait_indirect_dma semaphore(%arg25 : memref<!tpu.dma_semaphore, #tpu.memory_space<semaphore_mem>>) src(%arg14 : memref<40x128xf32, #tpu.memory_space<vmem>>) dst(%dma_wait3A_115 : memref<10240x128xf32, #tpu.memory_space<vmem_shared>>)
    %barrier3A_116 = arith.constant 0 : index
    tpu.barrier barrier_id(%barrier3A_116)
    %mul3A_117 = arith.constant 640 : i32
    %mul3A_118 = arith.muli %arg1, %mul3A_117 : i32
    %mul3A_119 = arith.constant 640 : i32
    %mul3A_120 = arith.muli %arg1, %mul3A_119 : i32
    "tpu.region"() ({
      %run_scoped3A = tpu.sem_alloc : memref<!tpu.dma_semaphore, #tpu.memory_space<semaphore_mem>>
      %dma_start3A_121 = arith.constant 0 : i32
      %dma_start3A_122 = tpu.memref_slice %arg7[%arg0, %mul3A_120, %dma_start3A_121] : memref<2x10240x128xf32, #tpu.memory_space<hbm>> -> memref<1x640x128xf32, #tpu.memory_space<hbm>>
      %dma_start3A_123 = tpu.memref_squeeze %dma_start3A_122 : memref<1x640x128xf32, #tpu.memory_space<hbm>> -> memref<640x128xf32, #tpu.memory_space<hbm>>
      %dma_start3A_124 = arith.constant 0 : i32
      %dma_start3A_125 = tpu.memref_slice %arg15[%mul3A_118, %dma_start3A_124] : memref<10240x128xf32, #tpu.memory_space<vmem_shared>> -> memref<640x128xf32, #tpu.memory_space<vmem_shared>>
      tpu.enqueue_dma source(%dma_start3A_125 : memref<640x128xf32, #tpu.memory_space<vmem_shared>>) target(%dma_start3A_123 : memref<640x128xf32, #tpu.memory_space<hbm>>) target_semaphore(%run_scoped3A : memref<!tpu.dma_semaphore, #tpu.memory_space<semaphore_mem>>)
      %dma_wait3A_126 = arith.constant 0 : i32
      %dma_wait3A_127 = tpu.memref_slice %arg7[%arg0, %mul3A_120, %dma_wait3A_126] : memref<2x10240x128xf32, #tpu.memory_space<hbm>> -> memref<1x640x128xf32, #tpu.memory_space<hbm>>
      %dma_wait3A_128 = tpu.memref_squeeze %dma_wait3A_127 : memref<1x640x128xf32, #tpu.memory_space<hbm>> -> memref<640x128xf32, #tpu.memory_space<hbm>>
      %dma_wait3A_129 = arith.constant 0 : i32
      %dma_wait3A_130 = tpu.memref_slice %arg15[%mul3A_118, %dma_wait3A_129] : memref<10240x128xf32, #tpu.memory_space<vmem_shared>> -> memref<640x128xf32, #tpu.memory_space<vmem_shared>>
      tpu.wait_dma2 semaphore(%run_scoped3A : memref<!tpu.dma_semaphore, #tpu.memory_space<semaphore_mem>>) src(%dma_wait3A_130 : memref<640x128xf32, #tpu.memory_space<vmem_shared>>) dst(%dma_wait3A_128 : memref<640x128xf32, #tpu.memory_space<hbm>>)
      tpu.yield
    }) : () -> ()
    return
  }
}

#map = affine_map<(d0, d1) -> (0, 0)>
#map1 = affine_map<(d0, d1) -> (0)>
#map2 = affine_map<(d0, d1) -> (0, 0, 0)>
module attributes {stable_mosaic.version = 14 : i64} {
  func.func @_sc_agg_body(%arg0: i32, %arg1: i32, %arg2: memref<20000x128xf32, #tpu.memory_space<hbm>>, %arg3: memref<160000xi32, #tpu.memory_space<hbm>>, %arg4: memref<160000xi32, #tpu.memory_space<hbm>>, %arg5: memref<160000xi32, #tpu.memory_space<hbm>>, %arg6: memref<10240x128xf32, #tpu.memory_space<hbm>>, %arg7: memref<2x10240x128xf32, #tpu.memory_space<hbm>>, %arg8: memref<10000xi32, #tpu.memory_space<vmem>>, %arg9: memref<10000xi32, #tpu.memory_space<vmem>>, %arg10: memref<40x128xf32, #tpu.memory_space<vmem>>, %arg11: memref<40x128xf32, #tpu.memory_space<vmem>>, %arg12: memref<40x128xf32, #tpu.memory_space<vmem>>, %arg13: memref<40x128xf32, #tpu.memory_space<vmem>>, %arg14: memref<40x128xf32, #tpu.memory_space<vmem>>, %arg15: memref<10240x128xf32, #tpu.memory_space<vmem_shared>>, %arg16: memref<!tpu.dma_semaphore, #tpu.memory_space<semaphore_mem>>, %arg17: memref<!tpu.dma_semaphore, #tpu.memory_space<semaphore_mem>>, %arg18: memref<!tpu.dma_semaphore, #tpu.memory_space<semaphore_mem>>, %arg19: memref<!tpu.dma_semaphore, #tpu.memory_space<semaphore_mem>>, %arg20: memref<!tpu.dma_semaphore, #tpu.memory_space<semaphore_mem>>, %arg21: memref<!tpu.dma_semaphore, #tpu.memory_space<semaphore_mem>>, %arg22: memref<!tpu.dma_semaphore, #tpu.memory_space<semaphore_mem>>, %arg23: memref<!tpu.dma_semaphore, #tpu.memory_space<semaphore_mem>>, %arg24: memref<!tpu.dma_semaphore, #tpu.memory_space<semaphore_mem>>, %arg25: memref<!tpu.dma_semaphore, #tpu.memory_space<semaphore_mem>>) attributes {dimension_semantics = [#tpu.dimension_semantics<core_parallel>, #tpu.dimension_semantics<subcore_parallel>], iteration_bounds = array<i64: 2, 16>, scalar_prefetch = 0 : i64, scratch_operands = 18 : i64, tpu.core_type = #tpu.core_type<sc_vector_subcore>, window_params = [{transform_indices = #map}, {transform_indices = #map1}, {transform_indices = #map1}, {transform_indices = #map1}, {transform_indices = #map}, {transform_indices = #map2}]} {
    %mul3A = arith.constant 640 : i32
    %mul3A_0 = arith.muli %arg1, %mul3A : i32
    %mul3A_1 = arith.constant 640 : i32
    %mul3A_2 = arith.muli %arg1, %mul3A_1 : i32
    "tpu.region"() ({
      %run_scoped3A = tpu.sem_alloc : memref<!tpu.dma_semaphore, #tpu.memory_space<semaphore_mem>>
      %dma_start3A_121 = arith.constant 0 : i32
      %dma_start3A_122 = tpu.memref_slice %arg15[%mul3A_2, %dma_start3A_121] : memref<10240x128xf32, #tpu.memory_space<vmem_shared>> -> memref<640x128xf32, #tpu.memory_space<vmem_shared>>
      %dma_start3A_123 = arith.constant 0 : i32
      %dma_start3A_124 = tpu.memref_slice %arg6[%mul3A_0, %dma_start3A_123] : memref<10240x128xf32, #tpu.memory_space<hbm>> -> memref<640x128xf32, #tpu.memory_space<hbm>>
      tpu.enqueue_dma source(%dma_start3A_124 : memref<640x128xf32, #tpu.memory_space<hbm>>) target(%dma_start3A_122 : memref<640x128xf32, #tpu.memory_space<vmem_shared>>) target_semaphore(%run_scoped3A : memref<!tpu.dma_semaphore, #tpu.memory_space<semaphore_mem>>)
      %dma_wait3A_125 = arith.constant 0 : i32
      %dma_wait3A_126 = tpu.memref_slice %arg15[%mul3A_2, %dma_wait3A_125] : memref<10240x128xf32, #tpu.memory_space<vmem_shared>> -> memref<640x128xf32, #tpu.memory_space<vmem_shared>>
      %dma_wait3A_127 = arith.constant 0 : i32
      %dma_wait3A_128 = tpu.memref_slice %arg6[%mul3A_0, %dma_wait3A_127] : memref<10240x128xf32, #tpu.memory_space<hbm>> -> memref<640x128xf32, #tpu.memory_space<hbm>>
      tpu.wait_dma2 semaphore(%run_scoped3A : memref<!tpu.dma_semaphore, #tpu.memory_space<semaphore_mem>>) src(%dma_wait3A_128 : memref<640x128xf32, #tpu.memory_space<hbm>>) dst(%dma_wait3A_126 : memref<640x128xf32, #tpu.memory_space<vmem_shared>>)
      tpu.yield
    }) : () -> ()
    %mul3A_3 = arith.constant 10000 : i32
    %mul3A_4 = arith.muli %arg1, %mul3A_3 : i32
    %eq3A = arith.constant 0 : i32
    %eq3A_5 = arith.cmpi eq, %arg0, %eq3A : i32
    %convert_element_type3A = arith.extui %eq3A_5 : i1 to i32
    %cond3A = arith.constant 0 : i32
    %cond3A_6 = arith.cmpi ne, %convert_element_type3A, %cond3A : i32
    scf.if %cond3A_6 {
      "tpu.region"() ({
        %run_scoped3A = tpu.sem_alloc : memref<!tpu.dma_semaphore, #tpu.memory_space<semaphore_mem>>
        %dma_start3A_121 = tpu.memref_slice %arg3[%mul3A_4] : memref<160000xi32, #tpu.memory_space<hbm>> -> memref<10000xi32, #tpu.memory_space<hbm>>
        %dma_start3A_122 = tpu.memref_slice %arg3[%mul3A_4] : memref<160000xi32, #tpu.memory_space<hbm>> -> memref<10000xi32, #tpu.memory_space<hbm>>
        tpu.enqueue_dma source(%dma_start3A_122 : memref<10000xi32, #tpu.memory_space<hbm>>) target(%arg8 : memref<10000xi32, #tpu.memory_space<vmem>>) target_semaphore(%run_scoped3A : memref<!tpu.dma_semaphore, #tpu.memory_space<semaphore_mem>>)
        %dma_wait3A_123 = tpu.memref_slice %arg3[%mul3A_4] : memref<160000xi32, #tpu.memory_space<hbm>> -> memref<10000xi32, #tpu.memory_space<hbm>>
        %dma_wait3A_124 = tpu.memref_slice %arg3[%mul3A_4] : memref<160000xi32, #tpu.memory_space<hbm>> -> memref<10000xi32, #tpu.memory_space<hbm>>
        tpu.wait_dma2 semaphore(%run_scoped3A : memref<!tpu.dma_semaphore, #tpu.memory_space<semaphore_mem>>) src(%dma_wait3A_124 : memref<10000xi32, #tpu.memory_space<hbm>>) dst(%arg8 : memref<10000xi32, #tpu.memory_space<vmem>>)
        tpu.yield
      }) : () -> ()
    } else {
    }
    %eq3A_7 = arith.constant 1 : i32
    %eq3A_8 = arith.cmpi eq, %arg0, %eq3A_7 : i32
    %convert_element_type3A_9 = arith.extui %eq3A_8 : i1 to i32
    %cond3A_10 = arith.constant 0 : i32
    %cond3A_11 = arith.cmpi ne, %convert_element_type3A_9, %cond3A_10 : i32
    scf.if %cond3A_11 {
      "tpu.region"() ({
        %run_scoped3A = tpu.sem_alloc : memref<!tpu.dma_semaphore, #tpu.memory_space<semaphore_mem>>
        %dma_start3A_121 = tpu.memref_slice %arg4[%mul3A_4] : memref<160000xi32, #tpu.memory_space<hbm>> -> memref<10000xi32, #tpu.memory_space<hbm>>
        %dma_start3A_122 = tpu.memref_slice %arg4[%mul3A_4] : memref<160000xi32, #tpu.memory_space<hbm>> -> memref<10000xi32, #tpu.memory_space<hbm>>
        tpu.enqueue_dma source(%dma_start3A_122 : memref<10000xi32, #tpu.memory_space<hbm>>) target(%arg8 : memref<10000xi32, #tpu.memory_space<vmem>>) target_semaphore(%run_scoped3A : memref<!tpu.dma_semaphore, #tpu.memory_space<semaphore_mem>>)
        %dma_wait3A_123 = tpu.memref_slice %arg4[%mul3A_4] : memref<160000xi32, #tpu.memory_space<hbm>> -> memref<10000xi32, #tpu.memory_space<hbm>>
        %dma_wait3A_124 = tpu.memref_slice %arg4[%mul3A_4] : memref<160000xi32, #tpu.memory_space<hbm>> -> memref<10000xi32, #tpu.memory_space<hbm>>
        tpu.wait_dma2 semaphore(%run_scoped3A : memref<!tpu.dma_semaphore, #tpu.memory_space<semaphore_mem>>) src(%dma_wait3A_124 : memref<10000xi32, #tpu.memory_space<hbm>>) dst(%arg8 : memref<10000xi32, #tpu.memory_space<vmem>>)
        tpu.yield
      }) : () -> ()
    } else {
    }
    "tpu.region"() ({
      %run_scoped3A = tpu.sem_alloc : memref<!tpu.dma_semaphore, #tpu.memory_space<semaphore_mem>>
      %dma_start3A_121 = tpu.memref_slice %arg5[%mul3A_4] : memref<160000xi32, #tpu.memory_space<hbm>> -> memref<10000xi32, #tpu.memory_space<hbm>>
      %dma_start3A_122 = tpu.memref_slice %arg5[%mul3A_4] : memref<160000xi32, #tpu.memory_space<hbm>> -> memref<10000xi32, #tpu.memory_space<hbm>>
      tpu.enqueue_dma source(%dma_start3A_122 : memref<10000xi32, #tpu.memory_space<hbm>>) target(%arg9 : memref<10000xi32, #tpu.memory_space<vmem>>) target_semaphore(%run_scoped3A : memref<!tpu.dma_semaphore, #tpu.memory_space<semaphore_mem>>)
      %dma_wait3A_123 = tpu.memref_slice %arg5[%mul3A_4] : memref<160000xi32, #tpu.memory_space<hbm>> -> memref<10000xi32, #tpu.memory_space<hbm>>
      %dma_wait3A_124 = tpu.memref_slice %arg5[%mul3A_4] : memref<160000xi32, #tpu.memory_space<hbm>> -> memref<10000xi32, #tpu.memory_space<hbm>>
      tpu.wait_dma2 semaphore(%run_scoped3A : memref<!tpu.dma_semaphore, #tpu.memory_space<semaphore_mem>>) src(%dma_wait3A_124 : memref<10000xi32, #tpu.memory_space<hbm>>) dst(%arg9 : memref<10000xi32, #tpu.memory_space<vmem>>)
      tpu.yield
    }) : () -> ()
    %barrier3A = arith.constant 0 : index
    tpu.barrier barrier_id(%barrier3A)
    %dma_start3A = arith.constant 0 : i32
    %dma_start3A_12 = tpu.memref_slice %arg8[%dma_start3A] : memref<10000xi32, #tpu.memory_space<vmem>> -> memref<40xi32, #tpu.memory_space<vmem>>
    %dma_start3A_13 = arith.constant 0 : i32
    %dma_start3A_14 = arith.constant 0 : i32
    %dma_start3A_15 = tpu.memref_slice %arg2[%dma_start3A_13, %dma_start3A_14] : memref<20000x128xf32, #tpu.memory_space<hbm>> -> memref<20000x128xf32, #tpu.memory_space<hbm>>
    tpu.enqueue_indirect_dma source(%dma_start3A_15 : memref<20000x128xf32, #tpu.memory_space<hbm>>) target(%arg10 : memref<40x128xf32, #tpu.memory_space<vmem>>) offsets(%dma_start3A_12 : memref<40xi32, #tpu.memory_space<vmem>>) semaphore(%arg16 : memref<!tpu.dma_semaphore, #tpu.memory_space<semaphore_mem>>)
    %dma_start3A_16 = arith.constant 40 : i32
    %dma_start3A_17 = tpu.memref_slice %arg8[%dma_start3A_16] : memref<10000xi32, #tpu.memory_space<vmem>> -> memref<40xi32, #tpu.memory_space<vmem>>
    %dma_start3A_18 = arith.constant 0 : i32
    %dma_start3A_19 = arith.constant 0 : i32
    %dma_start3A_20 = tpu.memref_slice %arg2[%dma_start3A_18, %dma_start3A_19] : memref<20000x128xf32, #tpu.memory_space<hbm>> -> memref<20000x128xf32, #tpu.memory_space<hbm>>
    tpu.enqueue_indirect_dma source(%dma_start3A_20 : memref<20000x128xf32, #tpu.memory_space<hbm>>) target(%arg11 : memref<40x128xf32, #tpu.memory_space<vmem>>) offsets(%dma_start3A_17 : memref<40xi32, #tpu.memory_space<vmem>>) semaphore(%arg17 : memref<!tpu.dma_semaphore, #tpu.memory_space<semaphore_mem>>)
    %dma_start3A_21 = arith.constant 80 : i32
    %dma_start3A_22 = tpu.memref_slice %arg8[%dma_start3A_21] : memref<10000xi32, #tpu.memory_space<vmem>> -> memref<40xi32, #tpu.memory_space<vmem>>
    %dma_start3A_23 = arith.constant 0 : i32
    %dma_start3A_24 = arith.constant 0 : i32
    %dma_start3A_25 = tpu.memref_slice %arg2[%dma_start3A_23, %dma_start3A_24] : memref<20000x128xf32, #tpu.memory_space<hbm>> -> memref<20000x128xf32, #tpu.memory_space<hbm>>
    tpu.enqueue_indirect_dma source(%dma_start3A_25 : memref<20000x128xf32, #tpu.memory_space<hbm>>) target(%arg12 : memref<40x128xf32, #tpu.memory_space<vmem>>) offsets(%dma_start3A_22 : memref<40xi32, #tpu.memory_space<vmem>>) semaphore(%arg18 : memref<!tpu.dma_semaphore, #tpu.memory_space<semaphore_mem>>)
    %dma_start3A_26 = arith.constant 120 : i32
    %dma_start3A_27 = tpu.memref_slice %arg8[%dma_start3A_26] : memref<10000xi32, #tpu.memory_space<vmem>> -> memref<40xi32, #tpu.memory_space<vmem>>
    %dma_start3A_28 = arith.constant 0 : i32
    %dma_start3A_29 = arith.constant 0 : i32
    %dma_start3A_30 = tpu.memref_slice %arg2[%dma_start3A_28, %dma_start3A_29] : memref<20000x128xf32, #tpu.memory_space<hbm>> -> memref<20000x128xf32, #tpu.memory_space<hbm>>
    tpu.enqueue_indirect_dma source(%dma_start3A_30 : memref<20000x128xf32, #tpu.memory_space<hbm>>) target(%arg13 : memref<40x128xf32, #tpu.memory_space<vmem>>) offsets(%dma_start3A_27 : memref<40xi32, #tpu.memory_space<vmem>>) semaphore(%arg19 : memref<!tpu.dma_semaphore, #tpu.memory_space<semaphore_mem>>)
    %dma_start3A_31 = arith.constant 160 : i32
    %dma_start3A_32 = tpu.memref_slice %arg8[%dma_start3A_31] : memref<10000xi32, #tpu.memory_space<vmem>> -> memref<40xi32, #tpu.memory_space<vmem>>
    %dma_start3A_33 = arith.constant 0 : i32
    %dma_start3A_34 = arith.constant 0 : i32
    %dma_start3A_35 = tpu.memref_slice %arg2[%dma_start3A_33, %dma_start3A_34] : memref<20000x128xf32, #tpu.memory_space<hbm>> -> memref<20000x128xf32, #tpu.memory_space<hbm>>
    tpu.enqueue_indirect_dma source(%dma_start3A_35 : memref<20000x128xf32, #tpu.memory_space<hbm>>) target(%arg14 : memref<40x128xf32, #tpu.memory_space<vmem>>) offsets(%dma_start3A_32 : memref<40xi32, #tpu.memory_space<vmem>>) semaphore(%arg20 : memref<!tpu.dma_semaphore, #tpu.memory_space<semaphore_mem>>)
    %scan3A = arith.constant 0 : i32
    %scan3A_36 = arith.constant 0 : i32
    %scan3A_37 = arith.constant 49 : i32
    %scan3A_38 = arith.addi %scan3A_36, %scan3A_37 : i32
    %scan3A_39 = arith.constant 1 : i32
    %scan3A_40 = scf.for %scan3A_121 = %scan3A_36 to %scan3A_38 step %scan3A_39 iter_args(%scan3A_122 = %scan3A) -> (i32)  : i32 {
      %mul3A_123 = arith.constant 5 : i32
      %mul3A_124 = arith.muli %mul3A_123, %scan3A_121 : i32
      %dma_wait3A_125 = arith.constant 0 : i32
      %dma_wait3A_126 = tpu.memref_slice %arg8[%dma_wait3A_125] : memref<10000xi32, #tpu.memory_space<vmem>> -> memref<40xi32, #tpu.memory_space<vmem>>
      %dma_wait3A_127 = arith.constant 0 : i32
      %dma_wait3A_128 = arith.constant 0 : i32
      %dma_wait3A_129 = tpu.memref_slice %arg2[%dma_wait3A_127, %dma_wait3A_128] : memref<20000x128xf32, #tpu.memory_space<hbm>> -> memref<20000x128xf32, #tpu.memory_space<hbm>>
      tpu.wait_indirect_dma semaphore(%arg16 : memref<!tpu.dma_semaphore, #tpu.memory_space<semaphore_mem>>) src(%dma_wait3A_129 : memref<20000x128xf32, #tpu.memory_space<hbm>>) dst(%arg10 : memref<40x128xf32, #tpu.memory_space<vmem>>)
      %add3A = arith.constant 0 : i32
      %add3A_130 = arith.addi %mul3A_124, %add3A : i32
      %mul3A_131 = arith.constant 40 : i32
      %mul3A_132 = arith.muli %add3A_130, %mul3A_131 : i32
      %dma_start3A_133 = tpu.memref_slice %arg9[%mul3A_132] : memref<10000xi32, #tpu.memory_space<vmem>> -> memref<40xi32, #tpu.memory_space<vmem>>
      %dma_start3A_134 = arith.constant 0 : i32
      %dma_start3A_135 = arith.constant 0 : i32
      %dma_start3A_136 = tpu.memref_slice %arg15[%dma_start3A_134, %dma_start3A_135] : memref<10240x128xf32, #tpu.memory_space<vmem_shared>> -> memref<10240x128xf32, #tpu.memory_space<vmem_shared>>
      tpu.enqueue_indirect_dma source(%arg10 : memref<40x128xf32, #tpu.memory_space<vmem>>) target(%dma_start3A_136 : memref<10240x128xf32, #tpu.memory_space<vmem_shared>>) offsets(%dma_start3A_133 : memref<40xi32, #tpu.memory_space<vmem>>) semaphore(%arg21 : memref<!tpu.dma_semaphore, #tpu.memory_space<semaphore_mem>>) {add = true}
      %dma_wait3A_137 = arith.constant 0 : i32
      %dma_wait3A_138 = tpu.memref_slice %arg8[%dma_wait3A_137] : memref<10000xi32, #tpu.memory_space<vmem>> -> memref<40xi32, #tpu.memory_space<vmem>>
      %dma_wait3A_139 = arith.constant 0 : i32
      %dma_wait3A_140 = arith.constant 0 : i32
      %dma_wait3A_141 = tpu.memref_slice %arg2[%dma_wait3A_139, %dma_wait3A_140] : memref<20000x128xf32, #tpu.memory_space<hbm>> -> memref<20000x128xf32, #tpu.memory_space<hbm>>
      tpu.wait_indirect_dma semaphore(%arg17 : memref<!tpu.dma_semaphore, #tpu.memory_space<semaphore_mem>>) src(%dma_wait3A_141 : memref<20000x128xf32, #tpu.memory_space<hbm>>) dst(%arg11 : memref<40x128xf32, #tpu.memory_space<vmem>>)
      %add3A_142 = arith.constant 1 : i32
      %add3A_143 = arith.addi %mul3A_124, %add3A_142 : i32
      %mul3A_144 = arith.constant 40 : i32
      %mul3A_145 = arith.muli %add3A_143, %mul3A_144 : i32
      %dma_start3A_146 = tpu.memref_slice %arg9[%mul3A_145] : memref<10000xi32, #tpu.memory_space<vmem>> -> memref<40xi32, #tpu.memory_space<vmem>>
      %dma_start3A_147 = arith.constant 0 : i32
      %dma_start3A_148 = arith.constant 0 : i32
      %dma_start3A_149 = tpu.memref_slice %arg15[%dma_start3A_147, %dma_start3A_148] : memref<10240x128xf32, #tpu.memory_space<vmem_shared>> -> memref<10240x128xf32, #tpu.memory_space<vmem_shared>>
      tpu.enqueue_indirect_dma source(%arg11 : memref<40x128xf32, #tpu.memory_space<vmem>>) target(%dma_start3A_149 : memref<10240x128xf32, #tpu.memory_space<vmem_shared>>) offsets(%dma_start3A_146 : memref<40xi32, #tpu.memory_space<vmem>>) semaphore(%arg22 : memref<!tpu.dma_semaphore, #tpu.memory_space<semaphore_mem>>) {add = true}
      %dma_wait3A_150 = arith.constant 0 : i32
      %dma_wait3A_151 = tpu.memref_slice %arg8[%dma_wait3A_150] : memref<10000xi32, #tpu.memory_space<vmem>> -> memref<40xi32, #tpu.memory_space<vmem>>
      %dma_wait3A_152 = arith.constant 0 : i32
      %dma_wait3A_153 = arith.constant 0 : i32
      %dma_wait3A_154 = tpu.memref_slice %arg2[%dma_wait3A_152, %dma_wait3A_153] : memref<20000x128xf32, #tpu.memory_space<hbm>> -> memref<20000x128xf32, #tpu.memory_space<hbm>>
      tpu.wait_indirect_dma semaphore(%arg18 : memref<!tpu.dma_semaphore, #tpu.memory_space<semaphore_mem>>) src(%dma_wait3A_154 : memref<20000x128xf32, #tpu.memory_space<hbm>>) dst(%arg12 : memref<40x128xf32, #tpu.memory_space<vmem>>)
      %add3A_155 = arith.constant 2 : i32
      %add3A_156 = arith.addi %mul3A_124, %add3A_155 : i32
      %mul3A_157 = arith.constant 40 : i32
      %mul3A_158 = arith.muli %add3A_156, %mul3A_157 : i32
      %dma_start3A_159 = tpu.memref_slice %arg9[%mul3A_158] : memref<10000xi32, #tpu.memory_space<vmem>> -> memref<40xi32, #tpu.memory_space<vmem>>
      %dma_start3A_160 = arith.constant 0 : i32
      %dma_start3A_161 = arith.constant 0 : i32
      %dma_start3A_162 = tpu.memref_slice %arg15[%dma_start3A_160, %dma_start3A_161] : memref<10240x128xf32, #tpu.memory_space<vmem_shared>> -> memref<10240x128xf32, #tpu.memory_space<vmem_shared>>
      tpu.enqueue_indirect_dma source(%arg12 : memref<40x128xf32, #tpu.memory_space<vmem>>) target(%dma_start3A_162 : memref<10240x128xf32, #tpu.memory_space<vmem_shared>>) offsets(%dma_start3A_159 : memref<40xi32, #tpu.memory_space<vmem>>) semaphore(%arg23 : memref<!tpu.dma_semaphore, #tpu.memory_space<semaphore_mem>>) {add = true}
      %dma_wait3A_163 = arith.constant 0 : i32
      %dma_wait3A_164 = tpu.memref_slice %arg8[%dma_wait3A_163] : memref<10000xi32, #tpu.memory_space<vmem>> -> memref<40xi32, #tpu.memory_space<vmem>>
      %dma_wait3A_165 = arith.constant 0 : i32
      %dma_wait3A_166 = arith.constant 0 : i32
      %dma_wait3A_167 = tpu.memref_slice %arg2[%dma_wait3A_165, %dma_wait3A_166] : memref<20000x128xf32, #tpu.memory_space<hbm>> -> memref<20000x128xf32, #tpu.memory_space<hbm>>
      tpu.wait_indirect_dma semaphore(%arg19 : memref<!tpu.dma_semaphore, #tpu.memory_space<semaphore_mem>>) src(%dma_wait3A_167 : memref<20000x128xf32, #tpu.memory_space<hbm>>) dst(%arg13 : memref<40x128xf32, #tpu.memory_space<vmem>>)
      %add3A_168 = arith.constant 3 : i32
      %add3A_169 = arith.addi %mul3A_124, %add3A_168 : i32
      %mul3A_170 = arith.constant 40 : i32
      %mul3A_171 = arith.muli %add3A_169, %mul3A_170 : i32
      %dma_start3A_172 = tpu.memref_slice %arg9[%mul3A_171] : memref<10000xi32, #tpu.memory_space<vmem>> -> memref<40xi32, #tpu.memory_space<vmem>>
      %dma_start3A_173 = arith.constant 0 : i32
      %dma_start3A_174 = arith.constant 0 : i32
      %dma_start3A_175 = tpu.memref_slice %arg15[%dma_start3A_173, %dma_start3A_174] : memref<10240x128xf32, #tpu.memory_space<vmem_shared>> -> memref<10240x128xf32, #tpu.memory_space<vmem_shared>>
      tpu.enqueue_indirect_dma source(%arg13 : memref<40x128xf32, #tpu.memory_space<vmem>>) target(%dma_start3A_175 : memref<10240x128xf32, #tpu.memory_space<vmem_shared>>) offsets(%dma_start3A_172 : memref<40xi32, #tpu.memory_space<vmem>>) semaphore(%arg24 : memref<!tpu.dma_semaphore, #tpu.memory_space<semaphore_mem>>) {add = true}
      %dma_wait3A_176 = arith.constant 0 : i32
      %dma_wait3A_177 = tpu.memref_slice %arg8[%dma_wait3A_176] : memref<10000xi32, #tpu.memory_space<vmem>> -> memref<40xi32, #tpu.memory_space<vmem>>
      %dma_wait3A_178 = arith.constant 0 : i32
      %dma_wait3A_179 = arith.constant 0 : i32
      %dma_wait3A_180 = tpu.memref_slice %arg2[%dma_wait3A_178, %dma_wait3A_179] : memref<20000x128xf32, #tpu.memory_space<hbm>> -> memref<20000x128xf32, #tpu.memory_space<hbm>>
      tpu.wait_indirect_dma semaphore(%arg20 : memref<!tpu.dma_semaphore, #tpu.memory_space<semaphore_mem>>) src(%dma_wait3A_180 : memref<20000x128xf32, #tpu.memory_space<hbm>>) dst(%arg14 : memref<40x128xf32, #tpu.memory_space<vmem>>)
      %add3A_181 = arith.constant 4 : i32
      %add3A_182 = arith.addi %mul3A_124, %add3A_181 : i32
      %mul3A_183 = arith.constant 40 : i32
      %mul3A_184 = arith.muli %add3A_182, %mul3A_183 : i32
      %dma_start3A_185 = tpu.memref_slice %arg9[%mul3A_184] : memref<10000xi32, #tpu.memory_space<vmem>> -> memref<40xi32, #tpu.memory_space<vmem>>
      %dma_start3A_186 = arith.constant 0 : i32
      %dma_start3A_187 = arith.constant 0 : i32
      %dma_start3A_188 = tpu.memref_slice %arg15[%dma_start3A_186, %dma_start3A_187] : memref<10240x128xf32, #tpu.memory_space<vmem_shared>> -> memref<10240x128xf32, #tpu.memory_space<vmem_shared>>
      tpu.enqueue_indirect_dma source(%arg14 : memref<40x128xf32, #tpu.memory_space<vmem>>) target(%dma_start3A_188 : memref<10240x128xf32, #tpu.memory_space<vmem_shared>>) offsets(%dma_start3A_185 : memref<40xi32, #tpu.memory_space<vmem>>) semaphore(%arg25 : memref<!tpu.dma_semaphore, #tpu.memory_space<semaphore_mem>>) {add = true}
      %dma_wait3A_189 = arith.constant 0 : i32
      %dma_wait3A_190 = tpu.memref_slice %arg9[%dma_wait3A_189] : memref<10000xi32, #tpu.memory_space<vmem>> -> memref<40xi32, #tpu.memory_space<vmem>>
      %dma_wait3A_191 = arith.constant 0 : i32
      %dma_wait3A_192 = arith.constant 0 : i32
      %dma_wait3A_193 = tpu.memref_slice %arg15[%dma_wait3A_191, %dma_wait3A_192] : memref<10240x128xf32, #tpu.memory_space<vmem_shared>> -> memref<10240x128xf32, #tpu.memory_space<vmem_shared>>
      tpu.wait_indirect_dma semaphore(%arg21 : memref<!tpu.dma_semaphore, #tpu.memory_space<semaphore_mem>>) src(%arg10 : memref<40x128xf32, #tpu.memory_space<vmem>>) dst(%dma_wait3A_193 : memref<10240x128xf32, #tpu.memory_space<vmem_shared>>)
      %add3A_194 = arith.constant 5 : i32
      %add3A_195 = arith.addi %mul3A_124, %add3A_194 : i32
      %add3A_196 = arith.constant 0 : i32
      %add3A_197 = arith.addi %add3A_195, %add3A_196 : i32
      %mul3A_198 = arith.constant 40 : i32
      %mul3A_199 = arith.muli %add3A_197, %mul3A_198 : i32
      %dma_start3A_200 = tpu.memref_slice %arg8[%mul3A_199] : memref<10000xi32, #tpu.memory_space<vmem>> -> memref<40xi32, #tpu.memory_space<vmem>>
      %dma_start3A_201 = arith.constant 0 : i32
      %dma_start3A_202 = arith.constant 0 : i32
      %dma_start3A_203 = tpu.memref_slice %arg2[%dma_start3A_201, %dma_start3A_202] : memref<20000x128xf32, #tpu.memory_space<hbm>> -> memref<20000x128xf32, #tpu.memory_space<hbm>>
      tpu.enqueue_indirect_dma source(%dma_start3A_203 : memref<20000x128xf32, #tpu.memory_space<hbm>>) target(%arg10 : memref<40x128xf32, #tpu.memory_space<vmem>>) offsets(%dma_start3A_200 : memref<40xi32, #tpu.memory_space<vmem>>) semaphore(%arg16 : memref<!tpu.dma_semaphore, #tpu.memory_space<semaphore_mem>>)
      %dma_wait3A_204 = arith.constant 0 : i32
      %dma_wait3A_205 = tpu.memref_slice %arg9[%dma_wait3A_204] : memref<10000xi32, #tpu.memory_space<vmem>> -> memref<40xi32, #tpu.memory_space<vmem>>
      %dma_wait3A_206 = arith.constant 0 : i32
      %dma_wait3A_207 = arith.constant 0 : i32
      %dma_wait3A_208 = tpu.memref_slice %arg15[%dma_wait3A_206, %dma_wait3A_207] : memref<10240x128xf32, #tpu.memory_space<vmem_shared>> -> memref<10240x128xf32, #tpu.memory_space<vmem_shared>>
      tpu.wait_indirect_dma semaphore(%arg22 : memref<!tpu.dma_semaphore, #tpu.memory_space<semaphore_mem>>) src(%arg11 : memref<40x128xf32, #tpu.memory_space<vmem>>) dst(%dma_wait3A_208 : memref<10240x128xf32, #tpu.memory_space<vmem_shared>>)
      %add3A_209 = arith.constant 5 : i32
      %add3A_210 = arith.addi %mul3A_124, %add3A_209 : i32
      %add3A_211 = arith.constant 1 : i32
      %add3A_212 = arith.addi %add3A_210, %add3A_211 : i32
      %mul3A_213 = arith.constant 40 : i32
      %mul3A_214 = arith.muli %add3A_212, %mul3A_213 : i32
      %dma_start3A_215 = tpu.memref_slice %arg8[%mul3A_214] : memref<10000xi32, #tpu.memory_space<vmem>> -> memref<40xi32, #tpu.memory_space<vmem>>
      %dma_start3A_216 = arith.constant 0 : i32
      %dma_start3A_217 = arith.constant 0 : i32
      %dma_start3A_218 = tpu.memref_slice %arg2[%dma_start3A_216, %dma_start3A_217] : memref<20000x128xf32, #tpu.memory_space<hbm>> -> memref<20000x128xf32, #tpu.memory_space<hbm>>
      tpu.enqueue_indirect_dma source(%dma_start3A_218 : memref<20000x128xf32, #tpu.memory_space<hbm>>) target(%arg11 : memref<40x128xf32, #tpu.memory_space<vmem>>) offsets(%dma_start3A_215 : memref<40xi32, #tpu.memory_space<vmem>>) semaphore(%arg17 : memref<!tpu.dma_semaphore, #tpu.memory_space<semaphore_mem>>)
      %dma_wait3A_219 = arith.constant 0 : i32
      %dma_wait3A_220 = tpu.memref_slice %arg9[%dma_wait3A_219] : memref<10000xi32, #tpu.memory_space<vmem>> -> memref<40xi32, #tpu.memory_space<vmem>>
      %dma_wait3A_221 = arith.constant 0 : i32
      %dma_wait3A_222 = arith.constant 0 : i32
      %dma_wait3A_223 = tpu.memref_slice %arg15[%dma_wait3A_221, %dma_wait3A_222] : memref<10240x128xf32, #tpu.memory_space<vmem_shared>> -> memref<10240x128xf32, #tpu.memory_space<vmem_shared>>
      tpu.wait_indirect_dma semaphore(%arg23 : memref<!tpu.dma_semaphore, #tpu.memory_space<semaphore_mem>>) src(%arg12 : memref<40x128xf32, #tpu.memory_space<vmem>>) dst(%dma_wait3A_223 : memref<10240x128xf32, #tpu.memory_space<vmem_shared>>)
      %add3A_224 = arith.constant 5 : i32
      %add3A_225 = arith.addi %mul3A_124, %add3A_224 : i32
      %add3A_226 = arith.constant 2 : i32
      %add3A_227 = arith.addi %add3A_225, %add3A_226 : i32
      %mul3A_228 = arith.constant 40 : i32
      %mul3A_229 = arith.muli %add3A_227, %mul3A_228 : i32
      %dma_start3A_230 = tpu.memref_slice %arg8[%mul3A_229] : memref<10000xi32, #tpu.memory_space<vmem>> -> memref<40xi32, #tpu.memory_space<vmem>>
      %dma_start3A_231 = arith.constant 0 : i32
      %dma_start3A_232 = arith.constant 0 : i32
      %dma_start3A_233 = tpu.memref_slice %arg2[%dma_start3A_231, %dma_start3A_232] : memref<20000x128xf32, #tpu.memory_space<hbm>> -> memref<20000x128xf32, #tpu.memory_space<hbm>>
      tpu.enqueue_indirect_dma source(%dma_start3A_233 : memref<20000x128xf32, #tpu.memory_space<hbm>>) target(%arg12 : memref<40x128xf32, #tpu.memory_space<vmem>>) offsets(%dma_start3A_230 : memref<40xi32, #tpu.memory_space<vmem>>) semaphore(%arg18 : memref<!tpu.dma_semaphore, #tpu.memory_space<semaphore_mem>>)
      %dma_wait3A_234 = arith.constant 0 : i32
      %dma_wait3A_235 = tpu.memref_slice %arg9[%dma_wait3A_234] : memref<10000xi32, #tpu.memory_space<vmem>> -> memref<40xi32, #tpu.memory_space<vmem>>
      %dma_wait3A_236 = arith.constant 0 : i32
      %dma_wait3A_237 = arith.constant 0 : i32
      %dma_wait3A_238 = tpu.memref_slice %arg15[%dma_wait3A_236, %dma_wait3A_237] : memref<10240x128xf32, #tpu.memory_space<vmem_shared>> -> memref<10240x128xf32, #tpu.memory_space<vmem_shared>>
      tpu.wait_indirect_dma semaphore(%arg24 : memref<!tpu.dma_semaphore, #tpu.memory_space<semaphore_mem>>) src(%arg13 : memref<40x128xf32, #tpu.memory_space<vmem>>) dst(%dma_wait3A_238 : memref<10240x128xf32, #tpu.memory_space<vmem_shared>>)
      %add3A_239 = arith.constant 5 : i32
      %add3A_240 = arith.addi %mul3A_124, %add3A_239 : i32
      %add3A_241 = arith.constant 3 : i32
      %add3A_242 = arith.addi %add3A_240, %add3A_241 : i32
      %mul3A_243 = arith.constant 40 : i32
      %mul3A_244 = arith.muli %add3A_242, %mul3A_243 : i32
      %dma_start3A_245 = tpu.memref_slice %arg8[%mul3A_244] : memref<10000xi32, #tpu.memory_space<vmem>> -> memref<40xi32, #tpu.memory_space<vmem>>
      %dma_start3A_246 = arith.constant 0 : i32
      %dma_start3A_247 = arith.constant 0 : i32
      %dma_start3A_248 = tpu.memref_slice %arg2[%dma_start3A_246, %dma_start3A_247] : memref<20000x128xf32, #tpu.memory_space<hbm>> -> memref<20000x128xf32, #tpu.memory_space<hbm>>
      tpu.enqueue_indirect_dma source(%dma_start3A_248 : memref<20000x128xf32, #tpu.memory_space<hbm>>) target(%arg13 : memref<40x128xf32, #tpu.memory_space<vmem>>) offsets(%dma_start3A_245 : memref<40xi32, #tpu.memory_space<vmem>>) semaphore(%arg19 : memref<!tpu.dma_semaphore, #tpu.memory_space<semaphore_mem>>)
      %dma_wait3A_249 = arith.constant 0 : i32
      %dma_wait3A_250 = tpu.memref_slice %arg9[%dma_wait3A_249] : memref<10000xi32, #tpu.memory_space<vmem>> -> memref<40xi32, #tpu.memory_space<vmem>>
      %dma_wait3A_251 = arith.constant 0 : i32
      %dma_wait3A_252 = arith.constant 0 : i32
      %dma_wait3A_253 = tpu.memref_slice %arg15[%dma_wait3A_251, %dma_wait3A_252] : memref<10240x128xf32, #tpu.memory_space<vmem_shared>> -> memref<10240x128xf32, #tpu.memory_space<vmem_shared>>
      tpu.wait_indirect_dma semaphore(%arg25 : memref<!tpu.dma_semaphore, #tpu.memory_space<semaphore_mem>>) src(%arg14 : memref<40x128xf32, #tpu.memory_space<vmem>>) dst(%dma_wait3A_253 : memref<10240x128xf32, #tpu.memory_space<vmem_shared>>)
      %add3A_254 = arith.constant 5 : i32
      %add3A_255 = arith.addi %mul3A_124, %add3A_254 : i32
      %add3A_256 = arith.constant 4 : i32
      %add3A_257 = arith.addi %add3A_255, %add3A_256 : i32
      %mul3A_258 = arith.constant 40 : i32
      %mul3A_259 = arith.muli %add3A_257, %mul3A_258 : i32
      %dma_start3A_260 = tpu.memref_slice %arg8[%mul3A_259] : memref<10000xi32, #tpu.memory_space<vmem>> -> memref<40xi32, #tpu.memory_space<vmem>>
      %dma_start3A_261 = arith.constant 0 : i32
      %dma_start3A_262 = arith.constant 0 : i32
      %dma_start3A_263 = tpu.memref_slice %arg2[%dma_start3A_261, %dma_start3A_262] : memref<20000x128xf32, #tpu.memory_space<hbm>> -> memref<20000x128xf32, #tpu.memory_space<hbm>>
      tpu.enqueue_indirect_dma source(%dma_start3A_263 : memref<20000x128xf32, #tpu.memory_space<hbm>>) target(%arg14 : memref<40x128xf32, #tpu.memory_space<vmem>>) offsets(%dma_start3A_260 : memref<40xi32, #tpu.memory_space<vmem>>) semaphore(%arg20 : memref<!tpu.dma_semaphore, #tpu.memory_space<semaphore_mem>>)
      %scan3A_264 = arith.constant 0 : i32
      scf.yield %scan3A_264 : i32
    }
    %scan3A_41 = arith.constant 49 : i32
    %dma_wait3A = arith.constant 0 : i32
    %dma_wait3A_42 = tpu.memref_slice %arg8[%dma_wait3A] : memref<10000xi32, #tpu.memory_space<vmem>> -> memref<40xi32, #tpu.memory_space<vmem>>
    %dma_wait3A_43 = arith.constant 0 : i32
    %dma_wait3A_44 = arith.constant 0 : i32
    %dma_wait3A_45 = tpu.memref_slice %arg2[%dma_wait3A_43, %dma_wait3A_44] : memref<20000x128xf32, #tpu.memory_space<hbm>> -> memref<20000x128xf32, #tpu.memory_space<hbm>>
    tpu.wait_indirect_dma semaphore(%arg16 : memref<!tpu.dma_semaphore, #tpu.memory_space<semaphore_mem>>) src(%dma_wait3A_45 : memref<20000x128xf32, #tpu.memory_space<hbm>>) dst(%arg10 : memref<40x128xf32, #tpu.memory_space<vmem>>)
    %dma_start3A_46 = arith.constant 9800 : i32
    %dma_start3A_47 = tpu.memref_slice %arg9[%dma_start3A_46] : memref<10000xi32, #tpu.memory_space<vmem>> -> memref<40xi32, #tpu.memory_space<vmem>>
    %dma_start3A_48 = arith.constant 0 : i32
    %dma_start3A_49 = arith.constant 0 : i32
    %dma_start3A_50 = tpu.memref_slice %arg15[%dma_start3A_48, %dma_start3A_49] : memref<10240x128xf32, #tpu.memory_space<vmem_shared>> -> memref<10240x128xf32, #tpu.memory_space<vmem_shared>>
    tpu.enqueue_indirect_dma source(%arg10 : memref<40x128xf32, #tpu.memory_space<vmem>>) target(%dma_start3A_50 : memref<10240x128xf32, #tpu.memory_space<vmem_shared>>) offsets(%dma_start3A_47 : memref<40xi32, #tpu.memory_space<vmem>>) semaphore(%arg21 : memref<!tpu.dma_semaphore, #tpu.memory_space<semaphore_mem>>) {add = true}
    %dma_wait3A_51 = arith.constant 0 : i32
    %dma_wait3A_52 = tpu.memref_slice %arg8[%dma_wait3A_51] : memref<10000xi32, #tpu.memory_space<vmem>> -> memref<40xi32, #tpu.memory_space<vmem>>
    %dma_wait3A_53 = arith.constant 0 : i32
    %dma_wait3A_54 = arith.constant 0 : i32
    %dma_wait3A_55 = tpu.memref_slice %arg2[%dma_wait3A_53, %dma_wait3A_54] : memref<20000x128xf32, #tpu.memory_space<hbm>> -> memref<20000x128xf32, #tpu.memory_space<hbm>>
    tpu.wait_indirect_dma semaphore(%arg17 : memref<!tpu.dma_semaphore, #tpu.memory_space<semaphore_mem>>) src(%dma_wait3A_55 : memref<20000x128xf32, #tpu.memory_space<hbm>>) dst(%arg11 : memref<40x128xf32, #tpu.memory_space<vmem>>)
    %dma_start3A_56 = arith.constant 9840 : i32
    %dma_start3A_57 = tpu.memref_slice %arg9[%dma_start3A_56] : memref<10000xi32, #tpu.memory_space<vmem>> -> memref<40xi32, #tpu.memory_space<vmem>>
    %dma_start3A_58 = arith.constant 0 : i32
    %dma_start3A_59 = arith.constant 0 : i32
    %dma_start3A_60 = tpu.memref_slice %arg15[%dma_start3A_58, %dma_start3A_59] : memref<10240x128xf32, #tpu.memory_space<vmem_shared>> -> memref<10240x128xf32, #tpu.memory_space<vmem_shared>>
    tpu.enqueue_indirect_dma source(%arg11 : memref<40x128xf32, #tpu.memory_space<vmem>>) target(%dma_start3A_60 : memref<10240x128xf32, #tpu.memory_space<vmem_shared>>) offsets(%dma_start3A_57 : memref<40xi32, #tpu.memory_space<vmem>>) semaphore(%arg22 : memref<!tpu.dma_semaphore, #tpu.memory_space<semaphore_mem>>) {add = true}
    %dma_wait3A_61 = arith.constant 0 : i32
    %dma_wait3A_62 = tpu.memref_slice %arg8[%dma_wait3A_61] : memref<10000xi32, #tpu.memory_space<vmem>> -> memref<40xi32, #tpu.memory_space<vmem>>
    %dma_wait3A_63 = arith.constant 0 : i32
    %dma_wait3A_64 = arith.constant 0 : i32
    %dma_wait3A_65 = tpu.memref_slice %arg2[%dma_wait3A_63, %dma_wait3A_64] : memref<20000x128xf32, #tpu.memory_space<hbm>> -> memref<20000x128xf32, #tpu.memory_space<hbm>>
    tpu.wait_indirect_dma semaphore(%arg18 : memref<!tpu.dma_semaphore, #tpu.memory_space<semaphore_mem>>) src(%dma_wait3A_65 : memref<20000x128xf32, #tpu.memory_space<hbm>>) dst(%arg12 : memref<40x128xf32, #tpu.memory_space<vmem>>)
    %dma_start3A_66 = arith.constant 9880 : i32
    %dma_start3A_67 = tpu.memref_slice %arg9[%dma_start3A_66] : memref<10000xi32, #tpu.memory_space<vmem>> -> memref<40xi32, #tpu.memory_space<vmem>>
    %dma_start3A_68 = arith.constant 0 : i32
    %dma_start3A_69 = arith.constant 0 : i32
    %dma_start3A_70 = tpu.memref_slice %arg15[%dma_start3A_68, %dma_start3A_69] : memref<10240x128xf32, #tpu.memory_space<vmem_shared>> -> memref<10240x128xf32, #tpu.memory_space<vmem_shared>>
    tpu.enqueue_indirect_dma source(%arg12 : memref<40x128xf32, #tpu.memory_space<vmem>>) target(%dma_start3A_70 : memref<10240x128xf32, #tpu.memory_space<vmem_shared>>) offsets(%dma_start3A_67 : memref<40xi32, #tpu.memory_space<vmem>>) semaphore(%arg23 : memref<!tpu.dma_semaphore, #tpu.memory_space<semaphore_mem>>) {add = true}
    %dma_wait3A_71 = arith.constant 0 : i32
    %dma_wait3A_72 = tpu.memref_slice %arg8[%dma_wait3A_71] : memref<10000xi32, #tpu.memory_space<vmem>> -> memref<40xi32, #tpu.memory_space<vmem>>
    %dma_wait3A_73 = arith.constant 0 : i32
    %dma_wait3A_74 = arith.constant 0 : i32
    %dma_wait3A_75 = tpu.memref_slice %arg2[%dma_wait3A_73, %dma_wait3A_74] : memref<20000x128xf32, #tpu.memory_space<hbm>> -> memref<20000x128xf32, #tpu.memory_space<hbm>>
    tpu.wait_indirect_dma semaphore(%arg19 : memref<!tpu.dma_semaphore, #tpu.memory_space<semaphore_mem>>) src(%dma_wait3A_75 : memref<20000x128xf32, #tpu.memory_space<hbm>>) dst(%arg13 : memref<40x128xf32, #tpu.memory_space<vmem>>)
    %dma_start3A_76 = arith.constant 9920 : i32
    %dma_start3A_77 = tpu.memref_slice %arg9[%dma_start3A_76] : memref<10000xi32, #tpu.memory_space<vmem>> -> memref<40xi32, #tpu.memory_space<vmem>>
    %dma_start3A_78 = arith.constant 0 : i32
    %dma_start3A_79 = arith.constant 0 : i32
    %dma_start3A_80 = tpu.memref_slice %arg15[%dma_start3A_78, %dma_start3A_79] : memref<10240x128xf32, #tpu.memory_space<vmem_shared>> -> memref<10240x128xf32, #tpu.memory_space<vmem_shared>>
    tpu.enqueue_indirect_dma source(%arg13 : memref<40x128xf32, #tpu.memory_space<vmem>>) target(%dma_start3A_80 : memref<10240x128xf32, #tpu.memory_space<vmem_shared>>) offsets(%dma_start3A_77 : memref<40xi32, #tpu.memory_space<vmem>>) semaphore(%arg24 : memref<!tpu.dma_semaphore, #tpu.memory_space<semaphore_mem>>) {add = true}
    %dma_wait3A_81 = arith.constant 0 : i32
    %dma_wait3A_82 = tpu.memref_slice %arg8[%dma_wait3A_81] : memref<10000xi32, #tpu.memory_space<vmem>> -> memref<40xi32, #tpu.memory_space<vmem>>
    %dma_wait3A_83 = arith.constant 0 : i32
    %dma_wait3A_84 = arith.constant 0 : i32
    %dma_wait3A_85 = tpu.memref_slice %arg2[%dma_wait3A_83, %dma_wait3A_84] : memref<20000x128xf32, #tpu.memory_space<hbm>> -> memref<20000x128xf32, #tpu.memory_space<hbm>>
    tpu.wait_indirect_dma semaphore(%arg20 : memref<!tpu.dma_semaphore, #tpu.memory_space<semaphore_mem>>) src(%dma_wait3A_85 : memref<20000x128xf32, #tpu.memory_space<hbm>>) dst(%arg14 : memref<40x128xf32, #tpu.memory_space<vmem>>)
    %dma_start3A_86 = arith.constant 9960 : i32
    %dma_start3A_87 = tpu.memref_slice %arg9[%dma_start3A_86] : memref<10000xi32, #tpu.memory_space<vmem>> -> memref<40xi32, #tpu.memory_space<vmem>>
    %dma_start3A_88 = arith.constant 0 : i32
    %dma_start3A_89 = arith.constant 0 : i32
    %dma_start3A_90 = tpu.memref_slice %arg15[%dma_start3A_88, %dma_start3A_89] : memref<10240x128xf32, #tpu.memory_space<vmem_shared>> -> memref<10240x128xf32, #tpu.memory_space<vmem_shared>>
    tpu.enqueue_indirect_dma source(%arg14 : memref<40x128xf32, #tpu.memory_space<vmem>>) target(%dma_start3A_90 : memref<10240x128xf32, #tpu.memory_space<vmem_shared>>) offsets(%dma_start3A_87 : memref<40xi32, #tpu.memory_space<vmem>>) semaphore(%arg25 : memref<!tpu.dma_semaphore, #tpu.memory_space<semaphore_mem>>) {add = true}
    %dma_wait3A_91 = arith.constant 0 : i32
    %dma_wait3A_92 = tpu.memref_slice %arg9[%dma_wait3A_91] : memref<10000xi32, #tpu.memory_space<vmem>> -> memref<40xi32, #tpu.memory_space<vmem>>
    %dma_wait3A_93 = arith.constant 0 : i32
    %dma_wait3A_94 = arith.constant 0 : i32
    %dma_wait3A_95 = tpu.memref_slice %arg15[%dma_wait3A_93, %dma_wait3A_94] : memref<10240x128xf32, #tpu.memory_space<vmem_shared>> -> memref<10240x128xf32, #tpu.memory_space<vmem_shared>>
    tpu.wait_indirect_dma semaphore(%arg21 : memref<!tpu.dma_semaphore, #tpu.memory_space<semaphore_mem>>) src(%arg10 : memref<40x128xf32, #tpu.memory_space<vmem>>) dst(%dma_wait3A_95 : memref<10240x128xf32, #tpu.memory_space<vmem_shared>>)
    %dma_wait3A_96 = arith.constant 0 : i32
    %dma_wait3A_97 = tpu.memref_slice %arg9[%dma_wait3A_96] : memref<10000xi32, #tpu.memory_space<vmem>> -> memref<40xi32, #tpu.memory_space<vmem>>
    %dma_wait3A_98 = arith.constant 0 : i32
    %dma_wait3A_99 = arith.constant 0 : i32
    %dma_wait3A_100 = tpu.memref_slice %arg15[%dma_wait3A_98, %dma_wait3A_99] : memref<10240x128xf32, #tpu.memory_space<vmem_shared>> -> memref<10240x128xf32, #tpu.memory_space<vmem_shared>>
    tpu.wait_indirect_dma semaphore(%arg22 : memref<!tpu.dma_semaphore, #tpu.memory_space<semaphore_mem>>) src(%arg11 : memref<40x128xf32, #tpu.memory_space<vmem>>) dst(%dma_wait3A_100 : memref<10240x128xf32, #tpu.memory_space<vmem_shared>>)
    %dma_wait3A_101 = arith.constant 0 : i32
    %dma_wait3A_102 = tpu.memref_slice %arg9[%dma_wait3A_101] : memref<10000xi32, #tpu.memory_space<vmem>> -> memref<40xi32, #tpu.memory_space<vmem>>
    %dma_wait3A_103 = arith.constant 0 : i32
    %dma_wait3A_104 = arith.constant 0 : i32
    %dma_wait3A_105 = tpu.memref_slice %arg15[%dma_wait3A_103, %dma_wait3A_104] : memref<10240x128xf32, #tpu.memory_space<vmem_shared>> -> memref<10240x128xf32, #tpu.memory_space<vmem_shared>>
    tpu.wait_indirect_dma semaphore(%arg23 : memref<!tpu.dma_semaphore, #tpu.memory_space<semaphore_mem>>) src(%arg12 : memref<40x128xf32, #tpu.memory_space<vmem>>) dst(%dma_wait3A_105 : memref<10240x128xf32, #tpu.memory_space<vmem_shared>>)
    %dma_wait3A_106 = arith.constant 0 : i32
    %dma_wait3A_107 = tpu.memref_slice %arg9[%dma_wait3A_106] : memref<10000xi32, #tpu.memory_space<vmem>> -> memref<40xi32, #tpu.memory_space<vmem>>
    %dma_wait3A_108 = arith.constant 0 : i32
    %dma_wait3A_109 = arith.constant 0 : i32
    %dma_wait3A_110 = tpu.memref_slice %arg15[%dma_wait3A_108, %dma_wait3A_109] : memref<10240x128xf32, #tpu.memory_space<vmem_shared>> -> memref<10240x128xf32, #tpu.memory_space<vmem_shared>>
    tpu.wait_indirect_dma semaphore(%arg24 : memref<!tpu.dma_semaphore, #tpu.memory_space<semaphore_mem>>) src(%arg13 : memref<40x128xf32, #tpu.memory_space<vmem>>) dst(%dma_wait3A_110 : memref<10240x128xf32, #tpu.memory_space<vmem_shared>>)
    %dma_wait3A_111 = arith.constant 0 : i32
    %dma_wait3A_112 = tpu.memref_slice %arg9[%dma_wait3A_111] : memref<10000xi32, #tpu.memory_space<vmem>> -> memref<40xi32, #tpu.memory_space<vmem>>
    %dma_wait3A_113 = arith.constant 0 : i32
    %dma_wait3A_114 = arith.constant 0 : i32
    %dma_wait3A_115 = tpu.memref_slice %arg15[%dma_wait3A_113, %dma_wait3A_114] : memref<10240x128xf32, #tpu.memory_space<vmem_shared>> -> memref<10240x128xf32, #tpu.memory_space<vmem_shared>>
    tpu.wait_indirect_dma semaphore(%arg25 : memref<!tpu.dma_semaphore, #tpu.memory_space<semaphore_mem>>) src(%arg14 : memref<40x128xf32, #tpu.memory_space<vmem>>) dst(%dma_wait3A_115 : memref<10240x128xf32, #tpu.memory_space<vmem_shared>>)
    %barrier3A_116 = arith.constant 0 : index
    tpu.barrier barrier_id(%barrier3A_116)
    %mul3A_117 = arith.constant 640 : i32
    %mul3A_118 = arith.muli %arg1, %mul3A_117 : i32
    %mul3A_119 = arith.constant 640 : i32
    %mul3A_120 = arith.muli %arg1, %mul3A_119 : i32
    "tpu.region"() ({
      %run_scoped3A = tpu.sem_alloc : memref<!tpu.dma_semaphore, #tpu.memory_space<semaphore_mem>>
      %dma_start3A_121 = arith.constant 0 : i32
      %dma_start3A_122 = tpu.memref_slice %arg7[%arg0, %mul3A_120, %dma_start3A_121] : memref<2x10240x128xf32, #tpu.memory_space<hbm>> -> memref<1x640x128xf32, #tpu.memory_space<hbm>>
      %dma_start3A_123 = tpu.memref_squeeze %dma_start3A_122 : memref<1x640x128xf32, #tpu.memory_space<hbm>> -> memref<640x128xf32, #tpu.memory_space<hbm>>
      %dma_start3A_124 = arith.constant 0 : i32
      %dma_start3A_125 = tpu.memref_slice %arg15[%mul3A_118, %dma_start3A_124] : memref<10240x128xf32, #tpu.memory_space<vmem_shared>> -> memref<640x128xf32, #tpu.memory_space<vmem_shared>>
      tpu.enqueue_dma source(%dma_start3A_125 : memref<640x128xf32, #tpu.memory_space<vmem_shared>>) target(%dma_start3A_123 : memref<640x128xf32, #tpu.memory_space<hbm>>) target_semaphore(%run_scoped3A : memref<!tpu.dma_semaphore, #tpu.memory_space<semaphore_mem>>)
      %dma_wait3A_126 = arith.constant 0 : i32
      %dma_wait3A_127 = tpu.memref_slice %arg7[%arg0, %mul3A_120, %dma_wait3A_126] : memref<2x10240x128xf32, #tpu.memory_space<hbm>> -> memref<1x640x128xf32, #tpu.memory_space<hbm>>
      %dma_wait3A_128 = tpu.memref_squeeze %dma_wait3A_127 : memref<1x640x128xf32, #tpu.memory_space<hbm>> -> memref<640x128xf32, #tpu.memory_space<hbm>>
      %dma_wait3A_129 = arith.constant 0 : i32
      %dma_wait3A_130 = tpu.memref_slice %arg15[%mul3A_118, %dma_wait3A_129] : memref<10240x128xf32, #tpu.memory_space<vmem_shared>> -> memref<640x128xf32, #tpu.memory_space<vmem_shared>>
      tpu.wait_dma2 semaphore(%run_scoped3A : memref<!tpu.dma_semaphore, #tpu.memory_space<semaphore_mem>>) src(%dma_wait3A_130 : memref<640x128xf32, #tpu.memory_space<vmem_shared>>) dst(%dma_wait3A_128 : memref<640x128xf32, #tpu.memory_space<hbm>>)
      tpu.yield
    }) : () -> ()
    return
  }
}

#map = affine_map<(d0, d1) -> (0, 0)>
#map1 = affine_map<(d0, d1) -> (0)>
#map2 = affine_map<(d0, d1) -> (0, 0, 0)>
module attributes {stable_mosaic.version = 14 : i64} {
  func.func @_sc_agg_body(%arg0: i32, %arg1: i32, %arg2: memref<20000x128xf32, #tpu.memory_space<hbm>>, %arg3: memref<160000xi32, #tpu.memory_space<hbm>>, %arg4: memref<160000xi32, #tpu.memory_space<hbm>>, %arg5: memref<160000xi32, #tpu.memory_space<hbm>>, %arg6: memref<10240x128xf32, #tpu.memory_space<hbm>>, %arg7: memref<2x10240x128xf32, #tpu.memory_space<hbm>>, %arg8: memref<10000xi32, #tpu.memory_space<vmem>>, %arg9: memref<10000xi32, #tpu.memory_space<vmem>>, %arg10: memref<40x128xf32, #tpu.memory_space<vmem>>, %arg11: memref<40x128xf32, #tpu.memory_space<vmem>>, %arg12: memref<40x128xf32, #tpu.memory_space<vmem>>, %arg13: memref<40x128xf32, #tpu.memory_space<vmem>>, %arg14: memref<40x128xf32, #tpu.memory_space<vmem>>, %arg15: memref<10240x128xf32, #tpu.memory_space<vmem_shared>>, %arg16: memref<!tpu.dma_semaphore, #tpu.memory_space<semaphore_mem>>, %arg17: memref<!tpu.dma_semaphore, #tpu.memory_space<semaphore_mem>>, %arg18: memref<!tpu.dma_semaphore, #tpu.memory_space<semaphore_mem>>, %arg19: memref<!tpu.dma_semaphore, #tpu.memory_space<semaphore_mem>>, %arg20: memref<!tpu.dma_semaphore, #tpu.memory_space<semaphore_mem>>, %arg21: memref<!tpu.dma_semaphore, #tpu.memory_space<semaphore_mem>>, %arg22: memref<!tpu.dma_semaphore, #tpu.memory_space<semaphore_mem>>, %arg23: memref<!tpu.dma_semaphore, #tpu.memory_space<semaphore_mem>>, %arg24: memref<!tpu.dma_semaphore, #tpu.memory_space<semaphore_mem>>, %arg25: memref<!tpu.dma_semaphore, #tpu.memory_space<semaphore_mem>>) attributes {dimension_semantics = [#tpu.dimension_semantics<core_parallel>, #tpu.dimension_semantics<subcore_parallel>], iteration_bounds = array<i64: 2, 16>, scalar_prefetch = 0 : i64, scratch_operands = 18 : i64, tpu.core_type = #tpu.core_type<sc_vector_subcore>, window_params = [{transform_indices = #map}, {transform_indices = #map1}, {transform_indices = #map1}, {transform_indices = #map1}, {transform_indices = #map}, {transform_indices = #map2}]} {
    %mul3A = arith.constant 640 : i32
    %mul3A_0 = arith.muli %arg1, %mul3A : i32
    %mul3A_1 = arith.constant 640 : i32
    %mul3A_2 = arith.muli %arg1, %mul3A_1 : i32
    "tpu.region"() ({
      %run_scoped3A = tpu.sem_alloc : memref<!tpu.dma_semaphore, #tpu.memory_space<semaphore_mem>>
      %dma_start3A_121 = arith.constant 0 : i32
      %dma_start3A_122 = tpu.memref_slice %arg15[%mul3A_2, %dma_start3A_121] : memref<10240x128xf32, #tpu.memory_space<vmem_shared>> -> memref<640x128xf32, #tpu.memory_space<vmem_shared>>
      %dma_start3A_123 = arith.constant 0 : i32
      %dma_start3A_124 = tpu.memref_slice %arg6[%mul3A_0, %dma_start3A_123] : memref<10240x128xf32, #tpu.memory_space<hbm>> -> memref<640x128xf32, #tpu.memory_space<hbm>>
      tpu.enqueue_dma source(%dma_start3A_124 : memref<640x128xf32, #tpu.memory_space<hbm>>) target(%dma_start3A_122 : memref<640x128xf32, #tpu.memory_space<vmem_shared>>) target_semaphore(%run_scoped3A : memref<!tpu.dma_semaphore, #tpu.memory_space<semaphore_mem>>)
      %dma_wait3A_125 = arith.constant 0 : i32
      %dma_wait3A_126 = tpu.memref_slice %arg15[%mul3A_2, %dma_wait3A_125] : memref<10240x128xf32, #tpu.memory_space<vmem_shared>> -> memref<640x128xf32, #tpu.memory_space<vmem_shared>>
      %dma_wait3A_127 = arith.constant 0 : i32
      %dma_wait3A_128 = tpu.memref_slice %arg6[%mul3A_0, %dma_wait3A_127] : memref<10240x128xf32, #tpu.memory_space<hbm>> -> memref<640x128xf32, #tpu.memory_space<hbm>>
      tpu.wait_dma2 semaphore(%run_scoped3A : memref<!tpu.dma_semaphore, #tpu.memory_space<semaphore_mem>>) src(%dma_wait3A_128 : memref<640x128xf32, #tpu.memory_space<hbm>>) dst(%dma_wait3A_126 : memref<640x128xf32, #tpu.memory_space<vmem_shared>>)
      tpu.yield
    }) : () -> ()
    %mul3A_3 = arith.constant 10000 : i32
    %mul3A_4 = arith.muli %arg1, %mul3A_3 : i32
    %eq3A = arith.constant 0 : i32
    %eq3A_5 = arith.cmpi eq, %arg0, %eq3A : i32
    %convert_element_type3A = arith.extui %eq3A_5 : i1 to i32
    %cond3A = arith.constant 0 : i32
    %cond3A_6 = arith.cmpi ne, %convert_element_type3A, %cond3A : i32
    scf.if %cond3A_6 {
      "tpu.region"() ({
        %run_scoped3A = tpu.sem_alloc : memref<!tpu.dma_semaphore, #tpu.memory_space<semaphore_mem>>
        %dma_start3A_121 = tpu.memref_slice %arg3[%mul3A_4] : memref<160000xi32, #tpu.memory_space<hbm>> -> memref<10000xi32, #tpu.memory_space<hbm>>
        %dma_start3A_122 = tpu.memref_slice %arg3[%mul3A_4] : memref<160000xi32, #tpu.memory_space<hbm>> -> memref<10000xi32, #tpu.memory_space<hbm>>
        tpu.enqueue_dma source(%dma_start3A_122 : memref<10000xi32, #tpu.memory_space<hbm>>) target(%arg8 : memref<10000xi32, #tpu.memory_space<vmem>>) target_semaphore(%run_scoped3A : memref<!tpu.dma_semaphore, #tpu.memory_space<semaphore_mem>>)
        %dma_wait3A_123 = tpu.memref_slice %arg3[%mul3A_4] : memref<160000xi32, #tpu.memory_space<hbm>> -> memref<10000xi32, #tpu.memory_space<hbm>>
        %dma_wait3A_124 = tpu.memref_slice %arg3[%mul3A_4] : memref<160000xi32, #tpu.memory_space<hbm>> -> memref<10000xi32, #tpu.memory_space<hbm>>
        tpu.wait_dma2 semaphore(%run_scoped3A : memref<!tpu.dma_semaphore, #tpu.memory_space<semaphore_mem>>) src(%dma_wait3A_124 : memref<10000xi32, #tpu.memory_space<hbm>>) dst(%arg8 : memref<10000xi32, #tpu.memory_space<vmem>>)
        tpu.yield
      }) : () -> ()
    } else {
    }
    %eq3A_7 = arith.constant 1 : i32
    %eq3A_8 = arith.cmpi eq, %arg0, %eq3A_7 : i32
    %convert_element_type3A_9 = arith.extui %eq3A_8 : i1 to i32
    %cond3A_10 = arith.constant 0 : i32
    %cond3A_11 = arith.cmpi ne, %convert_element_type3A_9, %cond3A_10 : i32
    scf.if %cond3A_11 {
      "tpu.region"() ({
        %run_scoped3A = tpu.sem_alloc : memref<!tpu.dma_semaphore, #tpu.memory_space<semaphore_mem>>
        %dma_start3A_121 = tpu.memref_slice %arg4[%mul3A_4] : memref<160000xi32, #tpu.memory_space<hbm>> -> memref<10000xi32, #tpu.memory_space<hbm>>
        %dma_start3A_122 = tpu.memref_slice %arg4[%mul3A_4] : memref<160000xi32, #tpu.memory_space<hbm>> -> memref<10000xi32, #tpu.memory_space<hbm>>
        tpu.enqueue_dma source(%dma_start3A_122 : memref<10000xi32, #tpu.memory_space<hbm>>) target(%arg8 : memref<10000xi32, #tpu.memory_space<vmem>>) target_semaphore(%run_scoped3A : memref<!tpu.dma_semaphore, #tpu.memory_space<semaphore_mem>>)
        %dma_wait3A_123 = tpu.memref_slice %arg4[%mul3A_4] : memref<160000xi32, #tpu.memory_space<hbm>> -> memref<10000xi32, #tpu.memory_space<hbm>>
        %dma_wait3A_124 = tpu.memref_slice %arg4[%mul3A_4] : memref<160000xi32, #tpu.memory_space<hbm>> -> memref<10000xi32, #tpu.memory_space<hbm>>
        tpu.wait_dma2 semaphore(%run_scoped3A : memref<!tpu.dma_semaphore, #tpu.memory_space<semaphore_mem>>) src(%dma_wait3A_124 : memref<10000xi32, #tpu.memory_space<hbm>>) dst(%arg8 : memref<10000xi32, #tpu.memory_space<vmem>>)
        tpu.yield
      }) : () -> ()
    } else {
    }
    "tpu.region"() ({
      %run_scoped3A = tpu.sem_alloc : memref<!tpu.dma_semaphore, #tpu.memory_space<semaphore_mem>>
      %dma_start3A_121 = tpu.memref_slice %arg5[%mul3A_4] : memref<160000xi32, #tpu.memory_space<hbm>> -> memref<10000xi32, #tpu.memory_space<hbm>>
      %dma_start3A_122 = tpu.memref_slice %arg5[%mul3A_4] : memref<160000xi32, #tpu.memory_space<hbm>> -> memref<10000xi32, #tpu.memory_space<hbm>>
      tpu.enqueue_dma source(%dma_start3A_122 : memref<10000xi32, #tpu.memory_space<hbm>>) target(%arg9 : memref<10000xi32, #tpu.memory_space<vmem>>) target_semaphore(%run_scoped3A : memref<!tpu.dma_semaphore, #tpu.memory_space<semaphore_mem>>)
      %dma_wait3A_123 = tpu.memref_slice %arg5[%mul3A_4] : memref<160000xi32, #tpu.memory_space<hbm>> -> memref<10000xi32, #tpu.memory_space<hbm>>
      %dma_wait3A_124 = tpu.memref_slice %arg5[%mul3A_4] : memref<160000xi32, #tpu.memory_space<hbm>> -> memref<10000xi32, #tpu.memory_space<hbm>>
      tpu.wait_dma2 semaphore(%run_scoped3A : memref<!tpu.dma_semaphore, #tpu.memory_space<semaphore_mem>>) src(%dma_wait3A_124 : memref<10000xi32, #tpu.memory_space<hbm>>) dst(%arg9 : memref<10000xi32, #tpu.memory_space<vmem>>)
      tpu.yield
    }) : () -> ()
    %barrier3A = arith.constant 0 : index
    tpu.barrier barrier_id(%barrier3A)
    %dma_start3A = arith.constant 0 : i32
    %dma_start3A_12 = tpu.memref_slice %arg8[%dma_start3A] : memref<10000xi32, #tpu.memory_space<vmem>> -> memref<40xi32, #tpu.memory_space<vmem>>
    %dma_start3A_13 = arith.constant 0 : i32
    %dma_start3A_14 = arith.constant 0 : i32
    %dma_start3A_15 = tpu.memref_slice %arg2[%dma_start3A_13, %dma_start3A_14] : memref<20000x128xf32, #tpu.memory_space<hbm>> -> memref<20000x128xf32, #tpu.memory_space<hbm>>
    tpu.enqueue_indirect_dma source(%dma_start3A_15 : memref<20000x128xf32, #tpu.memory_space<hbm>>) target(%arg10 : memref<40x128xf32, #tpu.memory_space<vmem>>) offsets(%dma_start3A_12 : memref<40xi32, #tpu.memory_space<vmem>>) semaphore(%arg16 : memref<!tpu.dma_semaphore, #tpu.memory_space<semaphore_mem>>)
    %dma_start3A_16 = arith.constant 40 : i32
    %dma_start3A_17 = tpu.memref_slice %arg8[%dma_start3A_16] : memref<10000xi32, #tpu.memory_space<vmem>> -> memref<40xi32, #tpu.memory_space<vmem>>
    %dma_start3A_18 = arith.constant 0 : i32
    %dma_start3A_19 = arith.constant 0 : i32
    %dma_start3A_20 = tpu.memref_slice %arg2[%dma_start3A_18, %dma_start3A_19] : memref<20000x128xf32, #tpu.memory_space<hbm>> -> memref<20000x128xf32, #tpu.memory_space<hbm>>
    tpu.enqueue_indirect_dma source(%dma_start3A_20 : memref<20000x128xf32, #tpu.memory_space<hbm>>) target(%arg11 : memref<40x128xf32, #tpu.memory_space<vmem>>) offsets(%dma_start3A_17 : memref<40xi32, #tpu.memory_space<vmem>>) semaphore(%arg17 : memref<!tpu.dma_semaphore, #tpu.memory_space<semaphore_mem>>)
    %dma_start3A_21 = arith.constant 80 : i32
    %dma_start3A_22 = tpu.memref_slice %arg8[%dma_start3A_21] : memref<10000xi32, #tpu.memory_space<vmem>> -> memref<40xi32, #tpu.memory_space<vmem>>
    %dma_start3A_23 = arith.constant 0 : i32
    %dma_start3A_24 = arith.constant 0 : i32
    %dma_start3A_25 = tpu.memref_slice %arg2[%dma_start3A_23, %dma_start3A_24] : memref<20000x128xf32, #tpu.memory_space<hbm>> -> memref<20000x128xf32, #tpu.memory_space<hbm>>
    tpu.enqueue_indirect_dma source(%dma_start3A_25 : memref<20000x128xf32, #tpu.memory_space<hbm>>) target(%arg12 : memref<40x128xf32, #tpu.memory_space<vmem>>) offsets(%dma_start3A_22 : memref<40xi32, #tpu.memory_space<vmem>>) semaphore(%arg18 : memref<!tpu.dma_semaphore, #tpu.memory_space<semaphore_mem>>)
    %dma_start3A_26 = arith.constant 120 : i32
    %dma_start3A_27 = tpu.memref_slice %arg8[%dma_start3A_26] : memref<10000xi32, #tpu.memory_space<vmem>> -> memref<40xi32, #tpu.memory_space<vmem>>
    %dma_start3A_28 = arith.constant 0 : i32
    %dma_start3A_29 = arith.constant 0 : i32
    %dma_start3A_30 = tpu.memref_slice %arg2[%dma_start3A_28, %dma_start3A_29] : memref<20000x128xf32, #tpu.memory_space<hbm>> -> memref<20000x128xf32, #tpu.memory_space<hbm>>
    tpu.enqueue_indirect_dma source(%dma_start3A_30 : memref<20000x128xf32, #tpu.memory_space<hbm>>) target(%arg13 : memref<40x128xf32, #tpu.memory_space<vmem>>) offsets(%dma_start3A_27 : memref<40xi32, #tpu.memory_space<vmem>>) semaphore(%arg19 : memref<!tpu.dma_semaphore, #tpu.memory_space<semaphore_mem>>)
    %dma_start3A_31 = arith.constant 160 : i32
    %dma_start3A_32 = tpu.memref_slice %arg8[%dma_start3A_31] : memref<10000xi32, #tpu.memory_space<vmem>> -> memref<40xi32, #tpu.memory_space<vmem>>
    %dma_start3A_33 = arith.constant 0 : i32
    %dma_start3A_34 = arith.constant 0 : i32
    %dma_start3A_35 = tpu.memref_slice %arg2[%dma_start3A_33, %dma_start3A_34] : memref<20000x128xf32, #tpu.memory_space<hbm>> -> memref<20000x128xf32, #tpu.memory_space<hbm>>
    tpu.enqueue_indirect_dma source(%dma_start3A_35 : memref<20000x128xf32, #tpu.memory_space<hbm>>) target(%arg14 : memref<40x128xf32, #tpu.memory_space<vmem>>) offsets(%dma_start3A_32 : memref<40xi32, #tpu.memory_space<vmem>>) semaphore(%arg20 : memref<!tpu.dma_semaphore, #tpu.memory_space<semaphore_mem>>)
    %scan3A = arith.constant 0 : i32
    %scan3A_36 = arith.constant 0 : i32
    %scan3A_37 = arith.constant 49 : i32
    %scan3A_38 = arith.addi %scan3A_36, %scan3A_37 : i32
    %scan3A_39 = arith.constant 1 : i32
    %scan3A_40 = scf.for %scan3A_121 = %scan3A_36 to %scan3A_38 step %scan3A_39 iter_args(%scan3A_122 = %scan3A) -> (i32)  : i32 {
      %mul3A_123 = arith.constant 5 : i32
      %mul3A_124 = arith.muli %mul3A_123, %scan3A_121 : i32
      %dma_wait3A_125 = arith.constant 0 : i32
      %dma_wait3A_126 = tpu.memref_slice %arg8[%dma_wait3A_125] : memref<10000xi32, #tpu.memory_space<vmem>> -> memref<40xi32, #tpu.memory_space<vmem>>
      %dma_wait3A_127 = arith.constant 0 : i32
      %dma_wait3A_128 = arith.constant 0 : i32
      %dma_wait3A_129 = tpu.memref_slice %arg2[%dma_wait3A_127, %dma_wait3A_128] : memref<20000x128xf32, #tpu.memory_space<hbm>> -> memref<20000x128xf32, #tpu.memory_space<hbm>>
      tpu.wait_indirect_dma semaphore(%arg16 : memref<!tpu.dma_semaphore, #tpu.memory_space<semaphore_mem>>) src(%dma_wait3A_129 : memref<20000x128xf32, #tpu.memory_space<hbm>>) dst(%arg10 : memref<40x128xf32, #tpu.memory_space<vmem>>)
      %add3A = arith.constant 0 : i32
      %add3A_130 = arith.addi %mul3A_124, %add3A : i32
      %mul3A_131 = arith.constant 40 : i32
      %mul3A_132 = arith.muli %add3A_130, %mul3A_131 : i32
      %dma_start3A_133 = tpu.memref_slice %arg9[%mul3A_132] : memref<10000xi32, #tpu.memory_space<vmem>> -> memref<40xi32, #tpu.memory_space<vmem>>
      %dma_start3A_134 = arith.constant 0 : i32
      %dma_start3A_135 = arith.constant 0 : i32
      %dma_start3A_136 = tpu.memref_slice %arg15[%dma_start3A_134, %dma_start3A_135] : memref<10240x128xf32, #tpu.memory_space<vmem_shared>> -> memref<10240x128xf32, #tpu.memory_space<vmem_shared>>
      tpu.enqueue_indirect_dma source(%arg10 : memref<40x128xf32, #tpu.memory_space<vmem>>) target(%dma_start3A_136 : memref<10240x128xf32, #tpu.memory_space<vmem_shared>>) offsets(%dma_start3A_133 : memref<40xi32, #tpu.memory_space<vmem>>) semaphore(%arg21 : memref<!tpu.dma_semaphore, #tpu.memory_space<semaphore_mem>>) {add = true}
      %dma_wait3A_137 = arith.constant 0 : i32
      %dma_wait3A_138 = tpu.memref_slice %arg8[%dma_wait3A_137] : memref<10000xi32, #tpu.memory_space<vmem>> -> memref<40xi32, #tpu.memory_space<vmem>>
      %dma_wait3A_139 = arith.constant 0 : i32
      %dma_wait3A_140 = arith.constant 0 : i32
      %dma_wait3A_141 = tpu.memref_slice %arg2[%dma_wait3A_139, %dma_wait3A_140] : memref<20000x128xf32, #tpu.memory_space<hbm>> -> memref<20000x128xf32, #tpu.memory_space<hbm>>
      tpu.wait_indirect_dma semaphore(%arg17 : memref<!tpu.dma_semaphore, #tpu.memory_space<semaphore_mem>>) src(%dma_wait3A_141 : memref<20000x128xf32, #tpu.memory_space<hbm>>) dst(%arg11 : memref<40x128xf32, #tpu.memory_space<vmem>>)
      %add3A_142 = arith.constant 1 : i32
      %add3A_143 = arith.addi %mul3A_124, %add3A_142 : i32
      %mul3A_144 = arith.constant 40 : i32
      %mul3A_145 = arith.muli %add3A_143, %mul3A_144 : i32
      %dma_start3A_146 = tpu.memref_slice %arg9[%mul3A_145] : memref<10000xi32, #tpu.memory_space<vmem>> -> memref<40xi32, #tpu.memory_space<vmem>>
      %dma_start3A_147 = arith.constant 0 : i32
      %dma_start3A_148 = arith.constant 0 : i32
      %dma_start3A_149 = tpu.memref_slice %arg15[%dma_start3A_147, %dma_start3A_148] : memref<10240x128xf32, #tpu.memory_space<vmem_shared>> -> memref<10240x128xf32, #tpu.memory_space<vmem_shared>>
      tpu.enqueue_indirect_dma source(%arg11 : memref<40x128xf32, #tpu.memory_space<vmem>>) target(%dma_start3A_149 : memref<10240x128xf32, #tpu.memory_space<vmem_shared>>) offsets(%dma_start3A_146 : memref<40xi32, #tpu.memory_space<vmem>>) semaphore(%arg22 : memref<!tpu.dma_semaphore, #tpu.memory_space<semaphore_mem>>) {add = true}
      %dma_wait3A_150 = arith.constant 0 : i32
      %dma_wait3A_151 = tpu.memref_slice %arg8[%dma_wait3A_150] : memref<10000xi32, #tpu.memory_space<vmem>> -> memref<40xi32, #tpu.memory_space<vmem>>
      %dma_wait3A_152 = arith.constant 0 : i32
      %dma_wait3A_153 = arith.constant 0 : i32
      %dma_wait3A_154 = tpu.memref_slice %arg2[%dma_wait3A_152, %dma_wait3A_153] : memref<20000x128xf32, #tpu.memory_space<hbm>> -> memref<20000x128xf32, #tpu.memory_space<hbm>>
      tpu.wait_indirect_dma semaphore(%arg18 : memref<!tpu.dma_semaphore, #tpu.memory_space<semaphore_mem>>) src(%dma_wait3A_154 : memref<20000x128xf32, #tpu.memory_space<hbm>>) dst(%arg12 : memref<40x128xf32, #tpu.memory_space<vmem>>)
      %add3A_155 = arith.constant 2 : i32
      %add3A_156 = arith.addi %mul3A_124, %add3A_155 : i32
      %mul3A_157 = arith.constant 40 : i32
      %mul3A_158 = arith.muli %add3A_156, %mul3A_157 : i32
      %dma_start3A_159 = tpu.memref_slice %arg9[%mul3A_158] : memref<10000xi32, #tpu.memory_space<vmem>> -> memref<40xi32, #tpu.memory_space<vmem>>
      %dma_start3A_160 = arith.constant 0 : i32
      %dma_start3A_161 = arith.constant 0 : i32
      %dma_start3A_162 = tpu.memref_slice %arg15[%dma_start3A_160, %dma_start3A_161] : memref<10240x128xf32, #tpu.memory_space<vmem_shared>> -> memref<10240x128xf32, #tpu.memory_space<vmem_shared>>
      tpu.enqueue_indirect_dma source(%arg12 : memref<40x128xf32, #tpu.memory_space<vmem>>) target(%dma_start3A_162 : memref<10240x128xf32, #tpu.memory_space<vmem_shared>>) offsets(%dma_start3A_159 : memref<40xi32, #tpu.memory_space<vmem>>) semaphore(%arg23 : memref<!tpu.dma_semaphore, #tpu.memory_space<semaphore_mem>>) {add = true}
      %dma_wait3A_163 = arith.constant 0 : i32
      %dma_wait3A_164 = tpu.memref_slice %arg8[%dma_wait3A_163] : memref<10000xi32, #tpu.memory_space<vmem>> -> memref<40xi32, #tpu.memory_space<vmem>>
      %dma_wait3A_165 = arith.constant 0 : i32
      %dma_wait3A_166 = arith.constant 0 : i32
      %dma_wait3A_167 = tpu.memref_slice %arg2[%dma_wait3A_165, %dma_wait3A_166] : memref<20000x128xf32, #tpu.memory_space<hbm>> -> memref<20000x128xf32, #tpu.memory_space<hbm>>
      tpu.wait_indirect_dma semaphore(%arg19 : memref<!tpu.dma_semaphore, #tpu.memory_space<semaphore_mem>>) src(%dma_wait3A_167 : memref<20000x128xf32, #tpu.memory_space<hbm>>) dst(%arg13 : memref<40x128xf32, #tpu.memory_space<vmem>>)
      %add3A_168 = arith.constant 3 : i32
      %add3A_169 = arith.addi %mul3A_124, %add3A_168 : i32
      %mul3A_170 = arith.constant 40 : i32
      %mul3A_171 = arith.muli %add3A_169, %mul3A_170 : i32
      %dma_start3A_172 = tpu.memref_slice %arg9[%mul3A_171] : memref<10000xi32, #tpu.memory_space<vmem>> -> memref<40xi32, #tpu.memory_space<vmem>>
      %dma_start3A_173 = arith.constant 0 : i32
      %dma_start3A_174 = arith.constant 0 : i32
      %dma_start3A_175 = tpu.memref_slice %arg15[%dma_start3A_173, %dma_start3A_174] : memref<10240x128xf32, #tpu.memory_space<vmem_shared>> -> memref<10240x128xf32, #tpu.memory_space<vmem_shared>>
      tpu.enqueue_indirect_dma source(%arg13 : memref<40x128xf32, #tpu.memory_space<vmem>>) target(%dma_start3A_175 : memref<10240x128xf32, #tpu.memory_space<vmem_shared>>) offsets(%dma_start3A_172 : memref<40xi32, #tpu.memory_space<vmem>>) semaphore(%arg24 : memref<!tpu.dma_semaphore, #tpu.memory_space<semaphore_mem>>) {add = true}
      %dma_wait3A_176 = arith.constant 0 : i32
      %dma_wait3A_177 = tpu.memref_slice %arg8[%dma_wait3A_176] : memref<10000xi32, #tpu.memory_space<vmem>> -> memref<40xi32, #tpu.memory_space<vmem>>
      %dma_wait3A_178 = arith.constant 0 : i32
      %dma_wait3A_179 = arith.constant 0 : i32
      %dma_wait3A_180 = tpu.memref_slice %arg2[%dma_wait3A_178, %dma_wait3A_179] : memref<20000x128xf32, #tpu.memory_space<hbm>> -> memref<20000x128xf32, #tpu.memory_space<hbm>>
      tpu.wait_indirect_dma semaphore(%arg20 : memref<!tpu.dma_semaphore, #tpu.memory_space<semaphore_mem>>) src(%dma_wait3A_180 : memref<20000x128xf32, #tpu.memory_space<hbm>>) dst(%arg14 : memref<40x128xf32, #tpu.memory_space<vmem>>)
      %add3A_181 = arith.constant 4 : i32
      %add3A_182 = arith.addi %mul3A_124, %add3A_181 : i32
      %mul3A_183 = arith.constant 40 : i32
      %mul3A_184 = arith.muli %add3A_182, %mul3A_183 : i32
      %dma_start3A_185 = tpu.memref_slice %arg9[%mul3A_184] : memref<10000xi32, #tpu.memory_space<vmem>> -> memref<40xi32, #tpu.memory_space<vmem>>
      %dma_start3A_186 = arith.constant 0 : i32
      %dma_start3A_187 = arith.constant 0 : i32
      %dma_start3A_188 = tpu.memref_slice %arg15[%dma_start3A_186, %dma_start3A_187] : memref<10240x128xf32, #tpu.memory_space<vmem_shared>> -> memref<10240x128xf32, #tpu.memory_space<vmem_shared>>
      tpu.enqueue_indirect_dma source(%arg14 : memref<40x128xf32, #tpu.memory_space<vmem>>) target(%dma_start3A_188 : memref<10240x128xf32, #tpu.memory_space<vmem_shared>>) offsets(%dma_start3A_185 : memref<40xi32, #tpu.memory_space<vmem>>) semaphore(%arg25 : memref<!tpu.dma_semaphore, #tpu.memory_space<semaphore_mem>>) {add = true}
      %dma_wait3A_189 = arith.constant 0 : i32
      %dma_wait3A_190 = tpu.memref_slice %arg9[%dma_wait3A_189] : memref<10000xi32, #tpu.memory_space<vmem>> -> memref<40xi32, #tpu.memory_space<vmem>>
      %dma_wait3A_191 = arith.constant 0 : i32
      %dma_wait3A_192 = arith.constant 0 : i32
      %dma_wait3A_193 = tpu.memref_slice %arg15[%dma_wait3A_191, %dma_wait3A_192] : memref<10240x128xf32, #tpu.memory_space<vmem_shared>> -> memref<10240x128xf32, #tpu.memory_space<vmem_shared>>
      tpu.wait_indirect_dma semaphore(%arg21 : memref<!tpu.dma_semaphore, #tpu.memory_space<semaphore_mem>>) src(%arg10 : memref<40x128xf32, #tpu.memory_space<vmem>>) dst(%dma_wait3A_193 : memref<10240x128xf32, #tpu.memory_space<vmem_shared>>)
      %add3A_194 = arith.constant 5 : i32
      %add3A_195 = arith.addi %mul3A_124, %add3A_194 : i32
      %add3A_196 = arith.constant 0 : i32
      %add3A_197 = arith.addi %add3A_195, %add3A_196 : i32
      %mul3A_198 = arith.constant 40 : i32
      %mul3A_199 = arith.muli %add3A_197, %mul3A_198 : i32
      %dma_start3A_200 = tpu.memref_slice %arg8[%mul3A_199] : memref<10000xi32, #tpu.memory_space<vmem>> -> memref<40xi32, #tpu.memory_space<vmem>>
      %dma_start3A_201 = arith.constant 0 : i32
      %dma_start3A_202 = arith.constant 0 : i32
      %dma_start3A_203 = tpu.memref_slice %arg2[%dma_start3A_201, %dma_start3A_202] : memref<20000x128xf32, #tpu.memory_space<hbm>> -> memref<20000x128xf32, #tpu.memory_space<hbm>>
      tpu.enqueue_indirect_dma source(%dma_start3A_203 : memref<20000x128xf32, #tpu.memory_space<hbm>>) target(%arg10 : memref<40x128xf32, #tpu.memory_space<vmem>>) offsets(%dma_start3A_200 : memref<40xi32, #tpu.memory_space<vmem>>) semaphore(%arg16 : memref<!tpu.dma_semaphore, #tpu.memory_space<semaphore_mem>>)
      %dma_wait3A_204 = arith.constant 0 : i32
      %dma_wait3A_205 = tpu.memref_slice %arg9[%dma_wait3A_204] : memref<10000xi32, #tpu.memory_space<vmem>> -> memref<40xi32, #tpu.memory_space<vmem>>
      %dma_wait3A_206 = arith.constant 0 : i32
      %dma_wait3A_207 = arith.constant 0 : i32
      %dma_wait3A_208 = tpu.memref_slice %arg15[%dma_wait3A_206, %dma_wait3A_207] : memref<10240x128xf32, #tpu.memory_space<vmem_shared>> -> memref<10240x128xf32, #tpu.memory_space<vmem_shared>>
      tpu.wait_indirect_dma semaphore(%arg22 : memref<!tpu.dma_semaphore, #tpu.memory_space<semaphore_mem>>) src(%arg11 : memref<40x128xf32, #tpu.memory_space<vmem>>) dst(%dma_wait3A_208 : memref<10240x128xf32, #tpu.memory_space<vmem_shared>>)
      %add3A_209 = arith.constant 5 : i32
      %add3A_210 = arith.addi %mul3A_124, %add3A_209 : i32
      %add3A_211 = arith.constant 1 : i32
      %add3A_212 = arith.addi %add3A_210, %add3A_211 : i32
      %mul3A_213 = arith.constant 40 : i32
      %mul3A_214 = arith.muli %add3A_212, %mul3A_213 : i32
      %dma_start3A_215 = tpu.memref_slice %arg8[%mul3A_214] : memref<10000xi32, #tpu.memory_space<vmem>> -> memref<40xi32, #tpu.memory_space<vmem>>
      %dma_start3A_216 = arith.constant 0 : i32
      %dma_start3A_217 = arith.constant 0 : i32
      %dma_start3A_218 = tpu.memref_slice %arg2[%dma_start3A_216, %dma_start3A_217] : memref<20000x128xf32, #tpu.memory_space<hbm>> -> memref<20000x128xf32, #tpu.memory_space<hbm>>
      tpu.enqueue_indirect_dma source(%dma_start3A_218 : memref<20000x128xf32, #tpu.memory_space<hbm>>) target(%arg11 : memref<40x128xf32, #tpu.memory_space<vmem>>) offsets(%dma_start3A_215 : memref<40xi32, #tpu.memory_space<vmem>>) semaphore(%arg17 : memref<!tpu.dma_semaphore, #tpu.memory_space<semaphore_mem>>)
      %dma_wait3A_219 = arith.constant 0 : i32
      %dma_wait3A_220 = tpu.memref_slice %arg9[%dma_wait3A_219] : memref<10000xi32, #tpu.memory_space<vmem>> -> memref<40xi32, #tpu.memory_space<vmem>>
      %dma_wait3A_221 = arith.constant 0 : i32
      %dma_wait3A_222 = arith.constant 0 : i32
      %dma_wait3A_223 = tpu.memref_slice %arg15[%dma_wait3A_221, %dma_wait3A_222] : memref<10240x128xf32, #tpu.memory_space<vmem_shared>> -> memref<10240x128xf32, #tpu.memory_space<vmem_shared>>
      tpu.wait_indirect_dma semaphore(%arg23 : memref<!tpu.dma_semaphore, #tpu.memory_space<semaphore_mem>>) src(%arg12 : memref<40x128xf32, #tpu.memory_space<vmem>>) dst(%dma_wait3A_223 : memref<10240x128xf32, #tpu.memory_space<vmem_shared>>)
      %add3A_224 = arith.constant 5 : i32
      %add3A_225 = arith.addi %mul3A_124, %add3A_224 : i32
      %add3A_226 = arith.constant 2 : i32
      %add3A_227 = arith.addi %add3A_225, %add3A_226 : i32
      %mul3A_228 = arith.constant 40 : i32
      %mul3A_229 = arith.muli %add3A_227, %mul3A_228 : i32
      %dma_start3A_230 = tpu.memref_slice %arg8[%mul3A_229] : memref<10000xi32, #tpu.memory_space<vmem>> -> memref<40xi32, #tpu.memory_space<vmem>>
      %dma_start3A_231 = arith.constant 0 : i32
      %dma_start3A_232 = arith.constant 0 : i32
      %dma_start3A_233 = tpu.memref_slice %arg2[%dma_start3A_231, %dma_start3A_232] : memref<20000x128xf32, #tpu.memory_space<hbm>> -> memref<20000x128xf32, #tpu.memory_space<hbm>>
      tpu.enqueue_indirect_dma source(%dma_start3A_233 : memref<20000x128xf32, #tpu.memory_space<hbm>>) target(%arg12 : memref<40x128xf32, #tpu.memory_space<vmem>>) offsets(%dma_start3A_230 : memref<40xi32, #tpu.memory_space<vmem>>) semaphore(%arg18 : memref<!tpu.dma_semaphore, #tpu.memory_space<semaphore_mem>>)
      %dma_wait3A_234 = arith.constant 0 : i32
      %dma_wait3A_235 = tpu.memref_slice %arg9[%dma_wait3A_234] : memref<10000xi32, #tpu.memory_space<vmem>> -> memref<40xi32, #tpu.memory_space<vmem>>
      %dma_wait3A_236 = arith.constant 0 : i32
      %dma_wait3A_237 = arith.constant 0 : i32
      %dma_wait3A_238 = tpu.memref_slice %arg15[%dma_wait3A_236, %dma_wait3A_237] : memref<10240x128xf32, #tpu.memory_space<vmem_shared>> -> memref<10240x128xf32, #tpu.memory_space<vmem_shared>>
      tpu.wait_indirect_dma semaphore(%arg24 : memref<!tpu.dma_semaphore, #tpu.memory_space<semaphore_mem>>) src(%arg13 : memref<40x128xf32, #tpu.memory_space<vmem>>) dst(%dma_wait3A_238 : memref<10240x128xf32, #tpu.memory_space<vmem_shared>>)
      %add3A_239 = arith.constant 5 : i32
      %add3A_240 = arith.addi %mul3A_124, %add3A_239 : i32
      %add3A_241 = arith.constant 3 : i32
      %add3A_242 = arith.addi %add3A_240, %add3A_241 : i32
      %mul3A_243 = arith.constant 40 : i32
      %mul3A_244 = arith.muli %add3A_242, %mul3A_243 : i32
      %dma_start3A_245 = tpu.memref_slice %arg8[%mul3A_244] : memref<10000xi32, #tpu.memory_space<vmem>> -> memref<40xi32, #tpu.memory_space<vmem>>
      %dma_start3A_246 = arith.constant 0 : i32
      %dma_start3A_247 = arith.constant 0 : i32
      %dma_start3A_248 = tpu.memref_slice %arg2[%dma_start3A_246, %dma_start3A_247] : memref<20000x128xf32, #tpu.memory_space<hbm>> -> memref<20000x128xf32, #tpu.memory_space<hbm>>
      tpu.enqueue_indirect_dma source(%dma_start3A_248 : memref<20000x128xf32, #tpu.memory_space<hbm>>) target(%arg13 : memref<40x128xf32, #tpu.memory_space<vmem>>) offsets(%dma_start3A_245 : memref<40xi32, #tpu.memory_space<vmem>>) semaphore(%arg19 : memref<!tpu.dma_semaphore, #tpu.memory_space<semaphore_mem>>)
      %dma_wait3A_249 = arith.constant 0 : i32
      %dma_wait3A_250 = tpu.memref_slice %arg9[%dma_wait3A_249] : memref<10000xi32, #tpu.memory_space<vmem>> -> memref<40xi32, #tpu.memory_space<vmem>>
      %dma_wait3A_251 = arith.constant 0 : i32
      %dma_wait3A_252 = arith.constant 0 : i32
      %dma_wait3A_253 = tpu.memref_slice %arg15[%dma_wait3A_251, %dma_wait3A_252] : memref<10240x128xf32, #tpu.memory_space<vmem_shared>> -> memref<10240x128xf32, #tpu.memory_space<vmem_shared>>
      tpu.wait_indirect_dma semaphore(%arg25 : memref<!tpu.dma_semaphore, #tpu.memory_space<semaphore_mem>>) src(%arg14 : memref<40x128xf32, #tpu.memory_space<vmem>>) dst(%dma_wait3A_253 : memref<10240x128xf32, #tpu.memory_space<vmem_shared>>)
      %add3A_254 = arith.constant 5 : i32
      %add3A_255 = arith.addi %mul3A_124, %add3A_254 : i32
      %add3A_256 = arith.constant 4 : i32
      %add3A_257 = arith.addi %add3A_255, %add3A_256 : i32
      %mul3A_258 = arith.constant 40 : i32
      %mul3A_259 = arith.muli %add3A_257, %mul3A_258 : i32
      %dma_start3A_260 = tpu.memref_slice %arg8[%mul3A_259] : memref<10000xi32, #tpu.memory_space<vmem>> -> memref<40xi32, #tpu.memory_space<vmem>>
      %dma_start3A_261 = arith.constant 0 : i32
      %dma_start3A_262 = arith.constant 0 : i32
      %dma_start3A_263 = tpu.memref_slice %arg2[%dma_start3A_261, %dma_start3A_262] : memref<20000x128xf32, #tpu.memory_space<hbm>> -> memref<20000x128xf32, #tpu.memory_space<hbm>>
      tpu.enqueue_indirect_dma source(%dma_start3A_263 : memref<20000x128xf32, #tpu.memory_space<hbm>>) target(%arg14 : memref<40x128xf32, #tpu.memory_space<vmem>>) offsets(%dma_start3A_260 : memref<40xi32, #tpu.memory_space<vmem>>) semaphore(%arg20 : memref<!tpu.dma_semaphore, #tpu.memory_space<semaphore_mem>>)
      %scan3A_264 = arith.constant 0 : i32
      scf.yield %scan3A_264 : i32
    }
    %scan3A_41 = arith.constant 49 : i32
    %dma_wait3A = arith.constant 0 : i32
    %dma_wait3A_42 = tpu.memref_slice %arg8[%dma_wait3A] : memref<10000xi32, #tpu.memory_space<vmem>> -> memref<40xi32, #tpu.memory_space<vmem>>
    %dma_wait3A_43 = arith.constant 0 : i32
    %dma_wait3A_44 = arith.constant 0 : i32
    %dma_wait3A_45 = tpu.memref_slice %arg2[%dma_wait3A_43, %dma_wait3A_44] : memref<20000x128xf32, #tpu.memory_space<hbm>> -> memref<20000x128xf32, #tpu.memory_space<hbm>>
    tpu.wait_indirect_dma semaphore(%arg16 : memref<!tpu.dma_semaphore, #tpu.memory_space<semaphore_mem>>) src(%dma_wait3A_45 : memref<20000x128xf32, #tpu.memory_space<hbm>>) dst(%arg10 : memref<40x128xf32, #tpu.memory_space<vmem>>)
    %dma_start3A_46 = arith.constant 9800 : i32
    %dma_start3A_47 = tpu.memref_slice %arg9[%dma_start3A_46] : memref<10000xi32, #tpu.memory_space<vmem>> -> memref<40xi32, #tpu.memory_space<vmem>>
    %dma_start3A_48 = arith.constant 0 : i32
    %dma_start3A_49 = arith.constant 0 : i32
    %dma_start3A_50 = tpu.memref_slice %arg15[%dma_start3A_48, %dma_start3A_49] : memref<10240x128xf32, #tpu.memory_space<vmem_shared>> -> memref<10240x128xf32, #tpu.memory_space<vmem_shared>>
    tpu.enqueue_indirect_dma source(%arg10 : memref<40x128xf32, #tpu.memory_space<vmem>>) target(%dma_start3A_50 : memref<10240x128xf32, #tpu.memory_space<vmem_shared>>) offsets(%dma_start3A_47 : memref<40xi32, #tpu.memory_space<vmem>>) semaphore(%arg21 : memref<!tpu.dma_semaphore, #tpu.memory_space<semaphore_mem>>) {add = true}
    %dma_wait3A_51 = arith.constant 0 : i32
    %dma_wait3A_52 = tpu.memref_slice %arg8[%dma_wait3A_51] : memref<10000xi32, #tpu.memory_space<vmem>> -> memref<40xi32, #tpu.memory_space<vmem>>
    %dma_wait3A_53 = arith.constant 0 : i32
    %dma_wait3A_54 = arith.constant 0 : i32
    %dma_wait3A_55 = tpu.memref_slice %arg2[%dma_wait3A_53, %dma_wait3A_54] : memref<20000x128xf32, #tpu.memory_space<hbm>> -> memref<20000x128xf32, #tpu.memory_space<hbm>>
    tpu.wait_indirect_dma semaphore(%arg17 : memref<!tpu.dma_semaphore, #tpu.memory_space<semaphore_mem>>) src(%dma_wait3A_55 : memref<20000x128xf32, #tpu.memory_space<hbm>>) dst(%arg11 : memref<40x128xf32, #tpu.memory_space<vmem>>)
    %dma_start3A_56 = arith.constant 9840 : i32
    %dma_start3A_57 = tpu.memref_slice %arg9[%dma_start3A_56] : memref<10000xi32, #tpu.memory_space<vmem>> -> memref<40xi32, #tpu.memory_space<vmem>>
    %dma_start3A_58 = arith.constant 0 : i32
    %dma_start3A_59 = arith.constant 0 : i32
    %dma_start3A_60 = tpu.memref_slice %arg15[%dma_start3A_58, %dma_start3A_59] : memref<10240x128xf32, #tpu.memory_space<vmem_shared>> -> memref<10240x128xf32, #tpu.memory_space<vmem_shared>>
    tpu.enqueue_indirect_dma source(%arg11 : memref<40x128xf32, #tpu.memory_space<vmem>>) target(%dma_start3A_60 : memref<10240x128xf32, #tpu.memory_space<vmem_shared>>) offsets(%dma_start3A_57 : memref<40xi32, #tpu.memory_space<vmem>>) semaphore(%arg22 : memref<!tpu.dma_semaphore, #tpu.memory_space<semaphore_mem>>) {add = true}
    %dma_wait3A_61 = arith.constant 0 : i32
    %dma_wait3A_62 = tpu.memref_slice %arg8[%dma_wait3A_61] : memref<10000xi32, #tpu.memory_space<vmem>> -> memref<40xi32, #tpu.memory_space<vmem>>
    %dma_wait3A_63 = arith.constant 0 : i32
    %dma_wait3A_64 = arith.constant 0 : i32
    %dma_wait3A_65 = tpu.memref_slice %arg2[%dma_wait3A_63, %dma_wait3A_64] : memref<20000x128xf32, #tpu.memory_space<hbm>> -> memref<20000x128xf32, #tpu.memory_space<hbm>>
    tpu.wait_indirect_dma semaphore(%arg18 : memref<!tpu.dma_semaphore, #tpu.memory_space<semaphore_mem>>) src(%dma_wait3A_65 : memref<20000x128xf32, #tpu.memory_space<hbm>>) dst(%arg12 : memref<40x128xf32, #tpu.memory_space<vmem>>)
    %dma_start3A_66 = arith.constant 9880 : i32
    %dma_start3A_67 = tpu.memref_slice %arg9[%dma_start3A_66] : memref<10000xi32, #tpu.memory_space<vmem>> -> memref<40xi32, #tpu.memory_space<vmem>>
    %dma_start3A_68 = arith.constant 0 : i32
    %dma_start3A_69 = arith.constant 0 : i32
    %dma_start3A_70 = tpu.memref_slice %arg15[%dma_start3A_68, %dma_start3A_69] : memref<10240x128xf32, #tpu.memory_space<vmem_shared>> -> memref<10240x128xf32, #tpu.memory_space<vmem_shared>>
    tpu.enqueue_indirect_dma source(%arg12 : memref<40x128xf32, #tpu.memory_space<vmem>>) target(%dma_start3A_70 : memref<10240x128xf32, #tpu.memory_space<vmem_shared>>) offsets(%dma_start3A_67 : memref<40xi32, #tpu.memory_space<vmem>>) semaphore(%arg23 : memref<!tpu.dma_semaphore, #tpu.memory_space<semaphore_mem>>) {add = true}
    %dma_wait3A_71 = arith.constant 0 : i32
    %dma_wait3A_72 = tpu.memref_slice %arg8[%dma_wait3A_71] : memref<10000xi32, #tpu.memory_space<vmem>> -> memref<40xi32, #tpu.memory_space<vmem>>
    %dma_wait3A_73 = arith.constant 0 : i32
    %dma_wait3A_74 = arith.constant 0 : i32
    %dma_wait3A_75 = tpu.memref_slice %arg2[%dma_wait3A_73, %dma_wait3A_74] : memref<20000x128xf32, #tpu.memory_space<hbm>> -> memref<20000x128xf32, #tpu.memory_space<hbm>>
    tpu.wait_indirect_dma semaphore(%arg19 : memref<!tpu.dma_semaphore, #tpu.memory_space<semaphore_mem>>) src(%dma_wait3A_75 : memref<20000x128xf32, #tpu.memory_space<hbm>>) dst(%arg13 : memref<40x128xf32, #tpu.memory_space<vmem>>)
    %dma_start3A_76 = arith.constant 9920 : i32
    %dma_start3A_77 = tpu.memref_slice %arg9[%dma_start3A_76] : memref<10000xi32, #tpu.memory_space<vmem>> -> memref<40xi32, #tpu.memory_space<vmem>>
    %dma_start3A_78 = arith.constant 0 : i32
    %dma_start3A_79 = arith.constant 0 : i32
    %dma_start3A_80 = tpu.memref_slice %arg15[%dma_start3A_78, %dma_start3A_79] : memref<10240x128xf32, #tpu.memory_space<vmem_shared>> -> memref<10240x128xf32, #tpu.memory_space<vmem_shared>>
    tpu.enqueue_indirect_dma source(%arg13 : memref<40x128xf32, #tpu.memory_space<vmem>>) target(%dma_start3A_80 : memref<10240x128xf32, #tpu.memory_space<vmem_shared>>) offsets(%dma_start3A_77 : memref<40xi32, #tpu.memory_space<vmem>>) semaphore(%arg24 : memref<!tpu.dma_semaphore, #tpu.memory_space<semaphore_mem>>) {add = true}
    %dma_wait3A_81 = arith.constant 0 : i32
    %dma_wait3A_82 = tpu.memref_slice %arg8[%dma_wait3A_81] : memref<10000xi32, #tpu.memory_space<vmem>> -> memref<40xi32, #tpu.memory_space<vmem>>
    %dma_wait3A_83 = arith.constant 0 : i32
    %dma_wait3A_84 = arith.constant 0 : i32
    %dma_wait3A_85 = tpu.memref_slice %arg2[%dma_wait3A_83, %dma_wait3A_84] : memref<20000x128xf32, #tpu.memory_space<hbm>> -> memref<20000x128xf32, #tpu.memory_space<hbm>>
    tpu.wait_indirect_dma semaphore(%arg20 : memref<!tpu.dma_semaphore, #tpu.memory_space<semaphore_mem>>) src(%dma_wait3A_85 : memref<20000x128xf32, #tpu.memory_space<hbm>>) dst(%arg14 : memref<40x128xf32, #tpu.memory_space<vmem>>)
    %dma_start3A_86 = arith.constant 9960 : i32
    %dma_start3A_87 = tpu.memref_slice %arg9[%dma_start3A_86] : memref<10000xi32, #tpu.memory_space<vmem>> -> memref<40xi32, #tpu.memory_space<vmem>>
    %dma_start3A_88 = arith.constant 0 : i32
    %dma_start3A_89 = arith.constant 0 : i32
    %dma_start3A_90 = tpu.memref_slice %arg15[%dma_start3A_88, %dma_start3A_89] : memref<10240x128xf32, #tpu.memory_space<vmem_shared>> -> memref<10240x128xf32, #tpu.memory_space<vmem_shared>>
    tpu.enqueue_indirect_dma source(%arg14 : memref<40x128xf32, #tpu.memory_space<vmem>>) target(%dma_start3A_90 : memref<10240x128xf32, #tpu.memory_space<vmem_shared>>) offsets(%dma_start3A_87 : memref<40xi32, #tpu.memory_space<vmem>>) semaphore(%arg25 : memref<!tpu.dma_semaphore, #tpu.memory_space<semaphore_mem>>) {add = true}
    %dma_wait3A_91 = arith.constant 0 : i32
    %dma_wait3A_92 = tpu.memref_slice %arg9[%dma_wait3A_91] : memref<10000xi32, #tpu.memory_space<vmem>> -> memref<40xi32, #tpu.memory_space<vmem>>
    %dma_wait3A_93 = arith.constant 0 : i32
    %dma_wait3A_94 = arith.constant 0 : i32
    %dma_wait3A_95 = tpu.memref_slice %arg15[%dma_wait3A_93, %dma_wait3A_94] : memref<10240x128xf32, #tpu.memory_space<vmem_shared>> -> memref<10240x128xf32, #tpu.memory_space<vmem_shared>>
    tpu.wait_indirect_dma semaphore(%arg21 : memref<!tpu.dma_semaphore, #tpu.memory_space<semaphore_mem>>) src(%arg10 : memref<40x128xf32, #tpu.memory_space<vmem>>) dst(%dma_wait3A_95 : memref<10240x128xf32, #tpu.memory_space<vmem_shared>>)
    %dma_wait3A_96 = arith.constant 0 : i32
    %dma_wait3A_97 = tpu.memref_slice %arg9[%dma_wait3A_96] : memref<10000xi32, #tpu.memory_space<vmem>> -> memref<40xi32, #tpu.memory_space<vmem>>
    %dma_wait3A_98 = arith.constant 0 : i32
    %dma_wait3A_99 = arith.constant 0 : i32
    %dma_wait3A_100 = tpu.memref_slice %arg15[%dma_wait3A_98, %dma_wait3A_99] : memref<10240x128xf32, #tpu.memory_space<vmem_shared>> -> memref<10240x128xf32, #tpu.memory_space<vmem_shared>>
    tpu.wait_indirect_dma semaphore(%arg22 : memref<!tpu.dma_semaphore, #tpu.memory_space<semaphore_mem>>) src(%arg11 : memref<40x128xf32, #tpu.memory_space<vmem>>) dst(%dma_wait3A_100 : memref<10240x128xf32, #tpu.memory_space<vmem_shared>>)
    %dma_wait3A_101 = arith.constant 0 : i32
    %dma_wait3A_102 = tpu.memref_slice %arg9[%dma_wait3A_101] : memref<10000xi32, #tpu.memory_space<vmem>> -> memref<40xi32, #tpu.memory_space<vmem>>
    %dma_wait3A_103 = arith.constant 0 : i32
    %dma_wait3A_104 = arith.constant 0 : i32
    %dma_wait3A_105 = tpu.memref_slice %arg15[%dma_wait3A_103, %dma_wait3A_104] : memref<10240x128xf32, #tpu.memory_space<vmem_shared>> -> memref<10240x128xf32, #tpu.memory_space<vmem_shared>>
    tpu.wait_indirect_dma semaphore(%arg23 : memref<!tpu.dma_semaphore, #tpu.memory_space<semaphore_mem>>) src(%arg12 : memref<40x128xf32, #tpu.memory_space<vmem>>) dst(%dma_wait3A_105 : memref<10240x128xf32, #tpu.memory_space<vmem_shared>>)
    %dma_wait3A_106 = arith.constant 0 : i32
    %dma_wait3A_107 = tpu.memref_slice %arg9[%dma_wait3A_106] : memref<10000xi32, #tpu.memory_space<vmem>> -> memref<40xi32, #tpu.memory_space<vmem>>
    %dma_wait3A_108 = arith.constant 0 : i32
    %dma_wait3A_109 = arith.constant 0 : i32
    %dma_wait3A_110 = tpu.memref_slice %arg15[%dma_wait3A_108, %dma_wait3A_109] : memref<10240x128xf32, #tpu.memory_space<vmem_shared>> -> memref<10240x128xf32, #tpu.memory_space<vmem_shared>>
    tpu.wait_indirect_dma semaphore(%arg24 : memref<!tpu.dma_semaphore, #tpu.memory_space<semaphore_mem>>) src(%arg13 : memref<40x128xf32, #tpu.memory_space<vmem>>) dst(%dma_wait3A_110 : memref<10240x128xf32, #tpu.memory_space<vmem_shared>>)
    %dma_wait3A_111 = arith.constant 0 : i32
    %dma_wait3A_112 = tpu.memref_slice %arg9[%dma_wait3A_111] : memref<10000xi32, #tpu.memory_space<vmem>> -> memref<40xi32, #tpu.memory_space<vmem>>
    %dma_wait3A_113 = arith.constant 0 : i32
    %dma_wait3A_114 = arith.constant 0 : i32
    %dma_wait3A_115 = tpu.memref_slice %arg15[%dma_wait3A_113, %dma_wait3A_114] : memref<10240x128xf32, #tpu.memory_space<vmem_shared>> -> memref<10240x128xf32, #tpu.memory_space<vmem_shared>>
    tpu.wait_indirect_dma semaphore(%arg25 : memref<!tpu.dma_semaphore, #tpu.memory_space<semaphore_mem>>) src(%arg14 : memref<40x128xf32, #tpu.memory_space<vmem>>) dst(%dma_wait3A_115 : memref<10240x128xf32, #tpu.memory_space<vmem_shared>>)
    %barrier3A_116 = arith.constant 0 : index
    tpu.barrier barrier_id(%barrier3A_116)
    %mul3A_117 = arith.constant 640 : i32
    %mul3A_118 = arith.muli %arg1, %mul3A_117 : i32
    %mul3A_119 = arith.constant 640 : i32
    %mul3A_120 = arith.muli %arg1, %mul3A_119 : i32
    "tpu.region"() ({
      %run_scoped3A = tpu.sem_alloc : memref<!tpu.dma_semaphore, #tpu.memory_space<semaphore_mem>>
      %dma_start3A_121 = arith.constant 0 : i32
      %dma_start3A_122 = tpu.memref_slice %arg7[%arg0, %mul3A_120, %dma_start3A_121] : memref<2x10240x128xf32, #tpu.memory_space<hbm>> -> memref<1x640x128xf32, #tpu.memory_space<hbm>>
      %dma_start3A_123 = tpu.memref_squeeze %dma_start3A_122 : memref<1x640x128xf32, #tpu.memory_space<hbm>> -> memref<640x128xf32, #tpu.memory_space<hbm>>
      %dma_start3A_124 = arith.constant 0 : i32
      %dma_start3A_125 = tpu.memref_slice %arg15[%mul3A_118, %dma_start3A_124] : memref<10240x128xf32, #tpu.memory_space<vmem_shared>> -> memref<640x128xf32, #tpu.memory_space<vmem_shared>>
      tpu.enqueue_dma source(%dma_start3A_125 : memref<640x128xf32, #tpu.memory_space<vmem_shared>>) target(%dma_start3A_123 : memref<640x128xf32, #tpu.memory_space<hbm>>) target_semaphore(%run_scoped3A : memref<!tpu.dma_semaphore, #tpu.memory_space<semaphore_mem>>)
      %dma_wait3A_126 = arith.constant 0 : i32
      %dma_wait3A_127 = tpu.memref_slice %arg7[%arg0, %mul3A_120, %dma_wait3A_126] : memref<2x10240x128xf32, #tpu.memory_space<hbm>> -> memref<1x640x128xf32, #tpu.memory_space<hbm>>
      %dma_wait3A_128 = tpu.memref_squeeze %dma_wait3A_127 : memref<1x640x128xf32, #tpu.memory_space<hbm>> -> memref<640x128xf32, #tpu.memory_space<hbm>>
      %dma_wait3A_129 = arith.constant 0 : i32
      %dma_wait3A_130 = tpu.memref_slice %arg15[%mul3A_118, %dma_wait3A_129] : memref<10240x128xf32, #tpu.memory_space<vmem_shared>> -> memref<640x128xf32, #tpu.memory_space<vmem_shared>>
      tpu.wait_dma2 semaphore(%run_scoped3A : memref<!tpu.dma_semaphore, #tpu.memory_space<semaphore_mem>>) src(%dma_wait3A_130 : memref<640x128xf32, #tpu.memory_space<vmem_shared>>) dst(%dma_wait3A_128 : memref<640x128xf32, #tpu.memory_space<hbm>>)
      tpu.yield
    }) : () -> ()
    return
  }
}

#map = affine_map<(d0, d1) -> (0, 0)>
#map1 = affine_map<(d0, d1) -> (0)>
#map2 = affine_map<(d0, d1) -> (0, 0, 0)>
module attributes {stable_mosaic.version = 14 : i64} {
  func.func @_sc_agg_body(%arg0: i32, %arg1: i32, %arg2: memref<20000x128xf32, #tpu.memory_space<hbm>>, %arg3: memref<160000xi32, #tpu.memory_space<hbm>>, %arg4: memref<160000xi32, #tpu.memory_space<hbm>>, %arg5: memref<160000xi32, #tpu.memory_space<hbm>>, %arg6: memref<10240x128xf32, #tpu.memory_space<hbm>>, %arg7: memref<2x10240x128xf32, #tpu.memory_space<hbm>>, %arg8: memref<10000xi32, #tpu.memory_space<vmem>>, %arg9: memref<10000xi32, #tpu.memory_space<vmem>>, %arg10: memref<40x128xf32, #tpu.memory_space<vmem>>, %arg11: memref<40x128xf32, #tpu.memory_space<vmem>>, %arg12: memref<40x128xf32, #tpu.memory_space<vmem>>, %arg13: memref<40x128xf32, #tpu.memory_space<vmem>>, %arg14: memref<40x128xf32, #tpu.memory_space<vmem>>, %arg15: memref<10240x128xf32, #tpu.memory_space<vmem_shared>>, %arg16: memref<!tpu.dma_semaphore, #tpu.memory_space<semaphore_mem>>, %arg17: memref<!tpu.dma_semaphore, #tpu.memory_space<semaphore_mem>>, %arg18: memref<!tpu.dma_semaphore, #tpu.memory_space<semaphore_mem>>, %arg19: memref<!tpu.dma_semaphore, #tpu.memory_space<semaphore_mem>>, %arg20: memref<!tpu.dma_semaphore, #tpu.memory_space<semaphore_mem>>, %arg21: memref<!tpu.dma_semaphore, #tpu.memory_space<semaphore_mem>>, %arg22: memref<!tpu.dma_semaphore, #tpu.memory_space<semaphore_mem>>, %arg23: memref<!tpu.dma_semaphore, #tpu.memory_space<semaphore_mem>>, %arg24: memref<!tpu.dma_semaphore, #tpu.memory_space<semaphore_mem>>, %arg25: memref<!tpu.dma_semaphore, #tpu.memory_space<semaphore_mem>>) attributes {dimension_semantics = [#tpu.dimension_semantics<core_parallel>, #tpu.dimension_semantics<subcore_parallel>], iteration_bounds = array<i64: 2, 16>, scalar_prefetch = 0 : i64, scratch_operands = 18 : i64, tpu.core_type = #tpu.core_type<sc_vector_subcore>, window_params = [{transform_indices = #map}, {transform_indices = #map1}, {transform_indices = #map1}, {transform_indices = #map1}, {transform_indices = #map}, {transform_indices = #map2}]} {
    %mul3A = arith.constant 640 : i32
    %mul3A_0 = arith.muli %arg1, %mul3A : i32
    %mul3A_1 = arith.constant 640 : i32
    %mul3A_2 = arith.muli %arg1, %mul3A_1 : i32
    "tpu.region"() ({
      %run_scoped3A = tpu.sem_alloc : memref<!tpu.dma_semaphore, #tpu.memory_space<semaphore_mem>>
      %dma_start3A_121 = arith.constant 0 : i32
      %dma_start3A_122 = tpu.memref_slice %arg15[%mul3A_2, %dma_start3A_121] : memref<10240x128xf32, #tpu.memory_space<vmem_shared>> -> memref<640x128xf32, #tpu.memory_space<vmem_shared>>
      %dma_start3A_123 = arith.constant 0 : i32
      %dma_start3A_124 = tpu.memref_slice %arg6[%mul3A_0, %dma_start3A_123] : memref<10240x128xf32, #tpu.memory_space<hbm>> -> memref<640x128xf32, #tpu.memory_space<hbm>>
      tpu.enqueue_dma source(%dma_start3A_124 : memref<640x128xf32, #tpu.memory_space<hbm>>) target(%dma_start3A_122 : memref<640x128xf32, #tpu.memory_space<vmem_shared>>) target_semaphore(%run_scoped3A : memref<!tpu.dma_semaphore, #tpu.memory_space<semaphore_mem>>)
      %dma_wait3A_125 = arith.constant 0 : i32
      %dma_wait3A_126 = tpu.memref_slice %arg15[%mul3A_2, %dma_wait3A_125] : memref<10240x128xf32, #tpu.memory_space<vmem_shared>> -> memref<640x128xf32, #tpu.memory_space<vmem_shared>>
      %dma_wait3A_127 = arith.constant 0 : i32
      %dma_wait3A_128 = tpu.memref_slice %arg6[%mul3A_0, %dma_wait3A_127] : memref<10240x128xf32, #tpu.memory_space<hbm>> -> memref<640x128xf32, #tpu.memory_space<hbm>>
      tpu.wait_dma2 semaphore(%run_scoped3A : memref<!tpu.dma_semaphore, #tpu.memory_space<semaphore_mem>>) src(%dma_wait3A_128 : memref<640x128xf32, #tpu.memory_space<hbm>>) dst(%dma_wait3A_126 : memref<640x128xf32, #tpu.memory_space<vmem_shared>>)
      tpu.yield
    }) : () -> ()
    %mul3A_3 = arith.constant 10000 : i32
    %mul3A_4 = arith.muli %arg1, %mul3A_3 : i32
    %eq3A = arith.constant 0 : i32
    %eq3A_5 = arith.cmpi eq, %arg0, %eq3A : i32
    %convert_element_type3A = arith.extui %eq3A_5 : i1 to i32
    %cond3A = arith.constant 0 : i32
    %cond3A_6 = arith.cmpi ne, %convert_element_type3A, %cond3A : i32
    scf.if %cond3A_6 {
      "tpu.region"() ({
        %run_scoped3A = tpu.sem_alloc : memref<!tpu.dma_semaphore, #tpu.memory_space<semaphore_mem>>
        %dma_start3A_121 = tpu.memref_slice %arg3[%mul3A_4] : memref<160000xi32, #tpu.memory_space<hbm>> -> memref<10000xi32, #tpu.memory_space<hbm>>
        %dma_start3A_122 = tpu.memref_slice %arg3[%mul3A_4] : memref<160000xi32, #tpu.memory_space<hbm>> -> memref<10000xi32, #tpu.memory_space<hbm>>
        tpu.enqueue_dma source(%dma_start3A_122 : memref<10000xi32, #tpu.memory_space<hbm>>) target(%arg8 : memref<10000xi32, #tpu.memory_space<vmem>>) target_semaphore(%run_scoped3A : memref<!tpu.dma_semaphore, #tpu.memory_space<semaphore_mem>>)
        %dma_wait3A_123 = tpu.memref_slice %arg3[%mul3A_4] : memref<160000xi32, #tpu.memory_space<hbm>> -> memref<10000xi32, #tpu.memory_space<hbm>>
        %dma_wait3A_124 = tpu.memref_slice %arg3[%mul3A_4] : memref<160000xi32, #tpu.memory_space<hbm>> -> memref<10000xi32, #tpu.memory_space<hbm>>
        tpu.wait_dma2 semaphore(%run_scoped3A : memref<!tpu.dma_semaphore, #tpu.memory_space<semaphore_mem>>) src(%dma_wait3A_124 : memref<10000xi32, #tpu.memory_space<hbm>>) dst(%arg8 : memref<10000xi32, #tpu.memory_space<vmem>>)
        tpu.yield
      }) : () -> ()
    } else {
    }
    %eq3A_7 = arith.constant 1 : i32
    %eq3A_8 = arith.cmpi eq, %arg0, %eq3A_7 : i32
    %convert_element_type3A_9 = arith.extui %eq3A_8 : i1 to i32
    %cond3A_10 = arith.constant 0 : i32
    %cond3A_11 = arith.cmpi ne, %convert_element_type3A_9, %cond3A_10 : i32
    scf.if %cond3A_11 {
      "tpu.region"() ({
        %run_scoped3A = tpu.sem_alloc : memref<!tpu.dma_semaphore, #tpu.memory_space<semaphore_mem>>
        %dma_start3A_121 = tpu.memref_slice %arg4[%mul3A_4] : memref<160000xi32, #tpu.memory_space<hbm>> -> memref<10000xi32, #tpu.memory_space<hbm>>
        %dma_start3A_122 = tpu.memref_slice %arg4[%mul3A_4] : memref<160000xi32, #tpu.memory_space<hbm>> -> memref<10000xi32, #tpu.memory_space<hbm>>
        tpu.enqueue_dma source(%dma_start3A_122 : memref<10000xi32, #tpu.memory_space<hbm>>) target(%arg8 : memref<10000xi32, #tpu.memory_space<vmem>>) target_semaphore(%run_scoped3A : memref<!tpu.dma_semaphore, #tpu.memory_space<semaphore_mem>>)
        %dma_wait3A_123 = tpu.memref_slice %arg4[%mul3A_4] : memref<160000xi32, #tpu.memory_space<hbm>> -> memref<10000xi32, #tpu.memory_space<hbm>>
        %dma_wait3A_124 = tpu.memref_slice %arg4[%mul3A_4] : memref<160000xi32, #tpu.memory_space<hbm>> -> memref<10000xi32, #tpu.memory_space<hbm>>
        tpu.wait_dma2 semaphore(%run_scoped3A : memref<!tpu.dma_semaphore, #tpu.memory_space<semaphore_mem>>) src(%dma_wait3A_124 : memref<10000xi32, #tpu.memory_space<hbm>>) dst(%arg8 : memref<10000xi32, #tpu.memory_space<vmem>>)
        tpu.yield
      }) : () -> ()
    } else {
    }
    "tpu.region"() ({
      %run_scoped3A = tpu.sem_alloc : memref<!tpu.dma_semaphore, #tpu.memory_space<semaphore_mem>>
      %dma_start3A_121 = tpu.memref_slice %arg5[%mul3A_4] : memref<160000xi32, #tpu.memory_space<hbm>> -> memref<10000xi32, #tpu.memory_space<hbm>>
      %dma_start3A_122 = tpu.memref_slice %arg5[%mul3A_4] : memref<160000xi32, #tpu.memory_space<hbm>> -> memref<10000xi32, #tpu.memory_space<hbm>>
      tpu.enqueue_dma source(%dma_start3A_122 : memref<10000xi32, #tpu.memory_space<hbm>>) target(%arg9 : memref<10000xi32, #tpu.memory_space<vmem>>) target_semaphore(%run_scoped3A : memref<!tpu.dma_semaphore, #tpu.memory_space<semaphore_mem>>)
      %dma_wait3A_123 = tpu.memref_slice %arg5[%mul3A_4] : memref<160000xi32, #tpu.memory_space<hbm>> -> memref<10000xi32, #tpu.memory_space<hbm>>
      %dma_wait3A_124 = tpu.memref_slice %arg5[%mul3A_4] : memref<160000xi32, #tpu.memory_space<hbm>> -> memref<10000xi32, #tpu.memory_space<hbm>>
      tpu.wait_dma2 semaphore(%run_scoped3A : memref<!tpu.dma_semaphore, #tpu.memory_space<semaphore_mem>>) src(%dma_wait3A_124 : memref<10000xi32, #tpu.memory_space<hbm>>) dst(%arg9 : memref<10000xi32, #tpu.memory_space<vmem>>)
      tpu.yield
    }) : () -> ()
    %barrier3A = arith.constant 0 : index
    tpu.barrier barrier_id(%barrier3A)
    %dma_start3A = arith.constant 0 : i32
    %dma_start3A_12 = tpu.memref_slice %arg8[%dma_start3A] : memref<10000xi32, #tpu.memory_space<vmem>> -> memref<40xi32, #tpu.memory_space<vmem>>
    %dma_start3A_13 = arith.constant 0 : i32
    %dma_start3A_14 = arith.constant 0 : i32
    %dma_start3A_15 = tpu.memref_slice %arg2[%dma_start3A_13, %dma_start3A_14] : memref<20000x128xf32, #tpu.memory_space<hbm>> -> memref<20000x128xf32, #tpu.memory_space<hbm>>
    tpu.enqueue_indirect_dma source(%dma_start3A_15 : memref<20000x128xf32, #tpu.memory_space<hbm>>) target(%arg10 : memref<40x128xf32, #tpu.memory_space<vmem>>) offsets(%dma_start3A_12 : memref<40xi32, #tpu.memory_space<vmem>>) semaphore(%arg16 : memref<!tpu.dma_semaphore, #tpu.memory_space<semaphore_mem>>)
    %dma_start3A_16 = arith.constant 40 : i32
    %dma_start3A_17 = tpu.memref_slice %arg8[%dma_start3A_16] : memref<10000xi32, #tpu.memory_space<vmem>> -> memref<40xi32, #tpu.memory_space<vmem>>
    %dma_start3A_18 = arith.constant 0 : i32
    %dma_start3A_19 = arith.constant 0 : i32
    %dma_start3A_20 = tpu.memref_slice %arg2[%dma_start3A_18, %dma_start3A_19] : memref<20000x128xf32, #tpu.memory_space<hbm>> -> memref<20000x128xf32, #tpu.memory_space<hbm>>
    tpu.enqueue_indirect_dma source(%dma_start3A_20 : memref<20000x128xf32, #tpu.memory_space<hbm>>) target(%arg11 : memref<40x128xf32, #tpu.memory_space<vmem>>) offsets(%dma_start3A_17 : memref<40xi32, #tpu.memory_space<vmem>>) semaphore(%arg17 : memref<!tpu.dma_semaphore, #tpu.memory_space<semaphore_mem>>)
    %dma_start3A_21 = arith.constant 80 : i32
    %dma_start3A_22 = tpu.memref_slice %arg8[%dma_start3A_21] : memref<10000xi32, #tpu.memory_space<vmem>> -> memref<40xi32, #tpu.memory_space<vmem>>
    %dma_start3A_23 = arith.constant 0 : i32
    %dma_start3A_24 = arith.constant 0 : i32
    %dma_start3A_25 = tpu.memref_slice %arg2[%dma_start3A_23, %dma_start3A_24] : memref<20000x128xf32, #tpu.memory_space<hbm>> -> memref<20000x128xf32, #tpu.memory_space<hbm>>
    tpu.enqueue_indirect_dma source(%dma_start3A_25 : memref<20000x128xf32, #tpu.memory_space<hbm>>) target(%arg12 : memref<40x128xf32, #tpu.memory_space<vmem>>) offsets(%dma_start3A_22 : memref<40xi32, #tpu.memory_space<vmem>>) semaphore(%arg18 : memref<!tpu.dma_semaphore, #tpu.memory_space<semaphore_mem>>)
    %dma_start3A_26 = arith.constant 120 : i32
    %dma_start3A_27 = tpu.memref_slice %arg8[%dma_start3A_26] : memref<10000xi32, #tpu.memory_space<vmem>> -> memref<40xi32, #tpu.memory_space<vmem>>
    %dma_start3A_28 = arith.constant 0 : i32
    %dma_start3A_29 = arith.constant 0 : i32
    %dma_start3A_30 = tpu.memref_slice %arg2[%dma_start3A_28, %dma_start3A_29] : memref<20000x128xf32, #tpu.memory_space<hbm>> -> memref<20000x128xf32, #tpu.memory_space<hbm>>
    tpu.enqueue_indirect_dma source(%dma_start3A_30 : memref<20000x128xf32, #tpu.memory_space<hbm>>) target(%arg13 : memref<40x128xf32, #tpu.memory_space<vmem>>) offsets(%dma_start3A_27 : memref<40xi32, #tpu.memory_space<vmem>>) semaphore(%arg19 : memref<!tpu.dma_semaphore, #tpu.memory_space<semaphore_mem>>)
    %dma_start3A_31 = arith.constant 160 : i32
    %dma_start3A_32 = tpu.memref_slice %arg8[%dma_start3A_31] : memref<10000xi32, #tpu.memory_space<vmem>> -> memref<40xi32, #tpu.memory_space<vmem>>
    %dma_start3A_33 = arith.constant 0 : i32
    %dma_start3A_34 = arith.constant 0 : i32
    %dma_start3A_35 = tpu.memref_slice %arg2[%dma_start3A_33, %dma_start3A_34] : memref<20000x128xf32, #tpu.memory_space<hbm>> -> memref<20000x128xf32, #tpu.memory_space<hbm>>
    tpu.enqueue_indirect_dma source(%dma_start3A_35 : memref<20000x128xf32, #tpu.memory_space<hbm>>) target(%arg14 : memref<40x128xf32, #tpu.memory_space<vmem>>) offsets(%dma_start3A_32 : memref<40xi32, #tpu.memory_space<vmem>>) semaphore(%arg20 : memref<!tpu.dma_semaphore, #tpu.memory_space<semaphore_mem>>)
    %scan3A = arith.constant 0 : i32
    %scan3A_36 = arith.constant 0 : i32
    %scan3A_37 = arith.constant 49 : i32
    %scan3A_38 = arith.addi %scan3A_36, %scan3A_37 : i32
    %scan3A_39 = arith.constant 1 : i32
    %scan3A_40 = scf.for %scan3A_121 = %scan3A_36 to %scan3A_38 step %scan3A_39 iter_args(%scan3A_122 = %scan3A) -> (i32)  : i32 {
      %mul3A_123 = arith.constant 5 : i32
      %mul3A_124 = arith.muli %mul3A_123, %scan3A_121 : i32
      %dma_wait3A_125 = arith.constant 0 : i32
      %dma_wait3A_126 = tpu.memref_slice %arg8[%dma_wait3A_125] : memref<10000xi32, #tpu.memory_space<vmem>> -> memref<40xi32, #tpu.memory_space<vmem>>
      %dma_wait3A_127 = arith.constant 0 : i32
      %dma_wait3A_128 = arith.constant 0 : i32
      %dma_wait3A_129 = tpu.memref_slice %arg2[%dma_wait3A_127, %dma_wait3A_128] : memref<20000x128xf32, #tpu.memory_space<hbm>> -> memref<20000x128xf32, #tpu.memory_space<hbm>>
      tpu.wait_indirect_dma semaphore(%arg16 : memref<!tpu.dma_semaphore, #tpu.memory_space<semaphore_mem>>) src(%dma_wait3A_129 : memref<20000x128xf32, #tpu.memory_space<hbm>>) dst(%arg10 : memref<40x128xf32, #tpu.memory_space<vmem>>)
      %add3A = arith.constant 0 : i32
      %add3A_130 = arith.addi %mul3A_124, %add3A : i32
      %mul3A_131 = arith.constant 40 : i32
      %mul3A_132 = arith.muli %add3A_130, %mul3A_131 : i32
      %dma_start3A_133 = tpu.memref_slice %arg9[%mul3A_132] : memref<10000xi32, #tpu.memory_space<vmem>> -> memref<40xi32, #tpu.memory_space<vmem>>
      %dma_start3A_134 = arith.constant 0 : i32
      %dma_start3A_135 = arith.constant 0 : i32
      %dma_start3A_136 = tpu.memref_slice %arg15[%dma_start3A_134, %dma_start3A_135] : memref<10240x128xf32, #tpu.memory_space<vmem_shared>> -> memref<10240x128xf32, #tpu.memory_space<vmem_shared>>
      tpu.enqueue_indirect_dma source(%arg10 : memref<40x128xf32, #tpu.memory_space<vmem>>) target(%dma_start3A_136 : memref<10240x128xf32, #tpu.memory_space<vmem_shared>>) offsets(%dma_start3A_133 : memref<40xi32, #tpu.memory_space<vmem>>) semaphore(%arg21 : memref<!tpu.dma_semaphore, #tpu.memory_space<semaphore_mem>>) {add = true}
      %dma_wait3A_137 = arith.constant 0 : i32
      %dma_wait3A_138 = tpu.memref_slice %arg8[%dma_wait3A_137] : memref<10000xi32, #tpu.memory_space<vmem>> -> memref<40xi32, #tpu.memory_space<vmem>>
      %dma_wait3A_139 = arith.constant 0 : i32
      %dma_wait3A_140 = arith.constant 0 : i32
      %dma_wait3A_141 = tpu.memref_slice %arg2[%dma_wait3A_139, %dma_wait3A_140] : memref<20000x128xf32, #tpu.memory_space<hbm>> -> memref<20000x128xf32, #tpu.memory_space<hbm>>
      tpu.wait_indirect_dma semaphore(%arg17 : memref<!tpu.dma_semaphore, #tpu.memory_space<semaphore_mem>>) src(%dma_wait3A_141 : memref<20000x128xf32, #tpu.memory_space<hbm>>) dst(%arg11 : memref<40x128xf32, #tpu.memory_space<vmem>>)
      %add3A_142 = arith.constant 1 : i32
      %add3A_143 = arith.addi %mul3A_124, %add3A_142 : i32
      %mul3A_144 = arith.constant 40 : i32
      %mul3A_145 = arith.muli %add3A_143, %mul3A_144 : i32
      %dma_start3A_146 = tpu.memref_slice %arg9[%mul3A_145] : memref<10000xi32, #tpu.memory_space<vmem>> -> memref<40xi32, #tpu.memory_space<vmem>>
      %dma_start3A_147 = arith.constant 0 : i32
      %dma_start3A_148 = arith.constant 0 : i32
      %dma_start3A_149 = tpu.memref_slice %arg15[%dma_start3A_147, %dma_start3A_148] : memref<10240x128xf32, #tpu.memory_space<vmem_shared>> -> memref<10240x128xf32, #tpu.memory_space<vmem_shared>>
      tpu.enqueue_indirect_dma source(%arg11 : memref<40x128xf32, #tpu.memory_space<vmem>>) target(%dma_start3A_149 : memref<10240x128xf32, #tpu.memory_space<vmem_shared>>) offsets(%dma_start3A_146 : memref<40xi32, #tpu.memory_space<vmem>>) semaphore(%arg22 : memref<!tpu.dma_semaphore, #tpu.memory_space<semaphore_mem>>) {add = true}
      %dma_wait3A_150 = arith.constant 0 : i32
      %dma_wait3A_151 = tpu.memref_slice %arg8[%dma_wait3A_150] : memref<10000xi32, #tpu.memory_space<vmem>> -> memref<40xi32, #tpu.memory_space<vmem>>
      %dma_wait3A_152 = arith.constant 0 : i32
      %dma_wait3A_153 = arith.constant 0 : i32
      %dma_wait3A_154 = tpu.memref_slice %arg2[%dma_wait3A_152, %dma_wait3A_153] : memref<20000x128xf32, #tpu.memory_space<hbm>> -> memref<20000x128xf32, #tpu.memory_space<hbm>>
      tpu.wait_indirect_dma semaphore(%arg18 : memref<!tpu.dma_semaphore, #tpu.memory_space<semaphore_mem>>) src(%dma_wait3A_154 : memref<20000x128xf32, #tpu.memory_space<hbm>>) dst(%arg12 : memref<40x128xf32, #tpu.memory_space<vmem>>)
      %add3A_155 = arith.constant 2 : i32
      %add3A_156 = arith.addi %mul3A_124, %add3A_155 : i32
      %mul3A_157 = arith.constant 40 : i32
      %mul3A_158 = arith.muli %add3A_156, %mul3A_157 : i32
      %dma_start3A_159 = tpu.memref_slice %arg9[%mul3A_158] : memref<10000xi32, #tpu.memory_space<vmem>> -> memref<40xi32, #tpu.memory_space<vmem>>
      %dma_start3A_160 = arith.constant 0 : i32
      %dma_start3A_161 = arith.constant 0 : i32
      %dma_start3A_162 = tpu.memref_slice %arg15[%dma_start3A_160, %dma_start3A_161] : memref<10240x128xf32, #tpu.memory_space<vmem_shared>> -> memref<10240x128xf32, #tpu.memory_space<vmem_shared>>
      tpu.enqueue_indirect_dma source(%arg12 : memref<40x128xf32, #tpu.memory_space<vmem>>) target(%dma_start3A_162 : memref<10240x128xf32, #tpu.memory_space<vmem_shared>>) offsets(%dma_start3A_159 : memref<40xi32, #tpu.memory_space<vmem>>) semaphore(%arg23 : memref<!tpu.dma_semaphore, #tpu.memory_space<semaphore_mem>>) {add = true}
      %dma_wait3A_163 = arith.constant 0 : i32
      %dma_wait3A_164 = tpu.memref_slice %arg8[%dma_wait3A_163] : memref<10000xi32, #tpu.memory_space<vmem>> -> memref<40xi32, #tpu.memory_space<vmem>>
      %dma_wait3A_165 = arith.constant 0 : i32
      %dma_wait3A_166 = arith.constant 0 : i32
      %dma_wait3A_167 = tpu.memref_slice %arg2[%dma_wait3A_165, %dma_wait3A_166] : memref<20000x128xf32, #tpu.memory_space<hbm>> -> memref<20000x128xf32, #tpu.memory_space<hbm>>
      tpu.wait_indirect_dma semaphore(%arg19 : memref<!tpu.dma_semaphore, #tpu.memory_space<semaphore_mem>>) src(%dma_wait3A_167 : memref<20000x128xf32, #tpu.memory_space<hbm>>) dst(%arg13 : memref<40x128xf32, #tpu.memory_space<vmem>>)
      %add3A_168 = arith.constant 3 : i32
      %add3A_169 = arith.addi %mul3A_124, %add3A_168 : i32
      %mul3A_170 = arith.constant 40 : i32
      %mul3A_171 = arith.muli %add3A_169, %mul3A_170 : i32
      %dma_start3A_172 = tpu.memref_slice %arg9[%mul3A_171] : memref<10000xi32, #tpu.memory_space<vmem>> -> memref<40xi32, #tpu.memory_space<vmem>>
      %dma_start3A_173 = arith.constant 0 : i32
      %dma_start3A_174 = arith.constant 0 : i32
      %dma_start3A_175 = tpu.memref_slice %arg15[%dma_start3A_173, %dma_start3A_174] : memref<10240x128xf32, #tpu.memory_space<vmem_shared>> -> memref<10240x128xf32, #tpu.memory_space<vmem_shared>>
      tpu.enqueue_indirect_dma source(%arg13 : memref<40x128xf32, #tpu.memory_space<vmem>>) target(%dma_start3A_175 : memref<10240x128xf32, #tpu.memory_space<vmem_shared>>) offsets(%dma_start3A_172 : memref<40xi32, #tpu.memory_space<vmem>>) semaphore(%arg24 : memref<!tpu.dma_semaphore, #tpu.memory_space<semaphore_mem>>) {add = true}
      %dma_wait3A_176 = arith.constant 0 : i32
      %dma_wait3A_177 = tpu.memref_slice %arg8[%dma_wait3A_176] : memref<10000xi32, #tpu.memory_space<vmem>> -> memref<40xi32, #tpu.memory_space<vmem>>
      %dma_wait3A_178 = arith.constant 0 : i32
      %dma_wait3A_179 = arith.constant 0 : i32
      %dma_wait3A_180 = tpu.memref_slice %arg2[%dma_wait3A_178, %dma_wait3A_179] : memref<20000x128xf32, #tpu.memory_space<hbm>> -> memref<20000x128xf32, #tpu.memory_space<hbm>>
      tpu.wait_indirect_dma semaphore(%arg20 : memref<!tpu.dma_semaphore, #tpu.memory_space<semaphore_mem>>) src(%dma_wait3A_180 : memref<20000x128xf32, #tpu.memory_space<hbm>>) dst(%arg14 : memref<40x128xf32, #tpu.memory_space<vmem>>)
      %add3A_181 = arith.constant 4 : i32
      %add3A_182 = arith.addi %mul3A_124, %add3A_181 : i32
      %mul3A_183 = arith.constant 40 : i32
      %mul3A_184 = arith.muli %add3A_182, %mul3A_183 : i32
      %dma_start3A_185 = tpu.memref_slice %arg9[%mul3A_184] : memref<10000xi32, #tpu.memory_space<vmem>> -> memref<40xi32, #tpu.memory_space<vmem>>
      %dma_start3A_186 = arith.constant 0 : i32
      %dma_start3A_187 = arith.constant 0 : i32
      %dma_start3A_188 = tpu.memref_slice %arg15[%dma_start3A_186, %dma_start3A_187] : memref<10240x128xf32, #tpu.memory_space<vmem_shared>> -> memref<10240x128xf32, #tpu.memory_space<vmem_shared>>
      tpu.enqueue_indirect_dma source(%arg14 : memref<40x128xf32, #tpu.memory_space<vmem>>) target(%dma_start3A_188 : memref<10240x128xf32, #tpu.memory_space<vmem_shared>>) offsets(%dma_start3A_185 : memref<40xi32, #tpu.memory_space<vmem>>) semaphore(%arg25 : memref<!tpu.dma_semaphore, #tpu.memory_space<semaphore_mem>>) {add = true}
      %dma_wait3A_189 = arith.constant 0 : i32
      %dma_wait3A_190 = tpu.memref_slice %arg9[%dma_wait3A_189] : memref<10000xi32, #tpu.memory_space<vmem>> -> memref<40xi32, #tpu.memory_space<vmem>>
      %dma_wait3A_191 = arith.constant 0 : i32
      %dma_wait3A_192 = arith.constant 0 : i32
      %dma_wait3A_193 = tpu.memref_slice %arg15[%dma_wait3A_191, %dma_wait3A_192] : memref<10240x128xf32, #tpu.memory_space<vmem_shared>> -> memref<10240x128xf32, #tpu.memory_space<vmem_shared>>
      tpu.wait_indirect_dma semaphore(%arg21 : memref<!tpu.dma_semaphore, #tpu.memory_space<semaphore_mem>>) src(%arg10 : memref<40x128xf32, #tpu.memory_space<vmem>>) dst(%dma_wait3A_193 : memref<10240x128xf32, #tpu.memory_space<vmem_shared>>)
      %add3A_194 = arith.constant 5 : i32
      %add3A_195 = arith.addi %mul3A_124, %add3A_194 : i32
      %add3A_196 = arith.constant 0 : i32
      %add3A_197 = arith.addi %add3A_195, %add3A_196 : i32
      %mul3A_198 = arith.constant 40 : i32
      %mul3A_199 = arith.muli %add3A_197, %mul3A_198 : i32
      %dma_start3A_200 = tpu.memref_slice %arg8[%mul3A_199] : memref<10000xi32, #tpu.memory_space<vmem>> -> memref<40xi32, #tpu.memory_space<vmem>>
      %dma_start3A_201 = arith.constant 0 : i32
      %dma_start3A_202 = arith.constant 0 : i32
      %dma_start3A_203 = tpu.memref_slice %arg2[%dma_start3A_201, %dma_start3A_202] : memref<20000x128xf32, #tpu.memory_space<hbm>> -> memref<20000x128xf32, #tpu.memory_space<hbm>>
      tpu.enqueue_indirect_dma source(%dma_start3A_203 : memref<20000x128xf32, #tpu.memory_space<hbm>>) target(%arg10 : memref<40x128xf32, #tpu.memory_space<vmem>>) offsets(%dma_start3A_200 : memref<40xi32, #tpu.memory_space<vmem>>) semaphore(%arg16 : memref<!tpu.dma_semaphore, #tpu.memory_space<semaphore_mem>>)
      %dma_wait3A_204 = arith.constant 0 : i32
      %dma_wait3A_205 = tpu.memref_slice %arg9[%dma_wait3A_204] : memref<10000xi32, #tpu.memory_space<vmem>> -> memref<40xi32, #tpu.memory_space<vmem>>
      %dma_wait3A_206 = arith.constant 0 : i32
      %dma_wait3A_207 = arith.constant 0 : i32
      %dma_wait3A_208 = tpu.memref_slice %arg15[%dma_wait3A_206, %dma_wait3A_207] : memref<10240x128xf32, #tpu.memory_space<vmem_shared>> -> memref<10240x128xf32, #tpu.memory_space<vmem_shared>>
      tpu.wait_indirect_dma semaphore(%arg22 : memref<!tpu.dma_semaphore, #tpu.memory_space<semaphore_mem>>) src(%arg11 : memref<40x128xf32, #tpu.memory_space<vmem>>) dst(%dma_wait3A_208 : memref<10240x128xf32, #tpu.memory_space<vmem_shared>>)
      %add3A_209 = arith.constant 5 : i32
      %add3A_210 = arith.addi %mul3A_124, %add3A_209 : i32
      %add3A_211 = arith.constant 1 : i32
      %add3A_212 = arith.addi %add3A_210, %add3A_211 : i32
      %mul3A_213 = arith.constant 40 : i32
      %mul3A_214 = arith.muli %add3A_212, %mul3A_213 : i32
      %dma_start3A_215 = tpu.memref_slice %arg8[%mul3A_214] : memref<10000xi32, #tpu.memory_space<vmem>> -> memref<40xi32, #tpu.memory_space<vmem>>
      %dma_start3A_216 = arith.constant 0 : i32
      %dma_start3A_217 = arith.constant 0 : i32
      %dma_start3A_218 = tpu.memref_slice %arg2[%dma_start3A_216, %dma_start3A_217] : memref<20000x128xf32, #tpu.memory_space<hbm>> -> memref<20000x128xf32, #tpu.memory_space<hbm>>
      tpu.enqueue_indirect_dma source(%dma_start3A_218 : memref<20000x128xf32, #tpu.memory_space<hbm>>) target(%arg11 : memref<40x128xf32, #tpu.memory_space<vmem>>) offsets(%dma_start3A_215 : memref<40xi32, #tpu.memory_space<vmem>>) semaphore(%arg17 : memref<!tpu.dma_semaphore, #tpu.memory_space<semaphore_mem>>)
      %dma_wait3A_219 = arith.constant 0 : i32
      %dma_wait3A_220 = tpu.memref_slice %arg9[%dma_wait3A_219] : memref<10000xi32, #tpu.memory_space<vmem>> -> memref<40xi32, #tpu.memory_space<vmem>>
      %dma_wait3A_221 = arith.constant 0 : i32
      %dma_wait3A_222 = arith.constant 0 : i32
      %dma_wait3A_223 = tpu.memref_slice %arg15[%dma_wait3A_221, %dma_wait3A_222] : memref<10240x128xf32, #tpu.memory_space<vmem_shared>> -> memref<10240x128xf32, #tpu.memory_space<vmem_shared>>
      tpu.wait_indirect_dma semaphore(%arg23 : memref<!tpu.dma_semaphore, #tpu.memory_space<semaphore_mem>>) src(%arg12 : memref<40x128xf32, #tpu.memory_space<vmem>>) dst(%dma_wait3A_223 : memref<10240x128xf32, #tpu.memory_space<vmem_shared>>)
      %add3A_224 = arith.constant 5 : i32
      %add3A_225 = arith.addi %mul3A_124, %add3A_224 : i32
      %add3A_226 = arith.constant 2 : i32
      %add3A_227 = arith.addi %add3A_225, %add3A_226 : i32
      %mul3A_228 = arith.constant 40 : i32
      %mul3A_229 = arith.muli %add3A_227, %mul3A_228 : i32
      %dma_start3A_230 = tpu.memref_slice %arg8[%mul3A_229] : memref<10000xi32, #tpu.memory_space<vmem>> -> memref<40xi32, #tpu.memory_space<vmem>>
      %dma_start3A_231 = arith.constant 0 : i32
      %dma_start3A_232 = arith.constant 0 : i32
      %dma_start3A_233 = tpu.memref_slice %arg2[%dma_start3A_231, %dma_start3A_232] : memref<20000x128xf32, #tpu.memory_space<hbm>> -> memref<20000x128xf32, #tpu.memory_space<hbm>>
      tpu.enqueue_indirect_dma source(%dma_start3A_233 : memref<20000x128xf32, #tpu.memory_space<hbm>>) target(%arg12 : memref<40x128xf32, #tpu.memory_space<vmem>>) offsets(%dma_start3A_230 : memref<40xi32, #tpu.memory_space<vmem>>) semaphore(%arg18 : memref<!tpu.dma_semaphore, #tpu.memory_space<semaphore_mem>>)
      %dma_wait3A_234 = arith.constant 0 : i32
      %dma_wait3A_235 = tpu.memref_slice %arg9[%dma_wait3A_234] : memref<10000xi32, #tpu.memory_space<vmem>> -> memref<40xi32, #tpu.memory_space<vmem>>
      %dma_wait3A_236 = arith.constant 0 : i32
      %dma_wait3A_237 = arith.constant 0 : i32
      %dma_wait3A_238 = tpu.memref_slice %arg15[%dma_wait3A_236, %dma_wait3A_237] : memref<10240x128xf32, #tpu.memory_space<vmem_shared>> -> memref<10240x128xf32, #tpu.memory_space<vmem_shared>>
      tpu.wait_indirect_dma semaphore(%arg24 : memref<!tpu.dma_semaphore, #tpu.memory_space<semaphore_mem>>) src(%arg13 : memref<40x128xf32, #tpu.memory_space<vmem>>) dst(%dma_wait3A_238 : memref<10240x128xf32, #tpu.memory_space<vmem_shared>>)
      %add3A_239 = arith.constant 5 : i32
      %add3A_240 = arith.addi %mul3A_124, %add3A_239 : i32
      %add3A_241 = arith.constant 3 : i32
      %add3A_242 = arith.addi %add3A_240, %add3A_241 : i32
      %mul3A_243 = arith.constant 40 : i32
      %mul3A_244 = arith.muli %add3A_242, %mul3A_243 : i32
      %dma_start3A_245 = tpu.memref_slice %arg8[%mul3A_244] : memref<10000xi32, #tpu.memory_space<vmem>> -> memref<40xi32, #tpu.memory_space<vmem>>
      %dma_start3A_246 = arith.constant 0 : i32
      %dma_start3A_247 = arith.constant 0 : i32
      %dma_start3A_248 = tpu.memref_slice %arg2[%dma_start3A_246, %dma_start3A_247] : memref<20000x128xf32, #tpu.memory_space<hbm>> -> memref<20000x128xf32, #tpu.memory_space<hbm>>
      tpu.enqueue_indirect_dma source(%dma_start3A_248 : memref<20000x128xf32, #tpu.memory_space<hbm>>) target(%arg13 : memref<40x128xf32, #tpu.memory_space<vmem>>) offsets(%dma_start3A_245 : memref<40xi32, #tpu.memory_space<vmem>>) semaphore(%arg19 : memref<!tpu.dma_semaphore, #tpu.memory_space<semaphore_mem>>)
      %dma_wait3A_249 = arith.constant 0 : i32
      %dma_wait3A_250 = tpu.memref_slice %arg9[%dma_wait3A_249] : memref<10000xi32, #tpu.memory_space<vmem>> -> memref<40xi32, #tpu.memory_space<vmem>>
      %dma_wait3A_251 = arith.constant 0 : i32
      %dma_wait3A_252 = arith.constant 0 : i32
      %dma_wait3A_253 = tpu.memref_slice %arg15[%dma_wait3A_251, %dma_wait3A_252] : memref<10240x128xf32, #tpu.memory_space<vmem_shared>> -> memref<10240x128xf32, #tpu.memory_space<vmem_shared>>
      tpu.wait_indirect_dma semaphore(%arg25 : memref<!tpu.dma_semaphore, #tpu.memory_space<semaphore_mem>>) src(%arg14 : memref<40x128xf32, #tpu.memory_space<vmem>>) dst(%dma_wait3A_253 : memref<10240x128xf32, #tpu.memory_space<vmem_shared>>)
      %add3A_254 = arith.constant 5 : i32
      %add3A_255 = arith.addi %mul3A_124, %add3A_254 : i32
      %add3A_256 = arith.constant 4 : i32
      %add3A_257 = arith.addi %add3A_255, %add3A_256 : i32
      %mul3A_258 = arith.constant 40 : i32
      %mul3A_259 = arith.muli %add3A_257, %mul3A_258 : i32
      %dma_start3A_260 = tpu.memref_slice %arg8[%mul3A_259] : memref<10000xi32, #tpu.memory_space<vmem>> -> memref<40xi32, #tpu.memory_space<vmem>>
      %dma_start3A_261 = arith.constant 0 : i32
      %dma_start3A_262 = arith.constant 0 : i32
      %dma_start3A_263 = tpu.memref_slice %arg2[%dma_start3A_261, %dma_start3A_262] : memref<20000x128xf32, #tpu.memory_space<hbm>> -> memref<20000x128xf32, #tpu.memory_space<hbm>>
      tpu.enqueue_indirect_dma source(%dma_start3A_263 : memref<20000x128xf32, #tpu.memory_space<hbm>>) target(%arg14 : memref<40x128xf32, #tpu.memory_space<vmem>>) offsets(%dma_start3A_260 : memref<40xi32, #tpu.memory_space<vmem>>) semaphore(%arg20 : memref<!tpu.dma_semaphore, #tpu.memory_space<semaphore_mem>>)
      %scan3A_264 = arith.constant 0 : i32
      scf.yield %scan3A_264 : i32
    }
    %scan3A_41 = arith.constant 49 : i32
    %dma_wait3A = arith.constant 0 : i32
    %dma_wait3A_42 = tpu.memref_slice %arg8[%dma_wait3A] : memref<10000xi32, #tpu.memory_space<vmem>> -> memref<40xi32, #tpu.memory_space<vmem>>
    %dma_wait3A_43 = arith.constant 0 : i32
    %dma_wait3A_44 = arith.constant 0 : i32
    %dma_wait3A_45 = tpu.memref_slice %arg2[%dma_wait3A_43, %dma_wait3A_44] : memref<20000x128xf32, #tpu.memory_space<hbm>> -> memref<20000x128xf32, #tpu.memory_space<hbm>>
    tpu.wait_indirect_dma semaphore(%arg16 : memref<!tpu.dma_semaphore, #tpu.memory_space<semaphore_mem>>) src(%dma_wait3A_45 : memref<20000x128xf32, #tpu.memory_space<hbm>>) dst(%arg10 : memref<40x128xf32, #tpu.memory_space<vmem>>)
    %dma_start3A_46 = arith.constant 9800 : i32
    %dma_start3A_47 = tpu.memref_slice %arg9[%dma_start3A_46] : memref<10000xi32, #tpu.memory_space<vmem>> -> memref<40xi32, #tpu.memory_space<vmem>>
    %dma_start3A_48 = arith.constant 0 : i32
    %dma_start3A_49 = arith.constant 0 : i32
    %dma_start3A_50 = tpu.memref_slice %arg15[%dma_start3A_48, %dma_start3A_49] : memref<10240x128xf32, #tpu.memory_space<vmem_shared>> -> memref<10240x128xf32, #tpu.memory_space<vmem_shared>>
    tpu.enqueue_indirect_dma source(%arg10 : memref<40x128xf32, #tpu.memory_space<vmem>>) target(%dma_start3A_50 : memref<10240x128xf32, #tpu.memory_space<vmem_shared>>) offsets(%dma_start3A_47 : memref<40xi32, #tpu.memory_space<vmem>>) semaphore(%arg21 : memref<!tpu.dma_semaphore, #tpu.memory_space<semaphore_mem>>) {add = true}
    %dma_wait3A_51 = arith.constant 0 : i32
    %dma_wait3A_52 = tpu.memref_slice %arg8[%dma_wait3A_51] : memref<10000xi32, #tpu.memory_space<vmem>> -> memref<40xi32, #tpu.memory_space<vmem>>
    %dma_wait3A_53 = arith.constant 0 : i32
    %dma_wait3A_54 = arith.constant 0 : i32
    %dma_wait3A_55 = tpu.memref_slice %arg2[%dma_wait3A_53, %dma_wait3A_54] : memref<20000x128xf32, #tpu.memory_space<hbm>> -> memref<20000x128xf32, #tpu.memory_space<hbm>>
    tpu.wait_indirect_dma semaphore(%arg17 : memref<!tpu.dma_semaphore, #tpu.memory_space<semaphore_mem>>) src(%dma_wait3A_55 : memref<20000x128xf32, #tpu.memory_space<hbm>>) dst(%arg11 : memref<40x128xf32, #tpu.memory_space<vmem>>)
    %dma_start3A_56 = arith.constant 9840 : i32
    %dma_start3A_57 = tpu.memref_slice %arg9[%dma_start3A_56] : memref<10000xi32, #tpu.memory_space<vmem>> -> memref<40xi32, #tpu.memory_space<vmem>>
    %dma_start3A_58 = arith.constant 0 : i32
    %dma_start3A_59 = arith.constant 0 : i32
    %dma_start3A_60 = tpu.memref_slice %arg15[%dma_start3A_58, %dma_start3A_59] : memref<10240x128xf32, #tpu.memory_space<vmem_shared>> -> memref<10240x128xf32, #tpu.memory_space<vmem_shared>>
    tpu.enqueue_indirect_dma source(%arg11 : memref<40x128xf32, #tpu.memory_space<vmem>>) target(%dma_start3A_60 : memref<10240x128xf32, #tpu.memory_space<vmem_shared>>) offsets(%dma_start3A_57 : memref<40xi32, #tpu.memory_space<vmem>>) semaphore(%arg22 : memref<!tpu.dma_semaphore, #tpu.memory_space<semaphore_mem>>) {add = true}
    %dma_wait3A_61 = arith.constant 0 : i32
    %dma_wait3A_62 = tpu.memref_slice %arg8[%dma_wait3A_61] : memref<10000xi32, #tpu.memory_space<vmem>> -> memref<40xi32, #tpu.memory_space<vmem>>
    %dma_wait3A_63 = arith.constant 0 : i32
    %dma_wait3A_64 = arith.constant 0 : i32
    %dma_wait3A_65 = tpu.memref_slice %arg2[%dma_wait3A_63, %dma_wait3A_64] : memref<20000x128xf32, #tpu.memory_space<hbm>> -> memref<20000x128xf32, #tpu.memory_space<hbm>>
    tpu.wait_indirect_dma semaphore(%arg18 : memref<!tpu.dma_semaphore, #tpu.memory_space<semaphore_mem>>) src(%dma_wait3A_65 : memref<20000x128xf32, #tpu.memory_space<hbm>>) dst(%arg12 : memref<40x128xf32, #tpu.memory_space<vmem>>)
    %dma_start3A_66 = arith.constant 9880 : i32
    %dma_start3A_67 = tpu.memref_slice %arg9[%dma_start3A_66] : memref<10000xi32, #tpu.memory_space<vmem>> -> memref<40xi32, #tpu.memory_space<vmem>>
    %dma_start3A_68 = arith.constant 0 : i32
    %dma_start3A_69 = arith.constant 0 : i32
    %dma_start3A_70 = tpu.memref_slice %arg15[%dma_start3A_68, %dma_start3A_69] : memref<10240x128xf32, #tpu.memory_space<vmem_shared>> -> memref<10240x128xf32, #tpu.memory_space<vmem_shared>>
    tpu.enqueue_indirect_dma source(%arg12 : memref<40x128xf32, #tpu.memory_space<vmem>>) target(%dma_start3A_70 : memref<10240x128xf32, #tpu.memory_space<vmem_shared>>) offsets(%dma_start3A_67 : memref<40xi32, #tpu.memory_space<vmem>>) semaphore(%arg23 : memref<!tpu.dma_semaphore, #tpu.memory_space<semaphore_mem>>) {add = true}
    %dma_wait3A_71 = arith.constant 0 : i32
    %dma_wait3A_72 = tpu.memref_slice %arg8[%dma_wait3A_71] : memref<10000xi32, #tpu.memory_space<vmem>> -> memref<40xi32, #tpu.memory_space<vmem>>
    %dma_wait3A_73 = arith.constant 0 : i32
    %dma_wait3A_74 = arith.constant 0 : i32
    %dma_wait3A_75 = tpu.memref_slice %arg2[%dma_wait3A_73, %dma_wait3A_74] : memref<20000x128xf32, #tpu.memory_space<hbm>> -> memref<20000x128xf32, #tpu.memory_space<hbm>>
    tpu.wait_indirect_dma semaphore(%arg19 : memref<!tpu.dma_semaphore, #tpu.memory_space<semaphore_mem>>) src(%dma_wait3A_75 : memref<20000x128xf32, #tpu.memory_space<hbm>>) dst(%arg13 : memref<40x128xf32, #tpu.memory_space<vmem>>)
    %dma_start3A_76 = arith.constant 9920 : i32
    %dma_start3A_77 = tpu.memref_slice %arg9[%dma_start3A_76] : memref<10000xi32, #tpu.memory_space<vmem>> -> memref<40xi32, #tpu.memory_space<vmem>>
    %dma_start3A_78 = arith.constant 0 : i32
    %dma_start3A_79 = arith.constant 0 : i32
    %dma_start3A_80 = tpu.memref_slice %arg15[%dma_start3A_78, %dma_start3A_79] : memref<10240x128xf32, #tpu.memory_space<vmem_shared>> -> memref<10240x128xf32, #tpu.memory_space<vmem_shared>>
    tpu.enqueue_indirect_dma source(%arg13 : memref<40x128xf32, #tpu.memory_space<vmem>>) target(%dma_start3A_80 : memref<10240x128xf32, #tpu.memory_space<vmem_shared>>) offsets(%dma_start3A_77 : memref<40xi32, #tpu.memory_space<vmem>>) semaphore(%arg24 : memref<!tpu.dma_semaphore, #tpu.memory_space<semaphore_mem>>) {add = true}
    %dma_wait3A_81 = arith.constant 0 : i32
    %dma_wait3A_82 = tpu.memref_slice %arg8[%dma_wait3A_81] : memref<10000xi32, #tpu.memory_space<vmem>> -> memref<40xi32, #tpu.memory_space<vmem>>
    %dma_wait3A_83 = arith.constant 0 : i32
    %dma_wait3A_84 = arith.constant 0 : i32
    %dma_wait3A_85 = tpu.memref_slice %arg2[%dma_wait3A_83, %dma_wait3A_84] : memref<20000x128xf32, #tpu.memory_space<hbm>> -> memref<20000x128xf32, #tpu.memory_space<hbm>>
    tpu.wait_indirect_dma semaphore(%arg20 : memref<!tpu.dma_semaphore, #tpu.memory_space<semaphore_mem>>) src(%dma_wait3A_85 : memref<20000x128xf32, #tpu.memory_space<hbm>>) dst(%arg14 : memref<40x128xf32, #tpu.memory_space<vmem>>)
    %dma_start3A_86 = arith.constant 9960 : i32
    %dma_start3A_87 = tpu.memref_slice %arg9[%dma_start3A_86] : memref<10000xi32, #tpu.memory_space<vmem>> -> memref<40xi32, #tpu.memory_space<vmem>>
    %dma_start3A_88 = arith.constant 0 : i32
    %dma_start3A_89 = arith.constant 0 : i32
    %dma_start3A_90 = tpu.memref_slice %arg15[%dma_start3A_88, %dma_start3A_89] : memref<10240x128xf32, #tpu.memory_space<vmem_shared>> -> memref<10240x128xf32, #tpu.memory_space<vmem_shared>>
    tpu.enqueue_indirect_dma source(%arg14 : memref<40x128xf32, #tpu.memory_space<vmem>>) target(%dma_start3A_90 : memref<10240x128xf32, #tpu.memory_space<vmem_shared>>) offsets(%dma_start3A_87 : memref<40xi32, #tpu.memory_space<vmem>>) semaphore(%arg25 : memref<!tpu.dma_semaphore, #tpu.memory_space<semaphore_mem>>) {add = true}
    %dma_wait3A_91 = arith.constant 0 : i32
    %dma_wait3A_92 = tpu.memref_slice %arg9[%dma_wait3A_91] : memref<10000xi32, #tpu.memory_space<vmem>> -> memref<40xi32, #tpu.memory_space<vmem>>
    %dma_wait3A_93 = arith.constant 0 : i32
    %dma_wait3A_94 = arith.constant 0 : i32
    %dma_wait3A_95 = tpu.memref_slice %arg15[%dma_wait3A_93, %dma_wait3A_94] : memref<10240x128xf32, #tpu.memory_space<vmem_shared>> -> memref<10240x128xf32, #tpu.memory_space<vmem_shared>>
    tpu.wait_indirect_dma semaphore(%arg21 : memref<!tpu.dma_semaphore, #tpu.memory_space<semaphore_mem>>) src(%arg10 : memref<40x128xf32, #tpu.memory_space<vmem>>) dst(%dma_wait3A_95 : memref<10240x128xf32, #tpu.memory_space<vmem_shared>>)
    %dma_wait3A_96 = arith.constant 0 : i32
    %dma_wait3A_97 = tpu.memref_slice %arg9[%dma_wait3A_96] : memref<10000xi32, #tpu.memory_space<vmem>> -> memref<40xi32, #tpu.memory_space<vmem>>
    %dma_wait3A_98 = arith.constant 0 : i32
    %dma_wait3A_99 = arith.constant 0 : i32
    %dma_wait3A_100 = tpu.memref_slice %arg15[%dma_wait3A_98, %dma_wait3A_99] : memref<10240x128xf32, #tpu.memory_space<vmem_shared>> -> memref<10240x128xf32, #tpu.memory_space<vmem_shared>>
    tpu.wait_indirect_dma semaphore(%arg22 : memref<!tpu.dma_semaphore, #tpu.memory_space<semaphore_mem>>) src(%arg11 : memref<40x128xf32, #tpu.memory_space<vmem>>) dst(%dma_wait3A_100 : memref<10240x128xf32, #tpu.memory_space<vmem_shared>>)
    %dma_wait3A_101 = arith.constant 0 : i32
    %dma_wait3A_102 = tpu.memref_slice %arg9[%dma_wait3A_101] : memref<10000xi32, #tpu.memory_space<vmem>> -> memref<40xi32, #tpu.memory_space<vmem>>
    %dma_wait3A_103 = arith.constant 0 : i32
    %dma_wait3A_104 = arith.constant 0 : i32
    %dma_wait3A_105 = tpu.memref_slice %arg15[%dma_wait3A_103, %dma_wait3A_104] : memref<10240x128xf32, #tpu.memory_space<vmem_shared>> -> memref<10240x128xf32, #tpu.memory_space<vmem_shared>>
    tpu.wait_indirect_dma semaphore(%arg23 : memref<!tpu.dma_semaphore, #tpu.memory_space<semaphore_mem>>) src(%arg12 : memref<40x128xf32, #tpu.memory_space<vmem>>) dst(%dma_wait3A_105 : memref<10240x128xf32, #tpu.memory_space<vmem_shared>>)
    %dma_wait3A_106 = arith.constant 0 : i32
    %dma_wait3A_107 = tpu.memref_slice %arg9[%dma_wait3A_106] : memref<10000xi32, #tpu.memory_space<vmem>> -> memref<40xi32, #tpu.memory_space<vmem>>
    %dma_wait3A_108 = arith.constant 0 : i32
    %dma_wait3A_109 = arith.constant 0 : i32
    %dma_wait3A_110 = tpu.memref_slice %arg15[%dma_wait3A_108, %dma_wait3A_109] : memref<10240x128xf32, #tpu.memory_space<vmem_shared>> -> memref<10240x128xf32, #tpu.memory_space<vmem_shared>>
    tpu.wait_indirect_dma semaphore(%arg24 : memref<!tpu.dma_semaphore, #tpu.memory_space<semaphore_mem>>) src(%arg13 : memref<40x128xf32, #tpu.memory_space<vmem>>) dst(%dma_wait3A_110 : memref<10240x128xf32, #tpu.memory_space<vmem_shared>>)
    %dma_wait3A_111 = arith.constant 0 : i32
    %dma_wait3A_112 = tpu.memref_slice %arg9[%dma_wait3A_111] : memref<10000xi32, #tpu.memory_space<vmem>> -> memref<40xi32, #tpu.memory_space<vmem>>
    %dma_wait3A_113 = arith.constant 0 : i32
    %dma_wait3A_114 = arith.constant 0 : i32
    %dma_wait3A_115 = tpu.memref_slice %arg15[%dma_wait3A_113, %dma_wait3A_114] : memref<10240x128xf32, #tpu.memory_space<vmem_shared>> -> memref<10240x128xf32, #tpu.memory_space<vmem_shared>>
    tpu.wait_indirect_dma semaphore(%arg25 : memref<!tpu.dma_semaphore, #tpu.memory_space<semaphore_mem>>) src(%arg14 : memref<40x128xf32, #tpu.memory_space<vmem>>) dst(%dma_wait3A_115 : memref<10240x128xf32, #tpu.memory_space<vmem_shared>>)
    %barrier3A_116 = arith.constant 0 : index
    tpu.barrier barrier_id(%barrier3A_116)
    %mul3A_117 = arith.constant 640 : i32
    %mul3A_118 = arith.muli %arg1, %mul3A_117 : i32
    %mul3A_119 = arith.constant 640 : i32
    %mul3A_120 = arith.muli %arg1, %mul3A_119 : i32
    "tpu.region"() ({
      %run_scoped3A = tpu.sem_alloc : memref<!tpu.dma_semaphore, #tpu.memory_space<semaphore_mem>>
      %dma_start3A_121 = arith.constant 0 : i32
      %dma_start3A_122 = tpu.memref_slice %arg7[%arg0, %mul3A_120, %dma_start3A_121] : memref<2x10240x128xf32, #tpu.memory_space<hbm>> -> memref<1x640x128xf32, #tpu.memory_space<hbm>>
      %dma_start3A_123 = tpu.memref_squeeze %dma_start3A_122 : memref<1x640x128xf32, #tpu.memory_space<hbm>> -> memref<640x128xf32, #tpu.memory_space<hbm>>
      %dma_start3A_124 = arith.constant 0 : i32
      %dma_start3A_125 = tpu.memref_slice %arg15[%mul3A_118, %dma_start3A_124] : memref<10240x128xf32, #tpu.memory_space<vmem_shared>> -> memref<640x128xf32, #tpu.memory_space<vmem_shared>>
      tpu.enqueue_dma source(%dma_start3A_125 : memref<640x128xf32, #tpu.memory_space<vmem_shared>>) target(%dma_start3A_123 : memref<640x128xf32, #tpu.memory_space<hbm>>) target_semaphore(%run_scoped3A : memref<!tpu.dma_semaphore, #tpu.memory_space<semaphore_mem>>)
      %dma_wait3A_126 = arith.constant 0 : i32
      %dma_wait3A_127 = tpu.memref_slice %arg7[%arg0, %mul3A_120, %dma_wait3A_126] : memref<2x10240x128xf32, #tpu.memory_space<hbm>> -> memref<1x640x128xf32, #tpu.memory_space<hbm>>
      %dma_wait3A_128 = tpu.memref_squeeze %dma_wait3A_127 : memref<1x640x128xf32, #tpu.memory_space<hbm>> -> memref<640x128xf32, #tpu.memory_space<hbm>>
      %dma_wait3A_129 = arith.constant 0 : i32
      %dma_wait3A_130 = tpu.memref_slice %arg15[%mul3A_118, %dma_wait3A_129] : memref<10240x128xf32, #tpu.memory_space<vmem_shared>> -> memref<640x128xf32, #tpu.memory_space<vmem_shared>>
      tpu.wait_dma2 semaphore(%run_scoped3A : memref<!tpu.dma_semaphore, #tpu.memory_space<semaphore_mem>>) src(%dma_wait3A_130 : memref<640x128xf32, #tpu.memory_space<vmem_shared>>) dst(%dma_wait3A_128 : memref<640x128xf32, #tpu.memory_space<hbm>>)
      tpu.yield
    }) : () -> ()
    return
  }
}

module attributes {stable_mosaic.version = 14 : i64} {
  func.func @_embed_body(%arg0: i32, %arg1: memref<1x1x1000xi32, #tpu.memory_space<vmem>>, %arg2: memref<1x1x1000xi32, #tpu.memory_space<vmem>>, %arg3: memref<8x256xf32, #tpu.memory_space<vmem>>, %arg4: memref<8x256xf32, #tpu.memory_space<vmem>>, %arg5: memref<1x1x1000xf32, #tpu.memory_space<vmem>>, %arg6: memref<1x1x1000xf32, #tpu.memory_space<vmem>>, %arg7: memref<256x256xf32, #tpu.memory_space<vmem>>, %arg8: memref<1x256xf32, #tpu.memory_space<vmem>>, %arg9: memref<2x1000x128xf32, #tpu.memory_space<vmem>>, %arg10: memref<1x1x1000xf32, #tpu.memory_space<vmem>>) attributes {dimension_semantics = [#tpu.dimension_semantics<arbitrary>], iteration_bounds = array<i64: 10>, scalar_prefetch = 0 : i64, scratch_operands = 0 : i64, tpu.core_type = #tpu.core_type<tc>, window_params = [{transform_indices = @transform_0, window_bounds = array<i64: 1, 1, 1000>}, {transform_indices = @transform_1, window_bounds = array<i64: 1, 1, 1000>}, {pipeline_mode = #tpu.pipeline_mode<synchronous>, transform_indices = @transform_2, window_bounds = array<i64: 8, 256>}, {pipeline_mode = #tpu.pipeline_mode<synchronous>, transform_indices = @transform_3, window_bounds = array<i64: 8, 256>}, {transform_indices = @transform_4, window_bounds = array<i64: 1, 1, 1000>}, {transform_indices = @transform_5, window_bounds = array<i64: 1, 1, 1000>}, {pipeline_mode = #tpu.pipeline_mode<synchronous>, transform_indices = @transform_6, window_bounds = array<i64: 256, 256>}, {pipeline_mode = #tpu.pipeline_mode<synchronous>, transform_indices = @transform_7, window_bounds = array<i64: 1, 256>}, {transform_indices = @transform_8, window_bounds = array<i64: 2, 1000, 128>}, {transform_indices = @transform_9, window_bounds = array<i64: 1, 1, 1000>}]} {
    %get3A = arith.constant 0 : index
    %get3A_0 = arith.constant 0 : index
    %get3A_1 = arith.constant 0 : index
    %get3A_2 = vector.load %arg1[%get3A, %get3A_0, %get3A_1] : memref<1x1x1000xi32, #tpu.memory_space<vmem>>, vector<1x1x1000xi32>
    %get3A_3 = vector.shape_cast %get3A_2 : vector<1x1x1000xi32> to vector<1000xi32>
    %get3A_4 = arith.constant 0 : index
    %get3A_5 = arith.constant 0 : index
    %get3A_6 = arith.constant 0 : index
    %get3A_7 = vector.load %arg2[%get3A_4, %get3A_5, %get3A_6] : memref<1x1x1000xi32, #tpu.memory_space<vmem>>, vector<1x1x1000xi32>
    %get3A_8 = vector.shape_cast %get3A_7 : vector<1x1x1000xi32> to vector<1000xi32>
    %broadcast_in_dim3A = vector.shape_cast %get3A_3 : vector<1000xi32> to vector<1000x1xi32>
    %iota3A = tpu.iota {dimensions = array<i32: 1>} : vector<1000x8xi32>
    %eq3A = vector.broadcast %broadcast_in_dim3A : vector<1000x1xi32> to vector<1000x8xi32>
    %eq3A_9 = arith.cmpi eq, %eq3A, %iota3A : vector<1000x8xi32>
    %convert_element_type3A = arith.extui %eq3A_9 : vector<1000x8xi1> to vector<1000x8xi32>
    %convert_element_type3A_10 = arith.sitofp %convert_element_type3A : vector<1000x8xi32> to vector<1000x8xf32>
    %broadcast_in_dim3A_11 = vector.shape_cast %get3A_8 : vector<1000xi32> to vector<1000x1xi32>
    %iota3A_12 = tpu.iota {dimensions = array<i32: 1>} : vector<1000x8xi32>
    %eq3A_13 = vector.broadcast %broadcast_in_dim3A_11 : vector<1000x1xi32> to vector<1000x8xi32>
    %eq3A_14 = arith.cmpi eq, %eq3A_13, %iota3A_12 : vector<1000x8xi32>
    %convert_element_type3A_15 = arith.extui %eq3A_14 : vector<1000x8xi1> to vector<1000x8xi32>
    %convert_element_type3A_16 = arith.sitofp %convert_element_type3A_15 : vector<1000x8xi32> to vector<1000x8xf32>
    %get3A_17 = arith.constant 0 : index
    %get3A_18 = arith.constant 0 : index
    %get3A_19 = vector.load %arg3[%get3A_17, %get3A_18] : memref<8x256xf32, #tpu.memory_space<vmem>>, vector<8x256xf32>
    %dot_general3A = arith.constant dense<0.000000e+00> : vector<1000x256xf32>
    %dot_general3A_20 = tpu.matmul %convert_element_type3A_10, %get3A_19, %dot_general3A {dimension_numbers = #tpu.dot_dimension_numbers<[1], [0], [0], [1], [0, 0, 1, 1], [], []>, precision = #tpu.contract_precision<fp32>, transpose_lhs_hint = false} : vector<1000x8xf32>, vector<8x256xf32>, vector<1000x256xf32> -> vector<1000x256xf32>
    %get3A_21 = arith.constant 0 : index
    %get3A_22 = arith.constant 0 : index
    %get3A_23 = vector.load %arg4[%get3A_21, %get3A_22] : memref<8x256xf32, #tpu.memory_space<vmem>>, vector<8x256xf32>
    %dot_general3A_24 = arith.constant dense<0.000000e+00> : vector<1000x256xf32>
    %dot_general3A_25 = tpu.matmul %convert_element_type3A_16, %get3A_23, %dot_general3A_24 {dimension_numbers = #tpu.dot_dimension_numbers<[1], [0], [0], [1], [0, 0, 1, 1], [], []>, precision = #tpu.contract_precision<fp32>, transpose_lhs_hint = false} : vector<1000x8xf32>, vector<8x256xf32>, vector<1000x256xf32> -> vector<1000x256xf32>
    %add3A = arith.addf %dot_general3A_20, %dot_general3A_25 : vector<1000x256xf32>
    %get3A_26 = arith.constant 0 : index
    %get3A_27 = arith.constant 0 : index
    %get3A_28 = arith.constant 0 : index
    %get3A_29 = vector.load %arg5[%get3A_26, %get3A_27, %get3A_28] : memref<1x1x1000xf32, #tpu.memory_space<vmem>>, vector<1x1x1000xf32>
    %get3A_30 = vector.shape_cast %get3A_29 : vector<1x1x1000xf32> to vector<1000xf32>
    %get3A_31 = arith.constant 0 : index
    %get3A_32 = arith.constant 0 : index
    %get3A_33 = arith.constant 0 : index
    %get3A_34 = vector.load %arg6[%get3A_31, %get3A_32, %get3A_33] : memref<1x1x1000xf32, #tpu.memory_space<vmem>>, vector<1x1x1000xf32>
    %get3A_35 = vector.shape_cast %get3A_34 : vector<1x1x1000xf32> to vector<1000xf32>
    %add3A_36 = arith.addf %get3A_30, %get3A_35 : vector<1000xf32>
    %add3A_37 = arith.constant 1.000000e+00 : f32
    %add3A_38 = vector.broadcast %add3A_37 : f32 to vector<1000xf32>
    %add3A_39 = arith.addf %add3A_36, %add3A_38 : vector<1000xf32>
    %rsqrt3A = math.rsqrt %add3A_39 : vector<1000xf32>
    %swap3A = arith.constant 0 : index
    %swap3A_40 = arith.constant 0 : index
    %swap3A_41 = arith.constant 0 : index
    %swap3A_42 = vector.load %arg10[%swap3A, %swap3A_40, %swap3A_41] : memref<1x1x1000xf32, #tpu.memory_space<vmem>>, vector<1x1x1000xf32>
    %swap3A_43 = vector.shape_cast %swap3A_42 : vector<1x1x1000xf32> to vector<1000xf32>
    %swap3A_44 = vector.shape_cast %rsqrt3A : vector<1000xf32> to vector<1x1x1000xf32>
    tpu.vector_store %arg10[%swap3A, %swap3A_40, %swap3A_41], %swap3A_44 {strides = array<i32>} : memref<1x1x1000xf32, #tpu.memory_space<vmem>>, vector<1x1x1000xf32>,
    %get3A_45 = arith.constant 0 : index
    %get3A_46 = arith.constant 0 : index
    %get3A_47 = vector.load %arg7[%get3A_45, %get3A_46] : memref<256x256xf32, #tpu.memory_space<vmem>>, vector<256x256xf32>
    %dot_general3A_48 = arith.constant dense<0.000000e+00> : vector<1000x256xf32>
    %dot_general3A_49 = tpu.matmul %add3A, %get3A_47, %dot_general3A_48 {dimension_numbers = #tpu.dot_dimension_numbers<[1], [0], [0], [1], [0, 0, 1, 1], [], []>, precision = #tpu.contract_precision<fp32>, transpose_lhs_hint = false} : vector<1000x256xf32>, vector<256x256xf32>, vector<1000x256xf32> -> vector<1000x256xf32>
    %get3A_50 = arith.constant 0 : index
    %get3A_51 = arith.constant 0 : index
    %get3A_52 = vector.load %arg8[%get3A_50, %get3A_51] : memref<1x256xf32, #tpu.memory_space<vmem>>, vector<1x256xf32>
    %add3A_53 = vector.broadcast %get3A_52 : vector<1x256xf32> to vector<1000x256xf32>
    %add3A_54 = arith.addf %dot_general3A_49, %add3A_53 : vector<1000x256xf32>
    %broadcast_in_dim3A_55 = vector.shape_cast %rsqrt3A : vector<1000xf32> to vector<1000x1xf32>
    %mul3A = vector.broadcast %broadcast_in_dim3A_55 : vector<1000x1xf32> to vector<1000x256xf32>
    %mul3A_56 = arith.mulf %mul3A, %add3A_54 : vector<1000x256xf32>
    %slice3A = vector.extract_strided_slice %mul3A_56 {offsets = [0, 0], sizes = [1000, 128], strides = [1, 1]} : vector<1000x256xf32> to vector<1000x128xf32>
    %swap3A_57 = arith.constant 0 : index
    %swap3A_58 = arith.constant 0 : index
    %swap3A_59 = arith.constant 0 : index
    %swap3A_60 = vector.load %arg9[%swap3A_57, %swap3A_58, %swap3A_59] : memref<2x1000x128xf32, #tpu.memory_space<vmem>>, vector<1x1000x128xf32>
    %swap3A_61 = vector.shape_cast %swap3A_60 : vector<1x1000x128xf32> to vector<1000x128xf32>
    %swap3A_62 = vector.shape_cast %slice3A : vector<1000x128xf32> to vector<1x1000x128xf32>
    tpu.vector_store %arg9[%swap3A_57, %swap3A_58, %swap3A_59], %swap3A_62 {strides = array<i32>} : memref<2x1000x128xf32, #tpu.memory_space<vmem>>, vector<1x1000x128xf32>,
    %slice3A_63 = vector.extract_strided_slice %mul3A_56 {offsets = [0, 128], sizes = [1000, 128], strides = [1, 1]} : vector<1000x256xf32> to vector<1000x128xf32>
    %swap3A_64 = arith.constant 1 : index
    %swap3A_65 = arith.constant 0 : index
    %swap3A_66 = arith.constant 0 : index
    %swap3A_67 = vector.load %arg9[%swap3A_64, %swap3A_65, %swap3A_66] : memref<2x1000x128xf32, #tpu.memory_space<vmem>>, vector<1x1000x128xf32>
    %swap3A_68 = vector.shape_cast %swap3A_67 : vector<1x1000x128xf32> to vector<1000x128xf32>
    %swap3A_69 = vector.shape_cast %slice3A_63 : vector<1000x128xf32> to vector<1x1000x128xf32>
    tpu.vector_store %arg9[%swap3A_64, %swap3A_65, %swap3A_66], %swap3A_69 {strides = array<i32>} : memref<2x1000x128xf32, #tpu.memory_space<vmem>>, vector<1x1000x128xf32>,
    return
  }
  func.func @transform_0(%arg0: i32) -> (i32, i32, i32) {
    %c0_i32 = arith.constant 0 : i32
    %c0_i32_0 = arith.constant 0 : i32
    %c0_i32_1 = arith.constant 0 : i32
    return %arg0, %c0_i32, %c0_i32_0 : i32, i32, i32
  }
  func.func @transform_1(%arg0: i32) -> (i32, i32, i32) {
    %c0_i32 = arith.constant 0 : i32
    %c0_i32_0 = arith.constant 0 : i32
    %c0_i32_1 = arith.constant 0 : i32
    return %arg0, %c0_i32, %c0_i32_0 : i32, i32, i32
  }
  func.func @transform_2(%arg0: i32) -> (i32, i32) {
    %c0_i32 = arith.constant 0 : i32
    %c0_i32_0 = arith.constant 0 : i32
    %c0_i32_1 = arith.constant 0 : i32
    return %c0_i32, %c0_i32_0 : i32, i32
  }
  func.func @transform_3(%arg0: i32) -> (i32, i32) {
    %c0_i32 = arith.constant 0 : i32
    %c0_i32_0 = arith.constant 0 : i32
    %c0_i32_1 = arith.constant 0 : i32
    return %c0_i32, %c0_i32_0 : i32, i32
  }
  func.func @transform_4(%arg0: i32) -> (i32, i32, i32) {
    %c0_i32 = arith.constant 0 : i32
    %c0_i32_0 = arith.constant 0 : i32
    %c0_i32_1 = arith.constant 0 : i32
    return %arg0, %c0_i32, %c0_i32_0 : i32, i32, i32
  }
  func.func @transform_5(%arg0: i32) -> (i32, i32, i32) {
    %c0_i32 = arith.constant 0 : i32
    %c0_i32_0 = arith.constant 0 : i32
    %c0_i32_1 = arith.constant 0 : i32
    return %arg0, %c0_i32, %c0_i32_0 : i32, i32, i32
  }
  func.func @transform_6(%arg0: i32) -> (i32, i32) {
    %c0_i32 = arith.constant 0 : i32
    %c0_i32_0 = arith.constant 0 : i32
    %c0_i32_1 = arith.constant 0 : i32
    return %c0_i32, %c0_i32_0 : i32, i32
  }
  func.func @transform_7(%arg0: i32) -> (i32, i32) {
    %c0_i32 = arith.constant 0 : i32
    %c0_i32_0 = arith.constant 0 : i32
    %c0_i32_1 = arith.constant 0 : i32
    return %c0_i32, %c0_i32_0 : i32, i32
  }
  func.func @transform_8(%arg0: i32) -> (i32, i32, i32) {
    %c0_i32 = arith.constant 0 : i32
    %c0_i32_0 = arith.constant 0 : i32
    %c0_i32_1 = arith.constant 0 : i32
    return %c0_i32, %arg0, %c0_i32_0 : i32, i32, i32
  }
  func.func @transform_9(%arg0: i32) -> (i32, i32, i32) {
    %c0_i32 = arith.constant 0 : i32
    %c0_i32_0 = arith.constant 0 : i32
    %c0_i32_1 = arith.constant 0 : i32
    return %arg0, %c0_i32, %c0_i32_0 : i32, i32, i32
  }
}

module attributes {stable_mosaic.version = 14 : i64} {
  func.func @_post_body(%arg0: i32, %arg1: memref<2x1000x128xf32, #tpu.memory_space<vmem>>, %arg2: memref<2x1000x128xf32, #tpu.memory_space<vmem>>, %arg3: memref<2x1000x16xf32, #tpu.memory_space<vmem>>, %arg4: memref<16x256xf32, #tpu.memory_space<vmem>>, %arg5: memref<1x1x1000xf32, #tpu.memory_space<vmem>>, %arg6: memref<1000x256xf32, #tpu.memory_space<vmem>>, %arg7: memref<1x256xf32, #tpu.memory_space<vmem>>, %arg8: memref<1x256xf32, #tpu.memory_space<vmem>>) attributes {dimension_semantics = [#tpu.dimension_semantics<arbitrary>], iteration_bounds = array<i64: 10>, scalar_prefetch = 0 : i64, scratch_operands = 0 : i64, tpu.core_type = #tpu.core_type<tc>, window_params = [{transform_indices = @transform_0, window_bounds = array<i64: 2, 1000, 128>}, {transform_indices = @transform_1, window_bounds = array<i64: 2, 1000, 128>}, {transform_indices = @transform_2, window_bounds = array<i64: 2, 1000, 16>}, {pipeline_mode = #tpu.pipeline_mode<synchronous>, transform_indices = @transform_3, window_bounds = array<i64: 16, 256>}, {transform_indices = @transform_4, window_bounds = array<i64: 1, 1, 1000>}, {transform_indices = @transform_5, window_bounds = array<i64: 1000, 256>}, {pipeline_mode = #tpu.pipeline_mode<synchronous>, transform_indices = @transform_6, window_bounds = array<i64: 1, 256>}, {pipeline_mode = #tpu.pipeline_mode<synchronous>, transform_indices = @transform_7, window_bounds = array<i64: 1, 256>}]} {
    %get3A = arith.constant 0 : index
    %get3A_0 = arith.constant 0 : index
    %get3A_1 = arith.constant 0 : index
    %get3A_2 = vector.load %arg1[%get3A, %get3A_0, %get3A_1] : memref<2x1000x128xf32, #tpu.memory_space<vmem>>, vector<1x1000x128xf32>
    %get3A_3 = vector.shape_cast %get3A_2 : vector<1x1000x128xf32> to vector<1000x128xf32>
    %get3A_4 = arith.constant 1 : index
    %get3A_5 = arith.constant 0 : index
    %get3A_6 = arith.constant 0 : index
    %get3A_7 = vector.load %arg1[%get3A_4, %get3A_5, %get3A_6] : memref<2x1000x128xf32, #tpu.memory_space<vmem>>, vector<1x1000x128xf32>
    %get3A_8 = vector.shape_cast %get3A_7 : vector<1x1000x128xf32> to vector<1000x128xf32>
    %concatenate3A = tpu.concatenate %get3A_3, %get3A_8 in 1 : vector<1000x128xf32>, vector<1000x128xf32> -> vector<1000x256xf32>
    %get3A_9 = arith.constant 0 : index
    %get3A_10 = arith.constant 0 : index
    %get3A_11 = arith.constant 0 : index
    %get3A_12 = vector.load %arg2[%get3A_9, %get3A_10, %get3A_11] : memref<2x1000x128xf32, #tpu.memory_space<vmem>>, vector<1x1000x128xf32>
    %get3A_13 = vector.shape_cast %get3A_12 : vector<1x1000x128xf32> to vector<1000x128xf32>
    %get3A_14 = arith.constant 1 : index
    %get3A_15 = arith.constant 0 : index
    %get3A_16 = arith.constant 0 : index
    %get3A_17 = vector.load %arg2[%get3A_14, %get3A_15, %get3A_16] : memref<2x1000x128xf32, #tpu.memory_space<vmem>>, vector<1x1000x128xf32>
    %get3A_18 = vector.shape_cast %get3A_17 : vector<1x1000x128xf32> to vector<1000x128xf32>
    %concatenate3A_19 = tpu.concatenate %get3A_13, %get3A_18 in 1 : vector<1000x128xf32>, vector<1000x128xf32> -> vector<1000x256xf32>
    %get3A_20 = arith.constant 0 : index
    %get3A_21 = arith.constant 0 : index
    %get3A_22 = arith.constant 0 : index
    %get3A_23 = vector.load %arg3[%get3A_20, %get3A_21, %get3A_22] : memref<2x1000x16xf32, #tpu.memory_space<vmem>>, vector<1x1000x16xf32>
    %get3A_24 = vector.shape_cast %get3A_23 : vector<1x1000x16xf32> to vector<1000x16xf32>
    %get3A_25 = arith.constant 1 : index
    %get3A_26 = arith.constant 0 : index
    %get3A_27 = arith.constant 0 : index
    %get3A_28 = vector.load %arg3[%get3A_25, %get3A_26, %get3A_27] : memref<2x1000x16xf32, #tpu.memory_space<vmem>>, vector<1x1000x16xf32>
    %get3A_29 = vector.shape_cast %get3A_28 : vector<1x1000x16xf32> to vector<1000x16xf32>
    %add3A = arith.addf %get3A_24, %get3A_29 : vector<1000x16xf32>
    %get3A_30 = arith.constant 0 : index
    %get3A_31 = arith.constant 0 : index
    %get3A_32 = arith.constant 0 : index
    %get3A_33 = vector.load %arg5[%get3A_30, %get3A_31, %get3A_32] : memref<1x1x1000xf32, #tpu.memory_space<vmem>>, vector<1x1x1000xf32>
    %get3A_34 = vector.shape_cast %get3A_33 : vector<1x1x1000xf32> to vector<1000xf32>
    %iota3A = tpu.iota {dimensions = array<i32: 1>} : vector<1x16xi32>
    %eq3A = arith.constant 12 : i32
    %eq3A_35 = vector.broadcast %eq3A : i32 to vector<1x16xi32>
    %eq3A_36 = arith.cmpi eq, %iota3A, %eq3A_35 : vector<1x16xi32>
    %convert_element_type3A = arith.extui %eq3A_36 : vector<1x16xi1> to vector<1x16xi32>
    %convert_element_type3A_37 = arith.sitofp %convert_element_type3A : vector<1x16xi32> to vector<1x16xf32>
    %broadcast_in_dim3A = vector.shape_cast %get3A_34 : vector<1000xf32> to vector<1000x1xf32>
    %mul3A = vector.broadcast %broadcast_in_dim3A : vector<1000x1xf32> to vector<1000x16xf32>
    %mul3A_38 = vector.broadcast %convert_element_type3A_37 : vector<1x16xf32> to vector<1000x16xf32>
    %mul3A_39 = arith.mulf %mul3A, %mul3A_38 : vector<1000x16xf32>
    %add3A_40 = arith.addf %add3A, %mul3A_39 : vector<1000x16xf32>
    %broadcast_in_dim3A_41 = vector.shape_cast %get3A_34 : vector<1000xf32> to vector<1000x1xf32>
    %add3A_42 = arith.addf %concatenate3A, %concatenate3A_19 : vector<1000x256xf32>
    %get3A_43 = arith.constant 0 : index
    %get3A_44 = arith.constant 0 : index
    %get3A_45 = vector.load %arg4[%get3A_43, %get3A_44] : memref<16x256xf32, #tpu.memory_space<vmem>>, vector<16x256xf32>
    %dot_general3A = arith.constant dense<0.000000e+00> : vector<1000x256xf32>
    %dot_general3A_46 = tpu.matmul %add3A_40, %get3A_45, %dot_general3A {dimension_numbers = #tpu.dot_dimension_numbers<[1], [0], [0], [1], [0, 0, 1, 1], [], []>, precision = #tpu.contract_precision<fp32>, transpose_lhs_hint = false} : vector<1000x16xf32>, vector<16x256xf32>, vector<1000x256xf32> -> vector<1000x256xf32>
    %add3A_47 = arith.addf %add3A_42, %dot_general3A_46 : vector<1000x256xf32>
    %mul3A_48 = vector.broadcast %broadcast_in_dim3A_41 : vector<1000x1xf32> to vector<1000x256xf32>
    %mul3A_49 = arith.mulf %mul3A_48, %add3A_47 : vector<1000x256xf32>
    %swap3A = arith.constant 0 : index
    %swap3A_50 = arith.constant 0 : index
    %swap3A_51 = vector.load %arg6[%swap3A, %swap3A_50] : memref<1000x256xf32, #tpu.memory_space<vmem>>, vector<1000x256xf32>
    tpu.vector_store %arg6[%swap3A, %swap3A_50], %mul3A_49 {strides = array<i32>} : memref<1000x256xf32, #tpu.memory_space<vmem>>, vector<1000x256xf32>,
    %eq3A_52 = arith.constant 0 : i32
    %eq3A_53 = arith.cmpi eq, %arg0, %eq3A_52 : i32
    %convert_element_type3A_54 = arith.extui %eq3A_53 : i1 to i32
    %cond3A = arith.constant 0 : i32
    %cond3A_55 = arith.cmpi ne, %convert_element_type3A_54, %cond3A : i32
    scf.if %cond3A_55 {
      %broadcast_in_dim3A_76 = arith.constant 0.000000e+00 : f32
      %broadcast_in_dim3A_77 = vector.broadcast %broadcast_in_dim3A_76 : f32 to vector<1x256xf32>
      %swap3A_78 = arith.constant 0 : index
      %swap3A_79 = arith.constant 0 : index
      %swap3A_80 = vector.load %arg7[%swap3A_78, %swap3A_79] : memref<1x256xf32, #tpu.memory_space<vmem>>, vector<1x256xf32>
      tpu.vector_store %arg7[%swap3A_78, %swap3A_79], %broadcast_in_dim3A_77 {strides = array<i32>} : memref<1x256xf32, #tpu.memory_space<vmem>>, vector<1x256xf32>,
      %broadcast_in_dim3A_81 = arith.constant 0.000000e+00 : f32
      %broadcast_in_dim3A_82 = vector.broadcast %broadcast_in_dim3A_81 : f32 to vector<1x256xf32>
      %swap3A_83 = arith.constant 0 : index
      %swap3A_84 = arith.constant 0 : index
      %swap3A_85 = vector.load %arg8[%swap3A_83, %swap3A_84] : memref<1x256xf32, #tpu.memory_space<vmem>>, vector<1x256xf32>
      tpu.vector_store %arg8[%swap3A_83, %swap3A_84], %broadcast_in_dim3A_82 {strides = array<i32>} : memref<1x256xf32, #tpu.memory_space<vmem>>, vector<1x256xf32>,
    } else {
    }
    %get3A_56 = arith.constant 0 : index
    %get3A_57 = arith.constant 0 : index
    %get3A_58 = vector.load %arg7[%get3A_56, %get3A_57] : memref<1x256xf32, #tpu.memory_space<vmem>>, vector<1x256xf32>
    %reduce_sum3A = arith.constant dense<0.000000e+00> : vector<256xf32>
    %reduce_sum3A_59 = vector.multi_reduction <add>, %mul3A_49, %reduce_sum3A [0] : vector<1000x256xf32> to vector<256xf32>
    %broadcast_in_dim3A_60 = vector.shape_cast %reduce_sum3A_59 : vector<256xf32> to vector<1x256xf32>
    %add3A_61 = arith.addf %get3A_58, %broadcast_in_dim3A_60 : vector<1x256xf32>
    %swap3A_62 = arith.constant 0 : index
    %swap3A_63 = arith.constant 0 : index
    %swap3A_64 = vector.load %arg7[%swap3A_62, %swap3A_63] : memref<1x256xf32, #tpu.memory_space<vmem>>, vector<1x256xf32>
    tpu.vector_store %arg7[%swap3A_62, %swap3A_63], %add3A_61 {strides = array<i32>} : memref<1x256xf32, #tpu.memory_space<vmem>>, vector<1x256xf32>,
    %get3A_65 = arith.constant 0 : index
    %get3A_66 = arith.constant 0 : index
    %get3A_67 = vector.load %arg8[%get3A_65, %get3A_66] : memref<1x256xf32, #tpu.memory_space<vmem>>, vector<1x256xf32>
    %mul3A_68 = arith.mulf %mul3A_49, %mul3A_49 : vector<1000x256xf32>
    %reduce_sum3A_69 = arith.constant dense<0.000000e+00> : vector<256xf32>
    %reduce_sum3A_70 = vector.multi_reduction <add>, %mul3A_68, %reduce_sum3A_69 [0] : vector<1000x256xf32> to vector<256xf32>
    %broadcast_in_dim3A_71 = vector.shape_cast %reduce_sum3A_70 : vector<256xf32> to vector<1x256xf32>
    %add3A_72 = arith.addf %get3A_67, %broadcast_in_dim3A_71 : vector<1x256xf32>
    %swap3A_73 = arith.constant 0 : index
    %swap3A_74 = arith.constant 0 : index
    %swap3A_75 = vector.load %arg8[%swap3A_73, %swap3A_74] : memref<1x256xf32, #tpu.memory_space<vmem>>, vector<1x256xf32>
    tpu.vector_store %arg8[%swap3A_73, %swap3A_74], %add3A_72 {strides = array<i32>} : memref<1x256xf32, #tpu.memory_space<vmem>>, vector<1x256xf32>,
    return
  }
  func.func @transform_0(%arg0: i32) -> (i32, i32, i32) {
    %c0_i32 = arith.constant 0 : i32
    %c0_i32_0 = arith.constant 0 : i32
    %c0_i32_1 = arith.constant 0 : i32
    return %c0_i32, %arg0, %c0_i32_0 : i32, i32, i32
  }
  func.func @transform_1(%arg0: i32) -> (i32, i32, i32) {
    %c0_i32 = arith.constant 0 : i32
    %c0_i32_0 = arith.constant 0 : i32
    %c0_i32_1 = arith.constant 0 : i32
    return %c0_i32, %arg0, %c0_i32_0 : i32, i32, i32
  }
  func.func @transform_2(%arg0: i32) -> (i32, i32, i32) {
    %c0_i32 = arith.constant 0 : i32
    %c0_i32_0 = arith.constant 0 : i32
    %c0_i32_1 = arith.constant 0 : i32
    return %c0_i32, %arg0, %c0_i32_0 : i32, i32, i32
  }
  func.func @transform_3(%arg0: i32) -> (i32, i32) {
    %c0_i32 = arith.constant 0 : i32
    %c0_i32_0 = arith.constant 0 : i32
    %c0_i32_1 = arith.constant 0 : i32
    return %c0_i32, %c0_i32_0 : i32, i32
  }
  func.func @transform_4(%arg0: i32) -> (i32, i32, i32) {
    %c0_i32 = arith.constant 0 : i32
    %c0_i32_0 = arith.constant 0 : i32
    %c0_i32_1 = arith.constant 0 : i32
    return %arg0, %c0_i32, %c0_i32_0 : i32, i32, i32
  }
  func.func @transform_5(%arg0: i32) -> (i32, i32) {
    %c0_i32 = arith.constant 0 : i32
    %c0_i32_0 = arith.constant 0 : i32
    return %arg0, %c0_i32 : i32, i32
  }
  func.func @transform_6(%arg0: i32) -> (i32, i32) {
    %c0_i32 = arith.constant 0 : i32
    %c0_i32_0 = arith.constant 0 : i32
    %c0_i32_1 = arith.constant 0 : i32
    return %c0_i32, %c0_i32_0 : i32, i32
  }
  func.func @transform_7(%arg0: i32) -> (i32, i32) {
    %c0_i32 = arith.constant 0 : i32
    %c0_i32_0 = arith.constant 0 : i32
    %c0_i32_1 = arith.constant 0 : i32
    return %c0_i32, %c0_i32_0 : i32, i32
  }
}

module attributes {stable_mosaic.version = 14 : i64} {
  func.func @_pre_body(%arg0: i32, %arg1: memref<1000x256xf32, #tpu.memory_space<vmem>>, %arg2: memref<1x256xf32, #tpu.memory_space<vmem>>, %arg3: memref<1x256xf32, #tpu.memory_space<vmem>>, %arg4: memref<1x256xf32, #tpu.memory_space<vmem>>, %arg5: memref<1x256xf32, #tpu.memory_space<vmem>>, %arg6: memref<256x256xf32, #tpu.memory_space<vmem>>, %arg7: memref<1x256xf32, #tpu.memory_space<vmem>>, %arg8: memref<1x1x1000xf32, #tpu.memory_space<vmem>>, %arg9: memref<2x1000x128xf32, #tpu.memory_space<vmem>>) attributes {dimension_semantics = [#tpu.dimension_semantics<arbitrary>], iteration_bounds = array<i64: 10>, scalar_prefetch = 0 : i64, scratch_operands = 0 : i64, tpu.core_type = #tpu.core_type<tc>, window_params = [{transform_indices = @transform_0, window_bounds = array<i64: 1000, 256>}, {pipeline_mode = #tpu.pipeline_mode<synchronous>, transform_indices = @transform_1, window_bounds = array<i64: 1, 256>}, {pipeline_mode = #tpu.pipeline_mode<synchronous>, transform_indices = @transform_2, window_bounds = array<i64: 1, 256>}, {pipeline_mode = #tpu.pipeline_mode<synchronous>, transform_indices = @transform_3, window_bounds = array<i64: 1, 256>}, {pipeline_mode = #tpu.pipeline_mode<synchronous>, transform_indices = @transform_4, window_bounds = array<i64: 1, 256>}, {pipeline_mode = #tpu.pipeline_mode<synchronous>, transform_indices = @transform_5, window_bounds = array<i64: 256, 256>}, {pipeline_mode = #tpu.pipeline_mode<synchronous>, transform_indices = @transform_6, window_bounds = array<i64: 1, 256>}, {transform_indices = @transform_7, window_bounds = array<i64: 1, 1, 1000>}, {transform_indices = @transform_8, window_bounds = array<i64: 2, 1000, 128>}]} {
    %get3A = arith.constant 0 : index
    %get3A_0 = arith.constant 0 : index
    %get3A_1 = vector.load %arg2[%get3A, %get3A_0] : memref<1x256xf32, #tpu.memory_space<vmem>>, vector<1x256xf32>
    %mul3A = arith.constant 9.99999974E-5 : f32
    %mul3A_2 = vector.broadcast %mul3A : f32 to vector<1x256xf32>
    %mul3A_3 = arith.mulf %get3A_1, %mul3A_2 : vector<1x256xf32>
    %get3A_4 = arith.constant 0 : index
    %get3A_5 = arith.constant 0 : index
    %get3A_6 = vector.load %arg3[%get3A_4, %get3A_5] : memref<1x256xf32, #tpu.memory_space<vmem>>, vector<1x256xf32>
    %mul3A_7 = arith.constant 9.99999974E-5 : f32
    %mul3A_8 = vector.broadcast %mul3A_7 : f32 to vector<1x256xf32>
    %mul3A_9 = arith.mulf %get3A_6, %mul3A_8 : vector<1x256xf32>
    %mul3A_10 = arith.mulf %mul3A_3, %mul3A_3 : vector<1x256xf32>
    %sub3A = arith.subf %mul3A_9, %mul3A_10 : vector<1x256xf32>
    %add3A = arith.constant 9.99999974E-6 : f32
    %add3A_11 = vector.broadcast %add3A : f32 to vector<1x256xf32>
    %add3A_12 = arith.addf %sub3A, %add3A_11 : vector<1x256xf32>
    %rsqrt3A = math.rsqrt %add3A_12 : vector<1x256xf32>
    %get3A_13 = arith.constant 0 : index
    %get3A_14 = arith.constant 0 : index
    %get3A_15 = vector.load %arg1[%get3A_13, %get3A_14] : memref<1000x256xf32, #tpu.memory_space<vmem>>, vector<1000x256xf32>
    %sub3A_16 = vector.broadcast %mul3A_3 : vector<1x256xf32> to vector<1000x256xf32>
    %sub3A_17 = arith.subf %get3A_15, %sub3A_16 : vector<1000x256xf32>
    %get3A_18 = arith.constant 0 : index
    %get3A_19 = arith.constant 0 : index
    %get3A_20 = vector.load %arg4[%get3A_18, %get3A_19] : memref<1x256xf32, #tpu.memory_space<vmem>>, vector<1x256xf32>
    %mul3A_21 = arith.mulf %rsqrt3A, %get3A_20 : vector<1x256xf32>
    %mul3A_22 = vector.broadcast %mul3A_21 : vector<1x256xf32> to vector<1000x256xf32>
    %mul3A_23 = arith.mulf %sub3A_17, %mul3A_22 : vector<1000x256xf32>
    %get3A_24 = arith.constant 0 : index
    %get3A_25 = arith.constant 0 : index
    %get3A_26 = vector.load %arg5[%get3A_24, %get3A_25] : memref<1x256xf32, #tpu.memory_space<vmem>>, vector<1x256xf32>
    %add3A_27 = vector.broadcast %get3A_26 : vector<1x256xf32> to vector<1000x256xf32>
    %add3A_28 = arith.addf %mul3A_23, %add3A_27 : vector<1000x256xf32>
    %max3A = arith.constant 0.000000e+00 : f32
    %max3A_29 = vector.broadcast %max3A : f32 to vector<1000x256xf32>
    %max3A_30 = arith.maximumf %add3A_28, %max3A_29 : vector<1000x256xf32>
    %get3A_31 = arith.constant 0 : index
    %get3A_32 = arith.constant 0 : index
    %get3A_33 = vector.load %arg6[%get3A_31, %get3A_32] : memref<256x256xf32, #tpu.memory_space<vmem>>, vector<256x256xf32>
    %dot_general3A = arith.constant dense<0.000000e+00> : vector<1000x256xf32>
    %dot_general3A_34 = tpu.matmul %max3A_30, %get3A_33, %dot_general3A {dimension_numbers = #tpu.dot_dimension_numbers<[1], [0], [0], [1], [0, 0, 1, 1], [], []>, precision = #tpu.contract_precision<fp32>, transpose_lhs_hint = false} : vector<1000x256xf32>, vector<256x256xf32>, vector<1000x256xf32> -> vector<1000x256xf32>
    %get3A_35 = arith.constant 0 : index
    %get3A_36 = arith.constant 0 : index
    %get3A_37 = vector.load %arg7[%get3A_35, %get3A_36] : memref<1x256xf32, #tpu.memory_space<vmem>>, vector<1x256xf32>
    %add3A_38 = vector.broadcast %get3A_37 : vector<1x256xf32> to vector<1000x256xf32>
    %add3A_39 = arith.addf %dot_general3A_34, %add3A_38 : vector<1000x256xf32>
    %get3A_40 = arith.constant 0 : index
    %get3A_41 = arith.constant 0 : index
    %get3A_42 = arith.constant 0 : index
    %get3A_43 = vector.load %arg8[%get3A_40, %get3A_41, %get3A_42] : memref<1x1x1000xf32, #tpu.memory_space<vmem>>, vector<1x1x1000xf32>
    %get3A_44 = vector.shape_cast %get3A_43 : vector<1x1x1000xf32> to vector<1000xf32>
    %broadcast_in_dim3A = vector.shape_cast %get3A_44 : vector<1000xf32> to vector<1000x1xf32>
    %mul3A_45 = vector.broadcast %broadcast_in_dim3A : vector<1000x1xf32> to vector<1000x256xf32>
    %mul3A_46 = arith.mulf %mul3A_45, %add3A_39 : vector<1000x256xf32>
    %slice3A = vector.extract_strided_slice %mul3A_46 {offsets = [0, 0], sizes = [1000, 128], strides = [1, 1]} : vector<1000x256xf32> to vector<1000x128xf32>
    %swap3A = arith.constant 0 : index
    %swap3A_47 = arith.constant 0 : index
    %swap3A_48 = arith.constant 0 : index
    %swap3A_49 = vector.load %arg9[%swap3A, %swap3A_47, %swap3A_48] : memref<2x1000x128xf32, #tpu.memory_space<vmem>>, vector<1x1000x128xf32>
    %swap3A_50 = vector.shape_cast %swap3A_49 : vector<1x1000x128xf32> to vector<1000x128xf32>
    %swap3A_51 = vector.shape_cast %slice3A : vector<1000x128xf32> to vector<1x1000x128xf32>
    tpu.vector_store %arg9[%swap3A, %swap3A_47, %swap3A_48], %swap3A_51 {strides = array<i32>} : memref<2x1000x128xf32, #tpu.memory_space<vmem>>, vector<1x1000x128xf32>,
    %slice3A_52 = vector.extract_strided_slice %mul3A_46 {offsets = [0, 128], sizes = [1000, 128], strides = [1, 1]} : vector<1000x256xf32> to vector<1000x128xf32>
    %swap3A_53 = arith.constant 1 : index
    %swap3A_54 = arith.constant 0 : index
    %swap3A_55 = arith.constant 0 : index
    %swap3A_56 = vector.load %arg9[%swap3A_53, %swap3A_54, %swap3A_55] : memref<2x1000x128xf32, #tpu.memory_space<vmem>>, vector<1x1000x128xf32>
    %swap3A_57 = vector.shape_cast %swap3A_56 : vector<1x1000x128xf32> to vector<1000x128xf32>
    %swap3A_58 = vector.shape_cast %slice3A_52 : vector<1000x128xf32> to vector<1x1000x128xf32>
    tpu.vector_store %arg9[%swap3A_53, %swap3A_54, %swap3A_55], %swap3A_58 {strides = array<i32>} : memref<2x1000x128xf32, #tpu.memory_space<vmem>>, vector<1x1000x128xf32>,
    return
  }
  func.func @transform_0(%arg0: i32) -> (i32, i32) {
    %c0_i32 = arith.constant 0 : i32
    %c0_i32_0 = arith.constant 0 : i32
    return %arg0, %c0_i32 : i32, i32
  }
  func.func @transform_1(%arg0: i32) -> (i32, i32) {
    %c0_i32 = arith.constant 0 : i32
    %c0_i32_0 = arith.constant 0 : i32
    %c0_i32_1 = arith.constant 0 : i32
    return %c0_i32, %c0_i32_0 : i32, i32
  }
  func.func @transform_2(%arg0: i32) -> (i32, i32) {
    %c0_i32 = arith.constant 0 : i32
    %c0_i32_0 = arith.constant 0 : i32
    %c0_i32_1 = arith.constant 0 : i32
    return %c0_i32, %c0_i32_0 : i32, i32
  }
  func.func @transform_3(%arg0: i32) -> (i32, i32) {
    %c0_i32 = arith.constant 0 : i32
    %c0_i32_0 = arith.constant 0 : i32
    %c0_i32_1 = arith.constant 0 : i32
    return %c0_i32, %c0_i32_0 : i32, i32
  }
  func.func @transform_4(%arg0: i32) -> (i32, i32) {
    %c0_i32 = arith.constant 0 : i32
    %c0_i32_0 = arith.constant 0 : i32
    %c0_i32_1 = arith.constant 0 : i32
    return %c0_i32, %c0_i32_0 : i32, i32
  }
  func.func @transform_5(%arg0: i32) -> (i32, i32) {
    %c0_i32 = arith.constant 0 : i32
    %c0_i32_0 = arith.constant 0 : i32
    %c0_i32_1 = arith.constant 0 : i32
    return %c0_i32, %c0_i32_0 : i32, i32
  }
  func.func @transform_6(%arg0: i32) -> (i32, i32) {
    %c0_i32 = arith.constant 0 : i32
    %c0_i32_0 = arith.constant 0 : i32
    %c0_i32_1 = arith.constant 0 : i32
    return %c0_i32, %c0_i32_0 : i32, i32
  }
  func.func @transform_7(%arg0: i32) -> (i32, i32, i32) {
    %c0_i32 = arith.constant 0 : i32
    %c0_i32_0 = arith.constant 0 : i32
    %c0_i32_1 = arith.constant 0 : i32
    return %arg0, %c0_i32, %c0_i32_0 : i32, i32, i32
  }
  func.func @transform_8(%arg0: i32) -> (i32, i32, i32) {
    %c0_i32 = arith.constant 0 : i32
    %c0_i32_0 = arith.constant 0 : i32
    %c0_i32_1 = arith.constant 0 : i32
    return %c0_i32, %arg0, %c0_i32_0 : i32, i32, i32
  }
}

module attributes {stable_mosaic.version = 14 : i64} {
  func.func @_pool_body(%arg0: i32, %arg1: memref<1000x256xf32, #tpu.memory_space<vmem>>, %arg2: memref<1x256xf32, #tpu.memory_space<vmem>>, %arg3: memref<1x256xf32, #tpu.memory_space<vmem>>, %arg4: memref<1x256xf32, #tpu.memory_space<vmem>>, %arg5: memref<1x256xf32, #tpu.memory_space<vmem>>, %arg6: memref<1x1x1000xi32, #tpu.memory_space<vmem>>, %arg7: memref<256x256xf32, #tpu.memory_space<vmem>>, %arg8: memref<1x256xf32, #tpu.memory_space<vmem>>, %arg9: memref<256x256xf32, #tpu.memory_space<vmem>>, %arg10: memref<1x256xf32, #tpu.memory_space<vmem>>, %arg11: memref<256x128xf32, #tpu.memory_space<vmem>>, %arg12: memref<1x128xf32, #tpu.memory_space<vmem>>, %arg13: memref<256x256xf32, #tpu.memory_space<vmem>>, %arg14: memref<256x128xf32, #tpu.memory_space<vmem>>, %arg15: memref<256x256xf32, #tpu.memory_space<vmem>>, %arg16: memref<256x8xf32, #tpu.memory_space<vmem>>) attributes {dimension_semantics = [#tpu.dimension_semantics<arbitrary>], iteration_bounds = array<i64: 10>, scalar_prefetch = 0 : i64, scratch_operands = 2 : i64, tpu.core_type = #tpu.core_type<tc>, window_params = [{transform_indices = @transform_0, window_bounds = array<i64: 1000, 256>}, {pipeline_mode = #tpu.pipeline_mode<synchronous>, transform_indices = @transform_1, window_bounds = array<i64: 1, 256>}, {pipeline_mode = #tpu.pipeline_mode<synchronous>, transform_indices = @transform_2, window_bounds = array<i64: 1, 256>}, {pipeline_mode = #tpu.pipeline_mode<synchronous>, transform_indices = @transform_3, window_bounds = array<i64: 1, 256>}, {pipeline_mode = #tpu.pipeline_mode<synchronous>, transform_indices = @transform_4, window_bounds = array<i64: 1, 256>}, {transform_indices = @transform_5, window_bounds = array<i64: 1, 1, 1000>}, {pipeline_mode = #tpu.pipeline_mode<synchronous>, transform_indices = @transform_6, window_bounds = array<i64: 256, 256>}, {pipeline_mode = #tpu.pipeline_mode<synchronous>, transform_indices = @transform_7, window_bounds = array<i64: 1, 256>}, {pipeline_mode = #tpu.pipeline_mode<synchronous>, transform_indices = @transform_8, window_bounds = array<i64: 256, 256>}, {pipeline_mode = #tpu.pipeline_mode<synchronous>, transform_indices = @transform_9, window_bounds = array<i64: 1, 256>}, {pipeline_mode = #tpu.pipeline_mode<synchronous>, transform_indices = @transform_10, window_bounds = array<i64: 256, 128>}, {pipeline_mode = #tpu.pipeline_mode<synchronous>, transform_indices = @transform_11, window_bounds = array<i64: 1, 128>}, {pipeline_mode = #tpu.pipeline_mode<synchronous>, transform_indices = @transform_12, window_bounds = array<i64: 256, 256>}, {pipeline_mode = #tpu.pipeline_mode<synchronous>, transform_indices = @transform_13, window_bounds = array<i64: 256, 128>}]} {
    %get3A = arith.constant 0 : index
    %get3A_0 = arith.constant 0 : index
    %get3A_1 = vector.load %arg2[%get3A, %get3A_0] : memref<1x256xf32, #tpu.memory_space<vmem>>, vector<1x256xf32>
    %mul3A = arith.constant 9.99999974E-5 : f32
    %mul3A_2 = vector.broadcast %mul3A : f32 to vector<1x256xf32>
    %mul3A_3 = arith.mulf %get3A_1, %mul3A_2 : vector<1x256xf32>
    %get3A_4 = arith.constant 0 : index
    %get3A_5 = arith.constant 0 : index
    %get3A_6 = vector.load %arg3[%get3A_4, %get3A_5] : memref<1x256xf32, #tpu.memory_space<vmem>>, vector<1x256xf32>
    %mul3A_7 = arith.constant 9.99999974E-5 : f32
    %mul3A_8 = vector.broadcast %mul3A_7 : f32 to vector<1x256xf32>
    %mul3A_9 = arith.mulf %get3A_6, %mul3A_8 : vector<1x256xf32>
    %mul3A_10 = arith.mulf %mul3A_3, %mul3A_3 : vector<1x256xf32>
    %sub3A = arith.subf %mul3A_9, %mul3A_10 : vector<1x256xf32>
    %add3A = arith.constant 9.99999974E-6 : f32
    %add3A_11 = vector.broadcast %add3A : f32 to vector<1x256xf32>
    %add3A_12 = arith.addf %sub3A, %add3A_11 : vector<1x256xf32>
    %rsqrt3A = math.rsqrt %add3A_12 : vector<1x256xf32>
    %get3A_13 = arith.constant 0 : index
    %get3A_14 = arith.constant 0 : index
    %get3A_15 = vector.load %arg1[%get3A_13, %get3A_14] : memref<1000x256xf32, #tpu.memory_space<vmem>>, vector<1000x256xf32>
    %sub3A_16 = vector.broadcast %mul3A_3 : vector<1x256xf32> to vector<1000x256xf32>
    %sub3A_17 = arith.subf %get3A_15, %sub3A_16 : vector<1000x256xf32>
    %get3A_18 = arith.constant 0 : index
    %get3A_19 = arith.constant 0 : index
    %get3A_20 = vector.load %arg4[%get3A_18, %get3A_19] : memref<1x256xf32, #tpu.memory_space<vmem>>, vector<1x256xf32>
    %mul3A_21 = arith.mulf %rsqrt3A, %get3A_20 : vector<1x256xf32>
    %mul3A_22 = vector.broadcast %mul3A_21 : vector<1x256xf32> to vector<1000x256xf32>
    %mul3A_23 = arith.mulf %sub3A_17, %mul3A_22 : vector<1000x256xf32>
    %get3A_24 = arith.constant 0 : index
    %get3A_25 = arith.constant 0 : index
    %get3A_26 = vector.load %arg5[%get3A_24, %get3A_25] : memref<1x256xf32, #tpu.memory_space<vmem>>, vector<1x256xf32>
    %add3A_27 = vector.broadcast %get3A_26 : vector<1x256xf32> to vector<1000x256xf32>
    %add3A_28 = arith.addf %mul3A_23, %add3A_27 : vector<1000x256xf32>
    %get3A_29 = arith.constant 0 : index
    %get3A_30 = arith.constant 0 : index
    %get3A_31 = arith.constant 0 : index
    %get3A_32 = vector.load %arg6[%get3A_29, %get3A_30, %get3A_31] : memref<1x1x1000xi32, #tpu.memory_space<vmem>>, vector<1x1x1000xi32>
    %get3A_33 = vector.shape_cast %get3A_32 : vector<1x1x1000xi32> to vector<1000xi32>
    %broadcast_in_dim3A = vector.shape_cast %get3A_33 : vector<1000xi32> to vector<1000x1xi32>
    %iota3A = tpu.iota {dimensions = array<i32: 1>} : vector<1000x256xi32>
    %eq3A = vector.broadcast %broadcast_in_dim3A : vector<1000x1xi32> to vector<1000x256xi32>
    %eq3A_34 = arith.cmpi eq, %eq3A, %iota3A : vector<1000x256xi32>
    %convert_element_type3A = arith.extui %eq3A_34 : vector<1000x256xi1> to vector<1000x256xi32>
    %convert_element_type3A_35 = arith.sitofp %convert_element_type3A : vector<1000x256xi32> to vector<1000x256xf32>
    %eq3A_36 = arith.constant 0 : i32
    %eq3A_37 = arith.cmpi eq, %arg0, %eq3A_36 : i32
    %convert_element_type3A_38 = arith.extui %eq3A_37 : i1 to i32
    %cond3A = arith.constant 0 : i32
    %cond3A_39 = arith.cmpi ne, %convert_element_type3A_38, %cond3A : i32
    scf.if %cond3A_39 {
      %broadcast_in_dim3A_63 = arith.constant 0.000000e+00 : f32
      %broadcast_in_dim3A_64 = vector.broadcast %broadcast_in_dim3A_63 : f32 to vector<256x256xf32>
      %swap3A_65 = arith.constant 0 : index
      %swap3A_66 = arith.constant 0 : index
      %swap3A_67 = vector.load %arg15[%swap3A_65, %swap3A_66] : memref<256x256xf32, #tpu.memory_space<vmem>>, vector<256x256xf32>
      tpu.vector_store %arg15[%swap3A_65, %swap3A_66], %broadcast_in_dim3A_64 {strides = array<i32>} : memref<256x256xf32, #tpu.memory_space<vmem>>, vector<256x256xf32>,
      %broadcast_in_dim3A_68 = arith.constant 0.000000e+00 : f32
      %broadcast_in_dim3A_69 = vector.broadcast %broadcast_in_dim3A_68 : f32 to vector<256x8xf32>
      %swap3A_70 = arith.constant 0 : index
      %swap3A_71 = arith.constant 0 : index
      %swap3A_72 = vector.load %arg16[%swap3A_70, %swap3A_71] : memref<256x8xf32, #tpu.memory_space<vmem>>, vector<256x8xf32>
      tpu.vector_store %arg16[%swap3A_70, %swap3A_71], %broadcast_in_dim3A_69 {strides = array<i32>} : memref<256x8xf32, #tpu.memory_space<vmem>>, vector<256x8xf32>,
    } else {
    }
    %get3A_40 = arith.constant 0 : index
    %get3A_41 = arith.constant 0 : index
    %get3A_42 = vector.load %arg15[%get3A_40, %get3A_41] : memref<256x256xf32, #tpu.memory_space<vmem>>, vector<256x256xf32>
    %dot_general3A = arith.constant dense<0.000000e+00> : vector<256x256xf32>
    %dot_general3A_43 = tpu.matmul %convert_element_type3A_35, %add3A_28, %dot_general3A {dimension_numbers = #tpu.dot_dimension_numbers<[0], [0], [1], [1], [0, 1, 1, 1], [], []>, precision = #tpu.contract_precision<fp32>, transpose_lhs_hint = false} : vector<1000x256xf32>, vector<1000x256xf32>, vector<256x256xf32> -> vector<256x256xf32>
    %add3A_44 = arith.addf %get3A_42, %dot_general3A_43 : vector<256x256xf32>
    %swap3A = arith.constant 0 : index
    %swap3A_45 = arith.constant 0 : index
    %swap3A_46 = vector.load %arg15[%swap3A, %swap3A_45] : memref<256x256xf32, #tpu.memory_space<vmem>>, vector<256x256xf32>
    tpu.vector_store %arg15[%swap3A, %swap3A_45], %add3A_44 {strides = array<i32>} : memref<256x256xf32, #tpu.memory_space<vmem>>, vector<256x256xf32>,
    %get3A_47 = arith.constant 0 : index
    %get3A_48 = arith.constant 0 : index
    %get3A_49 = vector.load %arg16[%get3A_47, %get3A_48] : memref<256x8xf32, #tpu.memory_space<vmem>>, vector<256x8xf32>
    %broadcast_in_dim3A_50 = arith.constant 1.000000e+00 : f32
    %broadcast_in_dim3A_51 = vector.broadcast %broadcast_in_dim3A_50 : f32 to vector<1000x8xf32>
    %dot_general3A_52 = arith.constant dense<0.000000e+00> : vector<256x8xf32>
    %dot_general3A_53 = tpu.matmul %convert_element_type3A_35, %broadcast_in_dim3A_51, %dot_general3A_52 {dimension_numbers = #tpu.dot_dimension_numbers<[0], [0], [1], [1], [0, 1, 1, 1], [], []>, precision = #tpu.contract_precision<fp32>, transpose_lhs_hint = false} : vector<1000x256xf32>, vector<1000x8xf32>, vector<256x8xf32> -> vector<256x8xf32>
    %add3A_54 = arith.addf %get3A_49, %dot_general3A_53 : vector<256x8xf32>
    %swap3A_55 = arith.constant 0 : index
    %swap3A_56 = arith.constant 0 : index
    %swap3A_57 = vector.load %arg16[%swap3A_55, %swap3A_56] : memref<256x8xf32, #tpu.memory_space<vmem>>, vector<256x8xf32>
    tpu.vector_store %arg16[%swap3A_55, %swap3A_56], %add3A_54 {strides = array<i32>} : memref<256x8xf32, #tpu.memory_space<vmem>>, vector<256x8xf32>,
    %eq3A_58 = arith.constant 9 : i32
    %eq3A_59 = arith.cmpi eq, %arg0, %eq3A_58 : i32
    %convert_element_type3A_60 = arith.extui %eq3A_59 : i1 to i32
    %cond3A_61 = arith.constant 0 : i32
    %cond3A_62 = arith.cmpi ne, %convert_element_type3A_60, %cond3A_61 : i32
    scf.if %cond3A_62 {
      %get3A_63 = arith.constant 0 : index
      %get3A_64 = arith.constant 0 : index
      %get3A_65 = vector.load %arg16[%get3A_63, %get3A_64] : memref<256x8xf32, #tpu.memory_space<vmem>>, vector<256x1xf32>
      %max3A = arith.constant 1.000000e+00 : f32
      %max3A_66 = vector.broadcast %max3A : f32 to vector<256x1xf32>
      %max3A_67 = arith.maximumf %get3A_65, %max3A_66 : vector<256x1xf32>
      %get3A_68 = arith.constant 0 : index
      %get3A_69 = arith.constant 0 : index
      %get3A_70 = vector.load %arg15[%get3A_68, %get3A_69] : memref<256x256xf32, #tpu.memory_space<vmem>>, vector<256x256xf32>
      %div3A = vector.broadcast %max3A_67 : vector<256x1xf32> to vector<256x256xf32>
      %div3A_71 = arith.divf %get3A_70, %div3A : vector<256x256xf32>
      %get3A_72 = arith.constant 0 : index
      %get3A_73 = arith.constant 0 : index
      %get3A_74 = vector.load %arg7[%get3A_72, %get3A_73] : memref<256x256xf32, #tpu.memory_space<vmem>>, vector<256x256xf32>
      %dot_general3A_75 = arith.constant dense<0.000000e+00> : vector<256x256xf32>
      %dot_general3A_76 = tpu.matmul %div3A_71, %get3A_74, %dot_general3A_75 {dimension_numbers = #tpu.dot_dimension_numbers<[1], [0], [0], [1], [0, 0, 1, 1], [], []>, precision = #tpu.contract_precision<fp32>, transpose_lhs_hint = false} : vector<256x256xf32>, vector<256x256xf32>, vector<256x256xf32> -> vector<256x256xf32>
      %get3A_77 = arith.constant 0 : index
      %get3A_78 = arith.constant 0 : index
      %get3A_79 = vector.load %arg8[%get3A_77, %get3A_78] : memref<1x256xf32, #tpu.memory_space<vmem>>, vector<1x256xf32>
      %add3A_80 = vector.broadcast %get3A_79 : vector<1x256xf32> to vector<256x256xf32>
      %add3A_81 = arith.addf %dot_general3A_76, %add3A_80 : vector<256x256xf32>
      %swap3A_82 = arith.constant 0 : index
      %swap3A_83 = arith.constant 0 : index
      %swap3A_84 = vector.load %arg13[%swap3A_82, %swap3A_83] : memref<256x256xf32, #tpu.memory_space<vmem>>, vector<256x256xf32>
      tpu.vector_store %arg13[%swap3A_82, %swap3A_83], %add3A_81 {strides = array<i32>} : memref<256x256xf32, #tpu.memory_space<vmem>>, vector<256x256xf32>,
      %get3A_85 = arith.constant 0 : index
      %get3A_86 = arith.constant 0 : index
      %get3A_87 = vector.load %arg9[%get3A_85, %get3A_86] : memref<256x256xf32, #tpu.memory_space<vmem>>, vector<256x256xf32>
      %dot_general3A_88 = arith.constant dense<0.000000e+00> : vector<256x256xf32>
      %dot_general3A_89 = tpu.matmul %add3A_81, %get3A_87, %dot_general3A_88 {dimension_numbers = #tpu.dot_dimension_numbers<[1], [0], [0], [1], [0, 0, 1, 1], [], []>, precision = #tpu.contract_precision<fp32>, transpose_lhs_hint = false} : vector<256x256xf32>, vector<256x256xf32>, vector<256x256xf32> -> vector<256x256xf32>
      %get3A_90 = arith.constant 0 : index
      %get3A_91 = arith.constant 0 : index
      %get3A_92 = vector.load %arg10[%get3A_90, %get3A_91] : memref<1x256xf32, #tpu.memory_space<vmem>>, vector<1x256xf32>
      %add3A_93 = vector.broadcast %get3A_92 : vector<1x256xf32> to vector<256x256xf32>
      %add3A_94 = arith.addf %dot_general3A_89, %add3A_93 : vector<256x256xf32>
      %max3A_95 = arith.constant 0.000000e+00 : f32
      %max3A_96 = vector.broadcast %max3A_95 : f32 to vector<256x256xf32>
      %max3A_97 = arith.maximumf %add3A_94, %max3A_96 : vector<256x256xf32>
      %get3A_98 = arith.constant 0 : index
      %get3A_99 = arith.constant 0 : index
      %get3A_100 = vector.load %arg11[%get3A_98, %get3A_99] : memref<256x128xf32, #tpu.memory_space<vmem>>, vector<256x128xf32>
      %dot_general3A_101 = arith.constant dense<0.000000e+00> : vector<256x128xf32>
      %dot_general3A_102 = tpu.matmul %max3A_97, %get3A_100, %dot_general3A_101 {dimension_numbers = #tpu.dot_dimension_numbers<[1], [0], [0], [1], [0, 0, 1, 1], [], []>, precision = #tpu.contract_precision<fp32>, transpose_lhs_hint = false} : vector<256x256xf32>, vector<256x128xf32>, vector<256x128xf32> -> vector<256x128xf32>
      %get3A_103 = arith.constant 0 : index
      %get3A_104 = arith.constant 0 : index
      %get3A_105 = vector.load %arg12[%get3A_103, %get3A_104] : memref<1x128xf32, #tpu.memory_space<vmem>>, vector<1x128xf32>
      %add3A_106 = vector.broadcast %get3A_105 : vector<1x128xf32> to vector<256x128xf32>
      %add3A_107 = arith.addf %dot_general3A_102, %add3A_106 : vector<256x128xf32>
      %swap3A_108 = arith.constant 0 : index
      %swap3A_109 = arith.constant 0 : index
      %swap3A_110 = vector.load %arg14[%swap3A_108, %swap3A_109] : memref<256x128xf32, #tpu.memory_space<vmem>>, vector<256x128xf32>
      tpu.vector_store %arg14[%swap3A_108, %swap3A_109], %add3A_107 {strides = array<i32>} : memref<256x128xf32, #tpu.memory_space<vmem>>, vector<256x128xf32>,
    } else {
    }
    return
  }
  func.func @transform_0(%arg0: i32) -> (i32, i32) {
    %c0_i32 = arith.constant 0 : i32
    %c0_i32_0 = arith.constant 0 : i32
    return %arg0, %c0_i32 : i32, i32
  }
  func.func @transform_1(%arg0: i32) -> (i32, i32) {
    %c0_i32 = arith.constant 0 : i32
    %c0_i32_0 = arith.constant 0 : i32
    %c0_i32_1 = arith.constant 0 : i32
    return %c0_i32, %c0_i32_0 : i32, i32
  }
  func.func @transform_2(%arg0: i32) -> (i32, i32) {
    %c0_i32 = arith.constant 0 : i32
    %c0_i32_0 = arith.constant 0 : i32
    %c0_i32_1 = arith.constant 0 : i32
    return %c0_i32, %c0_i32_0 : i32, i32
  }
  func.func @transform_3(%arg0: i32) -> (i32, i32) {
    %c0_i32 = arith.constant 0 : i32
    %c0_i32_0 = arith.constant 0 : i32
    %c0_i32_1 = arith.constant 0 : i32
    return %c0_i32, %c0_i32_0 : i32, i32
  }
  func.func @transform_4(%arg0: i32) -> (i32, i32) {
    %c0_i32 = arith.constant 0 : i32
    %c0_i32_0 = arith.constant 0 : i32
    %c0_i32_1 = arith.constant 0 : i32
    return %c0_i32, %c0_i32_0 : i32, i32
  }
  func.func @transform_5(%arg0: i32) -> (i32, i32, i32) {
    %c0_i32 = arith.constant 0 : i32
    %c0_i32_0 = arith.constant 0 : i32
    %c0_i32_1 = arith.constant 0 : i32
    return %arg0, %c0_i32, %c0_i32_0 : i32, i32, i32
  }
  func.func @transform_6(%arg0: i32) -> (i32, i32) {
    %c0_i32 = arith.constant 0 : i32
    %c0_i32_0 = arith.constant 0 : i32
    %c0_i32_1 = arith.constant 0 : i32
    return %c0_i32, %c0_i32_0 : i32, i32
  }
  func.func @transform_7(%arg0: i32) -> (i32, i32) {
    %c0_i32 = arith.constant 0 : i32
    %c0_i32_0 = arith.constant 0 : i32
    %c0_i32_1 = arith.constant 0 : i32
    return %c0_i32, %c0_i32_0 : i32, i32
  }
  func.func @transform_8(%arg0: i32) -> (i32, i32) {
    %c0_i32 = arith.constant 0 : i32
    %c0_i32_0 = arith.constant 0 : i32
    %c0_i32_1 = arith.constant 0 : i32
    return %c0_i32, %c0_i32_0 : i32, i32
  }
  func.func @transform_9(%arg0: i32) -> (i32, i32) {
    %c0_i32 = arith.constant 0 : i32
    %c0_i32_0 = arith.constant 0 : i32
    %c0_i32_1 = arith.constant 0 : i32
    return %c0_i32, %c0_i32_0 : i32, i32
  }
  func.func @transform_10(%arg0: i32) -> (i32, i32) {
    %c0_i32 = arith.constant 0 : i32
    %c0_i32_0 = arith.constant 0 : i32
    %c0_i32_1 = arith.constant 0 : i32
    return %c0_i32, %c0_i32_0 : i32, i32
  }
  func.func @transform_11(%arg0: i32) -> (i32, i32) {
    %c0_i32 = arith.constant 0 : i32
    %c0_i32_0 = arith.constant 0 : i32
    %c0_i32_1 = arith.constant 0 : i32
    return %c0_i32, %c0_i32_0 : i32, i32
  }
  func.func @transform_12(%arg0: i32) -> (i32, i32) {
    %c0_i32 = arith.constant 0 : i32
    %c0_i32_0 = arith.constant 0 : i32
    %c0_i32_1 = arith.constant 0 : i32
    return %c0_i32, %c0_i32_0 : i32, i32
  }
  func.func @transform_13(%arg0: i32) -> (i32, i32) {
    %c0_i32 = arith.constant 0 : i32
    %c0_i32_0 = arith.constant 0 : i32
    %c0_i32_1 = arith.constant 0 : i32
    return %c0_i32, %c0_i32_0 : i32, i32
  }
}

</mosaic_0001>

<sc_bundles>
// kernel: kernel.20.cloned.1.call-start
scs
__scs_entry_jumppad:
0x0: {  	(pc) =	sbr.rel $0x88, $3  }
0x1: {  	(tag) =	ssettag $0x0;
	lr =	simm.s32 $0x1  }
0x2: {  	[smem:$0x3F8F] =	sst lr;
	_ =	strace $0xD0000000  }
0x3: {  	_ = 	snop  }
0x4: {  	_ = 	snop  }
0x5: {  	_ = 	snop  }
0x6: {  	_ = 	snop  }
0x7: {  	_ = 	snop  }
__scs_overlays_trampoline_lowered:
0x8: {  	[smem:$0x3F9E] =	sst s0  }
0x9: {  	[smem:$0x3F9F] =	sst s1  }
0xa: {  	[smem:$0x3FA0] =	sst s2  }
0xb: {  	[smem:$0x3FA1] =	sst s3  }
0xc: {  	[smem:$0x3FA2] =	sst s4  }
0xd: {  	[smem:$0x3FA3] =	sst s5  }
0xe: {  	[smem:$0x3FA4] =	sst s6  }
0xf: {  	[smem:$0x3FA5] =	sst s7  }
0x10: {  	[smem:$0x3FA6] =	sst s8  }
0x11: {  	[smem:$0x3FA7] =	sst s9;
	s0 =	simm.s32 @!p0 $0x0  }
0x12: {  	s1 =	sld [smem:$0x3F8D];
	s0 =	simm.s32 @p0 $0x1  }
0x13: {  	[smem:$0x3FA8] =	sst s0;
	s0 =	simm.s32 @!p1 $0x0  }
0x14: {  	s2 =	sld [smem:$0x3F8C];
	s0 =	simm.s32 @p1 $0x1  }
0x15: {  	[smem:$0x3FA9] =	sst s0;
	s0 =	simm.s32 @!p2 $0x0  }
0x16: {  	s3 =	sld [smem:$0x3FDB];
	s0 =	simm.s32 @p2 $0x1  }
0x17: {  	s4 =	simm.s32 $0x1BF5;
	[smem:$0x3FAB] =	sst s0  }
0x18: {  	s0 =	sld [smem:$0x3F8E];
	_ =	swait.ge [sflag:s4], $0x0  }
0x19: {  	s7 =	sld [smem:$0x3F8F]  }
0x1a: {  	s8 =	sadd.s32 $0xFFFFE003, lr  }
0x1b: {  	s9 =	sadd.s32 $0xFFFFFEF7, lr;
	s5 =	simm.s32 $0xFFFFFFFF;
	p2 =	slt.u32 s8, $0xFFFFF086  }
0x1c: {  	p1 =	slt.u32 s9, $0xF7A;
	s5 =	simm.s32 @!p2 $0x0  }
0x1d: {  	s5 =	simm.s32 @p1 $0x1;
	p0 =	seq.s32 s7, s2  }
0x1e: {  	s7 =	smul.u32 @!p0 $0xF7A, s2;
	p2 =	seq.s32 @!p0 s5, $0x0  }
0x1f: {  	s9 =	smul.u32 $0xF7A, s1;
	s8 =	simm.s32 @!p0 $0x1BF5;
	p2 =	por !p2, p0  }
0x20: {  	[sflag:s8] =	ssyncset.s32 @!p0 $0xFFFFF086;
	s6 =	sadd.s32 @!p0 s3, s7;
	s7 =	simm.s32 @!p0 $0x108  }
0x21: {  	s3 =	sadd.s32 s3, s9;
	s6 =	sadd.s32 @!p0 $0x88, s6;
	s7 =	simm.s32 @p2 $0x1082  }
0x22: {  	[simem:s7], [sflag:s8] =	dma.local @!p0 [hbm:s6], $0xF7A  }
0x23: {  	s9 =	sor.u32 $0xD0000000, s2;
	s6 =	simm.s32 $0x108;
	_ =	swait.ge @!p0 [sflag:s8], $0x0  }
0x24: {  	s3 =	sadd.s32 $0x88, s3;
	s6 =	simm.s32 @!p1 $0x1082;
	[sflag:s4] =	ssyncset.s32 $0xFFFFF086  }
0x25: {  	[simem:s6], [sflag:s4] =	dma.local [hbm:s3], $0xF7A  }
0x26: {  	[smem:$0x3F8F] =	sst s1;
	(tag) =	ssettag s2;
	_ =	strace s9  }
0x27: {  	s1 =	sld [smem:$0x3F9F]  }
0x28: {  	s2 =	sld [smem:$0x3FA0]  }
0x29: {  	s4 =	sld [smem:$0x3FA2]  }
0x2a: {  	p0 =	seq.s32 s5, $0x0;
	s5 =	sld [smem:$0x3FA3]  }
0x2b: {  	s6 =	sld [smem:$0x3FA4]  }
0x2c: {  	s7 =	sld [smem:$0x3FA5]  }
0x2d: {  	s3 =	simm.s32 $0x108;
	s8 =	sld [smem:$0x3FA6]  }
0x2e: {  	s3 =	simm.s32 @!p0 $0x1082;
	s9 =	sld [smem:$0x3FA7]  }
0x2f: {  	lr =	sadd.s32 s0, s3;
	s0 =	sld [smem:$0x3F9E]  }
0x30: {  	s3 =	sld [smem:$0x3FA1]  }
0x31: {  	[smem:$0x3FAA] =	sst s10  }
0x32: {  	s10 =	sld [smem:$0x3FA8];
	_ =	sdelay $0x3  }
0x33: {  	p0 =	seq.s32 s10, $0x1;
	s10 =	sld [smem:$0x3FAA];
	_ =	sdelay $0x3  }
0x34: {  	[smem:$0x3FAA] =	sst s10  }
0x35: {  	s10 =	sld [smem:$0x3FA9];
	_ =	sdelay $0x3  }
0x36: {  	p1 =	seq.s32 s10, $0x1;
	s10 =	sld [smem:$0x3FAA];
	_ =	sdelay $0x3  }
0x37: {  	[smem:$0x3FAA] =	sst s10  }
0x38: {  	s10 =	sld [smem:$0x3FAB]  }
0x39: {  	_ = 	snop;
	(pc) =	sbr.ind lr, $3  }
0x3a: {  	_ = 	snop  }
0x3b: {  	_ = 	snop  }
0x3c: {  	p2 =	seq.s32 s10, $0x1;
	s10 =	sld [smem:$0x3FAA]  }
0x3d: {  	_ =	shalt  }
0x3e: {  	_ =	shalt  }
0x3f: {  	_ =	shalt  }
0x40: {  	_ =	shalt  }
0x41: {  	_ =	shalt  }
0x42: {  	_ =	shalt  }
0x43: {  	_ =	shalt  }
0x44: {  	_ =	shalt  }
0x45: {  	_ =	shalt  }
0x46: {  	_ =	shalt  }
0x47: {  	_ =	shalt  }
0x48: {  	_ =	shalt  }
0x49: {  	_ =	shalt  }
0x4a: {  	_ =	shalt  }
0x4b: {  	_ =	shalt  }
0x4c: {  	_ =	shalt  }
0x4d: {  	_ =	shalt  }
0x4e: {  	_ =	shalt  }
0x4f: {  	_ =	shalt  }
0x50: {  	_ =	shalt  }
0x51: {  	_ =	shalt  }
0x52: {  	_ =	shalt  }
0x53: {  	_ =	shalt  }
0x54: {  	_ =	shalt  }
0x55: {  	_ =	shalt  }
0x56: {  	_ =	shalt  }
0x57: {  	_ =	shalt  }
0x58: {  	_ =	shalt  }
0x59: {  	_ =	shalt  }
0x5a: {  	_ =	shalt  }
0x5b: {  	_ =	shalt  }
0x5c: {  	_ =	shalt  }
0x5d: {  	_ =	shalt  }
0x5e: {  	_ =	shalt  }
0x5f: {  	_ =	shalt  }
0x60: {  	_ =	shalt  }
0x61: {  	_ =	shalt  }
0x62: {  	_ =	shalt  }
0x63: {  	_ =	shalt  }
0x64: {  	_ =	shalt  }
0x65: {  	_ =	shalt  }
0x66: {  	_ =	shalt  }
0x67: {  	_ =	shalt  }
0x68: {  	_ =	shalt  }
0x69: {  	_ =	shalt  }
0x6a: {  	_ =	shalt  }
0x6b: {  	_ =	shalt  }
0x6c: {  	_ =	shalt  }
0x6d: {  	_ =	shalt  }
0x6e: {  	_ =	shalt  }
0x6f: {  	_ =	shalt  }
0x70: {  	_ =	shalt  }
0x71: {  	_ =	shalt  }
0x72: {  	_ =	shalt  }
0x73: {  	_ =	shalt  }
0x74: {  	_ =	shalt  }
0x75: {  	_ =	shalt  }
0x76: {  	_ =	shalt  }
0x77: {  	_ =	shalt  }
0x78: {  	_ =	shalt  }
0x79: {  	_ =	shalt  }
0x7a: {  	_ =	shalt  }
0x7b: {  	_ =	shalt  }
0x7c: {  	_ =	shalt  }
0x7d: {  	_ =	shalt  }
0x7e: {  	_ =	shalt  }
0x7f: {  	_ =	shalt  }
0x80: {  	_ =	shalt  }
0x81: {  	_ =	shalt  }
0x82: {  	_ =	shalt  }
0x83: {  	_ =	shalt  }
0x84: {  	_ =	shalt  }
0x85: {  	_ =	shalt  }
0x86: {  	_ =	shalt  }
0x87: {  	_ =	shalt  }
.Lfunc_end0:
.L_simem_size_0:
called_computation_lowered:
.L_overlay_start_0:
0x88: {  	s2 =	sld [smem:$0x3FD9]  }
0x89: {  	s3 =	sld [smem:$0x3FFE];
	_ =	sdelay $0x1  }
0x8a: {  	s1 =	srdreg.scid  }
0x8b: {  	s0 =	sand.u32 $0x1, s1  }
0x8c: {  	s16 =	sshll.u32 s0, $0xA;
	s2 =	sadd.s32 s3, s2  }
0x8d: {  	s2 =	sadd.s32 s2, s16  }
0x8e: {  	[smem:$0x3FB6] =	sst s2  }
0x8f: {  	_ = 	snop  }
0x90: {  	(tm) =	ssettm $0x1  }
0x91: {  	s17 =	sld [smem:$0x3FFB];
	_ =	sdelay $0x3  }
0x92: {  	_ =	strace s17  }
0x93: {  	s2 =	sld [smem:$0x3FFC];
	_ =	sdelay $0x3  }
0x94: {  	_ =	strace s2  }
0x95: {  	s2 =	sld [smem:$0x3FFD];
	_ =	sdelay $0x3  }
0x96: {  	_ =	strace s2  }
0x97: {  	_ =	strace $0x8FFFFFFF  }
0x98: {  	s18 =	sld [smem:$0x3FDB];
	_ =	sdelay $0x1  }
0x99: {  	s19 =	simm.s32 $_scs_section_size  }
0x9a: {  	s4 =	simm.s32 $_size__tile_overlayer_lowered;
	s5 =	simm.s32 $_tile_overlayer_lowered  }
0x9b: {  	s22 =	simm.s32 $0x1BFF;
	s21 =	sshll.u32 s5, $0x1;
	s2 =	sadd.s32 s19, s18  }
0x9c: {  	s6 =	simm.s32 $0x0;
	s20 =	sshll.u32 s4, $0x1;
	s4 =	sadd.s32 s21, s2  }
0x9d: {  	[timem:s6], [sflag:s22] =	dma.local [hbm:s4], s20  }
0x9e: {  	_ =	swait.ge [sflag:s22], s20  }
0x9f: {  	s3 =	ssub.s32 $0x0, s20;
	[sflag:s22] =	ssyncset.done $0x0  }
0xa0: {  	[sflag:s22] =	ssyncadd.s32 s3;
	_ =	sdelay $0x1  }
0xa1: {  	s23 =	simm.s32 $0x1B8B  }
0xa2: {  	_ =	swait.ge [sflag:s23], $0x1  }
0xa3: {  	[sflag:s23] =	ssyncset.done $0x0  }
0xa4: {  	s25 =	simm.s32 $0x1B8E;
	s24 =	sld [smem:$0x3FFE];
	[sflag:s23] =	ssyncadd.s32 $0xFFFFFFFF  }
0xa5: {  	s26 =	simm.s32 $execute0_lowered;
	[smem:$0x3FD2] =	sst s25  }
0xa6: {  	s4 =	sshll.u32 s26, $0x1;
	_ =	strace $0x80000046;
	[dreg:$0x1] =	wrdreg $0xFFFFFFFF  }
0xa7: {  	s28 =	simm.s32 $_size_execute0_lowered;
	s2 =	sadd.s32 s2, s4;
	[dreg:$0x0] =	wrdreg $0x0  }
0xa8: {  	s4 =	sshll.u32 s28, $0x1;
	[dreg:$0x2] =	wrdreg s2  }
0xa9: {  	[dreg:$0x3] =	wrdreg s4  }
0xaa: {  	[dreg:$0x4] =	wrdreg $0xC0  }
0xab: {  	_ =	task [dreg:s6], $0x5FFFF  }
0xac: {  	[dreg:$0x1] =	wrdreg $0xFFFFFFFF  }
0xad: {  	[dreg:$0x0] =	wrdreg $0x60  }
0xae: {  	[dreg:$0x2] =	wrdreg s24  }
0xaf: {  	[dreg:$0x3] =	wrdreg $0x1C000  }
0xb0: {  	[dreg:$0x4] =	wrdreg $0x9  }
0xb1: {  	_ =	task.clear_ibuf [dreg:s6], $0x5FFFF;
	_ =	strace $0x90000046  }
0xb2: {  	s29 =	simm.s32 $0x9;
	_ =	strace $0x80000048  }
0xb3: {  	_ =	swait.ge [sflag:s29], $0x1  }
0xb4: {  	[sflag:s29] =	ssyncadd.s32 $0xFFFFFFFF  }
0xb5: {  	_ =	strace $0x90000048  }
0xb6: {  	_ =	sfence  }
0xb7: {  	s30 =	sld [smem:$0x0];
	_ =	sdelay $0x2  }
0xb8: {  	s31 =	sshll.u32 s1, $0xD;
	s1 =	sshrl.u32 s1, $0x2  }
0xb9: {  	s3 =	sand.u32 $0x4000, s31;
	s1 =	sadd.s32 s1, s30  }
0xba: {  	s0 =	sor.u32 s3, s0;
	s1 =	sshll.u32 s1, $0x11  }
0xbb: {  	s0 =	sor.u32 s1, s0  }
0xbc: {  	s0 =	sadd.s32 $0x8F2B, s0  }
0xbd: {  	[sflag:s0] =	ssyncadd.remote.s32 $0x1  }
0xbe: {  	_ =	sfence.sel $0xFFFF  }
0xbf: {  	[dreg:$0x0] =	wrdreg $0xFFFFFFFF;
	(pc) =	sbr.abs _section_cstart, $3  }
0xc0: {  	[dreg:$0x1] =	wrdreg $0xFFFFFFFF  }
0xc1: {  	_ =	task.clear_ibuf [dreg:s6], $0x2FFFF;
	_ =	strace $0x9FFFFFFF  }
0xc2: {  	(tm) =	ssettm $0x7FFFFFFF  }
0xc3: {  	_ =	shalt  }
tec
execute0_lowered:
.L_overlay_start_1:
0x0: {  	(tag) =	ssettag $0x1  }
0x1: {  	s1 =	srdreg.scid  }
0x2: {  	s0 =	stileid.u32;
	s5 =	rddreg [dreg:$0x0]  }
0x3: {  	s2 =	rddreg [dreg:$0x1];
	s3 =	simm.s32 $0x0;
	s12 =	simm.s32 $0x0  }
0x4: {  	s4 =	sand.u32 $0x1, s1;
	s28 =	sshll.u32 s0, $0x1;
	s7 =	smul.u32 $0x1400, s0  }
0x5: {  	[smem:$0x7FF] =	sst s3;
	s29 =	smul.u32 $0x5000, s0;
	s31 =	sshll.u32 s0, $0x6  }
0x6: {  	s1 =	sor.u32 s4, s28;
	s8 =	smul.u32 $0x14000, s4;
	s4 =	ssub.s32 $0x2, s4  }
0x7: {  	s6 =	smul.u32 $0x272, s1;
	s1 =	rddreg [dreg:$0x2];
	_ =	strace $0x80000047  }
0x8: {  	s9 =	sshrl.u32 s7, $0x3;
	s30 =	sshrl.u32 s4, $0x1;
	s7 =	sadd.s32 s7, s8  }
0x9: {  	s9 =	sadd.s32 s9, s5;
	s8 =	sshrl.u32 s29, $0x2;
	s10 =	ssub.s32 s4, s30  }
0xa: {  	s6 =	sadd.s32 s6, s5;
	s7 =	sshrl.u32 s7, $0x3;
	s11 =	sadd.s32 s8, s2  }
0xb: {  	s4 =	sadd.s32 $0x14A00, s9;
	s8 =	smax.u32 s10, $0x1;
	s10 =	simm.s32 $0x1  }
0xc: {  	s7 =	sadd.s32 s7, s5;
	s5 =	sor.u32 $0x1C01, s31;
	s6 =	sadd.s32 $0xFA00, s6  }
0xd: {  	v0 =	vlaneseq.u32;
	v1 =	vimm.s32 $0x0;
	vm0 =	vmmov $0xffff;
	s9 =	sshrl.u32 s11, $0x3;
	s11 =	simm.s32 $0x1400;
	s7 =	sadd.s32 $0x17200, s7  }
.LBB2_1:
0xe: {  	[spmem:s9], [sflag:s5] =	dma.local [hbm:s4], $0x280  }
0xf: {  	_ =	swait.ge [sflag:s10], $0x280  }
0x10: {  	[sflag:s10] =	ssyncset.done $0x0  }
0x11: {  	[sflag:s10] =	ssyncadd.s32 $0xFFFFFD80  }
0x12: {  	[tilespmem:s3], [sflag:$0x1] =	stream.linear.gather [hbm4b:s6+s3], $0x1390, $0x38;
	[tilespmem:$0x1E80] =	vst v63  }
0x13: {  	_ =	swait.ge [sflag:s10], $0x1390  }
0x14: {  	[sflag:s10] =	ssyncset.done $0x0  }
0x15: {  	[sflag:s10] =	ssyncadd.s32 $0xFFFFEC70  }
0x16: {  	s13 =	simm.s32 $0x0;
	[bflag:$0x0] =	sbarrier.arrive $0xFFFF  }
0x17: {  	v2 =	vld [tilespmem:s13+$0x0];
	_ =	sdelay $0x4  }
0x18: {  	v3 =	vand.u32 $0xF, v2  }
0x19: {  	v4 =	vbroadcast v3, $0x6  }
0x1a: {  	v5 =	vbroadcast v3, $0xC;
	v6 =	vbroadcast v3, $0x4  }
0x1b: {  	v40 =	vbroadcast v3, $0x1;
	v41 =	vbroadcast v3, $0x2  }
0x1c: {  	v44 =	vbroadcast v3, $0x7;
	v45 =	vbroadcast v3, $0xF;
	vm1 =	veq.s32 v4, v0  }
0x1d: {  	v46 =	vbroadcast v3, $0x8;
	vm2 =	veq.s32 v6, v0;
	v7 =	vsel vm1, $0x3F800000, v1  }
0x1e: {  	v47 =	vbroadcast v3, $0xD;
	vm1 =	veq.s32 v5, v0;
	v43 =	vsel vm2, $0x3F800000, v1;
	[tilespmem:$0x1700] =	vst v7  }
0x1f: {  	v49 =	vbroadcast v3, $0x3;
	vm2 =	veq.s32 v46, v0;
	v42 =	vsel vm1, $0x3F800000, v1;
	[tilespmem:$0x1600] =	vst v43  }
0x20: {  	v51 =	vbroadcast v3, $0x5;
	vm1 =	veq.s32 v40, v0;
	v52 =	vsel vm2, $0x3F800000, v1;
	[tilespmem:$0x1A00] =	vst v42  }
0x21: {  	v53 =	vbroadcast v3, $0xA;
	vm2 =	veq.s32 v49, v0;
	v8 =	vsel vm1, $0x3F800000, v1;
	[tilespmem:$0x1800] =	vst v52  }
0x22: {  	v56 =	vbroadcast v3, $0x9;
	vm1 =	veq.s32 v41, v0;
	v55 =	vsel vm2, $0x3F800000, v1;
	[tilespmem:$0x1480] =	vst v8  }
0x23: {  	v57 =	vbroadcast v3, $0x0;
	vm2 =	veq.s32 v53, v0;
	v5 =	vsel vm1, $0x3F800000, v1;
	[tilespmem:$0x1580] =	vst v55  }
0x24: {  	v60 =	vbroadcast v3, $0xB;
	vm1 =	veq.s32 v44, v0;
	v59 =	vsel vm2, $0x3F800000, v1;
	[tilespmem:$0x1500] =	vst v5  }
0x25: {  	v3 =	vbroadcast v3, $0xE;
	vm2 =	veq.s32 v57, v0;
	v48 =	vsel vm1, $0x3F800000, v1;
	[tilespmem:$0x1900] =	vst v59  }
0x26: {  	vm1 =	veq.s32 v45, v0;
	v62 =	vsel vm2, $0x3F800000, v1;
	[tilespmem:$0x1780] =	vst v48  }
0x27: {  	vm2 =	veq.s32 v3, v0;
	v50 =	vsel vm1, $0x3F800000, v1;
	[tilespmem:$0x1400] =	vst v62  }
0x28: {  	vm1 =	veq.s32 v47, v0;
	v63 =	vsel vm2, $0x3F800000, v1;
	[tilespmem:$0x1B80] =	vst v50  }
0x29: {  	v2 =	vshrl.u32 v2, $0x4;
	v54 =	vsel vm1, $0x3F800000, v1;
	vm1 =	veq.s32 v51, v0;
	[tilespmem:$0x1B00] =	vst v63  }
0x2a: {  	[tilespmem:$0x1A80] =	vst v54;
	v58 =	vsel vm1, $0x3F800000, v1;
	vm1 =	veq.s32 v56, v0  }
0x2b: {  	[tilespmem:$0x1680] =	vst v58;
	v61 =	vsel vm1, $0x3F800000, v1;
	vm1 =	veq.s32 v60, v0  }
0x2c: {  	[tilespmem:$0x1880] =	vst v61;
	v3 =	vsel vm1, $0x3F800000, v1  }
0x2d: {  	s14 =	simm.s32 $0x80;
	s13 =	simm.s32 $0x40;
	[tilespmem:$0x1980] =	vst v3  }
.LBB2_2:
0x2e: {  	[spmem:s2] =	stream.indirect_vreg.scatter.add.f32 [tilespmem:s11], [sflag:$0x1], $0x10, v2, vm0, $0xb8;
	[tilespmem:$0x1E80] =	vst v63  }
0x2f: {  	s15 =	smov.u32 s14  }
0x30: {  	p0 =	sne.s32 s14, $0x4E00;
	s14 =	sadd.s32 $0x40, s14;
	_ =	swait.ge [sflag:s10], $0x100  }
0x31: {  	[sflag:s10] =	ssyncset.done $0x0  }
0x32: {  	s16 =	sshra.s32 s13, $0x2;
	s13 =	smov.u32 s15;
	[sflag:s10] =	ssyncadd.s32 $0xFFFFFF00  }
0x33: {  	v2 =	vld [tilespmem:s16+$0x0];
	_ =	sdelay $0x4  }
0x34: {  	v3 =	vand.u32 $0xF, v2  }
0x35: {  	v4 =	vbroadcast v3, $0x2;
	v5 =	vbroadcast v3, $0x4  }
0x36: {  	v6 =	vbroadcast v3, $0x6;
	v7 =	vbroadcast v3, $0x8  }
0x37: {  	v8 =	vbroadcast v3, $0xC;
	v9 =	vbroadcast v3, $0xF  }
0x38: {  	v10 =	vbroadcast v3, $0x1;
	v11 =	vbroadcast v3, $0x5;
	vm1 =	veq.s32 v6, v0  }
0x39: {  	v6 =	vsel vm1, $0x3F800000, v1;
	vm1 =	veq.s32 v8, v0;
	v8 =	vbroadcast v3, $0xD  }
0x3a: {  	vm2 =	veq.s32 v10, v0;
	vm3 =	veq.s32 v5, v0;
	v5 =	vsel vm1, $0x3F800000, v1;
	[tilespmem:$0x1700] =	vst v6  }
0x3b: {  	v12 =	vbroadcast v3, $0x7;
	v10 =	vsel vm3, $0x3F800000, v1;
	v6 =	vsel vm2, $0x3F800000, v1;
	[tilespmem:$0x1A00] =	vst v5  }
0x3c: {  	vm1 =	veq.s32 v4, v0;
	v4 =	vbroadcast v3, $0x3;
	vm2 =	veq.s32 v7, v0;
	[tilespmem:$0x1600] =	vst v10  }
0x3d: {  	v5 =	vsel vm1, $0x3F800000, v1;
	vm1 =	veq.s32 v12, v0;
	[tilespmem:$0x1480] =	vst v6;
	v6 =	vsel vm2, $0x3F800000, v1  }
0x3e: {  	vm2 =	veq.s32 v4, v0;
	v4 =	vsel vm1, $0x3F800000, v1;
	vm1 =	veq.s32 v9, v0;
	[tilespmem:$0x1500] =	vst v5  }
0x3f: {  	v5 =	vsel vm2, $0x3F800000, v1;
	v7 =	vsel vm1, $0x3F800000, v1;
	[tilespmem:$0x1780] =	vst v4;
	v4 =	vbroadcast v3, $0xA  }
0x40: {  	v10 =	vbroadcast v3, $0x9;
	v9 =	vbroadcast v3, $0x0;
	vm1 =	veq.s32 v8, v0;
	[tilespmem:$0x1B80] =	vst v7  }
0x41: {  	vm2 =	veq.s32 v11, v0;
	[tilespmem:$0x1800] =	vst v6;
	vm3 =	veq.s32 v4, v0;
	v4 =	vsel vm1, $0x3F800000, v1  }
0x42: {  	vm4 =	veq.s32 v10, v0;
	vm1 =	veq.s32 v9, v0;
	v6 =	vsel vm3, $0x3F800000, v1;
	[tilespmem:$0x1A80] =	vst v4  }
0x43: {  	v7 =	vsel vm4, $0x3F800000, v1;
	v4 =	vsel vm1, $0x3F800000, v1;
	[tilespmem:$0x1580] =	vst v5;
	v5 =	vsel vm2, $0x3F800000, v1  }
0x44: {  	[tilespmem:$0x1680] =	vst v5;
	v5 =	vbroadcast v3, $0xB;
	v3 =	vbroadcast v3, $0xE  }
.Ltmp0:
0x45: {  	v2 =	vshrl.u32 v2, $0x4;
	[tilespmem:$0x1900] =	vst v6;
	(pc) =	sbr.rel @p0 .LBB2_2-.Ltmp0, $4  }
0x46: {  	[tilespmem:$0x1880] =	vst v7;
	vm1 =	veq.s32 v5, v0;
	vm2 =	veq.s32 v3, v0  }
0x47: {  	[tilespmem:$0x1400] =	vst v4;
	v3 =	vsel vm1, $0x3F800000, v1;
	v4 =	vsel vm2, $0x3F800000, v1  }
0x48: {  	[tilespmem:$0x1980] =	vst v3  }
0x49: {  	[tilespmem:$0x1B00] =	vst v4  }
0x4a: {  	_ =	sdelay $0x3  }
0x4b: {  	[spmem:s2] =	stream.indirect_vreg.scatter.add.f32 [tilespmem:s11], [sflag:$0x1], $0x10, v2, vm0, $0xb8;
	[tilespmem:$0x1E80] =	vst v63  }
0x4c: {  	_ =	swait.ge [sflag:s10], $0x100  }
0x4d: {  	[sflag:s10] =	ssyncset.done $0x0  }
0x4e: {  	s13 =	sshra.s32 s13, $0x2;
	[sflag:s10] =	ssyncadd.s32 $0xFFFFFF00  }
0x4f: {  	v2 =	vld [tilespmem:s13+$0x0];
	_ =	sdelay $0x4  }
0x50: {  	v3 =	vand.u32 $0xF, v2  }
0x51: {  	v4 =	vbroadcast v3, $0x6;
	v5 =	vbroadcast v3, $0xC  }
0x52: {  	v6 =	vbroadcast v3, $0x2;
	v7 =	vbroadcast v3, $0x4  }
0x53: {  	v42 =	vbroadcast v3, $0x1;
	v43 =	vbroadcast v3, $0x8  }
0x54: {  	v46 =	vbroadcast v3, $0x7;
	v55 =	vbroadcast v3, $0x0;
	vm1 =	veq.s32 v4, v0  }
0x55: {  	v47 =	vbroadcast v3, $0xF;
	vm2 =	veq.s32 v7, v0;
	v8 =	vsel vm1, $0x3F800000, v1  }
0x56: {  	v48 =	vbroadcast v3, $0xD;
	vm3 =	veq.s32 v55, v0;
	v45 =	vsel vm2, $0x3F800000, v1;
	[tilespmem:$0x1700] =	vst v8  }
0x57: {  	v49 =	vbroadcast v3, $0x3;
	vm1 =	veq.s32 v5, v0;
	v62 =	vsel vm3, $0x3F800000, v1;
	[tilespmem:$0x1600] =	vst v45  }
0x58: {  	v51 =	vbroadcast v3, $0x5;
	vm2 =	veq.s32 v43, v0;
	v44 =	vsel vm1, $0x3F800000, v1;
	[tilespmem:$0x1400] =	vst v62  }
0x59: {  	v54 =	vbroadcast v3, $0xA;
	vm1 =	veq.s32 v42, v0;
	v53 =	vsel vm2, $0x3F800000, v1;
	[tilespmem:$0x1A00] =	vst v44  }
0x5a: {  	v57 =	vbroadcast v3, $0x9;
	vm2 =	veq.s32 v48, v0;
	v9 =	vsel vm1, $0x3F800000, v1;
	[tilespmem:$0x1800] =	vst v53  }
0x5b: {  	v60 =	vbroadcast v3, $0xB;
	vm1 =	veq.s32 v6, v0;
	v56 =	vsel vm2, $0x3F800000, v1;
	[tilespmem:$0x1480] =	vst v9  }
0x5c: {  	v3 =	vbroadcast v3, $0xE;
	vm2 =	veq.s32 v54, v0;
	v6 =	vsel vm1, $0x3F800000, v1;
	[tilespmem:$0x1A80] =	vst v56  }
0x5d: {  	vm1 =	veq.s32 v46, v0;
	v59 =	vsel vm2, $0x3F800000, v1;
	[tilespmem:$0x1500] =	vst v6  }
0x5e: {  	vm2 =	veq.s32 v3, v0;
	v50 =	vsel vm1, $0x3F800000, v1;
	[tilespmem:$0x1900] =	vst v59  }
0x5f: {  	vm1 =	veq.s32 v47, v0;
	v63 =	vsel vm2, $0x3F800000, v1;
	[tilespmem:$0x1780] =	vst v50  }
0x60: {  	v52 =	vsel vm1, $0x3F800000, v1;
	vm1 =	veq.s32 v49, v0;
	[tilespmem:$0x1B00] =	vst v63  }
0x61: {  	v2 =	vshrl.u32 v2, $0x4;
	[tilespmem:$0x1B80] =	vst v52;
	v8 =	vsel vm1, $0x3F800000, v1;
	vm1 =	veq.s32 v51, v0  }
0x62: {  	[tilespmem:$0x1580] =	vst v8;
	v58 =	vsel vm1, $0x3F800000, v1;
	vm1 =	veq.s32 v57, v0  }
0x63: {  	[tilespmem:$0x1680] =	vst v58;
	v61 =	vsel vm1, $0x3F800000, v1;
	vm1 =	veq.s32 v60, v0  }
0x64: {  	[tilespmem:$0x1880] =	vst v61;
	v3 =	vsel vm1, $0x3F800000, v1  }
0x65: {  	[tilespmem:$0x1980] =	vst v3  }
0x66: {  	[spmem:s2] =	stream.indirect_vreg.scatter.add.f32 [tilespmem:s11], [sflag:$0x1], $0x10, v2, vm0, $0xb8;
	[tilespmem:$0x1E80] =	vst v63  }
0x67: {  	_ =	swait.ge [sflag:s10], $0x100  }
0x68: {  	s12 =	sadd.s32 $0x1, s12;
	[sflag:s10] =	ssyncset.done $0x0  }
0x69: {  	p0 =	sne.s32 s12, s8;
	[sflag:s10] =	ssyncadd.s32 $0xFFFFFF00  }
.Ltmp1:
0x6a: {  	[bflag:$0x0] =	sbarrier.arrive $0xFFFF;
	(pc) =	sbr.rel @p0 .LBB2_1-.Ltmp1, $4  }
0x6b: {  	[hbm:s7], [sflag:s5] =	dma.local [spmem:s9], $0x280  }
0x6c: {  	_ =	swait.ge [sflag:s10], $0x280  }
0x6d: {  	[sflag:s10] =	ssyncset.done $0x0  }
0x6e: {  	[sflag:s10] =	ssyncadd.s32 $0xFFFFFD80  }
0x6f: {  	_ =	sfence.sel $0x180000  }
0x70: {  	[bflag:$0x0] =	sbarrier.arrive $0xFFFF  }
0x71: {  	p0 =	sne.s32 s0, $0x0;
	_ =	strace $0x90000047  }
0x72: {  	s0 =	sadd.s32 @!p0 $0x100000, s1;
	[bflag:$0x2] =	sbarrier.arrive $0xFFFF  }
0x73: {  	[sflag:s0] =	ssyncadd.tile.s32 @!p0 $0x1;
	_ =	shalt  }
.Lfunc_end2:
_tile_overlayer_lowered:
.L_overlay_start_2:
0x74: {  	(tag) =	ssettag $0x2  }
0x75: {  	s0 =	rddreg [dreg:$0x0];
	s2 =	stileid.u32  }
0x76: {  	s1 =	rddreg [dreg:$0x1];
	p0 =	sne.s32 s2, $0x0  }
0x77: {  	s3 =	rddreg [dreg:$0x2];
	[bflag:$0x3] =	sbarrier.arrive $0xFFFF;
	s2 =	simm.s32 @!p0 $0x1C01  }
0x78: {  	[timem:s3], [sflag:s2] =	dma.local @!p0 [hbm:s0], s1  }
0x79: {  	s0 =	simm.s32 @!p0 $0x1  }
0x7a: {  	_ =	swait.ge @!p0 [sflag:s0], s1  }
0x7b: {  	s1 =	ssub.s32 @!p0 $0x0, s1;
	[sflag:s0] =	ssyncset.done @!p0 $0x0  }
0x7c: {  	[sflag:s0] =	ssyncadd.s32 @!p0 s1  }
0x7d: {  	[bflag:$0x3] =	sbarrier.arrive $0xFFFF  }
0x7e: {  	_ =	shalt  }

// kernel: kernel.23.cloned.1.call-start
scs
__scs_entry_jumppad:
0x0: {  	(pc) =	sbr.rel $0x88, $3  }
0x1: {  	(tag) =	ssettag $0x0;
	lr =	simm.s32 $0x1  }
0x2: {  	[smem:$0x3F8F] =	sst lr;
	_ =	strace $0xD0000000  }
0x3: {  	_ = 	snop  }
0x4: {  	_ = 	snop  }
0x5: {  	_ = 	snop  }
0x6: {  	_ = 	snop  }
0x7: {  	_ = 	snop  }
__scs_overlays_trampoline_lowered:
0x8: {  	[smem:$0x3F9E] =	sst s0  }
0x9: {  	[smem:$0x3F9F] =	sst s1  }
0xa: {  	[smem:$0x3FA0] =	sst s2  }
0xb: {  	[smem:$0x3FA1] =	sst s3  }
0xc: {  	[smem:$0x3FA2] =	sst s4  }
0xd: {  	[smem:$0x3FA3] =	sst s5  }
0xe: {  	[smem:$0x3FA4] =	sst s6  }
0xf: {  	[smem:$0x3FA5] =	sst s7  }
0x10: {  	[smem:$0x3FA6] =	sst s8  }
0x11: {  	[smem:$0x3FA7] =	sst s9;
	s0 =	simm.s32 @!p0 $0x0  }
0x12: {  	s1 =	sld [smem:$0x3F8D];
	s0 =	simm.s32 @p0 $0x1  }
0x13: {  	[smem:$0x3FA8] =	sst s0;
	s0 =	simm.s32 @!p1 $0x0  }
0x14: {  	s2 =	sld [smem:$0x3F8C];
	s0 =	simm.s32 @p1 $0x1  }
0x15: {  	[smem:$0x3FA9] =	sst s0;
	s0 =	simm.s32 @!p2 $0x0  }
0x16: {  	s3 =	sld [smem:$0x3FDB];
	s0 =	simm.s32 @p2 $0x1  }
0x17: {  	s4 =	simm.s32 $0x1BF5;
	[smem:$0x3FAB] =	sst s0  }
0x18: {  	s0 =	sld [smem:$0x3F8E];
	_ =	swait.ge [sflag:s4], $0x0  }
0x19: {  	s7 =	sld [smem:$0x3F8F]  }
0x1a: {  	s8 =	sadd.s32 $0xFFFFE003, lr  }
0x1b: {  	s9 =	sadd.s32 $0xFFFFFEF7, lr;
	s5 =	simm.s32 $0xFFFFFFFF;
	p2 =	slt.u32 s8, $0xFFFFF086  }
0x1c: {  	p1 =	slt.u32 s9, $0xF7A;
	s5 =	simm.s32 @!p2 $0x0  }
0x1d: {  	s5 =	simm.s32 @p1 $0x1;
	p0 =	seq.s32 s7, s2  }
0x1e: {  	s7 =	smul.u32 @!p0 $0xF7A, s2;
	p2 =	seq.s32 @!p0 s5, $0x0  }
0x1f: {  	s9 =	smul.u32 $0xF7A, s1;
	s8 =	simm.s32 @!p0 $0x1BF5;
	p2 =	por !p2, p0  }
0x20: {  	[sflag:s8] =	ssyncset.s32 @!p0 $0xFFFFF086;
	s6 =	sadd.s32 @!p0 s3, s7;
	s7 =	simm.s32 @!p0 $0x108  }
0x21: {  	s3 =	sadd.s32 s3, s9;
	s6 =	sadd.s32 @!p0 $0x88, s6;
	s7 =	simm.s32 @p2 $0x1082  }
0x22: {  	[simem:s7], [sflag:s8] =	dma.local @!p0 [hbm:s6], $0xF7A  }
0x23: {  	s9 =	sor.u32 $0xD0000000, s2;
	s6 =	simm.s32 $0x108;
	_ =	swait.ge @!p0 [sflag:s8], $0x0  }
0x24: {  	s3 =	sadd.s32 $0x88, s3;
	s6 =	simm.s32 @!p1 $0x1082;
	[sflag:s4] =	ssyncset.s32 $0xFFFFF086  }
0x25: {  	[simem:s6], [sflag:s4] =	dma.local [hbm:s3], $0xF7A  }
0x26: {  	[smem:$0x3F8F] =	sst s1;
	(tag) =	ssettag s2;
	_ =	strace s9  }
0x27: {  	s1 =	sld [smem:$0x3F9F]  }
0x28: {  	s2 =	sld [smem:$0x3FA0]  }
0x29: {  	s4 =	sld [smem:$0x3FA2]  }
0x2a: {  	p0 =	seq.s32 s5, $0x0;
	s5 =	sld [smem:$0x3FA3]  }
0x2b: {  	s6 =	sld [smem:$0x3FA4]  }
0x2c: {  	s7 =	sld [smem:$0x3FA5]  }
0x2d: {  	s3 =	simm.s32 $0x108;
	s8 =	sld [smem:$0x3FA6]  }
0x2e: {  	s3 =	simm.s32 @!p0 $0x1082;
	s9 =	sld [smem:$0x3FA7]  }
0x2f: {  	lr =	sadd.s32 s0, s3;
	s0 =	sld [smem:$0x3F9E]  }
0x30: {  	s3 =	sld [smem:$0x3FA1]  }
0x31: {  	[smem:$0x3FAA] =	sst s10  }
0x32: {  	s10 =	sld [smem:$0x3FA8];
	_ =	sdelay $0x3  }
0x33: {  	p0 =	seq.s32 s10, $0x1;
	s10 =	sld [smem:$0x3FAA];
	_ =	sdelay $0x3  }
0x34: {  	[smem:$0x3FAA] =	sst s10  }
0x35: {  	s10 =	sld [smem:$0x3FA9];
	_ =	sdelay $0x3  }
0x36: {  	p1 =	seq.s32 s10, $0x1;
	s10 =	sld [smem:$0x3FAA];
	_ =	sdelay $0x3  }
0x37: {  	[smem:$0x3FAA] =	sst s10  }
0x38: {  	s10 =	sld [smem:$0x3FAB]  }
0x39: {  	_ = 	snop;
	(pc) =	sbr.ind lr, $3  }
0x3a: {  	_ = 	snop  }
0x3b: {  	_ = 	snop  }
0x3c: {  	p2 =	seq.s32 s10, $0x1;
	s10 =	sld [smem:$0x3FAA]  }
0x3d: {  	_ =	shalt  }
0x3e: {  	_ =	shalt  }
0x3f: {  	_ =	shalt  }
0x40: {  	_ =	shalt  }
0x41: {  	_ =	shalt  }
0x42: {  	_ =	shalt  }
0x43: {  	_ =	shalt  }
0x44: {  	_ =	shalt  }
0x45: {  	_ =	shalt  }
0x46: {  	_ =	shalt  }
0x47: {  	_ =	shalt  }
0x48: {  	_ =	shalt  }
0x49: {  	_ =	shalt  }
0x4a: {  	_ =	shalt  }
0x4b: {  	_ =	shalt  }
0x4c: {  	_ =	shalt  }
0x4d: {  	_ =	shalt  }
0x4e: {  	_ =	shalt  }
0x4f: {  	_ =	shalt  }
0x50: {  	_ =	shalt  }
0x51: {  	_ =	shalt  }
0x52: {  	_ =	shalt  }
0x53: {  	_ =	shalt  }
0x54: {  	_ =	shalt  }
0x55: {  	_ =	shalt  }
0x56: {  	_ =	shalt  }
0x57: {  	_ =	shalt  }
0x58: {  	_ =	shalt  }
0x59: {  	_ =	shalt  }
0x5a: {  	_ =	shalt  }
0x5b: {  	_ =	shalt  }
0x5c: {  	_ =	shalt  }
0x5d: {  	_ =	shalt  }
0x5e: {  	_ =	shalt  }
0x5f: {  	_ =	shalt  }
0x60: {  	_ =	shalt  }
0x61: {  	_ =	shalt  }
0x62: {  	_ =	shalt  }
0x63: {  	_ =	shalt  }
0x64: {  	_ =	shalt  }
0x65: {  	_ =	shalt  }
0x66: {  	_ =	shalt  }
0x67: {  	_ =	shalt  }
0x68: {  	_ =	shalt  }
0x69: {  	_ =	shalt  }
0x6a: {  	_ =	shalt  }
0x6b: {  	_ =	shalt  }
0x6c: {  	_ =	shalt  }
0x6d: {  	_ =	shalt  }
0x6e: {  	_ =	shalt  }
0x6f: {  	_ =	shalt  }
0x70: {  	_ =	shalt  }
0x71: {  	_ =	shalt  }
0x72: {  	_ =	shalt  }
0x73: {  	_ =	shalt  }
0x74: {  	_ =	shalt  }
0x75: {  	_ =	shalt  }
0x76: {  	_ =	shalt  }
0x77: {  	_ =	shalt  }
0x78: {  	_ =	shalt  }
0x79: {  	_ =	shalt  }
0x7a: {  	_ =	shalt  }
0x7b: {  	_ =	shalt  }
0x7c: {  	_ =	shalt  }
0x7d: {  	_ =	shalt  }
0x7e: {  	_ =	shalt  }
0x7f: {  	_ =	shalt  }
0x80: {  	_ =	shalt  }
0x81: {  	_ =	shalt  }
0x82: {  	_ =	shalt  }
0x83: {  	_ =	shalt  }
0x84: {  	_ =	shalt  }
0x85: {  	_ =	shalt  }
0x86: {  	_ =	shalt  }
0x87: {  	_ =	shalt  }
.Lfunc_end0:
.L_simem_size_0:
called_computation.1_lowered:
.L_overlay_start_0:
0x88: {  	s2 =	sld [smem:$0x3FD9]  }
0x89: {  	s3 =	sld [smem:$0x3FFE];
	_ =	sdelay $0x1  }
0x8a: {  	s1 =	srdreg.scid  }
0x8b: {  	s0 =	sand.u32 $0x1, s1  }
0x8c: {  	s15 =	sshll.u32 s0, $0xA;
	s2 =	sadd.s32 s3, s2  }
0x8d: {  	s2 =	sadd.s32 s2, s15  }
0x8e: {  	[smem:$0x3FB6] =	sst s2  }
0x8f: {  	_ = 	snop  }
0x90: {  	s2 =	sld [smem:$0x3FD0];
	_ =	sdelay $0x2  }
0x91: {  	s16 =	simm.s32 $0xB;
	s4 =	simm.s32 $0x10  }
0x92: {  	[smem:s4], [sflag:s16] =	dma.local [hbm:s2], $0x1  }
0x93: {  	_ =	swait.eq [sflag:s16], $0x1  }
0x94: {  	[sflag:s16] =	ssyncset.done $0x0  }
0x95: {  	[sflag:s16] =	ssyncadd.s32 $0xFFFFFFFF  }
0x96: {  	s17 =	sld [smem:$0x11];
	(tm) =	ssettm $0x1  }
0x97: {  	s18 =	sld [smem:$0x3FFB];
	_ =	sdelay $0x3  }
0x98: {  	_ =	strace s18  }
0x99: {  	s2 =	sld [smem:$0x3FFC];
	_ =	sdelay $0x3  }
0x9a: {  	_ =	strace s2  }
0x9b: {  	s2 =	sld [smem:$0x3FFD];
	_ =	sdelay $0x3  }
0x9c: {  	_ =	strace s2  }
0x9d: {  	_ =	strace $0x8FFFFFFF  }
0x9e: {  	s19 =	sld [smem:$0x3FDB];
	_ =	sdelay $0x1  }
0x9f: {  	s20 =	simm.s32 $_scs_section_size  }
0xa0: {  	s5 =	simm.s32 $_size__tile_overlayer_lowered;
	s6 =	simm.s32 $_tile_overlayer_lowered  }
0xa1: {  	s7 =	simm.s32 $0x1BFF;
	s21 =	sshll.u32 s6, $0x1;
	s4 =	sadd.s32 s20, s19  }
0xa2: {  	s22 =	simm.s32 $0x0;
	s5 =	sshll.u32 s5, $0x1;
	s6 =	sadd.s32 s21, s4  }
0xa3: {  	[timem:s22], [sflag:s7] =	dma.local [hbm:s6], s5  }
0xa4: {  	_ =	swait.ge [sflag:s7], s5  }
0xa5: {  	s5 =	ssub.s32 $0x0, s5;
	[sflag:s7] =	ssyncset.done $0x0  }
0xa6: {  	[sflag:s7] =	ssyncadd.s32 s5;
	_ =	sdelay $0x1  }
0xa7: {  	s23 =	simm.s32 $0x1B8B  }
0xa8: {  	_ =	swait.ge [sflag:s23], $0x1  }
0xa9: {  	[sflag:s23] =	ssyncset.done $0x0  }
0xaa: {  	[sflag:s23] =	ssyncadd.s32 $0xFFFFFFFF  }
0xab: {  	s5 =	sld [smem:$0x0]  }
0xac: {  	s6 =	sand.u32 $0xFFFFFFFE, s1  }
0xad: {  	p0 =	sne.s32 s1, s6  }
0xae: {  	s6 =	sshll.u32 @p0 s6, $0xE  }
0xaf: {  	s6 =	sadd.s32 @p0 $0x11B8D, s6;
	s7 =	sshll.u32 @p0 s5, $0x11  }
0xb0: {  	s6 =	sor.u32 @p0 s7, s6  }
0xb1: {  	[sflag:s6] =	ssyncadd.remote.s32 @p0 $0x1;
	_ =	sdelay $0x1  }
0xb2: {  	s6 =	simm.s32 @p0 $0x1B8D  }
0xb3: {  	_ =	swait.eq @p0 [sflag:s6], $0x1  }
0xb4: {  	[sflag:s6] =	ssyncadd.s32 @p0 $0xFFFFFFFF  }
0xb5: {  	s7 =	sshll.u32 @!p0 s1, $0xE  }
0xb6: {  	s7 =	sor.u32 @!p0 $0x4000, s7;
	s6 =	simm.s32 @!p0 $0x1B8D  }
0xb7: {  	s5 =	sshll.u32 @!p0 s5, $0x11;
	s7 =	sadd.s32 @!p0 $0x11B8D, s7;
	_ =	swait.eq @!p0 [sflag:s6], $0x1  }
0xb8: {  	s5 =	sor.u32 @!p0 s5, s7;
	[sflag:s6] =	ssyncadd.s32 @!p0 $0xFFFFFFFF  }
0xb9: {  	s25 =	simm.s32 $0x1B8E;
	s24 =	sld [smem:$0x3FFE];
	[sflag:s5] =	ssyncadd.remote.s32 @!p0 $0x1  }
0xba: {  	s26 =	simm.s32 $execute0_lowered;
	[smem:$0x3FD2] =	sst s25  }
0xbb: {  	s6 =	sshll.u32 s26, $0x1;
	_ =	strace $0x8000004C;
	[dreg:$0x1] =	wrdreg $0xFFFFFFFF  }
0xbc: {  	s28 =	simm.s32 $_size_execute0_lowered;
	s4 =	sadd.s32 s4, s6;
	[dreg:$0x0] =	wrdreg $0x0  }
0xbd: {  	s6 =	sshll.u32 s28, $0x1;
	[dreg:$0x2] =	wrdreg s4  }
0xbe: {  	[dreg:$0x3] =	wrdreg s6  }
0xbf: {  	[dreg:$0x4] =	wrdreg $0xC0  }
0xc0: {  	_ =	task [dreg:s22], $0x5FFFF  }
0xc1: {  	[dreg:$0x1] =	wrdreg $0xFFFFFFFF  }
0xc2: {  	[dreg:$0x0] =	wrdreg $0x60  }
0xc3: {  	[dreg:$0x2] =	wrdreg s24  }
0xc4: {  	[dreg:$0x3] =	wrdreg s17  }
0xc5: {  	[dreg:$0x4] =	wrdreg $0x6C000  }
0xc6: {  	[dreg:$0x5] =	wrdreg $0x9  }
0xc7: {  	_ =	task.clear_ibuf [dreg:s22], $0x6FFFF;
	_ =	strace $0x9000004C  }
0xc8: {  	s29 =	simm.s32 $0x9;
	_ =	strace $0x8000004E  }
0xc9: {  	_ =	swait.ge [sflag:s29], $0x1  }
0xca: {  	[sflag:s29] =	ssyncadd.s32 $0xFFFFFFFF  }
0xcb: {  	_ =	strace $0x9000004E  }
0xcc: {  	_ =	sfence  }
0xcd: {  	s30 =	sld [smem:$0x0];
	_ =	sdelay $0x2  }
0xce: {  	s31 =	sshll.u32 s1, $0xD;
	s1 =	sshrl.u32 s1, $0x2  }
0xcf: {  	s4 =	sand.u32 $0x4000, s31;
	s1 =	sadd.s32 s1, s30  }
0xd0: {  	s0 =	sor.u32 s4, s0;
	s1 =	sshll.u32 s1, $0x11  }
0xd1: {  	s0 =	sor.u32 s1, s0  }
0xd2: {  	s0 =	sadd.s32 $0x8F2B, s0  }
0xd3: {  	[sflag:s0] =	ssyncadd.remote.s32 $0x1  }
0xd4: {  	_ =	sfence.sel $0xFFFF  }
0xd5: {  	[dreg:$0x0] =	wrdreg $0xFFFFFFFF;
	(pc) =	sbr.abs _section_cstart, $3  }
0xd6: {  	[dreg:$0x1] =	wrdreg $0xFFFFFFFF  }
0xd7: {  	_ =	task.clear_ibuf [dreg:s22], $0x2FFFF;
	_ =	strace $0x9FFFFFFF  }
0xd8: {  	(tm) =	ssettm $0x7FFFFFFF  }
0xd9: {  	_ =	shalt  }
tec
execute0_lowered:
.L_overlay_start_1:
0x0: {  	(tag) =	ssettag $0x1  }
0x1: {  	s5 =	rddreg [dreg:$0x0]  }
0x2: {  	s1 =	srdreg.scid;
	s2 =	rddreg [dreg:$0x1]  }
0x3: {  	s0 =	stileid.u32;
	s3 =	rddreg [dreg:$0x2];
	s4 =	simm.s32 $0x0  }
0x4: {  	s14 =	simm.s32 $0x1400;
	s15 =	simm.s32 $0x2800;
	s16 =	simm.s32 $0x3C00  }
0x5: {  	s17 =	simm.s32 $0x6400;
	s18 =	simm.s32 $0x0;
	s8 =	smul.u32 $0x14000, s0  }
0x6: {  	s6 =	sand.u32 $0x1, s1;
	s25 =	sshll.u32 s0, $0x1;
	s28 =	smul.u32 $0x50000, s0  }
0x7: {  	[smem:$0x7FF] =	sst s4;
	s1 =	sor.u32 s6, s25;
	s9 =	smul.u32 $0x140000, s6  }
0x8: {  	s31 =	sshll.u32 s0, $0x6;
	s6 =	ssub.s32 $0x2, s6;
	s7 =	smul.u32 $0x272, s1  }
0x9: {  	s1 =	rddreg [dreg:$0x3];
	_ =	strace $0x8000004D;
	s26 =	sshrl.u32 s8, $0x3  }
0xa: {  	s29 =	sshrl.u32 s6, $0x1;
	s30 =	sshrl.u32 s28, $0x2;
	s8 =	sadd.s32 s8, s9  }
0xb: {  	s12 =	ssub.s32 s6, s29;
	s13 =	sadd.s32 s30, s3;
	s6 =	sor.u32 $0x1C01, s31  }
0xc: {  	s10 =	sadd.s32 s7, s5;
	s8 =	sshrl.u32 s8, $0x3;
	s7 =	sadd.s32 s26, s5  }
0xd: {  	s11 =	sadd.s32 s8, s5;
	s5 =	sadd.s32 $0xEC600, s7;
	s7 =	sadd.s32 $0xFA00, s10  }
0xe: {  	s8 =	sadd.s32 $0x14A00, s10;
	s9 =	sadd.s32 $0xE7600, s10;
	s10 =	sadd.s32 $0x114600, s11  }
0xf: {  	vm0 =	vmmov $0xffff;
	v0 =	vlaneseq.u32;
	s11 =	smax.u32 s12, $0x1;
	s12 =	sshrl.u32 s13, $0x3;
	s13 =	simm.s32 $0x1  }
.LBB2_1:
0x10: {  	[spmem:s12], [sflag:s6] =	dma.local [hbm:s5], $0x2800  }
0x11: {  	_ =	swait.ge [sflag:s13], $0x2800  }
0x12: {  	[sflag:s13] =	ssyncset.done $0x0  }
0x13: {  	[sflag:s13] =	ssyncadd.s32 $0xFFFFD800  }
0x14: {  	[tilespmem:s4], [sflag:$0x1] =	stream.linear.gather [hbm4b:s7+s4], $0x1390, $0x38;
	[tilespmem:$0x9400] =	vst v63  }
0x15: {  	_ =	swait.ge [sflag:s13], $0x1390  }
0x16: {  	[sflag:s13] =	ssyncset.done $0x0  }
0x17: {  	[sflag:s13] =	ssyncadd.s32 $0xFFFFEC70  }
0x18: {  	[tilespmem:s14], [sflag:$0x1] =	stream.linear.gather [hbm4b:s8+s4], $0x1390, $0x38;
	[tilespmem:$0x9400] =	vst v63  }
0x19: {  	_ =	swait.ge [sflag:s13], $0x1390  }
0x1a: {  	[sflag:s13] =	ssyncset.done $0x0  }
0x1b: {  	[sflag:s13] =	ssyncadd.s32 $0xFFFFEC70  }
0x1c: {  	[tilespmem:s15], [sflag:$0x1] =	stream.linear.gather [hbm4b:s9+s4], $0x1390, $0x38;
	[tilespmem:$0x9400] =	vst v63  }
0x1d: {  	_ =	swait.ge [sflag:s13], $0x1390  }
0x1e: {  	[sflag:s13] =	ssyncset.done $0x0  }
0x1f: {  	[sflag:s13] =	ssyncadd.s32 $0xFFFFEC70  }
0x20: {  	[tilespmem:s16], [sflag:$0x1] =	stream.linear.gather [hbm4b:s2+s4], $0x2800, $0x38;
	[tilespmem:$0x9400] =	vst v63  }
0x21: {  	_ =	swait.ge [sflag:s13], $0x2800  }
0x22: {  	[sflag:s13] =	ssyncset.done $0x0  }
0x23: {  	[sflag:s13] =	ssyncadd.s32 $0xFFFFD800  }
0x24: {  	s20 =	simm.s32 $0x0;
	[bflag:$0x0] =	sbarrier.arrive $0xFFFF  }
0x25: {  	v3 =	vld [tilespmem:s20+$0x2800];
	_ =	sdelay $0x1  }
0x26: {  	v1 =	vld [tilespmem:s20+$0x0];
	_ =	sdelay $0x2  }
0x27: {  	v4 =	vbroadcast v3, $0xB  }
0x28: {  	v5 =	vbroadcast v3, $0xF;
	v6 =	vbroadcast v3, $0x7  }
0x29: {  	v9 =	vbroadcast v3, $0x9;
	v10 =	vbroadcast v3, $0x6  }
0x2a: {  	v2 =	vbroadcast v3, $0xD;
	v11 =	vbroadcast v3, $0x5  }
0x2b: {  	v8 =	vbroadcast v3, $0x0;
	v7 =	vbroadcast v3, $0x2;
	vm6 =	veq.s32 v4, v0  }
0x2c: {  	vm1 =	veq.s32 v5, v0;
	vm2 =	veq.s32 v6, v0;
	v6 =	vbroadcast v3, $0xA;
	v1 =	vld.idx.msk [tilespmem:v1+s16+$0x0], $0xffff  }
0x2d: {  	vm3 =	veq.s32 v9, v0;
	v5 =	vbroadcast v3, $0xE;
	v9 =	vbroadcast v3, $0x4  }
0x2e: {  	s19 =	simm.s32 $0x40;
	vm4 =	veq.s32 v10, v0;
	v4 =	vbroadcast v3, $0x1;
	vm5 =	veq.s32 v11, v0  }
.LBB2_2:
0x2f: {  	p0 =	sne.s32 s19, $0x4E00;
	v10 =	vbroadcast v3, $0x8;
	v11 =	vbroadcast v3, $0xC;
	vm7 =	veq.s32 v5, v0;
	s21 =	smov.u32 s19;
	s19 =	sadd.s32 $0x40, s19  }
0x30: {  	vm10 =	veq.s32 v8, v0;
	vm11 =	veq.s32 v7, v0;
	vm9 =	veq.s32 v6, v0  }
0x31: {  	v5 =	vbroadcast v1, $0x0;
	v6 =	vbroadcast v1, $0x4;
	vm8 =	veq.s32 v10, v0  }
0x32: {  	vm12 =	veq.s32 v9, v0;
	v7 =	vbroadcast v1, $0x2;
	v8 =	vbroadcast v1, $0x5  }
0x33: {  	v12 =	vbroadcast v1, $0xB;
	v10 =	vbroadcast v1, $0xA;
	v6 =	vnsel vm12, $0x0, v6;
	v9 =	vld [tilespmem:s20+$0x1400]  }
0x34: {  	v5 =	vnsel vm10, $0x0, v5;
	v7 =	vnsel vm11, $0x0, v7;
	[tilespmem:$0x6600] =	vst v6;
	v6 =	vnsel vm5, $0x0, v8  }
0x35: {  	v3 =	vbroadcast v3, $0x3;
	v8 =	vbroadcast v1, $0xC;
	[tilespmem:$0x6400] =	vst v5;
	v5 =	vnsel vm6, $0x0, v12  }
0x36: {  	vm5 =	veq.s32 v11, v0;
	v12 =	vbroadcast v1, $0x3;
	[tilespmem:$0x6980] =	vst v5;
	v5 =	vbroadcast v1, $0xD  }
0x37: {  	vm6 =	veq.s32 v3, v0;
	v3 =	vnsel vm5, $0x0, v8;
	vm5 =	veq.s32 v2, v0;
	[tilespmem:$0x6500] =	vst v7  }
0x38: {  	v2 =	vbroadcast v1, $0x1;
	v7 =	vnsel vm6, $0x0, v12;
	[tilespmem:$0x6A00] =	vst v3;
	v3 =	vnsel vm5, $0x0, v5  }
0x39: {  	vm5 =	veq.s32 v4, v0;
	v4 =	vbroadcast v1, $0x6;
	v5 =	vnsel vm9, $0x0, v10;
	[tilespmem:$0x6580] =	vst v7  }
0x3a: {  	v8 =	vbroadcast v1, $0x8;
	v2 =	vnsel vm5, $0x0, v2;
	v7 =	vbroadcast v1, $0x7;
	[tilespmem:$0x6900] =	vst v5  }
0x3b: {  	v5 =	vbroadcast v1, $0xE;
	[tilespmem:$0x6480] =	vst v2;
	v2 =	vnsel vm4, $0x0, v4;
	v4 =	vbroadcast v1, $0x9  }
0x3c: {  	v1 =	vbroadcast v1, $0xF;
	[tilespmem:$0x6700] =	vst v2;
	v2 =	vnsel vm2, $0x0, v7;
	v7 =	vnsel vm8, $0x0, v8  }
0x3d: {  	v5 =	vnsel vm7, $0x0, v5;
	[tilespmem:$0x6800] =	vst v7;
	v4 =	vnsel vm3, $0x0, v4  }
0x3e: {  	v1 =	vnsel vm1, $0x0, v1;
	[tilespmem:$0x6A80] =	vst v3  }
0x3f: {  	[tilespmem:$0x6B80] =	vst v1  }
0x40: {  	[tilespmem:$0x6880] =	vst v4  }
0x41: {  	[tilespmem:$0x6780] =	vst v2  }
0x42: {  	[tilespmem:$0x6B00] =	vst v5  }
0x43: {  	[tilespmem:$0x6680] =	vst v6  }
0x44: {  	[spmem:s3] =	stream.indirect_vreg.scatter.add.f32 [tilespmem:s17], [sflag:$0x1], $0x10, v9, vm0, $0xb8;
	[tilespmem:$0x9400] =	vst v63  }
0x45: {  	_ =	swait.ge [sflag:s13], $0x100  }
0x46: {  	[sflag:s13] =	ssyncset.done $0x0  }
0x47: {  	s20 =	sshra.s32 s21, $0x2;
	[sflag:s13] =	ssyncadd.s32 $0xFFFFFF00  }
0x48: {  	v3 =	vld [tilespmem:s20+$0x2800]  }
0x49: {  	v1 =	vld [tilespmem:s20+$0x0];
	_ =	sdelay $0x3  }
0x4a: {  	v4 =	vbroadcast v3, $0xB;
	v5 =	vbroadcast v3, $0xF  }
0x4b: {  	v6 =	vbroadcast v3, $0x7;
	v9 =	vbroadcast v3, $0x9  }
0x4c: {  	v10 =	vbroadcast v3, $0x6;
	v2 =	vbroadcast v3, $0xD  }
.Ltmp0:
0x4d: {  	v11 =	vbroadcast v3, $0x5;
	vm6 =	veq.s32 v4, v0;
	vm1 =	veq.s32 v5, v0;
	(pc) =	sbr.rel @p0 .LBB2_2-.Ltmp0, $4  }
0x4e: {  	v8 =	vbroadcast v3, $0x0;
	v7 =	vbroadcast v3, $0x2;
	vm2 =	veq.s32 v6, v0;
	v1 =	vld.idx.msk [tilespmem:v1+s16+$0x0], $0xffff  }
0x4f: {  	vm3 =	veq.s32 v9, v0;
	v6 =	vbroadcast v3, $0xA;
	v5 =	vbroadcast v3, $0xE  }
0x50: {  	v9 =	vbroadcast v3, $0x4;
	vm4 =	veq.s32 v10, v0  }
0x51: {  	v4 =	vbroadcast v3, $0x1;
	vm5 =	veq.s32 v11, v0  }
0x52: {  	_ = 	snop  }
0x53: {  	v10 =	vbroadcast v3, $0x8;
	vm7 =	veq.s32 v8, v0;
	v11 =	vbroadcast v1, $0x4  }
0x54: {  	vm8 =	veq.s32 v9, v0;
	v12 =	vbroadcast v3, $0xC;
	v50 =	vbroadcast v1, $0x0  }
0x55: {  	v3 =	vbroadcast v3, $0x3;
	v52 =	vbroadcast v1, $0xB;
	v9 =	vnsel vm8, $0x0, v11  }
0x56: {  	v51 =	vld [tilespmem:s20+$0x1400];
	vm12 =	veq.s32 v6, v0;
	v55 =	vbroadcast v1, $0xC;
	v8 =	vnsel vm7, $0x0, v50;
	[tilespmem:$0x6600] =	vst v9  }
0x57: {  	v57 =	vbroadcast v1, $0xA;
	vm10 =	veq.s32 v12, v0;
	v54 =	vnsel vm6, $0x0, v52;
	[tilespmem:$0x6400] =	vst v8  }
0x58: {  	v58 =	vbroadcast v1, $0x1;
	vm11 =	veq.s32 v3, v0;
	v3 =	vnsel vm10, $0x0, v55;
	[tilespmem:$0x6980] =	vst v54  }
0x59: {  	vm13 =	veq.s32 v4, v0;
	v60 =	vbroadcast v1, $0x8;
	v59 =	vnsel vm12, $0x0, v57;
	[tilespmem:$0x6A00] =	vst v3  }
0x5a: {  	v61 =	vbroadcast v1, $0xD;
	vm14 =	veq.s32 v10, v0;
	v6 =	vnsel vm13, $0x0, v58;
	[tilespmem:$0x6900] =	vst v59  }
0x5b: {  	vm15 =	veq.s32 v2, v0;
	v53 =	vbroadcast v1, $0x2;
	v2 =	vnsel vm14, $0x0, v60;
	[tilespmem:$0x6480] =	vst v6  }
0x5c: {  	vm9 =	veq.s32 v7, v0;
	v56 =	vbroadcast v1, $0x3;
	v4 =	vnsel vm15, $0x0, v61;
	[tilespmem:$0x6800] =	vst v2  }
0x5d: {  	v9 =	vnsel vm9, $0x0, v53;
	v3 =	vbroadcast v1, $0x6;
	[tilespmem:$0x6A80] =	vst v4  }
0x5e: {  	v62 =	vbroadcast v1, $0x9;
	v8 =	vnsel vm11, $0x0, v56;
	[tilespmem:$0x6500] =	vst v9  }
0x5f: {  	v2 =	vbroadcast v1, $0x7;
	[tilespmem:$0x6580] =	vst v8;
	v3 =	vnsel vm4, $0x0, v3  }
0x60: {  	v6 =	vnsel vm3, $0x0, v62;
	[tilespmem:$0x6700] =	vst v3;
	v3 =	vbroadcast v1, $0xF  }
0x61: {  	v63 =	vbroadcast v1, $0xE;
	[tilespmem:$0x6880] =	vst v6;
	v2 =	vnsel vm2, $0x0, v2;
	v1 =	vbroadcast v1, $0x5  }
0x62: {  	[tilespmem:$0x6780] =	vst v2;
	v3 =	vnsel vm1, $0x0, v3  }
0x63: {  	vm1 =	veq.s32 v5, v0;
	v1 =	vnsel vm5, $0x0, v1;
	[tilespmem:$0x6B80] =	vst v3  }
0x64: {  	v3 =	vnsel vm1, $0x0, v63;
	[tilespmem:$0x6680] =	vst v1  }
0x65: {  	[tilespmem:$0x6B00] =	vst v3  }
0x66: {  	[spmem:s3] =	stream.indirect_vreg.scatter.add.f32 [tilespmem:s17], [sflag:$0x1], $0x10, v51, vm0, $0xb8;
	[tilespmem:$0x9400] =	vst v63  }
0x67: {  	_ =	swait.ge [sflag:s13], $0x100  }
0x68: {  	s18 =	sadd.s32 $0x1, s18;
	[sflag:s13] =	ssyncset.done $0x0  }
0x69: {  	p0 =	sne.s32 s18, s11;
	[sflag:s13] =	ssyncadd.s32 $0xFFFFFF00  }
.Ltmp1:
0x6a: {  	[bflag:$0x0] =	sbarrier.arrive $0xFFFF;
	(pc) =	sbr.rel @p0 .LBB2_1-.Ltmp1, $4  }
0x6b: {  	[hbm:s10], [sflag:s6] =	dma.local [spmem:s12], $0x2800  }
0x6c: {  	_ =	swait.ge [sflag:s13], $0x2800  }
0x6d: {  	[sflag:s13] =	ssyncset.done $0x0  }
0x6e: {  	[sflag:s13] =	ssyncadd.s32 $0xFFFFD800  }
0x6f: {  	_ =	sfence.sel $0x180000  }
0x70: {  	[bflag:$0x0] =	sbarrier.arrive $0xFFFF  }
0x71: {  	p0 =	sne.s32 s0, $0x0;
	_ =	strace $0x9000004D  }
0x72: {  	s0 =	sadd.s32 @!p0 $0x100000, s1;
	[bflag:$0x2] =	sbarrier.arrive $0xFFFF  }
0x73: {  	[sflag:s0] =	ssyncadd.tile.s32 @!p0 $0x1;
	_ =	shalt  }
.Lfunc_end2:
_tile_overlayer_lowered:
.L_overlay_start_2:
0x74: {  	(tag) =	ssettag $0x2  }
0x75: {  	s0 =	rddreg [dreg:$0x0];
	s2 =	stileid.u32  }
0x76: {  	s1 =	rddreg [dreg:$0x1];
	p0 =	sne.s32 s2, $0x0  }
0x77: {  	s3 =	rddreg [dreg:$0x2];
	[bflag:$0x3] =	sbarrier.arrive $0xFFFF;
	s2 =	simm.s32 @!p0 $0x1C01  }
0x78: {  	[timem:s3], [sflag:s2] =	dma.local @!p0 [hbm:s0], s1  }
0x79: {  	s0 =	simm.s32 @!p0 $0x1  }
0x7a: {  	_ =	swait.ge @!p0 [sflag:s0], s1  }
0x7b: {  	s1 =	ssub.s32 @!p0 $0x0, s1;
	[sflag:s0] =	ssyncset.done @!p0 $0x0  }
0x7c: {  	[sflag:s0] =	ssyncadd.s32 @!p0 s1  }
0x7d: {  	[bflag:$0x3] =	sbarrier.arrive $0xFFFF  }
0x7e: {  	_ =	shalt  }

// kernel: kernel.26.cloned.1.call-start
scs
__scs_entry_jumppad:
0x0: {  	(pc) =	sbr.rel $0x88, $3  }
0x1: {  	(tag) =	ssettag $0x0;
	lr =	simm.s32 $0x1  }
0x2: {  	[smem:$0x3F8F] =	sst lr;
	_ =	strace $0xD0000000  }
0x3: {  	_ = 	snop  }
0x4: {  	_ = 	snop  }
0x5: {  	_ = 	snop  }
0x6: {  	_ = 	snop  }
0x7: {  	_ = 	snop  }
__scs_overlays_trampoline_lowered:
0x8: {  	[smem:$0x3F9E] =	sst s0  }
0x9: {  	[smem:$0x3F9F] =	sst s1  }
0xa: {  	[smem:$0x3FA0] =	sst s2  }
0xb: {  	[smem:$0x3FA1] =	sst s3  }
0xc: {  	[smem:$0x3FA2] =	sst s4  }
0xd: {  	[smem:$0x3FA3] =	sst s5  }
0xe: {  	[smem:$0x3FA4] =	sst s6  }
0xf: {  	[smem:$0x3FA5] =	sst s7  }
0x10: {  	[smem:$0x3FA6] =	sst s8  }
0x11: {  	[smem:$0x3FA7] =	sst s9;
	s0 =	simm.s32 @!p0 $0x0  }
0x12: {  	s1 =	sld [smem:$0x3F8D];
	s0 =	simm.s32 @p0 $0x1  }
0x13: {  	[smem:$0x3FA8] =	sst s0;
	s0 =	simm.s32 @!p1 $0x0  }
0x14: {  	s2 =	sld [smem:$0x3F8C];
	s0 =	simm.s32 @p1 $0x1  }
0x15: {  	[smem:$0x3FA9] =	sst s0;
	s0 =	simm.s32 @!p2 $0x0  }
0x16: {  	s3 =	sld [smem:$0x3FDB];
	s0 =	simm.s32 @p2 $0x1  }
0x17: {  	s4 =	simm.s32 $0x1BF5;
	[smem:$0x3FAB] =	sst s0  }
0x18: {  	s0 =	sld [smem:$0x3F8E];
	_ =	swait.ge [sflag:s4], $0x0  }
0x19: {  	s7 =	sld [smem:$0x3F8F]  }
0x1a: {  	s8 =	sadd.s32 $0xFFFFE003, lr  }
0x1b: {  	s9 =	sadd.s32 $0xFFFFFEF7, lr;
	s5 =	simm.s32 $0xFFFFFFFF;
	p2 =	slt.u32 s8, $0xFFFFF086  }
0x1c: {  	p1 =	slt.u32 s9, $0xF7A;
	s5 =	simm.s32 @!p2 $0x0  }
0x1d: {  	s5 =	simm.s32 @p1 $0x1;
	p0 =	seq.s32 s7, s2  }
0x1e: {  	s7 =	smul.u32 @!p0 $0xF7A, s2;
	p2 =	seq.s32 @!p0 s5, $0x0  }
0x1f: {  	s9 =	smul.u32 $0xF7A, s1;
	s8 =	simm.s32 @!p0 $0x1BF5;
	p2 =	por !p2, p0  }
0x20: {  	[sflag:s8] =	ssyncset.s32 @!p0 $0xFFFFF086;
	s6 =	sadd.s32 @!p0 s3, s7;
	s7 =	simm.s32 @!p0 $0x108  }
0x21: {  	s3 =	sadd.s32 s3, s9;
	s6 =	sadd.s32 @!p0 $0x88, s6;
	s7 =	simm.s32 @p2 $0x1082  }
0x22: {  	[simem:s7], [sflag:s8] =	dma.local @!p0 [hbm:s6], $0xF7A  }
0x23: {  	s9 =	sor.u32 $0xD0000000, s2;
	s6 =	simm.s32 $0x108;
	_ =	swait.ge @!p0 [sflag:s8], $0x0  }
0x24: {  	s3 =	sadd.s32 $0x88, s3;
	s6 =	simm.s32 @!p1 $0x1082;
	[sflag:s4] =	ssyncset.s32 $0xFFFFF086  }
0x25: {  	[simem:s6], [sflag:s4] =	dma.local [hbm:s3], $0xF7A  }
0x26: {  	[smem:$0x3F8F] =	sst s1;
	(tag) =	ssettag s2;
	_ =	strace s9  }
0x27: {  	s1 =	sld [smem:$0x3F9F]  }
0x28: {  	s2 =	sld [smem:$0x3FA0]  }
0x29: {  	s4 =	sld [smem:$0x3FA2]  }
0x2a: {  	p0 =	seq.s32 s5, $0x0;
	s5 =	sld [smem:$0x3FA3]  }
0x2b: {  	s6 =	sld [smem:$0x3FA4]  }
0x2c: {  	s7 =	sld [smem:$0x3FA5]  }
0x2d: {  	s3 =	simm.s32 $0x108;
	s8 =	sld [smem:$0x3FA6]  }
0x2e: {  	s3 =	simm.s32 @!p0 $0x1082;
	s9 =	sld [smem:$0x3FA7]  }
0x2f: {  	lr =	sadd.s32 s0, s3;
	s0 =	sld [smem:$0x3F9E]  }
0x30: {  	s3 =	sld [smem:$0x3FA1]  }
0x31: {  	[smem:$0x3FAA] =	sst s10  }
0x32: {  	s10 =	sld [smem:$0x3FA8];
	_ =	sdelay $0x3  }
0x33: {  	p0 =	seq.s32 s10, $0x1;
	s10 =	sld [smem:$0x3FAA];
	_ =	sdelay $0x3  }
0x34: {  	[smem:$0x3FAA] =	sst s10  }
0x35: {  	s10 =	sld [smem:$0x3FA9];
	_ =	sdelay $0x3  }
0x36: {  	p1 =	seq.s32 s10, $0x1;
	s10 =	sld [smem:$0x3FAA];
	_ =	sdelay $0x3  }
0x37: {  	[smem:$0x3FAA] =	sst s10  }
0x38: {  	s10 =	sld [smem:$0x3FAB]  }
0x39: {  	_ = 	snop;
	(pc) =	sbr.ind lr, $3  }
0x3a: {  	_ = 	snop  }
0x3b: {  	_ = 	snop  }
0x3c: {  	p2 =	seq.s32 s10, $0x1;
	s10 =	sld [smem:$0x3FAA]  }
0x3d: {  	_ =	shalt  }
0x3e: {  	_ =	shalt  }
0x3f: {  	_ =	shalt  }
0x40: {  	_ =	shalt  }
0x41: {  	_ =	shalt  }
0x42: {  	_ =	shalt  }
0x43: {  	_ =	shalt  }
0x44: {  	_ =	shalt  }
0x45: {  	_ =	shalt  }
0x46: {  	_ =	shalt  }
0x47: {  	_ =	shalt  }
0x48: {  	_ =	shalt  }
0x49: {  	_ =	shalt  }
0x4a: {  	_ =	shalt  }
0x4b: {  	_ =	shalt  }
0x4c: {  	_ =	shalt  }
0x4d: {  	_ =	shalt  }
0x4e: {  	_ =	shalt  }
0x4f: {  	_ =	shalt  }
0x50: {  	_ =	shalt  }
0x51: {  	_ =	shalt  }
0x52: {  	_ =	shalt  }
0x53: {  	_ =	shalt  }
0x54: {  	_ =	shalt  }
0x55: {  	_ =	shalt  }
0x56: {  	_ =	shalt  }
0x57: {  	_ =	shalt  }
0x58: {  	_ =	shalt  }
0x59: {  	_ =	shalt  }
0x5a: {  	_ =	shalt  }
0x5b: {  	_ =	shalt  }
0x5c: {  	_ =	shalt  }
0x5d: {  	_ =	shalt  }
0x5e: {  	_ =	shalt  }
0x5f: {  	_ =	shalt  }
0x60: {  	_ =	shalt  }
0x61: {  	_ =	shalt  }
0x62: {  	_ =	shalt  }
0x63: {  	_ =	shalt  }
0x64: {  	_ =	shalt  }
0x65: {  	_ =	shalt  }
0x66: {  	_ =	shalt  }
0x67: {  	_ =	shalt  }
0x68: {  	_ =	shalt  }
0x69: {  	_ =	shalt  }
0x6a: {  	_ =	shalt  }
0x6b: {  	_ =	shalt  }
0x6c: {  	_ =	shalt  }
0x6d: {  	_ =	shalt  }
0x6e: {  	_ =	shalt  }
0x6f: {  	_ =	shalt  }
0x70: {  	_ =	shalt  }
0x71: {  	_ =	shalt  }
0x72: {  	_ =	shalt  }
0x73: {  	_ =	shalt  }
0x74: {  	_ =	shalt  }
0x75: {  	_ =	shalt  }
0x76: {  	_ =	shalt  }
0x77: {  	_ =	shalt  }
0x78: {  	_ =	shalt  }
0x79: {  	_ =	shalt  }
0x7a: {  	_ =	shalt  }
0x7b: {  	_ =	shalt  }
0x7c: {  	_ =	shalt  }
0x7d: {  	_ =	shalt  }
0x7e: {  	_ =	shalt  }
0x7f: {  	_ =	shalt  }
0x80: {  	_ =	shalt  }
0x81: {  	_ =	shalt  }
0x82: {  	_ =	shalt  }
0x83: {  	_ =	shalt  }
0x84: {  	_ =	shalt  }
0x85: {  	_ =	shalt  }
0x86: {  	_ =	shalt  }
0x87: {  	_ =	shalt  }
.Lfunc_end0:
.L_simem_size_0:
called_computation.2_lowered:
.L_overlay_start_0:
0x88: {  	s2 =	sld [smem:$0x3FD9]  }
0x89: {  	s3 =	sld [smem:$0x3FFE];
	_ =	sdelay $0x1  }
0x8a: {  	s1 =	srdreg.scid  }
0x8b: {  	s0 =	sand.u32 $0x1, s1  }
0x8c: {  	s16 =	sshll.u32 s0, $0xA;
	s2 =	sadd.s32 s3, s2  }
0x8d: {  	s2 =	sadd.s32 s2, s16  }
0x8e: {  	[smem:$0x3FB6] =	sst s2  }
0x8f: {  	_ = 	snop  }
0x90: {  	(tm) =	ssettm $0x1  }
0x91: {  	s17 =	sld [smem:$0x3FFB];
	_ =	sdelay $0x3  }
0x92: {  	_ =	strace s17  }
0x93: {  	s2 =	sld [smem:$0x3FFC];
	_ =	sdelay $0x3  }
0x94: {  	_ =	strace s2  }
0x95: {  	s2 =	sld [smem:$0x3FFD];
	_ =	sdelay $0x3  }
0x96: {  	_ =	strace s2  }
0x97: {  	_ =	strace $0x8FFFFFFF  }
0x98: {  	s18 =	sld [smem:$0x3FDB];
	_ =	sdelay $0x1  }
0x99: {  	s19 =	simm.s32 $_scs_section_size  }
0x9a: {  	s4 =	simm.s32 $_size__tile_overlayer_lowered;
	s5 =	simm.s32 $_tile_overlayer_lowered  }
0x9b: {  	s22 =	simm.s32 $0x1BFF;
	s21 =	sshll.u32 s5, $0x1;
	s2 =	sadd.s32 s19, s18  }
0x9c: {  	s6 =	simm.s32 $0x0;
	s20 =	sshll.u32 s4, $0x1;
	s4 =	sadd.s32 s21, s2  }
0x9d: {  	[timem:s6], [sflag:s22] =	dma.local [hbm:s4], s20  }
0x9e: {  	_ =	swait.ge [sflag:s22], s20  }
0x9f: {  	s3 =	ssub.s32 $0x0, s20;
	[sflag:s22] =	ssyncset.done $0x0  }
0xa0: {  	[sflag:s22] =	ssyncadd.s32 s3;
	_ =	sdelay $0x1  }
0xa1: {  	s23 =	simm.s32 $0x1B8B  }
0xa2: {  	_ =	swait.ge [sflag:s23], $0x1  }
0xa3: {  	[sflag:s23] =	ssyncset.done $0x0  }
0xa4: {  	s25 =	simm.s32 $0x1B8E;
	s24 =	sld [smem:$0x3FFE];
	[sflag:s23] =	ssyncadd.s32 $0xFFFFFFFF  }
0xa5: {  	s26 =	simm.s32 $execute0_lowered;
	[smem:$0x3FD2] =	sst s25  }
0xa6: {  	s4 =	sshll.u32 s26, $0x1;
	_ =	strace $0x80000049;
	[dreg:$0x1] =	wrdreg $0xFFFFFFFF  }
0xa7: {  	s28 =	simm.s32 $_size_execute0_lowered;
	s2 =	sadd.s32 s2, s4;
	[dreg:$0x0] =	wrdreg $0x0  }
0xa8: {  	s4 =	sshll.u32 s28, $0x1;
	[dreg:$0x2] =	wrdreg s2  }
0xa9: {  	[dreg:$0x3] =	wrdreg s4  }
0xaa: {  	[dreg:$0x4] =	wrdreg $0xC0  }
0xab: {  	_ =	task [dreg:s6], $0x5FFFF  }
0xac: {  	[dreg:$0x1] =	wrdreg $0xFFFFFFFF  }
0xad: {  	[dreg:$0x0] =	wrdreg $0x60  }
0xae: {  	[dreg:$0x2] =	wrdreg s24  }
0xaf: {  	[dreg:$0x3] =	wrdreg $0xB3000  }
0xb0: {  	[dreg:$0x4] =	wrdreg $0xA  }
0xb1: {  	_ =	task.clear_ibuf [dreg:s6], $0x5FFFF;
	_ =	strace $0x90000049  }
0xb2: {  	s29 =	simm.s32 $0xA;
	_ =	strace $0x8000004B  }
0xb3: {  	_ =	swait.ge [sflag:s29], $0x1  }
0xb4: {  	[sflag:s29] =	ssyncadd.s32 $0xFFFFFFFF  }
0xb5: {  	_ =	strace $0x9000004B  }
0xb6: {  	_ =	sfence  }
0xb7: {  	s30 =	sld [smem:$0x0];
	_ =	sdelay $0x2  }
0xb8: {  	s31 =	sshll.u32 s1, $0xD;
	s1 =	sshrl.u32 s1, $0x2  }
0xb9: {  	s3 =	sand.u32 $0x4000, s31;
	s1 =	sadd.s32 s1, s30  }
0xba: {  	s0 =	sor.u32 s3, s0;
	s1 =	sshll.u32 s1, $0x11  }
0xbb: {  	s0 =	sor.u32 s1, s0  }
0xbc: {  	s0 =	sadd.s32 $0x8F2B, s0  }
0xbd: {  	[sflag:s0] =	ssyncadd.remote.s32 $0x1  }
0xbe: {  	_ =	sfence.sel $0xFFFF  }
0xbf: {  	[dreg:$0x0] =	wrdreg $0xFFFFFFFF;
	(pc) =	sbr.abs _section_cstart, $3  }
0xc0: {  	[dreg:$0x1] =	wrdreg $0xFFFFFFFF  }
0xc1: {  	_ =	task.clear_ibuf [dreg:s6], $0x2FFFF;
	_ =	strace $0x9FFFFFFF  }
0xc2: {  	(tm) =	ssettm $0x7FFFFFFF  }
0xc3: {  	_ =	shalt  }
tec
execute0_lowered:
.L_overlay_start_1:
0x0: {  	(tag) =	ssettag $0x1  }
0x1: {  	s0 =	rddreg [dreg:$0x0]  }
0x2: {  	s2 =	rddreg [dreg:$0x1]  }
0x3: {  	s12 =	stileid.u32;
	s3 =	simm.s32 $0x0;
	s4 =	srdreg.scid  }
0x4: {  	s14 =	simm.s32 $0x28;
	s15 =	simm.s32 $0x4F00;
	s16 =	simm.s32 $0x6300  }
0x5: {  	s18 =	simm.s32 $0x7700;
	s20 =	simm.s32 $0x8B00;
	s22 =	simm.s32 $0x9F00  }
0x6: {  	s23 =	simm.s32 $0x1;
	s28 =	simm.s32 $0x5;
	s29 =	simm.s32 $0x6  }
0x7: {  	s30 =	simm.s32 $0x7;
	s31 =	simm.s32 $0x8;
	s1 =	smul.u32 $0x4E2, s12  }
0x8: {  	s17 =	simm.s32 $0x0;
	[smem:$0x7FF] =	sst s3;
	s5 =	smul.u32 $0x14000, s12  }
0x9: {  	s7 =	sand.u32 $0x1, s4;
	s4 =	sadd.s32 $0x21400, s0;
	s9 =	smul.u32 $0x50000, s12  }
0xa: {  	s26 =	sshll.u32 s12, $0x6;
	s12 =	simm.s32 $0x1C400;
	_ =	strace $0x8000004A  }
0xb: {  	s6 =	smul.u32 $0x140000, s7;
	s24 =	ssub.s32 $0x2, s7;
	p0 =	seq.s32 s7, $0x1  }
0xc: {  	s1 =	sadd.s32 s1, s0;
	s8 =	sshrl.u32 s5, $0x3;
	s10 =	sshrl.u32 s24, $0x1  }
0xd: {  	s25 =	sshrl.u32 s9, $0x2;
	s12 =	simm.s32 @!p0 $0xAA00;
	s5 =	sadd.s32 s5, s6  }
0xe: {  	s8 =	sadd.s32 s8, s0;
	s10 =	ssub.s32 s24, s10;
	s11 =	sadd.s32 s25, s2  }
0xf: {  	s6 =	sor.u32 $0x1C0B, s26;
	s7 =	sadd.s32 $0x5A00, s1;
	s24 =	simm.s32 $0x2  }
0x10: {  	s25 =	simm.s32 $0x3;
	s26 =	simm.s32 $0x4;
	s5 =	sshrl.u32 s5, $0x3  }
0x11: {  	s9 =	smax.u32 s10, $0x1;
	s10 =	sadd.s32 s12, s1;
	s11 =	sshrl.u32 s11, $0x3  }
0x12: {  	s12 =	simm.s32 $0xB;
	s1 =	simm.s32 $0xA;
	s0 =	sadd.s32 s5, s0  }
0x13: {  	s5 =	sadd.s32 $0x6F600, s8;
	s8 =	sadd.s32 $0x97600, s0;
	s0 =	simm.s32 $0x9  }
.LBB2_1:
0x14: {  	[spmem:s11], [sflag:s6] =	dma.local [hbm:s5], $0x2800  }
0x15: {  	_ =	swait.ge [sflag:s12], $0x2800  }
0x16: {  	[sflag:s12] =	ssyncset.done $0x0  }
0x17: {  	[sflag:s12] =	ssyncadd.s32 $0xFFFFD800  }
0x18: {  	[tilespmem:s3], [sflag:$0xB] =	stream.linear.gather [hbm4b:s10+s3], $0x2710, $0x38;
	[tilespmem:$0x1F300] =	vst v63  }
0x19: {  	_ =	swait.ge [sflag:s12], $0x2710  }
0x1a: {  	[sflag:s12] =	ssyncset.done $0x0  }
0x1b: {  	s13 =	simm.s32 $0x2780;
	[sflag:s12] =	ssyncadd.s32 $0xFFFFD8F0  }
0x1c: {  	[tilespmem:s13], [sflag:$0xB] =	stream.linear.gather [hbm4b:s7+s3], $0x2710, $0x38;
	[tilespmem:$0x1F300] =	vst v63  }
0x1d: {  	_ =	swait.ge [sflag:s12], $0x2710  }
0x1e: {  	[sflag:s12] =	ssyncset.done $0x0  }
0x1f: {  	[sflag:s12] =	ssyncadd.s32 $0xFFFFD8F0  }
0x20: {  	[bflag:$0x0] =	sbarrier.arrive $0xFFFF  }
0x21: {  	[tilespmem:s15], [sflag:$0x1] =	stream.indirect.gather [hbm4b:s4+s14], $0x80, s3, s14, $0xb8;
	[tilespmem:$0x1F300] =	vst v63  }
0x22: {  	_ = 	snop  }
0x23: {  	[tilespmem:s16], [sflag:$0x2] =	stream.indirect.gather [hbm4b:s4+s14], $0x80, s14, s14, $0xb8;
	[tilespmem:$0x1F300] =	vst v63  }
0x24: {  	s21 =	simm.s32 $0x50  }
0x25: {  	[tilespmem:s18], [sflag:$0x3] =	stream.indirect.gather [hbm4b:s4+s14], $0x80, s21, s14, $0xb8;
	[tilespmem:$0x1F300] =	vst v63  }
0x26: {  	s19 =	simm.s32 $0x78  }
0x27: {  	[tilespmem:s20], [sflag:$0x4] =	stream.indirect.gather [hbm4b:s4+s14], $0x80, s19, s14, $0xb8;
	[tilespmem:$0x1F300] =	vst v63  }
0x28: {  	s21 =	simm.s32 $0xA0  }
0x29: {  	[tilespmem:s22], [sflag:$0x5] =	stream.indirect.gather [hbm4b:s4+s14], $0x80, s21, s14, $0xb8;
	[tilespmem:$0x1F300] =	vst v63  }
0x2a: {  	_ =	swait.ge [sflag:s23], $0x1400  }
0x2b: {  	[sflag:s23] =	ssyncset.done $0x0  }
0x2c: {  	s19 =	simm.s32 $0x2780;
	[sflag:s23] =	ssyncadd.s32 $0xFFFFEC00  }
0x2d: {  	[spmem:s2] =	stream.indirect.scatter.add.f32 [tilespmem:s15], [sflag:$0x6], $0x80, s19, s14, $0xb8;
	[tilespmem:$0x1F300] =	vst v63  }
0x2e: {  	_ =	swait.ge [sflag:s24], $0x1400  }
0x2f: {  	[sflag:s24] =	ssyncset.done $0x0  }
0x30: {  	s13 =	simm.s32 $0x27A8;
	[sflag:s24] =	ssyncadd.s32 $0xFFFFEC00  }
0x31: {  	[spmem:s2] =	stream.indirect.scatter.add.f32 [tilespmem:s16], [sflag:$0x7], $0x80, s13, s14, $0xb8;
	[tilespmem:$0x1F300] =	vst v63  }
0x32: {  	_ =	swait.ge [sflag:s25], $0x1400  }
0x33: {  	[sflag:s25] =	ssyncset.done $0x0  }
0x34: {  	s21 =	simm.s32 $0x27D0;
	[sflag:s25] =	ssyncadd.s32 $0xFFFFEC00  }
0x35: {  	[spmem:s2] =	stream.indirect.scatter.add.f32 [tilespmem:s18], [sflag:$0x8], $0x80, s21, s14, $0xb8;
	[tilespmem:$0x1F300] =	vst v63  }
0x36: {  	_ =	swait.ge [sflag:s26], $0x1400  }
0x37: {  	[sflag:s26] =	ssyncset.done $0x0  }
0x38: {  	s13 =	simm.s32 $0x27F8;
	[sflag:s26] =	ssyncadd.s32 $0xFFFFEC00  }
0x39: {  	[spmem:s2] =	stream.indirect.scatter.add.f32 [tilespmem:s20], [sflag:$0x9], $0x80, s13, s14, $0xb8;
	[tilespmem:$0x1F300] =	vst v63  }
0x3a: {  	_ =	swait.ge [sflag:s28], $0x1400  }
0x3b: {  	[sflag:s28] =	ssyncset.done $0x0  }
0x3c: {  	s21 =	simm.s32 $0x2820;
	[sflag:s28] =	ssyncadd.s32 $0xFFFFEC00  }
0x3d: {  	[spmem:s2] =	stream.indirect.scatter.add.f32 [tilespmem:s22], [sflag:$0xA], $0x80, s21, s14, $0xb8;
	[tilespmem:$0x1F300] =	vst v63  }
0x3e: {  	_ =	swait.ge [sflag:s29], $0x1400  }
0x3f: {  	[sflag:s29] =	ssyncset.done $0x0  }
0x40: {  	s13 =	simm.s32 $0xC8;
	[sflag:s29] =	ssyncadd.s32 $0xFFFFEC00  }
0x41: {  	[tilespmem:s15], [sflag:$0x1] =	stream.indirect.gather [hbm4b:s4+s14], $0x80, s13, s14, $0xb8;
	[tilespmem:$0x1F300] =	vst v63  }
0x42: {  	_ =	swait.ge [sflag:s30], $0x1400  }
0x43: {  	[sflag:s30] =	ssyncset.done $0x0  }
0x44: {  	s21 =	simm.s32 $0xF0;
	[sflag:s30] =	ssyncadd.s32 $0xFFFFEC00  }
0x45: {  	[tilespmem:s16], [sflag:$0x2] =	stream.indirect.gather [hbm4b:s4+s14], $0x80, s21, s14, $0xb8;
	[tilespmem:$0x1F300] =	vst v63  }
0x46: {  	_ =	swait.ge [sflag:s31], $0x1400  }
0x47: {  	[sflag:s31] =	ssyncset.done $0x0  }
0x48: {  	s13 =	simm.s32 $0x118;
	[sflag:s31] =	ssyncadd.s32 $0xFFFFEC00  }
0x49: {  	[tilespmem:s18], [sflag:$0x3] =	stream.indirect.gather [hbm4b:s4+s14], $0x80, s13, s14, $0xb8;
	[tilespmem:$0x1F300] =	vst v63  }
0x4a: {  	_ =	swait.ge [sflag:s0], $0x1400  }
0x4b: {  	[sflag:s0] =	ssyncset.done $0x0  }
0x4c: {  	s21 =	simm.s32 $0x140;
	[sflag:s0] =	ssyncadd.s32 $0xFFFFEC00  }
0x4d: {  	[tilespmem:s20], [sflag:$0x4] =	stream.indirect.gather [hbm4b:s4+s14], $0x80, s21, s14, $0xb8;
	[tilespmem:$0x1F300] =	vst v63  }
0x4e: {  	_ =	swait.ge [sflag:s1], $0x1400  }
0x4f: {  	[sflag:s1] =	ssyncset.done $0x0  }
0x50: {  	s19 =	simm.s32 $0x320;
	s21 =	simm.s32 $0x168;
	[sflag:s1] =	ssyncadd.s32 $0xFFFFEC00  }
.LBB2_2:
0x51: {  	[tilespmem:s22], [sflag:$0x5] =	stream.indirect.gather [hbm4b:s4+s14], $0x80, s21, s14, $0xb8;
	[tilespmem:$0x1F300] =	vst v63  }
0x52: {  	s21 =	smov.u32 s19  }
0x53: {  	p0 =	sne.s32 s19, $0x9600;
	s19 =	sadd.s32 $0x320, s19;
	_ =	swait.ge [sflag:s23], $0x1400  }
0x54: {  	s21 =	sshra.s32 s21, $0x2;
	[sflag:s23] =	ssyncset.done $0x0  }
0x55: {  	s13 =	sadd.s32 $0x2780, s21;
	[sflag:s23] =	ssyncadd.s32 $0xFFFFEC00  }
0x56: {  	[spmem:s2] =	stream.indirect.scatter.add.f32 [tilespmem:s15], [sflag:$0x6], $0x80, s13, s14, $0xb8;
	[tilespmem:$0x1F300] =	vst v63  }
0x57: {  	_ =	swait.ge [sflag:s24], $0x1400  }
0x58: {  	[sflag:s24] =	ssyncset.done $0x0  }
0x59: {  	s13 =	sadd.s32 $0x27A8, s21;
	[sflag:s24] =	ssyncadd.s32 $0xFFFFEC00  }
0x5a: {  	[spmem:s2] =	stream.indirect.scatter.add.f32 [tilespmem:s16], [sflag:$0x7], $0x80, s13, s14, $0xb8;
	[tilespmem:$0x1F300] =	vst v63  }
0x5b: {  	_ =	swait.ge [sflag:s25], $0x1400  }
0x5c: {  	[sflag:s25] =	ssyncset.done $0x0  }
0x5d: {  	s13 =	sadd.s32 $0x27D0, s21;
	[sflag:s25] =	ssyncadd.s32 $0xFFFFEC00  }
0x5e: {  	[spmem:s2] =	stream.indirect.scatter.add.f32 [tilespmem:s18], [sflag:$0x8], $0x80, s13, s14, $0xb8;
	[tilespmem:$0x1F300] =	vst v63  }
0x5f: {  	_ =	swait.ge [sflag:s26], $0x1400  }
0x60: {  	[sflag:s26] =	ssyncset.done $0x0  }
0x61: {  	s13 =	sadd.s32 $0x27F8, s21;
	[sflag:s26] =	ssyncadd.s32 $0xFFFFEC00  }
0x62: {  	[spmem:s2] =	stream.indirect.scatter.add.f32 [tilespmem:s20], [sflag:$0x9], $0x80, s13, s14, $0xb8;
	[tilespmem:$0x1F300] =	vst v63  }
0x63: {  	_ =	swait.ge [sflag:s28], $0x1400  }
0x64: {  	[sflag:s28] =	ssyncset.done $0x0  }
0x65: {  	s13 =	sadd.s32 $0x2820, s21;
	[sflag:s28] =	ssyncadd.s32 $0xFFFFEC00  }
0x66: {  	[spmem:s2] =	stream.indirect.scatter.add.f32 [tilespmem:s22], [sflag:$0xA], $0x80, s13, s14, $0xb8;
	[tilespmem:$0x1F300] =	vst v63  }
0x67: {  	_ =	swait.ge [sflag:s29], $0x1400  }
0x68: {  	[sflag:s29] =	ssyncset.done $0x0  }
0x69: {  	s13 =	sadd.s32 $0xC8, s21;
	[sflag:s29] =	ssyncadd.s32 $0xFFFFEC00  }
0x6a: {  	[tilespmem:s15], [sflag:$0x1] =	stream.indirect.gather [hbm4b:s4+s14], $0x80, s13, s14, $0xb8;
	[tilespmem:$0x1F300] =	vst v63  }
0x6b: {  	_ =	swait.ge [sflag:s30], $0x1400  }
0x6c: {  	[sflag:s30] =	ssyncset.done $0x0  }
0x6d: {  	s13 =	sadd.s32 $0xF0, s21;
	[sflag:s30] =	ssyncadd.s32 $0xFFFFEC00  }
0x6e: {  	[tilespmem:s16], [sflag:$0x2] =	stream.indirect.gather [hbm4b:s4+s14], $0x80, s13, s14, $0xb8;
	[tilespmem:$0x1F300] =	vst v63  }
0x6f: {  	_ =	swait.ge [sflag:s31], $0x1400  }
0x70: {  	[sflag:s31] =	ssyncset.done $0x0  }
0x71: {  	s13 =	sadd.s32 $0x118, s21;
	[sflag:s31] =	ssyncadd.s32 $0xFFFFEC00  }
0x72: {  	[tilespmem:s18], [sflag:$0x3] =	stream.indirect.gather [hbm4b:s4+s14], $0x80, s13, s14, $0xb8;
	[tilespmem:$0x1F300] =	vst v63  }
0x73: {  	_ =	swait.ge [sflag:s0], $0x1400  }
0x74: {  	[sflag:s0] =	ssyncset.done $0x0  }
.Ltmp0:
0x75: {  	s13 =	sadd.s32 $0x140, s21;
	[sflag:s0] =	ssyncadd.s32 $0xFFFFEC00;
	(pc) =	sbr.rel @p0 .LBB2_2-.Ltmp0, $4  }
0x76: {  	[tilespmem:s20], [sflag:$0x4] =	stream.indirect.gather [hbm4b:s4+s14], $0x80, s13, s14, $0xb8;
	[tilespmem:$0x1F300] =	vst v63  }
0x77: {  	_ =	swait.ge [sflag:s1], $0x1400  }
0x78: {  	[sflag:s1] =	ssyncset.done $0x0  }
0x79: {  	s21 =	sadd.s32 $0x168, s21;
	[sflag:s1] =	ssyncadd.s32 $0xFFFFEC00  }
0x7a: {  	[tilespmem:s22], [sflag:$0x5] =	stream.indirect.gather [hbm4b:s4+s14], $0x80, s21, s14, $0xb8;
	[tilespmem:$0x1F300] =	vst v63  }
0x7b: {  	_ =	swait.ge [sflag:s23], $0x1400  }
0x7c: {  	[sflag:s23] =	ssyncset.done $0x0  }
0x7d: {  	s13 =	simm.s32 $0x4DC8;
	[sflag:s23] =	ssyncadd.s32 $0xFFFFEC00  }
0x7e: {  	[spmem:s2] =	stream.indirect.scatter.add.f32 [tilespmem:s15], [sflag:$0x6], $0x80, s13, s14, $0xb8;
	[tilespmem:$0x1F300] =	vst v63  }
0x7f: {  	_ =	swait.ge [sflag:s24], $0x1400  }
0x80: {  	[sflag:s24] =	ssyncset.done $0x0  }
0x81: {  	s19 =	simm.s32 $0x4DF0;
	[sflag:s24] =	ssyncadd.s32 $0xFFFFEC00  }
0x82: {  	[spmem:s2] =	stream.indirect.scatter.add.f32 [tilespmem:s16], [sflag:$0x7], $0x80, s19, s14, $0xb8;
	[tilespmem:$0x1F300] =	vst v63  }
0x83: {  	_ =	swait.ge [sflag:s25], $0x1400  }
0x84: {  	[sflag:s25] =	ssyncset.done $0x0  }
0x85: {  	s21 =	simm.s32 $0x4E18;
	[sflag:s25] =	ssyncadd.s32 $0xFFFFEC00  }
0x86: {  	[spmem:s2] =	stream.indirect.scatter.add.f32 [tilespmem:s18], [sflag:$0x8], $0x80, s21, s14, $0xb8;
	[tilespmem:$0x1F300] =	vst v63  }
0x87: {  	_ =	swait.ge [sflag:s26], $0x1400  }
0x88: {  	[sflag:s26] =	ssyncset.done $0x0  }
0x89: {  	s19 =	simm.s32 $0x4E40;
	[sflag:s26] =	ssyncadd.s32 $0xFFFFEC00  }
0x8a: {  	[spmem:s2] =	stream.indirect.scatter.add.f32 [tilespmem:s20], [sflag:$0x9], $0x80, s19, s14, $0xb8;
	[tilespmem:$0x1F300] =	vst v63  }
0x8b: {  	_ =	swait.ge [sflag:s28], $0x1400  }
0x8c: {  	[sflag:s28] =	ssyncset.done $0x0  }
0x8d: {  	s21 =	simm.s32 $0x4E68;
	[sflag:s28] =	ssyncadd.s32 $0xFFFFEC00  }
0x8e: {  	[spmem:s2] =	stream.indirect.scatter.add.f32 [tilespmem:s22], [sflag:$0xA], $0x80, s21, s14, $0xb8;
	[tilespmem:$0x1F300] =	vst v63  }
0x8f: {  	_ =	swait.ge [sflag:s29], $0x1400  }
0x90: {  	[sflag:s29] =	ssyncset.done $0x0  }
0x91: {  	[sflag:s29] =	ssyncadd.s32 $0xFFFFEC00  }
0x92: {  	_ =	swait.ge [sflag:s30], $0x1400  }
0x93: {  	[sflag:s30] =	ssyncset.done $0x0  }
0x94: {  	[sflag:s30] =	ssyncadd.s32 $0xFFFFEC00  }
0x95: {  	_ =	swait.ge [sflag:s31], $0x1400  }
0x96: {  	[sflag:s31] =	ssyncset.done $0x0  }
0x97: {  	[sflag:s31] =	ssyncadd.s32 $0xFFFFEC00  }
0x98: {  	_ =	swait.ge [sflag:s0], $0x1400  }
0x99: {  	[sflag:s0] =	ssyncset.done $0x0  }
0x9a: {  	[sflag:s0] =	ssyncadd.s32 $0xFFFFEC00  }
0x9b: {  	_ =	swait.ge [sflag:s1], $0x1400  }
0x9c: {  	s17 =	sadd.s32 $0x1, s17;
	[sflag:s1] =	ssyncset.done $0x0  }
0x9d: {  	p0 =	sne.s32 s17, s9;
	[sflag:s1] =	ssyncadd.s32 $0xFFFFEC00  }
.Ltmp1:
0x9e: {  	[bflag:$0x0] =	sbarrier.arrive $0xFFFF;
	(pc) =	sbr.rel @p0 .LBB2_1-.Ltmp1, $4  }
0x9f: {  	[hbm:s8], [sflag:s6] =	dma.local [spmem:s11], $0x2800  }
0xa0: {  	_ =	swait.ge [sflag:s12], $0x2800  }
0xa1: {  	[sflag:s12] =	ssyncset.done $0x0  }
0xa2: {  	[sflag:s12] =	ssyncadd.s32 $0xFFFFD800  }
0xa3: {  	_ =	sfence.sel $0x180000  }
0xa4: {  	[bflag:$0x0] =	sbarrier.arrive $0xFFFF  }
0xa5: {  	_ =	strace $0x9000004A  }
0xa6: {  	s0 =	stileid.u32;
	[bflag:$0x2] =	sbarrier.arrive $0xFFFF  }
0xa7: {  	p0 =	sne.s32 s0, $0x0;
	s0 =	rddreg [dreg:$0x2]  }
0xa8: {  	s0 =	sadd.s32 @!p0 $0x100000, s0  }
0xa9: {  	[sflag:s0] =	ssyncadd.tile.s32 @!p0 $0x1;
	_ =	shalt  }
.Lfunc_end2:
_tile_overlayer_lowered:
.L_overlay_start_2:
0xaa: {  	(tag) =	ssettag $0x2  }
0xab: {  	s0 =	rddreg [dreg:$0x0];
	s2 =	stileid.u32  }
0xac: {  	s1 =	rddreg [dreg:$0x1];
	p0 =	sne.s32 s2, $0x0  }
0xad: {  	s3 =	rddreg [dreg:$0x2];
	[bflag:$0x3] =	sbarrier.arrive $0xFFFF;
	s2 =	simm.s32 @!p0 $0x1C0B  }
0xae: {  	[timem:s3], [sflag:s2] =	dma.local @!p0 [hbm:s0], s1  }
0xaf: {  	s0 =	simm.s32 @!p0 $0xB  }
0xb0: {  	_ =	swait.ge @!p0 [sflag:s0], s1  }
0xb1: {  	s1 =	ssub.s32 @!p0 $0x0, s1;
	[sflag:s0] =	ssyncset.done @!p0 $0x0  }
0xb2: {  	[sflag:s0] =	ssyncadd.s32 @!p0 s1  }
0xb3: {  	[bflag:$0x3] =	sbarrier.arrive $0xFFFF  }
0xb4: {  	_ =	shalt  }

// kernel: kernel.29.cloned.1.call-start
scs
__scs_entry_jumppad:
0x0: {  	(pc) =	sbr.rel $0x88, $3  }
0x1: {  	(tag) =	ssettag $0x0;
	lr =	simm.s32 $0x1  }
0x2: {  	[smem:$0x3F8F] =	sst lr;
	_ =	strace $0xD0000000  }
0x3: {  	_ = 	snop  }
0x4: {  	_ = 	snop  }
0x5: {  	_ = 	snop  }
0x6: {  	_ = 	snop  }
0x7: {  	_ = 	snop  }
__scs_overlays_trampoline_lowered:
0x8: {  	[smem:$0x3F9E] =	sst s0  }
0x9: {  	[smem:$0x3F9F] =	sst s1  }
0xa: {  	[smem:$0x3FA0] =	sst s2  }
0xb: {  	[smem:$0x3FA1] =	sst s3  }
0xc: {  	[smem:$0x3FA2] =	sst s4  }
0xd: {  	[smem:$0x3FA3] =	sst s5  }
0xe: {  	[smem:$0x3FA4] =	sst s6  }
0xf: {  	[smem:$0x3FA5] =	sst s7  }
0x10: {  	[smem:$0x3FA6] =	sst s8  }
0x11: {  	[smem:$0x3FA7] =	sst s9;
	s0 =	simm.s32 @!p0 $0x0  }
0x12: {  	s1 =	sld [smem:$0x3F8D];
	s0 =	simm.s32 @p0 $0x1  }
0x13: {  	[smem:$0x3FA8] =	sst s0;
	s0 =	simm.s32 @!p1 $0x0  }
0x14: {  	s2 =	sld [smem:$0x3F8C];
	s0 =	simm.s32 @p1 $0x1  }
0x15: {  	[smem:$0x3FA9] =	sst s0;
	s0 =	simm.s32 @!p2 $0x0  }
0x16: {  	s3 =	sld [smem:$0x3FDB];
	s0 =	simm.s32 @p2 $0x1  }
0x17: {  	s4 =	simm.s32 $0x1BF5;
	[smem:$0x3FAB] =	sst s0  }
0x18: {  	s0 =	sld [smem:$0x3F8E];
	_ =	swait.ge [sflag:s4], $0x0  }
0x19: {  	s7 =	sld [smem:$0x3F8F]  }
0x1a: {  	s8 =	sadd.s32 $0xFFFFE003, lr  }
0x1b: {  	s9 =	sadd.s32 $0xFFFFFEF7, lr;
	s5 =	simm.s32 $0xFFFFFFFF;
	p2 =	slt.u32 s8, $0xFFFFF086  }
0x1c: {  	p1 =	slt.u32 s9, $0xF7A;
	s5 =	simm.s32 @!p2 $0x0  }
0x1d: {  	s5 =	simm.s32 @p1 $0x1;
	p0 =	seq.s32 s7, s2  }
0x1e: {  	s7 =	smul.u32 @!p0 $0xF7A, s2;
	p2 =	seq.s32 @!p0 s5, $0x0  }
0x1f: {  	s9 =	smul.u32 $0xF7A, s1;
	s8 =	simm.s32 @!p0 $0x1BF5;
	p2 =	por !p2, p0  }
0x20: {  	[sflag:s8] =	ssyncset.s32 @!p0 $0xFFFFF086;
	s6 =	sadd.s32 @!p0 s3, s7;
	s7 =	simm.s32 @!p0 $0x108  }
0x21: {  	s3 =	sadd.s32 s3, s9;
	s6 =	sadd.s32 @!p0 $0x88, s6;
	s7 =	simm.s32 @p2 $0x1082  }
0x22: {  	[simem:s7], [sflag:s8] =	dma.local @!p0 [hbm:s6], $0xF7A  }
0x23: {  	s9 =	sor.u32 $0xD0000000, s2;
	s6 =	simm.s32 $0x108;
	_ =	swait.ge @!p0 [sflag:s8], $0x0  }
0x24: {  	s3 =	sadd.s32 $0x88, s3;
	s6 =	simm.s32 @!p1 $0x1082;
	[sflag:s4] =	ssyncset.s32 $0xFFFFF086  }
0x25: {  	[simem:s6], [sflag:s4] =	dma.local [hbm:s3], $0xF7A  }
0x26: {  	[smem:$0x3F8F] =	sst s1;
	(tag) =	ssettag s2;
	_ =	strace s9  }
0x27: {  	s1 =	sld [smem:$0x3F9F]  }
0x28: {  	s2 =	sld [smem:$0x3FA0]  }
0x29: {  	s4 =	sld [smem:$0x3FA2]  }
0x2a: {  	p0 =	seq.s32 s5, $0x0;
	s5 =	sld [smem:$0x3FA3]  }
0x2b: {  	s6 =	sld [smem:$0x3FA4]  }
0x2c: {  	s7 =	sld [smem:$0x3FA5]  }
0x2d: {  	s3 =	simm.s32 $0x108;
	s8 =	sld [smem:$0x3FA6]  }
0x2e: {  	s3 =	simm.s32 @!p0 $0x1082;
	s9 =	sld [smem:$0x3FA7]  }
0x2f: {  	lr =	sadd.s32 s0, s3;
	s0 =	sld [smem:$0x3F9E]  }
0x30: {  	s3 =	sld [smem:$0x3FA1]  }
0x31: {  	[smem:$0x3FAA] =	sst s10  }
0x32: {  	s10 =	sld [smem:$0x3FA8];
	_ =	sdelay $0x3  }
0x33: {  	p0 =	seq.s32 s10, $0x1;
	s10 =	sld [smem:$0x3FAA];
	_ =	sdelay $0x3  }
0x34: {  	[smem:$0x3FAA] =	sst s10  }
0x35: {  	s10 =	sld [smem:$0x3FA9];
	_ =	sdelay $0x3  }
0x36: {  	p1 =	seq.s32 s10, $0x1;
	s10 =	sld [smem:$0x3FAA];
	_ =	sdelay $0x3  }
0x37: {  	[smem:$0x3FAA] =	sst s10  }
0x38: {  	s10 =	sld [smem:$0x3FAB]  }
0x39: {  	_ = 	snop;
	(pc) =	sbr.ind lr, $3  }
0x3a: {  	_ = 	snop  }
0x3b: {  	_ = 	snop  }
0x3c: {  	p2 =	seq.s32 s10, $0x1;
	s10 =	sld [smem:$0x3FAA]  }
0x3d: {  	_ =	shalt  }
0x3e: {  	_ =	shalt  }
0x3f: {  	_ =	shalt  }
0x40: {  	_ =	shalt  }
0x41: {  	_ =	shalt  }
0x42: {  	_ =	shalt  }
0x43: {  	_ =	shalt  }
0x44: {  	_ =	shalt  }
0x45: {  	_ =	shalt  }
0x46: {  	_ =	shalt  }
0x47: {  	_ =	shalt  }
0x48: {  	_ =	shalt  }
0x49: {  	_ =	shalt  }
0x4a: {  	_ =	shalt  }
0x4b: {  	_ =	shalt  }
0x4c: {  	_ =	shalt  }
0x4d: {  	_ =	shalt  }
0x4e: {  	_ =	shalt  }
0x4f: {  	_ =	shalt  }
0x50: {  	_ =	shalt  }
0x51: {  	_ =	shalt  }
0x52: {  	_ =	shalt  }
0x53: {  	_ =	shalt  }
0x54: {  	_ =	shalt  }
0x55: {  	_ =	shalt  }
0x56: {  	_ =	shalt  }
0x57: {  	_ =	shalt  }
0x58: {  	_ =	shalt  }
0x59: {  	_ =	shalt  }
0x5a: {  	_ =	shalt  }
0x5b: {  	_ =	shalt  }
0x5c: {  	_ =	shalt  }
0x5d: {  	_ =	shalt  }
0x5e: {  	_ =	shalt  }
0x5f: {  	_ =	shalt  }
0x60: {  	_ =	shalt  }
0x61: {  	_ =	shalt  }
0x62: {  	_ =	shalt  }
0x63: {  	_ =	shalt  }
0x64: {  	_ =	shalt  }
0x65: {  	_ =	shalt  }
0x66: {  	_ =	shalt  }
0x67: {  	_ =	shalt  }
0x68: {  	_ =	shalt  }
0x69: {  	_ =	shalt  }
0x6a: {  	_ =	shalt  }
0x6b: {  	_ =	shalt  }
0x6c: {  	_ =	shalt  }
0x6d: {  	_ =	shalt  }
0x6e: {  	_ =	shalt  }
0x6f: {  	_ =	shalt  }
0x70: {  	_ =	shalt  }
0x71: {  	_ =	shalt  }
0x72: {  	_ =	shalt  }
0x73: {  	_ =	shalt  }
0x74: {  	_ =	shalt  }
0x75: {  	_ =	shalt  }
0x76: {  	_ =	shalt  }
0x77: {  	_ =	shalt  }
0x78: {  	_ =	shalt  }
0x79: {  	_ =	shalt  }
0x7a: {  	_ =	shalt  }
0x7b: {  	_ =	shalt  }
0x7c: {  	_ =	shalt  }
0x7d: {  	_ =	shalt  }
0x7e: {  	_ =	shalt  }
0x7f: {  	_ =	shalt  }
0x80: {  	_ =	shalt  }
0x81: {  	_ =	shalt  }
0x82: {  	_ =	shalt  }
0x83: {  	_ =	shalt  }
0x84: {  	_ =	shalt  }
0x85: {  	_ =	shalt  }
0x86: {  	_ =	shalt  }
0x87: {  	_ =	shalt  }
.Lfunc_end0:
.L_simem_size_0:
called_computation.3_lowered:
.L_overlay_start_0:
0x88: {  	s2 =	sld [smem:$0x3FD9]  }
0x89: {  	s3 =	sld [smem:$0x3FFE];
	_ =	sdelay $0x1  }
0x8a: {  	s1 =	srdreg.scid  }
0x8b: {  	s0 =	sand.u32 $0x1, s1  }
0x8c: {  	s16 =	sshll.u32 s0, $0xA;
	s2 =	sadd.s32 s3, s2  }
0x8d: {  	s2 =	sadd.s32 s2, s16  }
0x8e: {  	[smem:$0x3FB6] =	sst s2  }
0x8f: {  	_ = 	snop  }
0x90: {  	(tm) =	ssettm $0x1  }
0x91: {  	s17 =	sld [smem:$0x3FFB];
	_ =	sdelay $0x3  }
0x92: {  	_ =	strace s17  }
0x93: {  	s2 =	sld [smem:$0x3FFC];
	_ =	sdelay $0x3  }
0x94: {  	_ =	strace s2  }
0x95: {  	s2 =	sld [smem:$0x3FFD];
	_ =	sdelay $0x3  }
0x96: {  	_ =	strace s2  }
0x97: {  	_ =	strace $0x8FFFFFFF  }
0x98: {  	s18 =	sld [smem:$0x3FDB];
	_ =	sdelay $0x1  }
0x99: {  	s19 =	simm.s32 $_scs_section_size  }
0x9a: {  	s4 =	simm.s32 $_size__tile_overlayer_lowered;
	s5 =	simm.s32 $_tile_overlayer_lowered  }
0x9b: {  	s22 =	simm.s32 $0x1BFF;
	s21 =	sshll.u32 s5, $0x1;
	s2 =	sadd.s32 s19, s18  }
0x9c: {  	s6 =	simm.s32 $0x0;
	s20 =	sshll.u32 s4, $0x1;
	s4 =	sadd.s32 s21, s2  }
0x9d: {  	[timem:s6], [sflag:s22] =	dma.local [hbm:s4], s20  }
0x9e: {  	_ =	swait.ge [sflag:s22], s20  }
0x9f: {  	s3 =	ssub.s32 $0x0, s20;
	[sflag:s22] =	ssyncset.done $0x0  }
0xa0: {  	[sflag:s22] =	ssyncadd.s32 s3;
	_ =	sdelay $0x1  }
0xa1: {  	s23 =	simm.s32 $0x1B8B  }
0xa2: {  	_ =	swait.ge [sflag:s23], $0x1  }
0xa3: {  	[sflag:s23] =	ssyncset.done $0x0  }
0xa4: {  	s25 =	simm.s32 $0x1B8E;
	s24 =	sld [smem:$0x3FFE];
	[sflag:s23] =	ssyncadd.s32 $0xFFFFFFFF  }
0xa5: {  	s26 =	simm.s32 $execute0_lowered;
	[smem:$0x3FD2] =	sst s25  }
0xa6: {  	s4 =	sshll.u32 s26, $0x1;
	_ =	strace $0x8000004F;
	[dreg:$0x1] =	wrdreg $0xFFFFFFFF  }
0xa7: {  	s28 =	simm.s32 $_size_execute0_lowered;
	s2 =	sadd.s32 s2, s4;
	[dreg:$0x0] =	wrdreg $0x0  }
0xa8: {  	s4 =	sshll.u32 s28, $0x1;
	[dreg:$0x2] =	wrdreg s2  }
0xa9: {  	[dreg:$0x3] =	wrdreg s4  }
0xaa: {  	[dreg:$0x4] =	wrdreg $0xC0  }
0xab: {  	_ =	task [dreg:s6], $0x5FFFF  }
0xac: {  	[dreg:$0x1] =	wrdreg $0xFFFFFFFF  }
0xad: {  	[dreg:$0x0] =	wrdreg $0x60  }
0xae: {  	[dreg:$0x2] =	wrdreg s24  }
0xaf: {  	[dreg:$0x3] =	wrdreg $0xB3000  }
0xb0: {  	[dreg:$0x4] =	wrdreg $0x9  }
0xb1: {  	_ =	task.clear_ibuf [dreg:s6], $0x5FFFF;
	_ =	strace $0x9000004F  }
0xb2: {  	s29 =	simm.s32 $0x9;
	_ =	strace $0x80000051  }
0xb3: {  	_ =	swait.ge [sflag:s29], $0x1  }
0xb4: {  	[sflag:s29] =	ssyncadd.s32 $0xFFFFFFFF  }
0xb5: {  	_ =	strace $0x90000051  }
0xb6: {  	_ =	sfence  }
0xb7: {  	s30 =	sld [smem:$0x0];
	_ =	sdelay $0x2  }
0xb8: {  	s31 =	sshll.u32 s1, $0xD;
	s1 =	sshrl.u32 s1, $0x2  }
0xb9: {  	s3 =	sand.u32 $0x4000, s31;
	s1 =	sadd.s32 s1, s30  }
0xba: {  	s0 =	sor.u32 s3, s0;
	s1 =	sshll.u32 s1, $0x11  }
0xbb: {  	s0 =	sor.u32 s1, s0  }
0xbc: {  	s0 =	sadd.s32 $0x8F2B, s0  }
0xbd: {  	[sflag:s0] =	ssyncadd.remote.s32 $0x1  }
0xbe: {  	_ =	sfence.sel $0xFFFF  }
0xbf: {  	[dreg:$0x0] =	wrdreg $0xFFFFFFFF;
	(pc) =	sbr.abs _section_cstart, $3  }
0xc0: {  	[dreg:$0x1] =	wrdreg $0xFFFFFFFF  }
0xc1: {  	_ =	task.clear_ibuf [dreg:s6], $0x2FFFF;
	_ =	strace $0x9FFFFFFF  }
0xc2: {  	(tm) =	ssettm $0x7FFFFFFF  }
0xc3: {  	_ =	shalt  }
tec
execute0_lowered:
.L_overlay_start_1:
0x0: {  	(tag) =	ssettag $0x1  }
0x1: {  	s0 =	rddreg [dreg:$0x0]  }
0x2: {  	s2 =	rddreg [dreg:$0x1]  }
0x3: {  	s12 =	stileid.u32;
	s3 =	simm.s32 $0x0;
	s4 =	srdreg.scid  }
0x4: {  	s14 =	simm.s32 $0x28;
	s15 =	simm.s32 $0x4F00;
	s16 =	simm.s32 $0x6300  }
0x5: {  	s18 =	simm.s32 $0x7700;
	s20 =	simm.s32 $0x8B00;
	s22 =	simm.s32 $0x9F00  }
0x6: {  	s23 =	simm.s32 $0x1;
	s28 =	simm.s32 $0x5;
	s29 =	simm.s32 $0x6  }
0x7: {  	s30 =	simm.s32 $0x7;
	s31 =	simm.s32 $0x8;
	s1 =	smul.u32 $0x4E2, s12  }
0x8: {  	s17 =	simm.s32 $0x0;
	[smem:$0x7FF] =	sst s3;
	s5 =	smul.u32 $0x14000, s12  }
0x9: {  	s7 =	sand.u32 $0x1, s4;
	s4 =	sadd.s32 $0x21400, s0;
	s9 =	smul.u32 $0x50000, s12  }
0xa: {  	s26 =	sshll.u32 s12, $0x6;
	s12 =	simm.s32 $0x1C400;
	_ =	strace $0x80000050  }
0xb: {  	s6 =	smul.u32 $0x140000, s7;
	s24 =	ssub.s32 $0x2, s7;
	p0 =	seq.s32 s7, $0x1  }
0xc: {  	s1 =	sadd.s32 s1, s0;
	s8 =	sshrl.u32 s5, $0x3;
	s10 =	sshrl.u32 s24, $0x1  }
0xd: {  	s25 =	sshrl.u32 s9, $0x2;
	s12 =	simm.s32 @!p0 $0xAA00;
	s5 =	sadd.s32 s5, s6  }
0xe: {  	s8 =	sadd.s32 s8, s0;
	s10 =	ssub.s32 s24, s10;
	s11 =	sadd.s32 s25, s2  }
0xf: {  	s6 =	sor.u32 $0x1C0B, s26;
	s7 =	sadd.s32 $0x5A00, s1;
	s24 =	simm.s32 $0x2  }
0x10: {  	s25 =	simm.s32 $0x3;
	s26 =	simm.s32 $0x4;
	s5 =	sshrl.u32 s5, $0x3  }
0x11: {  	s9 =	smax.u32 s10, $0x1;
	s10 =	sadd.s32 s12, s1;
	s11 =	sshrl.u32 s11, $0x3  }
0x12: {  	s12 =	simm.s32 $0xB;
	s1 =	simm.s32 $0xA;
	s0 =	sadd.s32 s5, s0  }
0x13: {  	s5 =	sadd.s32 $0x6F600, s8;
	s8 =	sadd.s32 $0x97600, s0;
	s0 =	simm.s32 $0x9  }
.LBB2_1:
0x14: {  	[spmem:s11], [sflag:s6] =	dma.local [hbm:s5], $0x2800  }
0x15: {  	_ =	swait.ge [sflag:s12], $0x2800  }
0x16: {  	[sflag:s12] =	ssyncset.done $0x0  }
0x17: {  	[sflag:s12] =	ssyncadd.s32 $0xFFFFD800  }
0x18: {  	[tilespmem:s3], [sflag:$0xB] =	stream.linear.gather [hbm4b:s10+s3], $0x2710, $0x38;
	[tilespmem:$0x1F300] =	vst v63  }
0x19: {  	_ =	swait.ge [sflag:s12], $0x2710  }
0x1a: {  	[sflag:s12] =	ssyncset.done $0x0  }
0x1b: {  	s13 =	simm.s32 $0x2780;
	[sflag:s12] =	ssyncadd.s32 $0xFFFFD8F0  }
0x1c: {  	[tilespmem:s13], [sflag:$0xB] =	stream.linear.gather [hbm4b:s7+s3], $0x2710, $0x38;
	[tilespmem:$0x1F300] =	vst v63  }
0x1d: {  	_ =	swait.ge [sflag:s12], $0x2710  }
0x1e: {  	[sflag:s12] =	ssyncset.done $0x0  }
0x1f: {  	[sflag:s12] =	ssyncadd.s32 $0xFFFFD8F0  }
0x20: {  	[bflag:$0x0] =	sbarrier.arrive $0xFFFF  }
0x21: {  	[tilespmem:s15], [sflag:$0x1] =	stream.indirect.gather [hbm4b:s4+s14], $0x80, s3, s14, $0xb8;
	[tilespmem:$0x1F300] =	vst v63  }
0x22: {  	_ = 	snop  }
0x23: {  	[tilespmem:s16], [sflag:$0x2] =	stream.indirect.gather [hbm4b:s4+s14], $0x80, s14, s14, $0xb8;
	[tilespmem:$0x1F300] =	vst v63  }
0x24: {  	s21 =	simm.s32 $0x50  }
0x25: {  	[tilespmem:s18], [sflag:$0x3] =	stream.indirect.gather [hbm4b:s4+s14], $0x80, s21, s14, $0xb8;
	[tilespmem:$0x1F300] =	vst v63  }
0x26: {  	s19 =	simm.s32 $0x78  }
0x27: {  	[tilespmem:s20], [sflag:$0x4] =	stream.indirect.gather [hbm4b:s4+s14], $0x80, s19, s14, $0xb8;
	[tilespmem:$0x1F300] =	vst v63  }
0x28: {  	s21 =	simm.s32 $0xA0  }
0x29: {  	[tilespmem:s22], [sflag:$0x5] =	stream.indirect.gather [hbm4b:s4+s14], $0x80, s21, s14, $0xb8;
	[tilespmem:$0x1F300] =	vst v63  }
0x2a: {  	_ =	swait.ge [sflag:s23], $0x1400  }
0x2b: {  	[sflag:s23] =	ssyncset.done $0x0  }
0x2c: {  	s19 =	simm.s32 $0x2780;
	[sflag:s23] =	ssyncadd.s32 $0xFFFFEC00  }
0x2d: {  	[spmem:s2] =	stream.indirect.scatter.add.f32 [tilespmem:s15], [sflag:$0x6], $0x80, s19, s14, $0xb8;
	[tilespmem:$0x1F300] =	vst v63  }
0x2e: {  	_ =	swait.ge [sflag:s24], $0x1400  }
0x2f: {  	[sflag:s24] =	ssyncset.done $0x0  }
0x30: {  	s13 =	simm.s32 $0x27A8;
	[sflag:s24] =	ssyncadd.s32 $0xFFFFEC00  }
0x31: {  	[spmem:s2] =	stream.indirect.scatter.add.f32 [tilespmem:s16], [sflag:$0x7], $0x80, s13, s14, $0xb8;
	[tilespmem:$0x1F300] =	vst v63  }
0x32: {  	_ =	swait.ge [sflag:s25], $0x1400  }
0x33: {  	[sflag:s25] =	ssyncset.done $0x0  }
0x34: {  	s21 =	simm.s32 $0x27D0;
	[sflag:s25] =	ssyncadd.s32 $0xFFFFEC00  }
0x35: {  	[spmem:s2] =	stream.indirect.scatter.add.f32 [tilespmem:s18], [sflag:$0x8], $0x80, s21, s14, $0xb8;
	[tilespmem:$0x1F300] =	vst v63  }
0x36: {  	_ =	swait.ge [sflag:s26], $0x1400  }
0x37: {  	[sflag:s26] =	ssyncset.done $0x0  }
0x38: {  	s13 =	simm.s32 $0x27F8;
	[sflag:s26] =	ssyncadd.s32 $0xFFFFEC00  }
0x39: {  	[spmem:s2] =	stream.indirect.scatter.add.f32 [tilespmem:s20], [sflag:$0x9], $0x80, s13, s14, $0xb8;
	[tilespmem:$0x1F300] =	vst v63  }
0x3a: {  	_ =	swait.ge [sflag:s28], $0x1400  }
0x3b: {  	[sflag:s28] =	ssyncset.done $0x0  }
0x3c: {  	s21 =	simm.s32 $0x2820;
	[sflag:s28] =	ssyncadd.s32 $0xFFFFEC00  }
0x3d: {  	[spmem:s2] =	stream.indirect.scatter.add.f32 [tilespmem:s22], [sflag:$0xA], $0x80, s21, s14, $0xb8;
	[tilespmem:$0x1F300] =	vst v63  }
0x3e: {  	_ =	swait.ge [sflag:s29], $0x1400  }
0x3f: {  	[sflag:s29] =	ssyncset.done $0x0  }
0x40: {  	s13 =	simm.s32 $0xC8;
	[sflag:s29] =	ssyncadd.s32 $0xFFFFEC00  }
0x41: {  	[tilespmem:s15], [sflag:$0x1] =	stream.indirect.gather [hbm4b:s4+s14], $0x80, s13, s14, $0xb8;
	[tilespmem:$0x1F300] =	vst v63  }
0x42: {  	_ =	swait.ge [sflag:s30], $0x1400  }
0x43: {  	[sflag:s30] =	ssyncset.done $0x0  }
0x44: {  	s21 =	simm.s32 $0xF0;
	[sflag:s30] =	ssyncadd.s32 $0xFFFFEC00  }
0x45: {  	[tilespmem:s16], [sflag:$0x2] =	stream.indirect.gather [hbm4b:s4+s14], $0x80, s21, s14, $0xb8;
	[tilespmem:$0x1F300] =	vst v63  }
0x46: {  	_ =	swait.ge [sflag:s31], $0x1400  }
0x47: {  	[sflag:s31] =	ssyncset.done $0x0  }
0x48: {  	s13 =	simm.s32 $0x118;
	[sflag:s31] =	ssyncadd.s32 $0xFFFFEC00  }
0x49: {  	[tilespmem:s18], [sflag:$0x3] =	stream.indirect.gather [hbm4b:s4+s14], $0x80, s13, s14, $0xb8;
	[tilespmem:$0x1F300] =	vst v63  }
0x4a: {  	_ =	swait.ge [sflag:s0], $0x1400  }
0x4b: {  	[sflag:s0] =	ssyncset.done $0x0  }
0x4c: {  	s21 =	simm.s32 $0x140;
	[sflag:s0] =	ssyncadd.s32 $0xFFFFEC00  }
0x4d: {  	[tilespmem:s20], [sflag:$0x4] =	stream.indirect.gather [hbm4b:s4+s14], $0x80, s21, s14, $0xb8;
	[tilespmem:$0x1F300] =	vst v63  }
0x4e: {  	_ =	swait.ge [sflag:s1], $0x1400  }
0x4f: {  	[sflag:s1] =	ssyncset.done $0x0  }
0x50: {  	s19 =	simm.s32 $0x320;
	s21 =	simm.s32 $0x168;
	[sflag:s1] =	ssyncadd.s32 $0xFFFFEC00  }
.LBB2_2:
0x51: {  	[tilespmem:s22], [sflag:$0x5] =	stream.indirect.gather [hbm4b:s4+s14], $0x80, s21, s14, $0xb8;
	[tilespmem:$0x1F300] =	vst v63  }
0x52: {  	s21 =	smov.u32 s19  }
0x53: {  	p0 =	sne.s32 s19, $0x9600;
	s19 =	sadd.s32 $0x320, s19;
	_ =	swait.ge [sflag:s23], $0x1400  }
0x54: {  	s21 =	sshra.s32 s21, $0x2;
	[sflag:s23] =	ssyncset.done $0x0  }
0x55: {  	s13 =	sadd.s32 $0x2780, s21;
	[sflag:s23] =	ssyncadd.s32 $0xFFFFEC00  }
0x56: {  	[spmem:s2] =	stream.indirect.scatter.add.f32 [tilespmem:s15], [sflag:$0x6], $0x80, s13, s14, $0xb8;
	[tilespmem:$0x1F300] =	vst v63  }
0x57: {  	_ =	swait.ge [sflag:s24], $0x1400  }
0x58: {  	[sflag:s24] =	ssyncset.done $0x0  }
0x59: {  	s13 =	sadd.s32 $0x27A8, s21;
	[sflag:s24] =	ssyncadd.s32 $0xFFFFEC00  }
0x5a: {  	[spmem:s2] =	stream.indirect.scatter.add.f32 [tilespmem:s16], [sflag:$0x7], $0x80, s13, s14, $0xb8;
	[tilespmem:$0x1F300] =	vst v63  }
0x5b: {  	_ =	swait.ge [sflag:s25], $0x1400  }
0x5c: {  	[sflag:s25] =	ssyncset.done $0x0  }
0x5d: {  	s13 =	sadd.s32 $0x27D0, s21;
	[sflag:s25] =	ssyncadd.s32 $0xFFFFEC00  }
0x5e: {  	[spmem:s2] =	stream.indirect.scatter.add.f32 [tilespmem:s18], [sflag:$0x8], $0x80, s13, s14, $0xb8;
	[tilespmem:$0x1F300] =	vst v63  }
0x5f: {  	_ =	swait.ge [sflag:s26], $0x1400  }
0x60: {  	[sflag:s26] =	ssyncset.done $0x0  }
0x61: {  	s13 =	sadd.s32 $0x27F8, s21;
	[sflag:s26] =	ssyncadd.s32 $0xFFFFEC00  }
0x62: {  	[spmem:s2] =	stream.indirect.scatter.add.f32 [tilespmem:s20], [sflag:$0x9], $0x80, s13, s14, $0xb8;
	[tilespmem:$0x1F300] =	vst v63  }
0x63: {  	_ =	swait.ge [sflag:s28], $0x1400  }
0x64: {  	[sflag:s28] =	ssyncset.done $0x0  }
0x65: {  	s13 =	sadd.s32 $0x2820, s21;
	[sflag:s28] =	ssyncadd.s32 $0xFFFFEC00  }
0x66: {  	[spmem:s2] =	stream.indirect.scatter.add.f32 [tilespmem:s22], [sflag:$0xA], $0x80, s13, s14, $0xb8;
	[tilespmem:$0x1F300] =	vst v63  }
0x67: {  	_ =	swait.ge [sflag:s29], $0x1400  }
0x68: {  	[sflag:s29] =	ssyncset.done $0x0  }
0x69: {  	s13 =	sadd.s32 $0xC8, s21;
	[sflag:s29] =	ssyncadd.s32 $0xFFFFEC00  }
0x6a: {  	[tilespmem:s15], [sflag:$0x1] =	stream.indirect.gather [hbm4b:s4+s14], $0x80, s13, s14, $0xb8;
	[tilespmem:$0x1F300] =	vst v63  }
0x6b: {  	_ =	swait.ge [sflag:s30], $0x1400  }
0x6c: {  	[sflag:s30] =	ssyncset.done $0x0  }
0x6d: {  	s13 =	sadd.s32 $0xF0, s21;
	[sflag:s30] =	ssyncadd.s32 $0xFFFFEC00  }
0x6e: {  	[tilespmem:s16], [sflag:$0x2] =	stream.indirect.gather [hbm4b:s4+s14], $0x80, s13, s14, $0xb8;
	[tilespmem:$0x1F300] =	vst v63  }
0x6f: {  	_ =	swait.ge [sflag:s31], $0x1400  }
0x70: {  	[sflag:s31] =	ssyncset.done $0x0  }
0x71: {  	s13 =	sadd.s32 $0x118, s21;
	[sflag:s31] =	ssyncadd.s32 $0xFFFFEC00  }
0x72: {  	[tilespmem:s18], [sflag:$0x3] =	stream.indirect.gather [hbm4b:s4+s14], $0x80, s13, s14, $0xb8;
	[tilespmem:$0x1F300] =	vst v63  }
0x73: {  	_ =	swait.ge [sflag:s0], $0x1400  }
0x74: {  	[sflag:s0] =	ssyncset.done $0x0  }
.Ltmp0:
0x75: {  	s13 =	sadd.s32 $0x140, s21;
	[sflag:s0] =	ssyncadd.s32 $0xFFFFEC00;
	(pc) =	sbr.rel @p0 .LBB2_2-.Ltmp0, $4  }
0x76: {  	[tilespmem:s20], [sflag:$0x4] =	stream.indirect.gather [hbm4b:s4+s14], $0x80, s13, s14, $0xb8;
	[tilespmem:$0x1F300] =	vst v63  }
0x77: {  	_ =	swait.ge [sflag:s1], $0x1400  }
0x78: {  	[sflag:s1] =	ssyncset.done $0x0  }
0x79: {  	s21 =	sadd.s32 $0x168, s21;
	[sflag:s1] =	ssyncadd.s32 $0xFFFFEC00  }
0x7a: {  	[tilespmem:s22], [sflag:$0x5] =	stream.indirect.gather [hbm4b:s4+s14], $0x80, s21, s14, $0xb8;
	[tilespmem:$0x1F300] =	vst v63  }
0x7b: {  	_ =	swait.ge [sflag:s23], $0x1400  }
0x7c: {  	[sflag:s23] =	ssyncset.done $0x0  }
0x7d: {  	s13 =	simm.s32 $0x4DC8;
	[sflag:s23] =	ssyncadd.s32 $0xFFFFEC00  }
0x7e: {  	[spmem:s2] =	stream.indirect.scatter.add.f32 [tilespmem:s15], [sflag:$0x6], $0x80, s13, s14, $0xb8;
	[tilespmem:$0x1F300] =	vst v63  }
0x7f: {  	_ =	swait.ge [sflag:s24], $0x1400  }
0x80: {  	[sflag:s24] =	ssyncset.done $0x0  }
0x81: {  	s19 =	simm.s32 $0x4DF0;
	[sflag:s24] =	ssyncadd.s32 $0xFFFFEC00  }
0x82: {  	[spmem:s2] =	stream.indirect.scatter.add.f32 [tilespmem:s16], [sflag:$0x7], $0x80, s19, s14, $0xb8;
	[tilespmem:$0x1F300] =	vst v63  }
0x83: {  	_ =	swait.ge [sflag:s25], $0x1400  }
0x84: {  	[sflag:s25] =	ssyncset.done $0x0  }
0x85: {  	s21 =	simm.s32 $0x4E18;
	[sflag:s25] =	ssyncadd.s32 $0xFFFFEC00  }
0x86: {  	[spmem:s2] =	stream.indirect.scatter.add.f32 [tilespmem:s18], [sflag:$0x8], $0x80, s21, s14, $0xb8;
	[tilespmem:$0x1F300] =	vst v63  }
0x87: {  	_ =	swait.ge [sflag:s26], $0x1400  }
0x88: {  	[sflag:s26] =	ssyncset.done $0x0  }
0x89: {  	s19 =	simm.s32 $0x4E40;
	[sflag:s26] =	ssyncadd.s32 $0xFFFFEC00  }
0x8a: {  	[spmem:s2] =	stream.indirect.scatter.add.f32 [tilespmem:s20], [sflag:$0x9], $0x80, s19, s14, $0xb8;
	[tilespmem:$0x1F300] =	vst v63  }
0x8b: {  	_ =	swait.ge [sflag:s28], $0x1400  }
0x8c: {  	[sflag:s28] =	ssyncset.done $0x0  }
0x8d: {  	s21 =	simm.s32 $0x4E68;
	[sflag:s28] =	ssyncadd.s32 $0xFFFFEC00  }
0x8e: {  	[spmem:s2] =	stream.indirect.scatter.add.f32 [tilespmem:s22], [sflag:$0xA], $0x80, s21, s14, $0xb8;
	[tilespmem:$0x1F300] =	vst v63  }
0x8f: {  	_ =	swait.ge [sflag:s29], $0x1400  }
0x90: {  	[sflag:s29] =	ssyncset.done $0x0  }
0x91: {  	[sflag:s29] =	ssyncadd.s32 $0xFFFFEC00  }
0x92: {  	_ =	swait.ge [sflag:s30], $0x1400  }
0x93: {  	[sflag:s30] =	ssyncset.done $0x0  }
0x94: {  	[sflag:s30] =	ssyncadd.s32 $0xFFFFEC00  }
0x95: {  	_ =	swait.ge [sflag:s31], $0x1400  }
0x96: {  	[sflag:s31] =	ssyncset.done $0x0  }
0x97: {  	[sflag:s31] =	ssyncadd.s32 $0xFFFFEC00  }
0x98: {  	_ =	swait.ge [sflag:s0], $0x1400  }
0x99: {  	[sflag:s0] =	ssyncset.done $0x0  }
0x9a: {  	[sflag:s0] =	ssyncadd.s32 $0xFFFFEC00  }
0x9b: {  	_ =	swait.ge [sflag:s1], $0x1400  }
0x9c: {  	s17 =	sadd.s32 $0x1, s17;
	[sflag:s1] =	ssyncset.done $0x0  }
0x9d: {  	p0 =	sne.s32 s17, s9;
	[sflag:s1] =	ssyncadd.s32 $0xFFFFEC00  }
.Ltmp1:
0x9e: {  	[bflag:$0x0] =	sbarrier.arrive $0xFFFF;
	(pc) =	sbr.rel @p0 .LBB2_1-.Ltmp1, $4  }
0x9f: {  	[hbm:s8], [sflag:s6] =	dma.local [spmem:s11], $0x2800  }
0xa0: {  	_ =	swait.ge [sflag:s12], $0x2800  }
0xa1: {  	[sflag:s12] =	ssyncset.done $0x0  }
0xa2: {  	[sflag:s12] =	ssyncadd.s32 $0xFFFFD800  }
0xa3: {  	_ =	sfence.sel $0x180000  }
0xa4: {  	[bflag:$0x0] =	sbarrier.arrive $0xFFFF  }
0xa5: {  	_ =	strace $0x90000050  }
0xa6: {  	s0 =	stileid.u32;
	[bflag:$0x2] =	sbarrier.arrive $0xFFFF  }
0xa7: {  	p0 =	sne.s32 s0, $0x0;
	s0 =	rddreg [dreg:$0x2]  }
0xa8: {  	s0 =	sadd.s32 @!p0 $0x100000, s0  }
0xa9: {  	[sflag:s0] =	ssyncadd.tile.s32 @!p0 $0x1;
	_ =	shalt  }
.Lfunc_end2:
_tile_overlayer_lowered:
.L_overlay_start_2:
0xaa: {  	(tag) =	ssettag $0x2  }
0xab: {  	s0 =	rddreg [dreg:$0x0];
	s2 =	stileid.u32  }
0xac: {  	s1 =	rddreg [dreg:$0x1];
	p0 =	sne.s32 s2, $0x0  }
0xad: {  	s3 =	rddreg [dreg:$0x2];
	[bflag:$0x3] =	sbarrier.arrive $0xFFFF;
	s2 =	simm.s32 @!p0 $0x1C0B  }
0xae: {  	[timem:s3], [sflag:s2] =	dma.local @!p0 [hbm:s0], s1  }
0xaf: {  	s0 =	simm.s32 @!p0 $0xB  }
0xb0: {  	_ =	swait.ge @!p0 [sflag:s0], s1  }
0xb1: {  	s1 =	ssub.s32 @!p0 $0x0, s1;
	[sflag:s0] =	ssyncset.done @!p0 $0x0  }
0xb2: {  	[sflag:s0] =	ssyncadd.s32 @!p0 s1  }
0xb3: {  	[bflag:$0x3] =	sbarrier.arrive $0xFFFF  }
0xb4: {  	_ =	shalt  }

// kernel: kernel.32.cloned.1.call-start
scs
__scs_entry_jumppad:
0x0: {  	(pc) =	sbr.rel $0x88, $3  }
0x1: {  	(tag) =	ssettag $0x0;
	lr =	simm.s32 $0x1  }
0x2: {  	[smem:$0x3F8F] =	sst lr;
	_ =	strace $0xD0000000  }
0x3: {  	_ = 	snop  }
0x4: {  	_ = 	snop  }
0x5: {  	_ = 	snop  }
0x6: {  	_ = 	snop  }
0x7: {  	_ = 	snop  }
__scs_overlays_trampoline_lowered:
0x8: {  	[smem:$0x3F9E] =	sst s0  }
0x9: {  	[smem:$0x3F9F] =	sst s1  }
0xa: {  	[smem:$0x3FA0] =	sst s2  }
0xb: {  	[smem:$0x3FA1] =	sst s3  }
0xc: {  	[smem:$0x3FA2] =	sst s4  }
0xd: {  	[smem:$0x3FA3] =	sst s5  }
0xe: {  	[smem:$0x3FA4] =	sst s6  }
0xf: {  	[smem:$0x3FA5] =	sst s7  }
0x10: {  	[smem:$0x3FA6] =	sst s8  }
0x11: {  	[smem:$0x3FA7] =	sst s9;
	s0 =	simm.s32 @!p0 $0x0  }
0x12: {  	s1 =	sld [smem:$0x3F8D];
	s0 =	simm.s32 @p0 $0x1  }
0x13: {  	[smem:$0x3FA8] =	sst s0;
	s0 =	simm.s32 @!p1 $0x0  }
0x14: {  	s2 =	sld [smem:$0x3F8C];
	s0 =	simm.s32 @p1 $0x1  }
0x15: {  	[smem:$0x3FA9] =	sst s0;
	s0 =	simm.s32 @!p2 $0x0  }
0x16: {  	s3 =	sld [smem:$0x3FDB];
	s0 =	simm.s32 @p2 $0x1  }
0x17: {  	s4 =	simm.s32 $0x1BF5;
	[smem:$0x3FAB] =	sst s0  }
0x18: {  	s0 =	sld [smem:$0x3F8E];
	_ =	swait.ge [sflag:s4], $0x0  }
0x19: {  	s7 =	sld [smem:$0x3F8F]  }
0x1a: {  	s8 =	sadd.s32 $0xFFFFE003, lr  }
0x1b: {  	s9 =	sadd.s32 $0xFFFFFEF7, lr;
	s5 =	simm.s32 $0xFFFFFFFF;
	p2 =	slt.u32 s8, $0xFFFFF086  }
0x1c: {  	p1 =	slt.u32 s9, $0xF7A;
	s5 =	simm.s32 @!p2 $0x0  }
0x1d: {  	s5 =	simm.s32 @p1 $0x1;
	p0 =	seq.s32 s7, s2  }
0x1e: {  	s7 =	smul.u32 @!p0 $0xF7A, s2;
	p2 =	seq.s32 @!p0 s5, $0x0  }
0x1f: {  	s9 =	smul.u32 $0xF7A, s1;
	s8 =	simm.s32 @!p0 $0x1BF5;
	p2 =	por !p2, p0  }
0x20: {  	[sflag:s8] =	ssyncset.s32 @!p0 $0xFFFFF086;
	s6 =	sadd.s32 @!p0 s3, s7;
	s7 =	simm.s32 @!p0 $0x108  }
0x21: {  	s3 =	sadd.s32 s3, s9;
	s6 =	sadd.s32 @!p0 $0x88, s6;
	s7 =	simm.s32 @p2 $0x1082  }
0x22: {  	[simem:s7], [sflag:s8] =	dma.local @!p0 [hbm:s6], $0xF7A  }
0x23: {  	s9 =	sor.u32 $0xD0000000, s2;
	s6 =	simm.s32 $0x108;
	_ =	swait.ge @!p0 [sflag:s8], $0x0  }
0x24: {  	s3 =	sadd.s32 $0x88, s3;
	s6 =	simm.s32 @!p1 $0x1082;
	[sflag:s4] =	ssyncset.s32 $0xFFFFF086  }
0x25: {  	[simem:s6], [sflag:s4] =	dma.local [hbm:s3], $0xF7A  }
0x26: {  	[smem:$0x3F8F] =	sst s1;
	(tag) =	ssettag s2;
	_ =	strace s9  }
0x27: {  	s1 =	sld [smem:$0x3F9F]  }
0x28: {  	s2 =	sld [smem:$0x3FA0]  }
0x29: {  	s4 =	sld [smem:$0x3FA2]  }
0x2a: {  	p0 =	seq.s32 s5, $0x0;
	s5 =	sld [smem:$0x3FA3]  }
0x2b: {  	s6 =	sld [smem:$0x3FA4]  }
0x2c: {  	s7 =	sld [smem:$0x3FA5]  }
0x2d: {  	s3 =	simm.s32 $0x108;
	s8 =	sld [smem:$0x3FA6]  }
0x2e: {  	s3 =	simm.s32 @!p0 $0x1082;
	s9 =	sld [smem:$0x3FA7]  }
0x2f: {  	lr =	sadd.s32 s0, s3;
	s0 =	sld [smem:$0x3F9E]  }
0x30: {  	s3 =	sld [smem:$0x3FA1]  }
0x31: {  	[smem:$0x3FAA] =	sst s10  }
0x32: {  	s10 =	sld [smem:$0x3FA8];
	_ =	sdelay $0x3  }
0x33: {  	p0 =	seq.s32 s10, $0x1;
	s10 =	sld [smem:$0x3FAA];
	_ =	sdelay $0x3  }
0x34: {  	[smem:$0x3FAA] =	sst s10  }
0x35: {  	s10 =	sld [smem:$0x3FA9];
	_ =	sdelay $0x3  }
0x36: {  	p1 =	seq.s32 s10, $0x1;
	s10 =	sld [smem:$0x3FAA];
	_ =	sdelay $0x3  }
0x37: {  	[smem:$0x3FAA] =	sst s10  }
0x38: {  	s10 =	sld [smem:$0x3FAB]  }
0x39: {  	_ = 	snop;
	(pc) =	sbr.ind lr, $3  }
0x3a: {  	_ = 	snop  }
0x3b: {  	_ = 	snop  }
0x3c: {  	p2 =	seq.s32 s10, $0x1;
	s10 =	sld [smem:$0x3FAA]  }
0x3d: {  	_ =	shalt  }
0x3e: {  	_ =	shalt  }
0x3f: {  	_ =	shalt  }
0x40: {  	_ =	shalt  }
0x41: {  	_ =	shalt  }
0x42: {  	_ =	shalt  }
0x43: {  	_ =	shalt  }
0x44: {  	_ =	shalt  }
0x45: {  	_ =	shalt  }
0x46: {  	_ =	shalt  }
0x47: {  	_ =	shalt  }
0x48: {  	_ =	shalt  }
0x49: {  	_ =	shalt  }
0x4a: {  	_ =	shalt  }
0x4b: {  	_ =	shalt  }
0x4c: {  	_ =	shalt  }
0x4d: {  	_ =	shalt  }
0x4e: {  	_ =	shalt  }
0x4f: {  	_ =	shalt  }
0x50: {  	_ =	shalt  }
0x51: {  	_ =	shalt  }
0x52: {  	_ =	shalt  }
0x53: {  	_ =	shalt  }
0x54: {  	_ =	shalt  }
0x55: {  	_ =	shalt  }
0x56: {  	_ =	shalt  }
0x57: {  	_ =	shalt  }
0x58: {  	_ =	shalt  }
0x59: {  	_ =	shalt  }
0x5a: {  	_ =	shalt  }
0x5b: {  	_ =	shalt  }
0x5c: {  	_ =	shalt  }
0x5d: {  	_ =	shalt  }
0x5e: {  	_ =	shalt  }
0x5f: {  	_ =	shalt  }
0x60: {  	_ =	shalt  }
0x61: {  	_ =	shalt  }
0x62: {  	_ =	shalt  }
0x63: {  	_ =	shalt  }
0x64: {  	_ =	shalt  }
0x65: {  	_ =	shalt  }
0x66: {  	_ =	shalt  }
0x67: {  	_ =	shalt  }
0x68: {  	_ =	shalt  }
0x69: {  	_ =	shalt  }
0x6a: {  	_ =	shalt  }
0x6b: {  	_ =	shalt  }
0x6c: {  	_ =	shalt  }
0x6d: {  	_ =	shalt  }
0x6e: {  	_ =	shalt  }
0x6f: {  	_ =	shalt  }
0x70: {  	_ =	shalt  }
0x71: {  	_ =	shalt  }
0x72: {  	_ =	shalt  }
0x73: {  	_ =	shalt  }
0x74: {  	_ =	shalt  }
0x75: {  	_ =	shalt  }
0x76: {  	_ =	shalt  }
0x77: {  	_ =	shalt  }
0x78: {  	_ =	shalt  }
0x79: {  	_ =	shalt  }
0x7a: {  	_ =	shalt  }
0x7b: {  	_ =	shalt  }
0x7c: {  	_ =	shalt  }
0x7d: {  	_ =	shalt  }
0x7e: {  	_ =	shalt  }
0x7f: {  	_ =	shalt  }
0x80: {  	_ =	shalt  }
0x81: {  	_ =	shalt  }
0x82: {  	_ =	shalt  }
0x83: {  	_ =	shalt  }
0x84: {  	_ =	shalt  }
0x85: {  	_ =	shalt  }
0x86: {  	_ =	shalt  }
0x87: {  	_ =	shalt  }
.Lfunc_end0:
.L_simem_size_0:
called_computation.4_lowered:
.L_overlay_start_0:
0x88: {  	s2 =	sld [smem:$0x3FD9]  }
0x89: {  	s3 =	sld [smem:$0x3FFE];
	_ =	sdelay $0x1  }
0x8a: {  	s1 =	srdreg.scid  }
0x8b: {  	s0 =	sand.u32 $0x1, s1  }
0x8c: {  	s16 =	sshll.u32 s0, $0xA;
	s2 =	sadd.s32 s3, s2  }
0x8d: {  	s2 =	sadd.s32 s2, s16  }
0x8e: {  	[smem:$0x3FB6] =	sst s2  }
0x8f: {  	_ = 	snop  }
0x90: {  	(tm) =	ssettm $0x1  }
0x91: {  	s17 =	sld [smem:$0x3FFB];
	_ =	sdelay $0x3  }
0x92: {  	_ =	strace s17  }
0x93: {  	s2 =	sld [smem:$0x3FFC];
	_ =	sdelay $0x3  }
0x94: {  	_ =	strace s2  }
0x95: {  	s2 =	sld [smem:$0x3FFD];
	_ =	sdelay $0x3  }
0x96: {  	_ =	strace s2  }
0x97: {  	_ =	strace $0x8FFFFFFF  }
0x98: {  	s18 =	sld [smem:$0x3FDB];
	_ =	sdelay $0x1  }
0x99: {  	s19 =	simm.s32 $_scs_section_size  }
0x9a: {  	s4 =	simm.s32 $_size__tile_overlayer_lowered;
	s5 =	simm.s32 $_tile_overlayer_lowered  }
0x9b: {  	s22 =	simm.s32 $0x1BFF;
	s21 =	sshll.u32 s5, $0x1;
	s2 =	sadd.s32 s19, s18  }
0x9c: {  	s6 =	simm.s32 $0x0;
	s20 =	sshll.u32 s4, $0x1;
	s4 =	sadd.s32 s21, s2  }
0x9d: {  	[timem:s6], [sflag:s22] =	dma.local [hbm:s4], s20  }
0x9e: {  	_ =	swait.ge [sflag:s22], s20  }
0x9f: {  	s3 =	ssub.s32 $0x0, s20;
	[sflag:s22] =	ssyncset.done $0x0  }
0xa0: {  	[sflag:s22] =	ssyncadd.s32 s3;
	_ =	sdelay $0x1  }
0xa1: {  	s23 =	simm.s32 $0x1B8B  }
0xa2: {  	_ =	swait.ge [sflag:s23], $0x1  }
0xa3: {  	[sflag:s23] =	ssyncset.done $0x0  }
0xa4: {  	s25 =	simm.s32 $0x1B8E;
	s24 =	sld [smem:$0x3FFE];
	[sflag:s23] =	ssyncadd.s32 $0xFFFFFFFF  }
0xa5: {  	s26 =	simm.s32 $execute0_lowered;
	[smem:$0x3FD2] =	sst s25  }
0xa6: {  	s4 =	sshll.u32 s26, $0x1;
	_ =	strace $0x80000052;
	[dreg:$0x1] =	wrdreg $0xFFFFFFFF  }
0xa7: {  	s28 =	simm.s32 $_size_execute0_lowered;
	s2 =	sadd.s32 s2, s4;
	[dreg:$0x0] =	wrdreg $0x0  }
0xa8: {  	s4 =	sshll.u32 s28, $0x1;
	[dreg:$0x2] =	wrdreg s2  }
0xa9: {  	[dreg:$0x3] =	wrdreg s4  }
0xaa: {  	[dreg:$0x4] =	wrdreg $0xC0  }
0xab: {  	_ =	task [dreg:s6], $0x5FFFF  }
0xac: {  	[dreg:$0x1] =	wrdreg $0xFFFFFFFF  }
0xad: {  	[dreg:$0x0] =	wrdreg $0x60  }
0xae: {  	[dreg:$0x2] =	wrdreg s24  }
0xaf: {  	[dreg:$0x3] =	wrdreg $0xB3000  }
0xb0: {  	[dreg:$0x4] =	wrdreg $0x9  }
0xb1: {  	_ =	task.clear_ibuf [dreg:s6], $0x5FFFF;
	_ =	strace $0x90000052  }
0xb2: {  	s29 =	simm.s32 $0x9;
	_ =	strace $0x80000054  }
0xb3: {  	_ =	swait.ge [sflag:s29], $0x1  }
0xb4: {  	[sflag:s29] =	ssyncadd.s32 $0xFFFFFFFF  }
0xb5: {  	_ =	strace $0x90000054  }
0xb6: {  	_ =	sfence  }
0xb7: {  	s30 =	sld [smem:$0x0];
	_ =	sdelay $0x2  }
0xb8: {  	s31 =	sshll.u32 s1, $0xD;
	s1 =	sshrl.u32 s1, $0x2  }
0xb9: {  	s3 =	sand.u32 $0x4000, s31;
	s1 =	sadd.s32 s1, s30  }
0xba: {  	s0 =	sor.u32 s3, s0;
	s1 =	sshll.u32 s1, $0x11  }
0xbb: {  	s0 =	sor.u32 s1, s0  }
0xbc: {  	s0 =	sadd.s32 $0x8F2B, s0  }
0xbd: {  	[sflag:s0] =	ssyncadd.remote.s32 $0x1  }
0xbe: {  	_ =	sfence.sel $0xFFFF  }
0xbf: {  	[dreg:$0x0] =	wrdreg $0xFFFFFFFF;
	(pc) =	sbr.abs _section_cstart, $3  }
0xc0: {  	[dreg:$0x1] =	wrdreg $0xFFFFFFFF  }
0xc1: {  	_ =	task.clear_ibuf [dreg:s6], $0x2FFFF;
	_ =	strace $0x9FFFFFFF  }
0xc2: {  	(tm) =	ssettm $0x7FFFFFFF  }
0xc3: {  	_ =	shalt  }
tec
execute0_lowered:
.L_overlay_start_1:
0x0: {  	(tag) =	ssettag $0x1  }
0x1: {  	s0 =	rddreg [dreg:$0x0]  }
0x2: {  	s2 =	rddreg [dreg:$0x1]  }
0x3: {  	s12 =	stileid.u32;
	s3 =	simm.s32 $0x0;
	s4 =	srdreg.scid  }
0x4: {  	s14 =	simm.s32 $0x28;
	s15 =	simm.s32 $0x4F00;
	s16 =	simm.s32 $0x6300  }
0x5: {  	s18 =	simm.s32 $0x7700;
	s20 =	simm.s32 $0x8B00;
	s22 =	simm.s32 $0x9F00  }
0x6: {  	s23 =	simm.s32 $0x1;
	s28 =	simm.s32 $0x5;
	s29 =	simm.s32 $0x6  }
0x7: {  	s30 =	simm.s32 $0x7;
	s31 =	simm.s32 $0x8;
	s1 =	smul.u32 $0x4E2, s12  }
0x8: {  	s17 =	simm.s32 $0x0;
	[smem:$0x7FF] =	sst s3;
	s5 =	smul.u32 $0x14000, s12  }
0x9: {  	s7 =	sand.u32 $0x1, s4;
	s4 =	sadd.s32 $0x21400, s0;
	s9 =	smul.u32 $0x50000, s12  }
0xa: {  	s26 =	sshll.u32 s12, $0x6;
	s12 =	simm.s32 $0x1C400;
	_ =	strace $0x80000053  }
0xb: {  	s6 =	smul.u32 $0x140000, s7;
	s24 =	ssub.s32 $0x2, s7;
	p0 =	seq.s32 s7, $0x1  }
0xc: {  	s1 =	sadd.s32 s1, s0;
	s8 =	sshrl.u32 s5, $0x3;
	s10 =	sshrl.u32 s24, $0x1  }
0xd: {  	s25 =	sshrl.u32 s9, $0x2;
	s12 =	simm.s32 @!p0 $0xAA00;
	s5 =	sadd.s32 s5, s6  }
0xe: {  	s8 =	sadd.s32 s8, s0;
	s10 =	ssub.s32 s24, s10;
	s11 =	sadd.s32 s25, s2  }
0xf: {  	s6 =	sor.u32 $0x1C0B, s26;
	s7 =	sadd.s32 $0x5A00, s1;
	s24 =	simm.s32 $0x2  }
0x10: {  	s25 =	simm.s32 $0x3;
	s26 =	simm.s32 $0x4;
	s5 =	sshrl.u32 s5, $0x3  }
0x11: {  	s9 =	smax.u32 s10, $0x1;
	s10 =	sadd.s32 s12, s1;
	s11 =	sshrl.u32 s11, $0x3  }
0x12: {  	s12 =	simm.s32 $0xB;
	s1 =	simm.s32 $0xA;
	s0 =	sadd.s32 s5, s0  }
0x13: {  	s5 =	sadd.s32 $0x6F600, s8;
	s8 =	sadd.s32 $0x97600, s0;
	s0 =	simm.s32 $0x9  }
.LBB2_1:
0x14: {  	[spmem:s11], [sflag:s6] =	dma.local [hbm:s5], $0x2800  }
0x15: {  	_ =	swait.ge [sflag:s12], $0x2800  }
0x16: {  	[sflag:s12] =	ssyncset.done $0x0  }
0x17: {  	[sflag:s12] =	ssyncadd.s32 $0xFFFFD800  }
0x18: {  	[tilespmem:s3], [sflag:$0xB] =	stream.linear.gather [hbm4b:s10+s3], $0x2710, $0x38;
	[tilespmem:$0x1F300] =	vst v63  }
0x19: {  	_ =	swait.ge [sflag:s12], $0x2710  }
0x1a: {  	[sflag:s12] =	ssyncset.done $0x0  }
0x1b: {  	s13 =	simm.s32 $0x2780;
	[sflag:s12] =	ssyncadd.s32 $0xFFFFD8F0  }
0x1c: {  	[tilespmem:s13], [sflag:$0xB] =	stream.linear.gather [hbm4b:s7+s3], $0x2710, $0x38;
	[tilespmem:$0x1F300] =	vst v63  }
0x1d: {  	_ =	swait.ge [sflag:s12], $0x2710  }
0x1e: {  	[sflag:s12] =	ssyncset.done $0x0  }
0x1f: {  	[sflag:s12] =	ssyncadd.s32 $0xFFFFD8F0  }
0x20: {  	[bflag:$0x0] =	sbarrier.arrive $0xFFFF  }
0x21: {  	[tilespmem:s15], [sflag:$0x1] =	stream.indirect.gather [hbm4b:s4+s14], $0x80, s3, s14, $0xb8;
	[tilespmem:$0x1F300] =	vst v63  }
0x22: {  	_ = 	snop  }
0x23: {  	[tilespmem:s16], [sflag:$0x2] =	stream.indirect.gather [hbm4b:s4+s14], $0x80, s14, s14, $0xb8;
	[tilespmem:$0x1F300] =	vst v63  }
0x24: {  	s21 =	simm.s32 $0x50  }
0x25: {  	[tilespmem:s18], [sflag:$0x3] =	stream.indirect.gather [hbm4b:s4+s14], $0x80, s21, s14, $0xb8;
	[tilespmem:$0x1F300] =	vst v63  }
0x26: {  	s19 =	simm.s32 $0x78  }
0x27: {  	[tilespmem:s20], [sflag:$0x4] =	stream.indirect.gather [hbm4b:s4+s14], $0x80, s19, s14, $0xb8;
	[tilespmem:$0x1F300] =	vst v63  }
0x28: {  	s21 =	simm.s32 $0xA0  }
0x29: {  	[tilespmem:s22], [sflag:$0x5] =	stream.indirect.gather [hbm4b:s4+s14], $0x80, s21, s14, $0xb8;
	[tilespmem:$0x1F300] =	vst v63  }
0x2a: {  	_ =	swait.ge [sflag:s23], $0x1400  }
0x2b: {  	[sflag:s23] =	ssyncset.done $0x0  }
0x2c: {  	s19 =	simm.s32 $0x2780;
	[sflag:s23] =	ssyncadd.s32 $0xFFFFEC00  }
0x2d: {  	[spmem:s2] =	stream.indirect.scatter.add.f32 [tilespmem:s15], [sflag:$0x6], $0x80, s19, s14, $0xb8;
	[tilespmem:$0x1F300] =	vst v63  }
0x2e: {  	_ =	swait.ge [sflag:s24], $0x1400  }
0x2f: {  	[sflag:s24] =	ssyncset.done $0x0  }
0x30: {  	s13 =	simm.s32 $0x27A8;
	[sflag:s24] =	ssyncadd.s32 $0xFFFFEC00  }
0x31: {  	[spmem:s2] =	stream.indirect.scatter.add.f32 [tilespmem:s16], [sflag:$0x7], $0x80, s13, s14, $0xb8;
	[tilespmem:$0x1F300] =	vst v63  }
0x32: {  	_ =	swait.ge [sflag:s25], $0x1400  }
0x33: {  	[sflag:s25] =	ssyncset.done $0x0  }
0x34: {  	s21 =	simm.s32 $0x27D0;
	[sflag:s25] =	ssyncadd.s32 $0xFFFFEC00  }
0x35: {  	[spmem:s2] =	stream.indirect.scatter.add.f32 [tilespmem:s18], [sflag:$0x8], $0x80, s21, s14, $0xb8;
	[tilespmem:$0x1F300] =	vst v63  }
0x36: {  	_ =	swait.ge [sflag:s26], $0x1400  }
0x37: {  	[sflag:s26] =	ssyncset.done $0x0  }
0x38: {  	s13 =	simm.s32 $0x27F8;
	[sflag:s26] =	ssyncadd.s32 $0xFFFFEC00  }
0x39: {  	[spmem:s2] =	stream.indirect.scatter.add.f32 [tilespmem:s20], [sflag:$0x9], $0x80, s13, s14, $0xb8;
	[tilespmem:$0x1F300] =	vst v63  }
0x3a: {  	_ =	swait.ge [sflag:s28], $0x1400  }
0x3b: {  	[sflag:s28] =	ssyncset.done $0x0  }
0x3c: {  	s21 =	simm.s32 $0x2820;
	[sflag:s28] =	ssyncadd.s32 $0xFFFFEC00  }
0x3d: {  	[spmem:s2] =	stream.indirect.scatter.add.f32 [tilespmem:s22], [sflag:$0xA], $0x80, s21, s14, $0xb8;
	[tilespmem:$0x1F300] =	vst v63  }
0x3e: {  	_ =	swait.ge [sflag:s29], $0x1400  }
0x3f: {  	[sflag:s29] =	ssyncset.done $0x0  }
0x40: {  	s13 =	simm.s32 $0xC8;
	[sflag:s29] =	ssyncadd.s32 $0xFFFFEC00  }
0x41: {  	[tilespmem:s15], [sflag:$0x1] =	stream.indirect.gather [hbm4b:s4+s14], $0x80, s13, s14, $0xb8;
	[tilespmem:$0x1F300] =	vst v63  }
0x42: {  	_ =	swait.ge [sflag:s30], $0x1400  }
0x43: {  	[sflag:s30] =	ssyncset.done $0x0  }
0x44: {  	s21 =	simm.s32 $0xF0;
	[sflag:s30] =	ssyncadd.s32 $0xFFFFEC00  }
0x45: {  	[tilespmem:s16], [sflag:$0x2] =	stream.indirect.gather [hbm4b:s4+s14], $0x80, s21, s14, $0xb8;
	[tilespmem:$0x1F300] =	vst v63  }
0x46: {  	_ =	swait.ge [sflag:s31], $0x1400  }
0x47: {  	[sflag:s31] =	ssyncset.done $0x0  }
0x48: {  	s13 =	simm.s32 $0x118;
	[sflag:s31] =	ssyncadd.s32 $0xFFFFEC00  }
0x49: {  	[tilespmem:s18], [sflag:$0x3] =	stream.indirect.gather [hbm4b:s4+s14], $0x80, s13, s14, $0xb8;
	[tilespmem:$0x1F300] =	vst v63  }
0x4a: {  	_ =	swait.ge [sflag:s0], $0x1400  }
0x4b: {  	[sflag:s0] =	ssyncset.done $0x0  }
0x4c: {  	s21 =	simm.s32 $0x140;
	[sflag:s0] =	ssyncadd.s32 $0xFFFFEC00  }
0x4d: {  	[tilespmem:s20], [sflag:$0x4] =	stream.indirect.gather [hbm4b:s4+s14], $0x80, s21, s14, $0xb8;
	[tilespmem:$0x1F300] =	vst v63  }
0x4e: {  	_ =	swait.ge [sflag:s1], $0x1400  }
0x4f: {  	[sflag:s1] =	ssyncset.done $0x0  }
0x50: {  	s19 =	simm.s32 $0x320;
	s21 =	simm.s32 $0x168;
	[sflag:s1] =	ssyncadd.s32 $0xFFFFEC00  }
.LBB2_2:
0x51: {  	[tilespmem:s22], [sflag:$0x5] =	stream.indirect.gather [hbm4b:s4+s14], $0x80, s21, s14, $0xb8;
	[tilespmem:$0x1F300] =	vst v63  }
0x52: {  	s21 =	smov.u32 s19  }
0x53: {  	p0 =	sne.s32 s19, $0x9600;
	s19 =	sadd.s32 $0x320, s19;
	_ =	swait.ge [sflag:s23], $0x1400  }
0x54: {  	s21 =	sshra.s32 s21, $0x2;
	[sflag:s23] =	ssyncset.done $0x0  }
0x55: {  	s13 =	sadd.s32 $0x2780, s21;
	[sflag:s23] =	ssyncadd.s32 $0xFFFFEC00  }
0x56: {  	[spmem:s2] =	stream.indirect.scatter.add.f32 [tilespmem:s15], [sflag:$0x6], $0x80, s13, s14, $0xb8;
	[tilespmem:$0x1F300] =	vst v63  }
0x57: {  	_ =	swait.ge [sflag:s24], $0x1400  }
0x58: {  	[sflag:s24] =	ssyncset.done $0x0  }
0x59: {  	s13 =	sadd.s32 $0x27A8, s21;
	[sflag:s24] =	ssyncadd.s32 $0xFFFFEC00  }
0x5a: {  	[spmem:s2] =	stream.indirect.scatter.add.f32 [tilespmem:s16], [sflag:$0x7], $0x80, s13, s14, $0xb8;
	[tilespmem:$0x1F300] =	vst v63  }
0x5b: {  	_ =	swait.ge [sflag:s25], $0x1400  }
0x5c: {  	[sflag:s25] =	ssyncset.done $0x0  }
0x5d: {  	s13 =	sadd.s32 $0x27D0, s21;
	[sflag:s25] =	ssyncadd.s32 $0xFFFFEC00  }
0x5e: {  	[spmem:s2] =	stream.indirect.scatter.add.f32 [tilespmem:s18], [sflag:$0x8], $0x80, s13, s14, $0xb8;
	[tilespmem:$0x1F300] =	vst v63  }
0x5f: {  	_ =	swait.ge [sflag:s26], $0x1400  }
0x60: {  	[sflag:s26] =	ssyncset.done $0x0  }
0x61: {  	s13 =	sadd.s32 $0x27F8, s21;
	[sflag:s26] =	ssyncadd.s32 $0xFFFFEC00  }
0x62: {  	[spmem:s2] =	stream.indirect.scatter.add.f32 [tilespmem:s20], [sflag:$0x9], $0x80, s13, s14, $0xb8;
	[tilespmem:$0x1F300] =	vst v63  }
0x63: {  	_ =	swait.ge [sflag:s28], $0x1400  }
0x64: {  	[sflag:s28] =	ssyncset.done $0x0  }
0x65: {  	s13 =	sadd.s32 $0x2820, s21;
	[sflag:s28] =	ssyncadd.s32 $0xFFFFEC00  }
0x66: {  	[spmem:s2] =	stream.indirect.scatter.add.f32 [tilespmem:s22], [sflag:$0xA], $0x80, s13, s14, $0xb8;
	[tilespmem:$0x1F300] =	vst v63  }
0x67: {  	_ =	swait.ge [sflag:s29], $0x1400  }
0x68: {  	[sflag:s29] =	ssyncset.done $0x0  }
0x69: {  	s13 =	sadd.s32 $0xC8, s21;
	[sflag:s29] =	ssyncadd.s32 $0xFFFFEC00  }
0x6a: {  	[tilespmem:s15], [sflag:$0x1] =	stream.indirect.gather [hbm4b:s4+s14], $0x80, s13, s14, $0xb8;
	[tilespmem:$0x1F300] =	vst v63  }
0x6b: {  	_ =	swait.ge [sflag:s30], $0x1400  }
0x6c: {  	[sflag:s30] =	ssyncset.done $0x0  }
0x6d: {  	s13 =	sadd.s32 $0xF0, s21;
	[sflag:s30] =	ssyncadd.s32 $0xFFFFEC00  }
0x6e: {  	[tilespmem:s16], [sflag:$0x2] =	stream.indirect.gather [hbm4b:s4+s14], $0x80, s13, s14, $0xb8;
	[tilespmem:$0x1F300] =	vst v63  }
0x6f: {  	_ =	swait.ge [sflag:s31], $0x1400  }
0x70: {  	[sflag:s31] =	ssyncset.done $0x0  }
0x71: {  	s13 =	sadd.s32 $0x118, s21;
	[sflag:s31] =	ssyncadd.s32 $0xFFFFEC00  }
0x72: {  	[tilespmem:s18], [sflag:$0x3] =	stream.indirect.gather [hbm4b:s4+s14], $0x80, s13, s14, $0xb8;
	[tilespmem:$0x1F300] =	vst v63  }
0x73: {  	_ =	swait.ge [sflag:s0], $0x1400  }
0x74: {  	[sflag:s0] =	ssyncset.done $0x0  }
.Ltmp0:
0x75: {  	s13 =	sadd.s32 $0x140, s21;
	[sflag:s0] =	ssyncadd.s32 $0xFFFFEC00;
	(pc) =	sbr.rel @p0 .LBB2_2-.Ltmp0, $4  }
0x76: {  	[tilespmem:s20], [sflag:$0x4] =	stream.indirect.gather [hbm4b:s4+s14], $0x80, s13, s14, $0xb8;
	[tilespmem:$0x1F300] =	vst v63  }
0x77: {  	_ =	swait.ge [sflag:s1], $0x1400  }
0x78: {  	[sflag:s1] =	ssyncset.done $0x0  }
0x79: {  	s21 =	sadd.s32 $0x168, s21;
	[sflag:s1] =	ssyncadd.s32 $0xFFFFEC00  }
0x7a: {  	[tilespmem:s22], [sflag:$0x5] =	stream.indirect.gather [hbm4b:s4+s14], $0x80, s21, s14, $0xb8;
	[tilespmem:$0x1F300] =	vst v63  }
0x7b: {  	_ =	swait.ge [sflag:s23], $0x1400  }
0x7c: {  	[sflag:s23] =	ssyncset.done $0x0  }
0x7d: {  	s13 =	simm.s32 $0x4DC8;
	[sflag:s23] =	ssyncadd.s32 $0xFFFFEC00  }
0x7e: {  	[spmem:s2] =	stream.indirect.scatter.add.f32 [tilespmem:s15], [sflag:$0x6], $0x80, s13, s14, $0xb8;
	[tilespmem:$0x1F300] =	vst v63  }
0x7f: {  	_ =	swait.ge [sflag:s24], $0x1400  }
0x80: {  	[sflag:s24] =	ssyncset.done $0x0  }
0x81: {  	s19 =	simm.s32 $0x4DF0;
	[sflag:s24] =	ssyncadd.s32 $0xFFFFEC00  }
0x82: {  	[spmem:s2] =	stream.indirect.scatter.add.f32 [tilespmem:s16], [sflag:$0x7], $0x80, s19, s14, $0xb8;
	[tilespmem:$0x1F300] =	vst v63  }
0x83: {  	_ =	swait.ge [sflag:s25], $0x1400  }
0x84: {  	[sflag:s25] =	ssyncset.done $0x0  }
0x85: {  	s21 =	simm.s32 $0x4E18;
	[sflag:s25] =	ssyncadd.s32 $0xFFFFEC00  }
0x86: {  	[spmem:s2] =	stream.indirect.scatter.add.f32 [tilespmem:s18], [sflag:$0x8], $0x80, s21, s14, $0xb8;
	[tilespmem:$0x1F300] =	vst v63  }
0x87: {  	_ =	swait.ge [sflag:s26], $0x1400  }
0x88: {  	[sflag:s26] =	ssyncset.done $0x0  }
0x89: {  	s19 =	simm.s32 $0x4E40;
	[sflag:s26] =	ssyncadd.s32 $0xFFFFEC00  }
0x8a: {  	[spmem:s2] =	stream.indirect.scatter.add.f32 [tilespmem:s20], [sflag:$0x9], $0x80, s19, s14, $0xb8;
	[tilespmem:$0x1F300] =	vst v63  }
0x8b: {  	_ =	swait.ge [sflag:s28], $0x1400  }
0x8c: {  	[sflag:s28] =	ssyncset.done $0x0  }
0x8d: {  	s21 =	simm.s32 $0x4E68;
	[sflag:s28] =	ssyncadd.s32 $0xFFFFEC00  }
0x8e: {  	[spmem:s2] =	stream.indirect.scatter.add.f32 [tilespmem:s22], [sflag:$0xA], $0x80, s21, s14, $0xb8;
	[tilespmem:$0x1F300] =	vst v63  }
0x8f: {  	_ =	swait.ge [sflag:s29], $0x1400  }
0x90: {  	[sflag:s29] =	ssyncset.done $0x0  }
0x91: {  	[sflag:s29] =	ssyncadd.s32 $0xFFFFEC00  }
0x92: {  	_ =	swait.ge [sflag:s30], $0x1400  }
0x93: {  	[sflag:s30] =	ssyncset.done $0x0  }
0x94: {  	[sflag:s30] =	ssyncadd.s32 $0xFFFFEC00  }
0x95: {  	_ =	swait.ge [sflag:s31], $0x1400  }
0x96: {  	[sflag:s31] =	ssyncset.done $0x0  }
0x97: {  	[sflag:s31] =	ssyncadd.s32 $0xFFFFEC00  }
0x98: {  	_ =	swait.ge [sflag:s0], $0x1400  }
0x99: {  	[sflag:s0] =	ssyncset.done $0x0  }
0x9a: {  	[sflag:s0] =	ssyncadd.s32 $0xFFFFEC00  }
0x9b: {  	_ =	swait.ge [sflag:s1], $0x1400  }
0x9c: {  	s17 =	sadd.s32 $0x1, s17;
	[sflag:s1] =	ssyncset.done $0x0  }
0x9d: {  	p0 =	sne.s32 s17, s9;
	[sflag:s1] =	ssyncadd.s32 $0xFFFFEC00  }
.Ltmp1:
0x9e: {  	[bflag:$0x0] =	sbarrier.arrive $0xFFFF;
	(pc) =	sbr.rel @p0 .LBB2_1-.Ltmp1, $4  }
0x9f: {  	[hbm:s8], [sflag:s6] =	dma.local [spmem:s11], $0x2800  }
0xa0: {  	_ =	swait.ge [sflag:s12], $0x2800  }
0xa1: {  	[sflag:s12] =	ssyncset.done $0x0  }
0xa2: {  	[sflag:s12] =	ssyncadd.s32 $0xFFFFD800  }
0xa3: {  	_ =	sfence.sel $0x180000  }
0xa4: {  	[bflag:$0x0] =	sbarrier.arrive $0xFFFF  }
0xa5: {  	_ =	strace $0x90000053  }
0xa6: {  	s0 =	stileid.u32;
	[bflag:$0x2] =	sbarrier.arrive $0xFFFF  }
0xa7: {  	p0 =	sne.s32 s0, $0x0;
	s0 =	rddreg [dreg:$0x2]  }
0xa8: {  	s0 =	sadd.s32 @!p0 $0x100000, s0  }
0xa9: {  	[sflag:s0] =	ssyncadd.tile.s32 @!p0 $0x1;
	_ =	shalt  }
.Lfunc_end2:
_tile_overlayer_lowered:
.L_overlay_start_2:
0xaa: {  	(tag) =	ssettag $0x2  }
0xab: {  	s0 =	rddreg [dreg:$0x0];
	s2 =	stileid.u32  }
0xac: {  	s1 =	rddreg [dreg:$0x1];
	p0 =	sne.s32 s2, $0x0  }
0xad: {  	s3 =	rddreg [dreg:$0x2];
	[bflag:$0x3] =	sbarrier.arrive $0xFFFF;
	s2 =	simm.s32 @!p0 $0x1C0B  }
0xae: {  	[timem:s3], [sflag:s2] =	dma.local @!p0 [hbm:s0], s1  }
0xaf: {  	s0 =	simm.s32 @!p0 $0xB  }
0xb0: {  	_ =	swait.ge @!p0 [sflag:s0], s1  }
0xb1: {  	s1 =	ssub.s32 @!p0 $0x0, s1;
	[sflag:s0] =	ssyncset.done @!p0 $0x0  }
0xb2: {  	[sflag:s0] =	ssyncadd.s32 @!p0 s1  }
0xb3: {  	[bflag:$0x3] =	sbarrier.arrive $0xFFFF  }
0xb4: {  	_ =	shalt  }

// kernel: kernel.35.cloned.1.call-start
scs
__scs_entry_jumppad:
0x0: {  	(pc) =	sbr.rel $0x88, $3  }
0x1: {  	(tag) =	ssettag $0x0;
	lr =	simm.s32 $0x1  }
0x2: {  	[smem:$0x3F8F] =	sst lr;
	_ =	strace $0xD0000000  }
0x3: {  	_ = 	snop  }
0x4: {  	_ = 	snop  }
0x5: {  	_ = 	snop  }
0x6: {  	_ = 	snop  }
0x7: {  	_ = 	snop  }
__scs_overlays_trampoline_lowered:
0x8: {  	[smem:$0x3F9E] =	sst s0  }
0x9: {  	[smem:$0x3F9F] =	sst s1  }
0xa: {  	[smem:$0x3FA0] =	sst s2  }
0xb: {  	[smem:$0x3FA1] =	sst s3  }
0xc: {  	[smem:$0x3FA2] =	sst s4  }
0xd: {  	[smem:$0x3FA3] =	sst s5  }
0xe: {  	[smem:$0x3FA4] =	sst s6  }
0xf: {  	[smem:$0x3FA5] =	sst s7  }
0x10: {  	[smem:$0x3FA6] =	sst s8  }
0x11: {  	[smem:$0x3FA7] =	sst s9;
	s0 =	simm.s32 @!p0 $0x0  }
0x12: {  	s1 =	sld [smem:$0x3F8D];
	s0 =	simm.s32 @p0 $0x1  }
0x13: {  	[smem:$0x3FA8] =	sst s0;
	s0 =	simm.s32 @!p1 $0x0  }
0x14: {  	s2 =	sld [smem:$0x3F8C];
	s0 =	simm.s32 @p1 $0x1  }
0x15: {  	[smem:$0x3FA9] =	sst s0;
	s0 =	simm.s32 @!p2 $0x0  }
0x16: {  	s3 =	sld [smem:$0x3FDB];
	s0 =	simm.s32 @p2 $0x1  }
0x17: {  	s4 =	simm.s32 $0x1BF5;
	[smem:$0x3FAB] =	sst s0  }
0x18: {  	s0 =	sld [smem:$0x3F8E];
	_ =	swait.ge [sflag:s4], $0x0  }
0x19: {  	s7 =	sld [smem:$0x3F8F]  }
0x1a: {  	s8 =	sadd.s32 $0xFFFFE003, lr  }
0x1b: {  	s9 =	sadd.s32 $0xFFFFFEF7, lr;
	s5 =	simm.s32 $0xFFFFFFFF;
	p2 =	slt.u32 s8, $0xFFFFF086  }
0x1c: {  	p1 =	slt.u32 s9, $0xF7A;
	s5 =	simm.s32 @!p2 $0x0  }
0x1d: {  	s5 =	simm.s32 @p1 $0x1;
	p0 =	seq.s32 s7, s2  }
0x1e: {  	s7 =	smul.u32 @!p0 $0xF7A, s2;
	p2 =	seq.s32 @!p0 s5, $0x0  }
0x1f: {  	s9 =	smul.u32 $0xF7A, s1;
	s8 =	simm.s32 @!p0 $0x1BF5;
	p2 =	por !p2, p0  }
0x20: {  	[sflag:s8] =	ssyncset.s32 @!p0 $0xFFFFF086;
	s6 =	sadd.s32 @!p0 s3, s7;
	s7 =	simm.s32 @!p0 $0x108  }
0x21: {  	s3 =	sadd.s32 s3, s9;
	s6 =	sadd.s32 @!p0 $0x88, s6;
	s7 =	simm.s32 @p2 $0x1082  }
0x22: {  	[simem:s7], [sflag:s8] =	dma.local @!p0 [hbm:s6], $0xF7A  }
0x23: {  	s9 =	sor.u32 $0xD0000000, s2;
	s6 =	simm.s32 $0x108;
	_ =	swait.ge @!p0 [sflag:s8], $0x0  }
0x24: {  	s3 =	sadd.s32 $0x88, s3;
	s6 =	simm.s32 @!p1 $0x1082;
	[sflag:s4] =	ssyncset.s32 $0xFFFFF086  }
0x25: {  	[simem:s6], [sflag:s4] =	dma.local [hbm:s3], $0xF7A  }
0x26: {  	[smem:$0x3F8F] =	sst s1;
	(tag) =	ssettag s2;
	_ =	strace s9  }
0x27: {  	s1 =	sld [smem:$0x3F9F]  }
0x28: {  	s2 =	sld [smem:$0x3FA0]  }
0x29: {  	s4 =	sld [smem:$0x3FA2]  }
0x2a: {  	p0 =	seq.s32 s5, $0x0;
	s5 =	sld [smem:$0x3FA3]  }
0x2b: {  	s6 =	sld [smem:$0x3FA4]  }
0x2c: {  	s7 =	sld [smem:$0x3FA5]  }
0x2d: {  	s3 =	simm.s32 $0x108;
	s8 =	sld [smem:$0x3FA6]  }
0x2e: {  	s3 =	simm.s32 @!p0 $0x1082;
	s9 =	sld [smem:$0x3FA7]  }
0x2f: {  	lr =	sadd.s32 s0, s3;
	s0 =	sld [smem:$0x3F9E]  }
0x30: {  	s3 =	sld [smem:$0x3FA1]  }
0x31: {  	[smem:$0x3FAA] =	sst s10  }
0x32: {  	s10 =	sld [smem:$0x3FA8];
	_ =	sdelay $0x3  }
0x33: {  	p0 =	seq.s32 s10, $0x1;
	s10 =	sld [smem:$0x3FAA];
	_ =	sdelay $0x3  }
0x34: {  	[smem:$0x3FAA] =	sst s10  }
0x35: {  	s10 =	sld [smem:$0x3FA9];
	_ =	sdelay $0x3  }
0x36: {  	p1 =	seq.s32 s10, $0x1;
	s10 =	sld [smem:$0x3FAA];
	_ =	sdelay $0x3  }
0x37: {  	[smem:$0x3FAA] =	sst s10  }
0x38: {  	s10 =	sld [smem:$0x3FAB]  }
0x39: {  	_ = 	snop;
	(pc) =	sbr.ind lr, $3  }
0x3a: {  	_ = 	snop  }
0x3b: {  	_ = 	snop  }
0x3c: {  	p2 =	seq.s32 s10, $0x1;
	s10 =	sld [smem:$0x3FAA]  }
0x3d: {  	_ =	shalt  }
0x3e: {  	_ =	shalt  }
0x3f: {  	_ =	shalt  }
0x40: {  	_ =	shalt  }
0x41: {  	_ =	shalt  }
0x42: {  	_ =	shalt  }
0x43: {  	_ =	shalt  }
0x44: {  	_ =	shalt  }
0x45: {  	_ =	shalt  }
0x46: {  	_ =	shalt  }
0x47: {  	_ =	shalt  }
0x48: {  	_ =	shalt  }
0x49: {  	_ =	shalt  }
0x4a: {  	_ =	shalt  }
0x4b: {  	_ =	shalt  }
0x4c: {  	_ =	shalt  }
0x4d: {  	_ =	shalt  }
0x4e: {  	_ =	shalt  }
0x4f: {  	_ =	shalt  }
0x50: {  	_ =	shalt  }
0x51: {  	_ =	shalt  }
0x52: {  	_ =	shalt  }
0x53: {  	_ =	shalt  }
0x54: {  	_ =	shalt  }
0x55: {  	_ =	shalt  }
0x56: {  	_ =	shalt  }
0x57: {  	_ =	shalt  }
0x58: {  	_ =	shalt  }
0x59: {  	_ =	shalt  }
0x5a: {  	_ =	shalt  }
0x5b: {  	_ =	shalt  }
0x5c: {  	_ =	shalt  }
0x5d: {  	_ =	shalt  }
0x5e: {  	_ =	shalt  }
0x5f: {  	_ =	shalt  }
0x60: {  	_ =	shalt  }
0x61: {  	_ =	shalt  }
0x62: {  	_ =	shalt  }
0x63: {  	_ =	shalt  }
0x64: {  	_ =	shalt  }
0x65: {  	_ =	shalt  }
0x66: {  	_ =	shalt  }
0x67: {  	_ =	shalt  }
0x68: {  	_ =	shalt  }
0x69: {  	_ =	shalt  }
0x6a: {  	_ =	shalt  }
0x6b: {  	_ =	shalt  }
0x6c: {  	_ =	shalt  }
0x6d: {  	_ =	shalt  }
0x6e: {  	_ =	shalt  }
0x6f: {  	_ =	shalt  }
0x70: {  	_ =	shalt  }
0x71: {  	_ =	shalt  }
0x72: {  	_ =	shalt  }
0x73: {  	_ =	shalt  }
0x74: {  	_ =	shalt  }
0x75: {  	_ =	shalt  }
0x76: {  	_ =	shalt  }
0x77: {  	_ =	shalt  }
0x78: {  	_ =	shalt  }
0x79: {  	_ =	shalt  }
0x7a: {  	_ =	shalt  }
0x7b: {  	_ =	shalt  }
0x7c: {  	_ =	shalt  }
0x7d: {  	_ =	shalt  }
0x7e: {  	_ =	shalt  }
0x7f: {  	_ =	shalt  }
0x80: {  	_ =	shalt  }
0x81: {  	_ =	shalt  }
0x82: {  	_ =	shalt  }
0x83: {  	_ =	shalt  }
0x84: {  	_ =	shalt  }
0x85: {  	_ =	shalt  }
0x86: {  	_ =	shalt  }
0x87: {  	_ =	shalt  }
.Lfunc_end0:
.L_simem_size_0:
called_computation.5_lowered:
.L_overlay_start_0:
0x88: {  	s2 =	sld [smem:$0x3FD9]  }
0x89: {  	s3 =	sld [smem:$0x3FFE];
	_ =	sdelay $0x1  }
0x8a: {  	s1 =	srdreg.scid  }
0x8b: {  	s0 =	sand.u32 $0x1, s1  }
0x8c: {  	s16 =	sshll.u32 s0, $0xA;
	s2 =	sadd.s32 s3, s2  }
0x8d: {  	s2 =	sadd.s32 s2, s16  }
0x8e: {  	[smem:$0x3FB6] =	sst s2  }
0x8f: {  	_ = 	snop  }
0x90: {  	(tm) =	ssettm $0x1  }
0x91: {  	s17 =	sld [smem:$0x3FFB];
	_ =	sdelay $0x3  }
0x92: {  	_ =	strace s17  }
0x93: {  	s2 =	sld [smem:$0x3FFC];
	_ =	sdelay $0x3  }
0x94: {  	_ =	strace s2  }
0x95: {  	s2 =	sld [smem:$0x3FFD];
	_ =	sdelay $0x3  }
0x96: {  	_ =	strace s2  }
0x97: {  	_ =	strace $0x8FFFFFFF  }
0x98: {  	s18 =	sld [smem:$0x3FDB];
	_ =	sdelay $0x1  }
0x99: {  	s19 =	simm.s32 $_scs_section_size  }
0x9a: {  	s4 =	simm.s32 $_size__tile_overlayer_lowered;
	s5 =	simm.s32 $_tile_overlayer_lowered  }
0x9b: {  	s22 =	simm.s32 $0x1BFF;
	s21 =	sshll.u32 s5, $0x1;
	s2 =	sadd.s32 s19, s18  }
0x9c: {  	s6 =	simm.s32 $0x0;
	s20 =	sshll.u32 s4, $0x1;
	s4 =	sadd.s32 s21, s2  }
0x9d: {  	[timem:s6], [sflag:s22] =	dma.local [hbm:s4], s20  }
0x9e: {  	_ =	swait.ge [sflag:s22], s20  }
0x9f: {  	s3 =	ssub.s32 $0x0, s20;
	[sflag:s22] =	ssyncset.done $0x0  }
0xa0: {  	[sflag:s22] =	ssyncadd.s32 s3;
	_ =	sdelay $0x1  }
0xa1: {  	s23 =	simm.s32 $0x1B8B  }
0xa2: {  	_ =	swait.ge [sflag:s23], $0x1  }
0xa3: {  	[sflag:s23] =	ssyncset.done $0x0  }
0xa4: {  	s25 =	simm.s32 $0x1B8E;
	s24 =	sld [smem:$0x3FFE];
	[sflag:s23] =	ssyncadd.s32 $0xFFFFFFFF  }
0xa5: {  	s26 =	simm.s32 $execute0_lowered;
	[smem:$0x3FD2] =	sst s25  }
0xa6: {  	s4 =	sshll.u32 s26, $0x1;
	_ =	strace $0x80000055;
	[dreg:$0x1] =	wrdreg $0xFFFFFFFF  }
0xa7: {  	s28 =	simm.s32 $_size_execute0_lowered;
	s2 =	sadd.s32 s2, s4;
	[dreg:$0x0] =	wrdreg $0x0  }
0xa8: {  	s4 =	sshll.u32 s28, $0x1;
	[dreg:$0x2] =	wrdreg s2  }
0xa9: {  	[dreg:$0x3] =	wrdreg s4  }
0xaa: {  	[dreg:$0x4] =	wrdreg $0xC0  }
0xab: {  	_ =	task [dreg:s6], $0x5FFFF  }
0xac: {  	[dreg:$0x1] =	wrdreg $0xFFFFFFFF  }
0xad: {  	[dreg:$0x0] =	wrdreg $0x60  }
0xae: {  	[dreg:$0x2] =	wrdreg s24  }
0xaf: {  	[dreg:$0x3] =	wrdreg $0xB3000  }
0xb0: {  	[dreg:$0x4] =	wrdreg $0x9  }
0xb1: {  	_ =	task.clear_ibuf [dreg:s6], $0x5FFFF;
	_ =	strace $0x90000055  }
0xb2: {  	s29 =	simm.s32 $0x9;
	_ =	strace $0x80000057  }
0xb3: {  	_ =	swait.ge [sflag:s29], $0x1  }
0xb4: {  	[sflag:s29] =	ssyncadd.s32 $0xFFFFFFFF  }
0xb5: {  	_ =	strace $0x90000057  }
0xb6: {  	_ =	sfence  }
0xb7: {  	s30 =	sld [smem:$0x0];
	_ =	sdelay $0x2  }
0xb8: {  	s31 =	sshll.u32 s1, $0xD;
	s1 =	sshrl.u32 s1, $0x2  }
0xb9: {  	s3 =	sand.u32 $0x4000, s31;
	s1 =	sadd.s32 s1, s30  }
0xba: {  	s0 =	sor.u32 s3, s0;
	s1 =	sshll.u32 s1, $0x11  }
0xbb: {  	s0 =	sor.u32 s1, s0  }
0xbc: {  	s0 =	sadd.s32 $0x8F2B, s0  }
0xbd: {  	[sflag:s0] =	ssyncadd.remote.s32 $0x1  }
0xbe: {  	_ =	sfence.sel $0xFFFF  }
0xbf: {  	[dreg:$0x0] =	wrdreg $0xFFFFFFFF;
	(pc) =	sbr.abs _section_cstart, $3  }
0xc0: {  	[dreg:$0x1] =	wrdreg $0xFFFFFFFF  }
0xc1: {  	_ =	task.clear_ibuf [dreg:s6], $0x2FFFF;
	_ =	strace $0x9FFFFFFF  }
0xc2: {  	(tm) =	ssettm $0x7FFFFFFF  }
0xc3: {  	_ =	shalt  }
tec
execute0_lowered:
.L_overlay_start_1:
0x0: {  	(tag) =	ssettag $0x1  }
0x1: {  	s0 =	rddreg [dreg:$0x0]  }
0x2: {  	s2 =	rddreg [dreg:$0x1]  }
0x3: {  	s12 =	stileid.u32;
	s3 =	simm.s32 $0x0;
	s4 =	srdreg.scid  }
0x4: {  	s14 =	simm.s32 $0x28;
	s15 =	simm.s32 $0x4F00;
	s16 =	simm.s32 $0x6300  }
0x5: {  	s18 =	simm.s32 $0x7700;
	s20 =	simm.s32 $0x8B00;
	s22 =	simm.s32 $0x9F00  }
0x6: {  	s23 =	simm.s32 $0x1;
	s28 =	simm.s32 $0x5;
	s29 =	simm.s32 $0x6  }
0x7: {  	s30 =	simm.s32 $0x7;
	s31 =	simm.s32 $0x8;
	s1 =	smul.u32 $0x4E2, s12  }
0x8: {  	s17 =	simm.s32 $0x0;
	[smem:$0x7FF] =	sst s3;
	s5 =	smul.u32 $0x14000, s12  }
0x9: {  	s7 =	sand.u32 $0x1, s4;
	s4 =	sadd.s32 $0x21400, s0;
	s9 =	smul.u32 $0x50000, s12  }
0xa: {  	s26 =	sshll.u32 s12, $0x6;
	s12 =	simm.s32 $0x1C400;
	_ =	strace $0x80000056  }
0xb: {  	s6 =	smul.u32 $0x140000, s7;
	s24 =	ssub.s32 $0x2, s7;
	p0 =	seq.s32 s7, $0x1  }
0xc: {  	s1 =	sadd.s32 s1, s0;
	s8 =	sshrl.u32 s5, $0x3;
	s10 =	sshrl.u32 s24, $0x1  }
0xd: {  	s25 =	sshrl.u32 s9, $0x2;
	s12 =	simm.s32 @!p0 $0xAA00;
	s5 =	sadd.s32 s5, s6  }
0xe: {  	s8 =	sadd.s32 s8, s0;
	s10 =	ssub.s32 s24, s10;
	s11 =	sadd.s32 s25, s2  }
0xf: {  	s6 =	sor.u32 $0x1C0B, s26;
	s7 =	sadd.s32 $0x5A00, s1;
	s24 =	simm.s32 $0x2  }
0x10: {  	s25 =	simm.s32 $0x3;
	s26 =	simm.s32 $0x4;
	s5 =	sshrl.u32 s5, $0x3  }
0x11: {  	s9 =	smax.u32 s10, $0x1;
	s10 =	sadd.s32 s12, s1;
	s11 =	sshrl.u32 s11, $0x3  }
0x12: {  	s12 =	simm.s32 $0xB;
	s1 =	simm.s32 $0xA;
	s0 =	sadd.s32 s5, s0  }
0x13: {  	s5 =	sadd.s32 $0x6F600, s8;
	s8 =	sadd.s32 $0x97600, s0;
	s0 =	simm.s32 $0x9  }
.LBB2_1:
0x14: {  	[spmem:s11], [sflag:s6] =	dma.local [hbm:s5], $0x2800  }
0x15: {  	_ =	swait.ge [sflag:s12], $0x2800  }
0x16: {  	[sflag:s12] =	ssyncset.done $0x0  }
0x17: {  	[sflag:s12] =	ssyncadd.s32 $0xFFFFD800  }
0x18: {  	[tilespmem:s3], [sflag:$0xB] =	stream.linear.gather [hbm4b:s10+s3], $0x2710, $0x38;
	[tilespmem:$0x1F300] =	vst v63  }
0x19: {  	_ =	swait.ge [sflag:s12], $0x2710  }
0x1a: {  	[sflag:s12] =	ssyncset.done $0x0  }
0x1b: {  	s13 =	simm.s32 $0x2780;
	[sflag:s12] =	ssyncadd.s32 $0xFFFFD8F0  }
0x1c: {  	[tilespmem:s13], [sflag:$0xB] =	stream.linear.gather [hbm4b:s7+s3], $0x2710, $0x38;
	[tilespmem:$0x1F300] =	vst v63  }
0x1d: {  	_ =	swait.ge [sflag:s12], $0x2710  }
0x1e: {  	[sflag:s12] =	ssyncset.done $0x0  }
0x1f: {  	[sflag:s12] =	ssyncadd.s32 $0xFFFFD8F0  }
0x20: {  	[bflag:$0x0] =	sbarrier.arrive $0xFFFF  }
0x21: {  	[tilespmem:s15], [sflag:$0x1] =	stream.indirect.gather [hbm4b:s4+s14], $0x80, s3, s14, $0xb8;
	[tilespmem:$0x1F300] =	vst v63  }
0x22: {  	_ = 	snop  }
0x23: {  	[tilespmem:s16], [sflag:$0x2] =	stream.indirect.gather [hbm4b:s4+s14], $0x80, s14, s14, $0xb8;
	[tilespmem:$0x1F300] =	vst v63  }
0x24: {  	s21 =	simm.s32 $0x50  }
0x25: {  	[tilespmem:s18], [sflag:$0x3] =	stream.indirect.gather [hbm4b:s4+s14], $0x80, s21, s14, $0xb8;
	[tilespmem:$0x1F300] =	vst v63  }
0x26: {  	s19 =	simm.s32 $0x78  }
0x27: {  	[tilespmem:s20], [sflag:$0x4] =	stream.indirect.gather [hbm4b:s4+s14], $0x80, s19, s14, $0xb8;
	[tilespmem:$0x1F300] =	vst v63  }
0x28: {  	s21 =	simm.s32 $0xA0  }
0x29: {  	[tilespmem:s22], [sflag:$0x5] =	stream.indirect.gather [hbm4b:s4+s14], $0x80, s21, s14, $0xb8;
	[tilespmem:$0x1F300] =	vst v63  }
0x2a: {  	_ =	swait.ge [sflag:s23], $0x1400  }
0x2b: {  	[sflag:s23] =	ssyncset.done $0x0  }
0x2c: {  	s19 =	simm.s32 $0x2780;
	[sflag:s23] =	ssyncadd.s32 $0xFFFFEC00  }
0x2d: {  	[spmem:s2] =	stream.indirect.scatter.add.f32 [tilespmem:s15], [sflag:$0x6], $0x80, s19, s14, $0xb8;
	[tilespmem:$0x1F300] =	vst v63  }
0x2e: {  	_ =	swait.ge [sflag:s24], $0x1400  }
0x2f: {  	[sflag:s24] =	ssyncset.done $0x0  }
0x30: {  	s13 =	simm.s32 $0x27A8;
	[sflag:s24] =	ssyncadd.s32 $0xFFFFEC00  }
0x31: {  	[spmem:s2] =	stream.indirect.scatter.add.f32 [tilespmem:s16], [sflag:$0x7], $0x80, s13, s14, $0xb8;
	[tilespmem:$0x1F300] =	vst v63  }
0x32: {  	_ =	swait.ge [sflag:s25], $0x1400  }
0x33: {  	[sflag:s25] =	ssyncset.done $0x0  }
0x34: {  	s21 =	simm.s32 $0x27D0;
	[sflag:s25] =	ssyncadd.s32 $0xFFFFEC00  }
0x35: {  	[spmem:s2] =	stream.indirect.scatter.add.f32 [tilespmem:s18], [sflag:$0x8], $0x80, s21, s14, $0xb8;
	[tilespmem:$0x1F300] =	vst v63  }
0x36: {  	_ =	swait.ge [sflag:s26], $0x1400  }
0x37: {  	[sflag:s26] =	ssyncset.done $0x0  }
0x38: {  	s13 =	simm.s32 $0x27F8;
	[sflag:s26] =	ssyncadd.s32 $0xFFFFEC00  }
0x39: {  	[spmem:s2] =	stream.indirect.scatter.add.f32 [tilespmem:s20], [sflag:$0x9], $0x80, s13, s14, $0xb8;
	[tilespmem:$0x1F300] =	vst v63  }
0x3a: {  	_ =	swait.ge [sflag:s28], $0x1400  }
0x3b: {  	[sflag:s28] =	ssyncset.done $0x0  }
0x3c: {  	s21 =	simm.s32 $0x2820;
	[sflag:s28] =	ssyncadd.s32 $0xFFFFEC00  }
0x3d: {  	[spmem:s2] =	stream.indirect.scatter.add.f32 [tilespmem:s22], [sflag:$0xA], $0x80, s21, s14, $0xb8;
	[tilespmem:$0x1F300] =	vst v63  }
0x3e: {  	_ =	swait.ge [sflag:s29], $0x1400  }
0x3f: {  	[sflag:s29] =	ssyncset.done $0x0  }
0x40: {  	s13 =	simm.s32 $0xC8;
	[sflag:s29] =	ssyncadd.s32 $0xFFFFEC00  }
0x41: {  	[tilespmem:s15], [sflag:$0x1] =	stream.indirect.gather [hbm4b:s4+s14], $0x80, s13, s14, $0xb8;
	[tilespmem:$0x1F300] =	vst v63  }
0x42: {  	_ =	swait.ge [sflag:s30], $0x1400  }
0x43: {  	[sflag:s30] =	ssyncset.done $0x0  }
0x44: {  	s21 =	simm.s32 $0xF0;
	[sflag:s30] =	ssyncadd.s32 $0xFFFFEC00  }
0x45: {  	[tilespmem:s16], [sflag:$0x2] =	stream.indirect.gather [hbm4b:s4+s14], $0x80, s21, s14, $0xb8;
	[tilespmem:$0x1F300] =	vst v63  }
0x46: {  	_ =	swait.ge [sflag:s31], $0x1400  }
0x47: {  	[sflag:s31] =	ssyncset.done $0x0  }
0x48: {  	s13 =	simm.s32 $0x118;
	[sflag:s31] =	ssyncadd.s32 $0xFFFFEC00  }
0x49: {  	[tilespmem:s18], [sflag:$0x3] =	stream.indirect.gather [hbm4b:s4+s14], $0x80, s13, s14, $0xb8;
	[tilespmem:$0x1F300] =	vst v63  }
0x4a: {  	_ =	swait.ge [sflag:s0], $0x1400  }
0x4b: {  	[sflag:s0] =	ssyncset.done $0x0  }
0x4c: {  	s21 =	simm.s32 $0x140;
	[sflag:s0] =	ssyncadd.s32 $0xFFFFEC00  }
0x4d: {  	[tilespmem:s20], [sflag:$0x4] =	stream.indirect.gather [hbm4b:s4+s14], $0x80, s21, s14, $0xb8;
	[tilespmem:$0x1F300] =	vst v63  }
0x4e: {  	_ =	swait.ge [sflag:s1], $0x1400  }
0x4f: {  	[sflag:s1] =	ssyncset.done $0x0  }
0x50: {  	s19 =	simm.s32 $0x320;
	s21 =	simm.s32 $0x168;
	[sflag:s1] =	ssyncadd.s32 $0xFFFFEC00  }
.LBB2_2:
0x51: {  	[tilespmem:s22], [sflag:$0x5] =	stream.indirect.gather [hbm4b:s4+s14], $0x80, s21, s14, $0xb8;
	[tilespmem:$0x1F300] =	vst v63  }
0x52: {  	s21 =	smov.u32 s19  }
0x53: {  	p0 =	sne.s32 s19, $0x9600;
	s19 =	sadd.s32 $0x320, s19;
	_ =	swait.ge [sflag:s23], $0x1400  }
0x54: {  	s21 =	sshra.s32 s21, $0x2;
	[sflag:s23] =	ssyncset.done $0x0  }
0x55: {  	s13 =	sadd.s32 $0x2780, s21;
	[sflag:s23] =	ssyncadd.s32 $0xFFFFEC00  }
0x56: {  	[spmem:s2] =	stream.indirect.scatter.add.f32 [tilespmem:s15], [sflag:$0x6], $0x80, s13, s14, $0xb8;
	[tilespmem:$0x1F300] =	vst v63  }
0x57: {  	_ =	swait.ge [sflag:s24], $0x1400  }
0x58: {  	[sflag:s24] =	ssyncset.done $0x0  }
0x59: {  	s13 =	sadd.s32 $0x27A8, s21;
	[sflag:s24] =	ssyncadd.s32 $0xFFFFEC00  }
0x5a: {  	[spmem:s2] =	stream.indirect.scatter.add.f32 [tilespmem:s16], [sflag:$0x7], $0x80, s13, s14, $0xb8;
	[tilespmem:$0x1F300] =	vst v63  }
0x5b: {  	_ =	swait.ge [sflag:s25], $0x1400  }
0x5c: {  	[sflag:s25] =	ssyncset.done $0x0  }
0x5d: {  	s13 =	sadd.s32 $0x27D0, s21;
	[sflag:s25] =	ssyncadd.s32 $0xFFFFEC00  }
0x5e: {  	[spmem:s2] =	stream.indirect.scatter.add.f32 [tilespmem:s18], [sflag:$0x8], $0x80, s13, s14, $0xb8;
	[tilespmem:$0x1F300] =	vst v63  }
0x5f: {  	_ =	swait.ge [sflag:s26], $0x1400  }
0x60: {  	[sflag:s26] =	ssyncset.done $0x0  }
0x61: {  	s13 =	sadd.s32 $0x27F8, s21;
	[sflag:s26] =	ssyncadd.s32 $0xFFFFEC00  }
0x62: {  	[spmem:s2] =	stream.indirect.scatter.add.f32 [tilespmem:s20], [sflag:$0x9], $0x80, s13, s14, $0xb8;
	[tilespmem:$0x1F300] =	vst v63  }
0x63: {  	_ =	swait.ge [sflag:s28], $0x1400  }
0x64: {  	[sflag:s28] =	ssyncset.done $0x0  }
0x65: {  	s13 =	sadd.s32 $0x2820, s21;
	[sflag:s28] =	ssyncadd.s32 $0xFFFFEC00  }
0x66: {  	[spmem:s2] =	stream.indirect.scatter.add.f32 [tilespmem:s22], [sflag:$0xA], $0x80, s13, s14, $0xb8;
	[tilespmem:$0x1F300] =	vst v63  }
0x67: {  	_ =	swait.ge [sflag:s29], $0x1400  }
0x68: {  	[sflag:s29] =	ssyncset.done $0x0  }
0x69: {  	s13 =	sadd.s32 $0xC8, s21;
	[sflag:s29] =	ssyncadd.s32 $0xFFFFEC00  }
0x6a: {  	[tilespmem:s15], [sflag:$0x1] =	stream.indirect.gather [hbm4b:s4+s14], $0x80, s13, s14, $0xb8;
	[tilespmem:$0x1F300] =	vst v63  }
0x6b: {  	_ =	swait.ge [sflag:s30], $0x1400  }
0x6c: {  	[sflag:s30] =	ssyncset.done $0x0  }
0x6d: {  	s13 =	sadd.s32 $0xF0, s21;
	[sflag:s30] =	ssyncadd.s32 $0xFFFFEC00  }
0x6e: {  	[tilespmem:s16], [sflag:$0x2] =	stream.indirect.gather [hbm4b:s4+s14], $0x80, s13, s14, $0xb8;
	[tilespmem:$0x1F300] =	vst v63  }
0x6f: {  	_ =	swait.ge [sflag:s31], $0x1400  }
0x70: {  	[sflag:s31] =	ssyncset.done $0x0  }
0x71: {  	s13 =	sadd.s32 $0x118, s21;
	[sflag:s31] =	ssyncadd.s32 $0xFFFFEC00  }
0x72: {  	[tilespmem:s18], [sflag:$0x3] =	stream.indirect.gather [hbm4b:s4+s14], $0x80, s13, s14, $0xb8;
	[tilespmem:$0x1F300] =	vst v63  }
0x73: {  	_ =	swait.ge [sflag:s0], $0x1400  }
0x74: {  	[sflag:s0] =	ssyncset.done $0x0  }
.Ltmp0:
0x75: {  	s13 =	sadd.s32 $0x140, s21;
	[sflag:s0] =	ssyncadd.s32 $0xFFFFEC00;
	(pc) =	sbr.rel @p0 .LBB2_2-.Ltmp0, $4  }
0x76: {  	[tilespmem:s20], [sflag:$0x4] =	stream.indirect.gather [hbm4b:s4+s14], $0x80, s13, s14, $0xb8;
	[tilespmem:$0x1F300] =	vst v63  }
0x77: {  	_ =	swait.ge [sflag:s1], $0x1400  }
0x78: {  	[sflag:s1] =	ssyncset.done $0x0  }
0x79: {  	s21 =	sadd.s32 $0x168, s21;
	[sflag:s1] =	ssyncadd.s32 $0xFFFFEC00  }
0x7a: {  	[tilespmem:s22], [sflag:$0x5] =	stream.indirect.gather [hbm4b:s4+s14], $0x80, s21, s14, $0xb8;
	[tilespmem:$0x1F300] =	vst v63  }
0x7b: {  	_ =	swait.ge [sflag:s23], $0x1400  }
0x7c: {  	[sflag:s23] =	ssyncset.done $0x0  }
0x7d: {  	s13 =	simm.s32 $0x4DC8;
	[sflag:s23] =	ssyncadd.s32 $0xFFFFEC00  }
0x7e: {  	[spmem:s2] =	stream.indirect.scatter.add.f32 [tilespmem:s15], [sflag:$0x6], $0x80, s13, s14, $0xb8;
	[tilespmem:$0x1F300] =	vst v63  }
0x7f: {  	_ =	swait.ge [sflag:s24], $0x1400  }
0x80: {  	[sflag:s24] =	ssyncset.done $0x0  }
0x81: {  	s19 =	simm.s32 $0x4DF0;
	[sflag:s24] =	ssyncadd.s32 $0xFFFFEC00  }
0x82: {  	[spmem:s2] =	stream.indirect.scatter.add.f32 [tilespmem:s16], [sflag:$0x7], $0x80, s19, s14, $0xb8;
	[tilespmem:$0x1F300] =	vst v63  }
0x83: {  	_ =	swait.ge [sflag:s25], $0x1400  }
0x84: {  	[sflag:s25] =	ssyncset.done $0x0  }
0x85: {  	s21 =	simm.s32 $0x4E18;
	[sflag:s25] =	ssyncadd.s32 $0xFFFFEC00  }
0x86: {  	[spmem:s2] =	stream.indirect.scatter.add.f32 [tilespmem:s18], [sflag:$0x8], $0x80, s21, s14, $0xb8;
	[tilespmem:$0x1F300] =	vst v63  }
0x87: {  	_ =	swait.ge [sflag:s26], $0x1400  }
0x88: {  	[sflag:s26] =	ssyncset.done $0x0  }
0x89: {  	s19 =	simm.s32 $0x4E40;
	[sflag:s26] =	ssyncadd.s32 $0xFFFFEC00  }
0x8a: {  	[spmem:s2] =	stream.indirect.scatter.add.f32 [tilespmem:s20], [sflag:$0x9], $0x80, s19, s14, $0xb8;
	[tilespmem:$0x1F300] =	vst v63  }
0x8b: {  	_ =	swait.ge [sflag:s28], $0x1400  }
0x8c: {  	[sflag:s28] =	ssyncset.done $0x0  }
0x8d: {  	s21 =	simm.s32 $0x4E68;
	[sflag:s28] =	ssyncadd.s32 $0xFFFFEC00  }
0x8e: {  	[spmem:s2] =	stream.indirect.scatter.add.f32 [tilespmem:s22], [sflag:$0xA], $0x80, s21, s14, $0xb8;
	[tilespmem:$0x1F300] =	vst v63  }
0x8f: {  	_ =	swait.ge [sflag:s29], $0x1400  }
0x90: {  	[sflag:s29] =	ssyncset.done $0x0  }
0x91: {  	[sflag:s29] =	ssyncadd.s32 $0xFFFFEC00  }
0x92: {  	_ =	swait.ge [sflag:s30], $0x1400  }
0x93: {  	[sflag:s30] =	ssyncset.done $0x0  }
0x94: {  	[sflag:s30] =	ssyncadd.s32 $0xFFFFEC00  }
0x95: {  	_ =	swait.ge [sflag:s31], $0x1400  }
0x96: {  	[sflag:s31] =	ssyncset.done $0x0  }
0x97: {  	[sflag:s31] =	ssyncadd.s32 $0xFFFFEC00  }
0x98: {  	_ =	swait.ge [sflag:s0], $0x1400  }
0x99: {  	[sflag:s0] =	ssyncset.done $0x0  }
0x9a: {  	[sflag:s0] =	ssyncadd.s32 $0xFFFFEC00  }
0x9b: {  	_ =	swait.ge [sflag:s1], $0x1400  }
0x9c: {  	s17 =	sadd.s32 $0x1, s17;
	[sflag:s1] =	ssyncset.done $0x0  }
0x9d: {  	p0 =	sne.s32 s17, s9;
	[sflag:s1] =	ssyncadd.s32 $0xFFFFEC00  }
.Ltmp1:
0x9e: {  	[bflag:$0x0] =	sbarrier.arrive $0xFFFF;
	(pc) =	sbr.rel @p0 .LBB2_1-.Ltmp1, $4  }
0x9f: {  	[hbm:s8], [sflag:s6] =	dma.local [spmem:s11], $0x2800  }
0xa0: {  	_ =	swait.ge [sflag:s12], $0x2800  }
0xa1: {  	[sflag:s12] =	ssyncset.done $0x0  }
0xa2: {  	[sflag:s12] =	ssyncadd.s32 $0xFFFFD800  }
0xa3: {  	_ =	sfence.sel $0x180000  }
0xa4: {  	[bflag:$0x0] =	sbarrier.arrive $0xFFFF  }
0xa5: {  	_ =	strace $0x90000056  }
0xa6: {  	s0 =	stileid.u32;
	[bflag:$0x2] =	sbarrier.arrive $0xFFFF  }
0xa7: {  	p0 =	sne.s32 s0, $0x0;
	s0 =	rddreg [dreg:$0x2]  }
0xa8: {  	s0 =	sadd.s32 @!p0 $0x100000, s0  }
0xa9: {  	[sflag:s0] =	ssyncadd.tile.s32 @!p0 $0x1;
	_ =	shalt  }
.Lfunc_end2:
_tile_overlayer_lowered:
.L_overlay_start_2:
0xaa: {  	(tag) =	ssettag $0x2  }
0xab: {  	s0 =	rddreg [dreg:$0x0];
	s2 =	stileid.u32  }
0xac: {  	s1 =	rddreg [dreg:$0x1];
	p0 =	sne.s32 s2, $0x0  }
0xad: {  	s3 =	rddreg [dreg:$0x2];
	[bflag:$0x3] =	sbarrier.arrive $0xFFFF;
	s2 =	simm.s32 @!p0 $0x1C0B  }
0xae: {  	[timem:s3], [sflag:s2] =	dma.local @!p0 [hbm:s0], s1  }
0xaf: {  	s0 =	simm.s32 @!p0 $0xB  }
0xb0: {  	_ =	swait.ge @!p0 [sflag:s0], s1  }
0xb1: {  	s1 =	ssub.s32 @!p0 $0x0, s1;
	[sflag:s0] =	ssyncset.done @!p0 $0x0  }
0xb2: {  	[sflag:s0] =	ssyncadd.s32 @!p0 s1  }
0xb3: {  	[bflag:$0x3] =	sbarrier.arrive $0xFFFF  }
0xb4: {  	_ =	shalt  }

// kernel: kernel.38.cloned.1.call-start
scs
__scs_entry_jumppad:
0x0: {  	(pc) =	sbr.rel $0x88, $3  }
0x1: {  	(tag) =	ssettag $0x0;
	lr =	simm.s32 $0x1  }
0x2: {  	[smem:$0x3F8F] =	sst lr;
	_ =	strace $0xD0000000  }
0x3: {  	_ = 	snop  }
0x4: {  	_ = 	snop  }
0x5: {  	_ = 	snop  }
0x6: {  	_ = 	snop  }
0x7: {  	_ = 	snop  }
__scs_overlays_trampoline_lowered:
0x8: {  	[smem:$0x3F9E] =	sst s0  }
0x9: {  	[smem:$0x3F9F] =	sst s1  }
0xa: {  	[smem:$0x3FA0] =	sst s2  }
0xb: {  	[smem:$0x3FA1] =	sst s3  }
0xc: {  	[smem:$0x3FA2] =	sst s4  }
0xd: {  	[smem:$0x3FA3] =	sst s5  }
0xe: {  	[smem:$0x3FA4] =	sst s6  }
0xf: {  	[smem:$0x3FA5] =	sst s7  }
0x10: {  	[smem:$0x3FA6] =	sst s8  }
0x11: {  	[smem:$0x3FA7] =	sst s9;
	s0 =	simm.s32 @!p0 $0x0  }
0x12: {  	s1 =	sld [smem:$0x3F8D];
	s0 =	simm.s32 @p0 $0x1  }
0x13: {  	[smem:$0x3FA8] =	sst s0;
	s0 =	simm.s32 @!p1 $0x0  }
0x14: {  	s2 =	sld [smem:$0x3F8C];
	s0 =	simm.s32 @p1 $0x1  }
0x15: {  	[smem:$0x3FA9] =	sst s0;
	s0 =	simm.s32 @!p2 $0x0  }
0x16: {  	s3 =	sld [smem:$0x3FDB];
	s0 =	simm.s32 @p2 $0x1  }
0x17: {  	s4 =	simm.s32 $0x1BF5;
	[smem:$0x3FAB] =	sst s0  }
0x18: {  	s0 =	sld [smem:$0x3F8E];
	_ =	swait.ge [sflag:s4], $0x0  }
0x19: {  	s7 =	sld [smem:$0x3F8F]  }
0x1a: {  	s8 =	sadd.s32 $0xFFFFE003, lr  }
0x1b: {  	s9 =	sadd.s32 $0xFFFFFEF7, lr;
	s5 =	simm.s32 $0xFFFFFFFF;
	p2 =	slt.u32 s8, $0xFFFFF086  }
0x1c: {  	p1 =	slt.u32 s9, $0xF7A;
	s5 =	simm.s32 @!p2 $0x0  }
0x1d: {  	s5 =	simm.s32 @p1 $0x1;
	p0 =	seq.s32 s7, s2  }
0x1e: {  	s7 =	smul.u32 @!p0 $0xF7A, s2;
	p2 =	seq.s32 @!p0 s5, $0x0  }
0x1f: {  	s9 =	smul.u32 $0xF7A, s1;
	s8 =	simm.s32 @!p0 $0x1BF5;
	p2 =	por !p2, p0  }
0x20: {  	[sflag:s8] =	ssyncset.s32 @!p0 $0xFFFFF086;
	s6 =	sadd.s32 @!p0 s3, s7;
	s7 =	simm.s32 @!p0 $0x108  }
0x21: {  	s3 =	sadd.s32 s3, s9;
	s6 =	sadd.s32 @!p0 $0x88, s6;
	s7 =	simm.s32 @p2 $0x1082  }
0x22: {  	[simem:s7], [sflag:s8] =	dma.local @!p0 [hbm:s6], $0xF7A  }
0x23: {  	s9 =	sor.u32 $0xD0000000, s2;
	s6 =	simm.s32 $0x108;
	_ =	swait.ge @!p0 [sflag:s8], $0x0  }
0x24: {  	s3 =	sadd.s32 $0x88, s3;
	s6 =	simm.s32 @!p1 $0x1082;
	[sflag:s4] =	ssyncset.s32 $0xFFFFF086  }
0x25: {  	[simem:s6], [sflag:s4] =	dma.local [hbm:s3], $0xF7A  }
0x26: {  	[smem:$0x3F8F] =	sst s1;
	(tag) =	ssettag s2;
	_ =	strace s9  }
0x27: {  	s1 =	sld [smem:$0x3F9F]  }
0x28: {  	s2 =	sld [smem:$0x3FA0]  }
0x29: {  	s4 =	sld [smem:$0x3FA2]  }
0x2a: {  	p0 =	seq.s32 s5, $0x0;
	s5 =	sld [smem:$0x3FA3]  }
0x2b: {  	s6 =	sld [smem:$0x3FA4]  }
0x2c: {  	s7 =	sld [smem:$0x3FA5]  }
0x2d: {  	s3 =	simm.s32 $0x108;
	s8 =	sld [smem:$0x3FA6]  }
0x2e: {  	s3 =	simm.s32 @!p0 $0x1082;
	s9 =	sld [smem:$0x3FA7]  }
0x2f: {  	lr =	sadd.s32 s0, s3;
	s0 =	sld [smem:$0x3F9E]  }
0x30: {  	s3 =	sld [smem:$0x3FA1]  }
0x31: {  	[smem:$0x3FAA] =	sst s10  }
0x32: {  	s10 =	sld [smem:$0x3FA8];
	_ =	sdelay $0x3  }
0x33: {  	p0 =	seq.s32 s10, $0x1;
	s10 =	sld [smem:$0x3FAA];
	_ =	sdelay $0x3  }
0x34: {  	[smem:$0x3FAA] =	sst s10  }
0x35: {  	s10 =	sld [smem:$0x3FA9];
	_ =	sdelay $0x3  }
0x36: {  	p1 =	seq.s32 s10, $0x1;
	s10 =	sld [smem:$0x3FAA];
	_ =	sdelay $0x3  }
0x37: {  	[smem:$0x3FAA] =	sst s10  }
0x38: {  	s10 =	sld [smem:$0x3FAB]  }
0x39: {  	_ = 	snop;
	(pc) =	sbr.ind lr, $3  }
0x3a: {  	_ = 	snop  }
0x3b: {  	_ = 	snop  }
0x3c: {  	p2 =	seq.s32 s10, $0x1;
	s10 =	sld [smem:$0x3FAA]  }
0x3d: {  	_ =	shalt  }
0x3e: {  	_ =	shalt  }
0x3f: {  	_ =	shalt  }
0x40: {  	_ =	shalt  }
0x41: {  	_ =	shalt  }
0x42: {  	_ =	shalt  }
0x43: {  	_ =	shalt  }
0x44: {  	_ =	shalt  }
0x45: {  	_ =	shalt  }
0x46: {  	_ =	shalt  }
0x47: {  	_ =	shalt  }
0x48: {  	_ =	shalt  }
0x49: {  	_ =	shalt  }
0x4a: {  	_ =	shalt  }
0x4b: {  	_ =	shalt  }
0x4c: {  	_ =	shalt  }
0x4d: {  	_ =	shalt  }
0x4e: {  	_ =	shalt  }
0x4f: {  	_ =	shalt  }
0x50: {  	_ =	shalt  }
0x51: {  	_ =	shalt  }
0x52: {  	_ =	shalt  }
0x53: {  	_ =	shalt  }
0x54: {  	_ =	shalt  }
0x55: {  	_ =	shalt  }
0x56: {  	_ =	shalt  }
0x57: {  	_ =	shalt  }
0x58: {  	_ =	shalt  }
0x59: {  	_ =	shalt  }
0x5a: {  	_ =	shalt  }
0x5b: {  	_ =	shalt  }
0x5c: {  	_ =	shalt  }
0x5d: {  	_ =	shalt  }
0x5e: {  	_ =	shalt  }
0x5f: {  	_ =	shalt  }
0x60: {  	_ =	shalt  }
0x61: {  	_ =	shalt  }
0x62: {  	_ =	shalt  }
0x63: {  	_ =	shalt  }
0x64: {  	_ =	shalt  }
0x65: {  	_ =	shalt  }
0x66: {  	_ =	shalt  }
0x67: {  	_ =	shalt  }
0x68: {  	_ =	shalt  }
0x69: {  	_ =	shalt  }
0x6a: {  	_ =	shalt  }
0x6b: {  	_ =	shalt  }
0x6c: {  	_ =	shalt  }
0x6d: {  	_ =	shalt  }
0x6e: {  	_ =	shalt  }
0x6f: {  	_ =	shalt  }
0x70: {  	_ =	shalt  }
0x71: {  	_ =	shalt  }
0x72: {  	_ =	shalt  }
0x73: {  	_ =	shalt  }
0x74: {  	_ =	shalt  }
0x75: {  	_ =	shalt  }
0x76: {  	_ =	shalt  }
0x77: {  	_ =	shalt  }
0x78: {  	_ =	shalt  }
0x79: {  	_ =	shalt  }
0x7a: {  	_ =	shalt  }
0x7b: {  	_ =	shalt  }
0x7c: {  	_ =	shalt  }
0x7d: {  	_ =	shalt  }
0x7e: {  	_ =	shalt  }
0x7f: {  	_ =	shalt  }
0x80: {  	_ =	shalt  }
0x81: {  	_ =	shalt  }
0x82: {  	_ =	shalt  }
0x83: {  	_ =	shalt  }
0x84: {  	_ =	shalt  }
0x85: {  	_ =	shalt  }
0x86: {  	_ =	shalt  }
0x87: {  	_ =	shalt  }
.Lfunc_end0:
.L_simem_size_0:
called_computation.6_lowered:
.L_overlay_start_0:
0x88: {  	s2 =	sld [smem:$0x3FD9]  }
0x89: {  	s3 =	sld [smem:$0x3FFE];
	_ =	sdelay $0x1  }
0x8a: {  	s1 =	srdreg.scid  }
0x8b: {  	s0 =	sand.u32 $0x1, s1  }
0x8c: {  	s16 =	sshll.u32 s0, $0xA;
	s2 =	sadd.s32 s3, s2  }
0x8d: {  	s2 =	sadd.s32 s2, s16  }
0x8e: {  	[smem:$0x3FB6] =	sst s2  }
0x8f: {  	_ = 	snop  }
0x90: {  	(tm) =	ssettm $0x1  }
0x91: {  	s17 =	sld [smem:$0x3FFB];
	_ =	sdelay $0x3  }
0x92: {  	_ =	strace s17  }
0x93: {  	s2 =	sld [smem:$0x3FFC];
	_ =	sdelay $0x3  }
0x94: {  	_ =	strace s2  }
0x95: {  	s2 =	sld [smem:$0x3FFD];
	_ =	sdelay $0x3  }
0x96: {  	_ =	strace s2  }
0x97: {  	_ =	strace $0x8FFFFFFF  }
0x98: {  	s18 =	sld [smem:$0x3FDB];
	_ =	sdelay $0x1  }
0x99: {  	s19 =	simm.s32 $_scs_section_size  }
0x9a: {  	s4 =	simm.s32 $_size__tile_overlayer_lowered;
	s5 =	simm.s32 $_tile_overlayer_lowered  }
0x9b: {  	s22 =	simm.s32 $0x1BFF;
	s21 =	sshll.u32 s5, $0x1;
	s2 =	sadd.s32 s19, s18  }
0x9c: {  	s6 =	simm.s32 $0x0;
	s20 =	sshll.u32 s4, $0x1;
	s4 =	sadd.s32 s21, s2  }
0x9d: {  	[timem:s6], [sflag:s22] =	dma.local [hbm:s4], s20  }
0x9e: {  	_ =	swait.ge [sflag:s22], s20  }
0x9f: {  	s3 =	ssub.s32 $0x0, s20;
	[sflag:s22] =	ssyncset.done $0x0  }
0xa0: {  	[sflag:s22] =	ssyncadd.s32 s3;
	_ =	sdelay $0x1  }
0xa1: {  	s23 =	simm.s32 $0x1B8B  }
0xa2: {  	_ =	swait.ge [sflag:s23], $0x1  }
0xa3: {  	[sflag:s23] =	ssyncset.done $0x0  }
0xa4: {  	s25 =	simm.s32 $0x1B8E;
	s24 =	sld [smem:$0x3FFE];
	[sflag:s23] =	ssyncadd.s32 $0xFFFFFFFF  }
0xa5: {  	s26 =	simm.s32 $execute0_lowered;
	[smem:$0x3FD2] =	sst s25  }
0xa6: {  	s4 =	sshll.u32 s26, $0x1;
	_ =	strace $0x80000058;
	[dreg:$0x1] =	wrdreg $0xFFFFFFFF  }
0xa7: {  	s28 =	simm.s32 $_size_execute0_lowered;
	s2 =	sadd.s32 s2, s4;
	[dreg:$0x0] =	wrdreg $0x0  }
0xa8: {  	s4 =	sshll.u32 s28, $0x1;
	[dreg:$0x2] =	wrdreg s2  }
0xa9: {  	[dreg:$0x3] =	wrdreg s4  }
0xaa: {  	[dreg:$0x4] =	wrdreg $0xC0  }
0xab: {  	_ =	task [dreg:s6], $0x5FFFF  }
0xac: {  	[dreg:$0x1] =	wrdreg $0xFFFFFFFF  }
0xad: {  	[dreg:$0x0] =	wrdreg $0x60  }
0xae: {  	[dreg:$0x2] =	wrdreg s24  }
0xaf: {  	[dreg:$0x3] =	wrdreg $0xB3000  }
0xb0: {  	[dreg:$0x4] =	wrdreg $0x9  }
0xb1: {  	_ =	task.clear_ibuf [dreg:s6], $0x5FFFF;
	_ =	strace $0x90000058  }
0xb2: {  	s29 =	simm.s32 $0x9;
	_ =	strace $0x8000005A  }
0xb3: {  	_ =	swait.ge [sflag:s29], $0x1  }
0xb4: {  	[sflag:s29] =	ssyncadd.s32 $0xFFFFFFFF  }
0xb5: {  	_ =	strace $0x9000005A  }
0xb6: {  	_ =	sfence  }
0xb7: {  	s30 =	sld [smem:$0x0];
	_ =	sdelay $0x2  }
0xb8: {  	s31 =	sshll.u32 s1, $0xD;
	s1 =	sshrl.u32 s1, $0x2  }
0xb9: {  	s3 =	sand.u32 $0x4000, s31;
	s1 =	sadd.s32 s1, s30  }
0xba: {  	s0 =	sor.u32 s3, s0;
	s1 =	sshll.u32 s1, $0x11  }
0xbb: {  	s0 =	sor.u32 s1, s0  }
0xbc: {  	s0 =	sadd.s32 $0x8F2B, s0  }
0xbd: {  	[sflag:s0] =	ssyncadd.remote.s32 $0x1  }
0xbe: {  	_ =	sfence.sel $0xFFFF  }
0xbf: {  	[dreg:$0x0] =	wrdreg $0xFFFFFFFF;
	(pc) =	sbr.abs _section_cstart, $3  }
0xc0: {  	[dreg:$0x1] =	wrdreg $0xFFFFFFFF  }
0xc1: {  	_ =	task.clear_ibuf [dreg:s6], $0x2FFFF;
	_ =	strace $0x9FFFFFFF  }
0xc2: {  	(tm) =	ssettm $0x7FFFFFFF  }
0xc3: {  	_ =	shalt  }
tec
execute0_lowered:
.L_overlay_start_1:
0x0: {  	(tag) =	ssettag $0x1  }
0x1: {  	s0 =	rddreg [dreg:$0x0]  }
0x2: {  	s2 =	rddreg [dreg:$0x1]  }
0x3: {  	s12 =	stileid.u32;
	s3 =	simm.s32 $0x0;
	s4 =	srdreg.scid  }
0x4: {  	s14 =	simm.s32 $0x28;
	s15 =	simm.s32 $0x4F00;
	s16 =	simm.s32 $0x6300  }
0x5: {  	s18 =	simm.s32 $0x7700;
	s20 =	simm.s32 $0x8B00;
	s22 =	simm.s32 $0x9F00  }
0x6: {  	s23 =	simm.s32 $0x1;
	s28 =	simm.s32 $0x5;
	s29 =	simm.s32 $0x6  }
0x7: {  	s30 =	simm.s32 $0x7;
	s31 =	simm.s32 $0x8;
	s1 =	smul.u32 $0x4E2, s12  }
0x8: {  	s17 =	simm.s32 $0x0;
	[smem:$0x7FF] =	sst s3;
	s5 =	smul.u32 $0x14000, s12  }
0x9: {  	s7 =	sand.u32 $0x1, s4;
	s4 =	sadd.s32 $0x21400, s0;
	s9 =	smul.u32 $0x50000, s12  }
0xa: {  	s26 =	sshll.u32 s12, $0x6;
	s12 =	simm.s32 $0x1C400;
	_ =	strace $0x80000059  }
0xb: {  	s6 =	smul.u32 $0x140000, s7;
	s24 =	ssub.s32 $0x2, s7;
	p0 =	seq.s32 s7, $0x1  }
0xc: {  	s1 =	sadd.s32 s1, s0;
	s8 =	sshrl.u32 s5, $0x3;
	s10 =	sshrl.u32 s24, $0x1  }
0xd: {  	s25 =	sshrl.u32 s9, $0x2;
	s12 =	simm.s32 @!p0 $0xAA00;
	s5 =	sadd.s32 s5, s6  }
0xe: {  	s8 =	sadd.s32 s8, s0;
	s10 =	ssub.s32 s24, s10;
	s11 =	sadd.s32 s25, s2  }
0xf: {  	s6 =	sor.u32 $0x1C0B, s26;
	s7 =	sadd.s32 $0x5A00, s1;
	s24 =	simm.s32 $0x2  }
0x10: {  	s25 =	simm.s32 $0x3;
	s26 =	simm.s32 $0x4;
	s5 =	sshrl.u32 s5, $0x3  }
0x11: {  	s9 =	smax.u32 s10, $0x1;
	s10 =	sadd.s32 s12, s1;
	s11 =	sshrl.u32 s11, $0x3  }
0x12: {  	s12 =	simm.s32 $0xB;
	s1 =	simm.s32 $0xA;
	s0 =	sadd.s32 s5, s0  }
0x13: {  	s5 =	sadd.s32 $0x6F600, s8;
	s8 =	sadd.s32 $0x97600, s0;
	s0 =	simm.s32 $0x9  }
.LBB2_1:
0x14: {  	[spmem:s11], [sflag:s6] =	dma.local [hbm:s5], $0x2800  }
0x15: {  	_ =	swait.ge [sflag:s12], $0x2800  }
0x16: {  	[sflag:s12] =	ssyncset.done $0x0  }
0x17: {  	[sflag:s12] =	ssyncadd.s32 $0xFFFFD800  }
0x18: {  	[tilespmem:s3], [sflag:$0xB] =	stream.linear.gather [hbm4b:s10+s3], $0x2710, $0x38;
	[tilespmem:$0x1F300] =	vst v63  }
0x19: {  	_ =	swait.ge [sflag:s12], $0x2710  }
0x1a: {  	[sflag:s12] =	ssyncset.done $0x0  }
0x1b: {  	s13 =	simm.s32 $0x2780;
	[sflag:s12] =	ssyncadd.s32 $0xFFFFD8F0  }
0x1c: {  	[tilespmem:s13], [sflag:$0xB] =	stream.linear.gather [hbm4b:s7+s3], $0x2710, $0x38;
	[tilespmem:$0x1F300] =	vst v63  }
0x1d: {  	_ =	swait.ge [sflag:s12], $0x2710  }
0x1e: {  	[sflag:s12] =	ssyncset.done $0x0  }
0x1f: {  	[sflag:s12] =	ssyncadd.s32 $0xFFFFD8F0  }
0x20: {  	[bflag:$0x0] =	sbarrier.arrive $0xFFFF  }
0x21: {  	[tilespmem:s15], [sflag:$0x1] =	stream.indirect.gather [hbm4b:s4+s14], $0x80, s3, s14, $0xb8;
	[tilespmem:$0x1F300] =	vst v63  }
0x22: {  	_ = 	snop  }
0x23: {  	[tilespmem:s16], [sflag:$0x2] =	stream.indirect.gather [hbm4b:s4+s14], $0x80, s14, s14, $0xb8;
	[tilespmem:$0x1F300] =	vst v63  }
0x24: {  	s21 =	simm.s32 $0x50  }
0x25: {  	[tilespmem:s18], [sflag:$0x3] =	stream.indirect.gather [hbm4b:s4+s14], $0x80, s21, s14, $0xb8;
	[tilespmem:$0x1F300] =	vst v63  }
0x26: {  	s19 =	simm.s32 $0x78  }
0x27: {  	[tilespmem:s20], [sflag:$0x4] =	stream.indirect.gather [hbm4b:s4+s14], $0x80, s19, s14, $0xb8;
	[tilespmem:$0x1F300] =	vst v63  }
0x28: {  	s21 =	simm.s32 $0xA0  }
0x29: {  	[tilespmem:s22], [sflag:$0x5] =	stream.indirect.gather [hbm4b:s4+s14], $0x80, s21, s14, $0xb8;
	[tilespmem:$0x1F300] =	vst v63  }
0x2a: {  	_ =	swait.ge [sflag:s23], $0x1400  }
0x2b: {  	[sflag:s23] =	ssyncset.done $0x0  }
0x2c: {  	s19 =	simm.s32 $0x2780;
	[sflag:s23] =	ssyncadd.s32 $0xFFFFEC00  }
0x2d: {  	[spmem:s2] =	stream.indirect.scatter.add.f32 [tilespmem:s15], [sflag:$0x6], $0x80, s19, s14, $0xb8;
	[tilespmem:$0x1F300] =	vst v63  }
0x2e: {  	_ =	swait.ge [sflag:s24], $0x1400  }
0x2f: {  	[sflag:s24] =	ssyncset.done $0x0  }
0x30: {  	s13 =	simm.s32 $0x27A8;
	[sflag:s24] =	ssyncadd.s32 $0xFFFFEC00  }
0x31: {  	[spmem:s2] =	stream.indirect.scatter.add.f32 [tilespmem:s16], [sflag:$0x7], $0x80, s13, s14, $0xb8;
	[tilespmem:$0x1F300] =	vst v63  }
0x32: {  	_ =	swait.ge [sflag:s25], $0x1400  }
0x33: {  	[sflag:s25] =	ssyncset.done $0x0  }
0x34: {  	s21 =	simm.s32 $0x27D0;
	[sflag:s25] =	ssyncadd.s32 $0xFFFFEC00  }
0x35: {  	[spmem:s2] =	stream.indirect.scatter.add.f32 [tilespmem:s18], [sflag:$0x8], $0x80, s21, s14, $0xb8;
	[tilespmem:$0x1F300] =	vst v63  }
0x36: {  	_ =	swait.ge [sflag:s26], $0x1400  }
0x37: {  	[sflag:s26] =	ssyncset.done $0x0  }
0x38: {  	s13 =	simm.s32 $0x27F8;
	[sflag:s26] =	ssyncadd.s32 $0xFFFFEC00  }
0x39: {  	[spmem:s2] =	stream.indirect.scatter.add.f32 [tilespmem:s20], [sflag:$0x9], $0x80, s13, s14, $0xb8;
	[tilespmem:$0x1F300] =	vst v63  }
0x3a: {  	_ =	swait.ge [sflag:s28], $0x1400  }
0x3b: {  	[sflag:s28] =	ssyncset.done $0x0  }
0x3c: {  	s21 =	simm.s32 $0x2820;
	[sflag:s28] =	ssyncadd.s32 $0xFFFFEC00  }
0x3d: {  	[spmem:s2] =	stream.indirect.scatter.add.f32 [tilespmem:s22], [sflag:$0xA], $0x80, s21, s14, $0xb8;
	[tilespmem:$0x1F300] =	vst v63  }
0x3e: {  	_ =	swait.ge [sflag:s29], $0x1400  }
0x3f: {  	[sflag:s29] =	ssyncset.done $0x0  }
0x40: {  	s13 =	simm.s32 $0xC8;
	[sflag:s29] =	ssyncadd.s32 $0xFFFFEC00  }
0x41: {  	[tilespmem:s15], [sflag:$0x1] =	stream.indirect.gather [hbm4b:s4+s14], $0x80, s13, s14, $0xb8;
	[tilespmem:$0x1F300] =	vst v63  }
0x42: {  	_ =	swait.ge [sflag:s30], $0x1400  }
0x43: {  	[sflag:s30] =	ssyncset.done $0x0  }
0x44: {  	s21 =	simm.s32 $0xF0;
	[sflag:s30] =	ssyncadd.s32 $0xFFFFEC00  }
0x45: {  	[tilespmem:s16], [sflag:$0x2] =	stream.indirect.gather [hbm4b:s4+s14], $0x80, s21, s14, $0xb8;
	[tilespmem:$0x1F300] =	vst v63  }
0x46: {  	_ =	swait.ge [sflag:s31], $0x1400  }
0x47: {  	[sflag:s31] =	ssyncset.done $0x0  }
0x48: {  	s13 =	simm.s32 $0x118;
	[sflag:s31] =	ssyncadd.s32 $0xFFFFEC00  }
0x49: {  	[tilespmem:s18], [sflag:$0x3] =	stream.indirect.gather [hbm4b:s4+s14], $0x80, s13, s14, $0xb8;
	[tilespmem:$0x1F300] =	vst v63  }
0x4a: {  	_ =	swait.ge [sflag:s0], $0x1400  }
0x4b: {  	[sflag:s0] =	ssyncset.done $0x0  }
0x4c: {  	s21 =	simm.s32 $0x140;
	[sflag:s0] =	ssyncadd.s32 $0xFFFFEC00  }
0x4d: {  	[tilespmem:s20], [sflag:$0x4] =	stream.indirect.gather [hbm4b:s4+s14], $0x80, s21, s14, $0xb8;
	[tilespmem:$0x1F300] =	vst v63  }
0x4e: {  	_ =	swait.ge [sflag:s1], $0x1400  }
0x4f: {  	[sflag:s1] =	ssyncset.done $0x0  }
0x50: {  	s19 =	simm.s32 $0x320;
	s21 =	simm.s32 $0x168;
	[sflag:s1] =	ssyncadd.s32 $0xFFFFEC00  }
.LBB2_2:
0x51: {  	[tilespmem:s22], [sflag:$0x5] =	stream.indirect.gather [hbm4b:s4+s14], $0x80, s21, s14, $0xb8;
	[tilespmem:$0x1F300] =	vst v63  }
0x52: {  	s21 =	smov.u32 s19  }
0x53: {  	p0 =	sne.s32 s19, $0x9600;
	s19 =	sadd.s32 $0x320, s19;
	_ =	swait.ge [sflag:s23], $0x1400  }
0x54: {  	s21 =	sshra.s32 s21, $0x2;
	[sflag:s23] =	ssyncset.done $0x0  }
0x55: {  	s13 =	sadd.s32 $0x2780, s21;
	[sflag:s23] =	ssyncadd.s32 $0xFFFFEC00  }
0x56: {  	[spmem:s2] =	stream.indirect.scatter.add.f32 [tilespmem:s15], [sflag:$0x6], $0x80, s13, s14, $0xb8;
	[tilespmem:$0x1F300] =	vst v63  }
0x57: {  	_ =	swait.ge [sflag:s24], $0x1400  }
0x58: {  	[sflag:s24] =	ssyncset.done $0x0  }
0x59: {  	s13 =	sadd.s32 $0x27A8, s21;
	[sflag:s24] =	ssyncadd.s32 $0xFFFFEC00  }
0x5a: {  	[spmem:s2] =	stream.indirect.scatter.add.f32 [tilespmem:s16], [sflag:$0x7], $0x80, s13, s14, $0xb8;
	[tilespmem:$0x1F300] =	vst v63  }
0x5b: {  	_ =	swait.ge [sflag:s25], $0x1400  }
0x5c: {  	[sflag:s25] =	ssyncset.done $0x0  }
0x5d: {  	s13 =	sadd.s32 $0x27D0, s21;
	[sflag:s25] =	ssyncadd.s32 $0xFFFFEC00  }
0x5e: {  	[spmem:s2] =	stream.indirect.scatter.add.f32 [tilespmem:s18], [sflag:$0x8], $0x80, s13, s14, $0xb8;
	[tilespmem:$0x1F300] =	vst v63  }
0x5f: {  	_ =	swait.ge [sflag:s26], $0x1400  }
0x60: {  	[sflag:s26] =	ssyncset.done $0x0  }
0x61: {  	s13 =	sadd.s32 $0x27F8, s21;
	[sflag:s26] =	ssyncadd.s32 $0xFFFFEC00  }
0x62: {  	[spmem:s2] =	stream.indirect.scatter.add.f32 [tilespmem:s20], [sflag:$0x9], $0x80, s13, s14, $0xb8;
	[tilespmem:$0x1F300] =	vst v63  }
0x63: {  	_ =	swait.ge [sflag:s28], $0x1400  }
0x64: {  	[sflag:s28] =	ssyncset.done $0x0  }
0x65: {  	s13 =	sadd.s32 $0x2820, s21;
	[sflag:s28] =	ssyncadd.s32 $0xFFFFEC00  }
0x66: {  	[spmem:s2] =	stream.indirect.scatter.add.f32 [tilespmem:s22], [sflag:$0xA], $0x80, s13, s14, $0xb8;
	[tilespmem:$0x1F300] =	vst v63  }
0x67: {  	_ =	swait.ge [sflag:s29], $0x1400  }
0x68: {  	[sflag:s29] =	ssyncset.done $0x0  }
0x69: {  	s13 =	sadd.s32 $0xC8, s21;
	[sflag:s29] =	ssyncadd.s32 $0xFFFFEC00  }
0x6a: {  	[tilespmem:s15], [sflag:$0x1] =	stream.indirect.gather [hbm4b:s4+s14], $0x80, s13, s14, $0xb8;
	[tilespmem:$0x1F300] =	vst v63  }
0x6b: {  	_ =	swait.ge [sflag:s30], $0x1400  }
0x6c: {  	[sflag:s30] =	ssyncset.done $0x0  }
0x6d: {  	s13 =	sadd.s32 $0xF0, s21;
	[sflag:s30] =	ssyncadd.s32 $0xFFFFEC00  }
0x6e: {  	[tilespmem:s16], [sflag:$0x2] =	stream.indirect.gather [hbm4b:s4+s14], $0x80, s13, s14, $0xb8;
	[tilespmem:$0x1F300] =	vst v63  }
0x6f: {  	_ =	swait.ge [sflag:s31], $0x1400  }
0x70: {  	[sflag:s31] =	ssyncset.done $0x0  }
0x71: {  	s13 =	sadd.s32 $0x118, s21;
	[sflag:s31] =	ssyncadd.s32 $0xFFFFEC00  }
0x72: {  	[tilespmem:s18], [sflag:$0x3] =	stream.indirect.gather [hbm4b:s4+s14], $0x80, s13, s14, $0xb8;
	[tilespmem:$0x1F300] =	vst v63  }
0x73: {  	_ =	swait.ge [sflag:s0], $0x1400  }
0x74: {  	[sflag:s0] =	ssyncset.done $0x0  }
.Ltmp0:
0x75: {  	s13 =	sadd.s32 $0x140, s21;
	[sflag:s0] =	ssyncadd.s32 $0xFFFFEC00;
	(pc) =	sbr.rel @p0 .LBB2_2-.Ltmp0, $4  }
0x76: {  	[tilespmem:s20], [sflag:$0x4] =	stream.indirect.gather [hbm4b:s4+s14], $0x80, s13, s14, $0xb8;
	[tilespmem:$0x1F300] =	vst v63  }
0x77: {  	_ =	swait.ge [sflag:s1], $0x1400  }
0x78: {  	[sflag:s1] =	ssyncset.done $0x0  }
0x79: {  	s21 =	sadd.s32 $0x168, s21;
	[sflag:s1] =	ssyncadd.s32 $0xFFFFEC00  }
0x7a: {  	[tilespmem:s22], [sflag:$0x5] =	stream.indirect.gather [hbm4b:s4+s14], $0x80, s21, s14, $0xb8;
	[tilespmem:$0x1F300] =	vst v63  }
0x7b: {  	_ =	swait.ge [sflag:s23], $0x1400  }
0x7c: {  	[sflag:s23] =	ssyncset.done $0x0  }
0x7d: {  	s13 =	simm.s32 $0x4DC8;
	[sflag:s23] =	ssyncadd.s32 $0xFFFFEC00  }
0x7e: {  	[spmem:s2] =	stream.indirect.scatter.add.f32 [tilespmem:s15], [sflag:$0x6], $0x80, s13, s14, $0xb8;
	[tilespmem:$0x1F300] =	vst v63  }
0x7f: {  	_ =	swait.ge [sflag:s24], $0x1400  }
0x80: {  	[sflag:s24] =	ssyncset.done $0x0  }
0x81: {  	s19 =	simm.s32 $0x4DF0;
	[sflag:s24] =	ssyncadd.s32 $0xFFFFEC00  }
0x82: {  	[spmem:s2] =	stream.indirect.scatter.add.f32 [tilespmem:s16], [sflag:$0x7], $0x80, s19, s14, $0xb8;
	[tilespmem:$0x1F300] =	vst v63  }
0x83: {  	_ =	swait.ge [sflag:s25], $0x1400  }
0x84: {  	[sflag:s25] =	ssyncset.done $0x0  }
0x85: {  	s21 =	simm.s32 $0x4E18;
	[sflag:s25] =	ssyncadd.s32 $0xFFFFEC00  }
0x86: {  	[spmem:s2] =	stream.indirect.scatter.add.f32 [tilespmem:s18], [sflag:$0x8], $0x80, s21, s14, $0xb8;
	[tilespmem:$0x1F300] =	vst v63  }
0x87: {  	_ =	swait.ge [sflag:s26], $0x1400  }
0x88: {  	[sflag:s26] =	ssyncset.done $0x0  }
0x89: {  	s19 =	simm.s32 $0x4E40;
	[sflag:s26] =	ssyncadd.s32 $0xFFFFEC00  }
0x8a: {  	[spmem:s2] =	stream.indirect.scatter.add.f32 [tilespmem:s20], [sflag:$0x9], $0x80, s19, s14, $0xb8;
	[tilespmem:$0x1F300] =	vst v63  }
0x8b: {  	_ =	swait.ge [sflag:s28], $0x1400  }
0x8c: {  	[sflag:s28] =	ssyncset.done $0x0  }
0x8d: {  	s21 =	simm.s32 $0x4E68;
	[sflag:s28] =	ssyncadd.s32 $0xFFFFEC00  }
0x8e: {  	[spmem:s2] =	stream.indirect.scatter.add.f32 [tilespmem:s22], [sflag:$0xA], $0x80, s21, s14, $0xb8;
	[tilespmem:$0x1F300] =	vst v63  }
0x8f: {  	_ =	swait.ge [sflag:s29], $0x1400  }
0x90: {  	[sflag:s29] =	ssyncset.done $0x0  }
0x91: {  	[sflag:s29] =	ssyncadd.s32 $0xFFFFEC00  }
0x92: {  	_ =	swait.ge [sflag:s30], $0x1400  }
0x93: {  	[sflag:s30] =	ssyncset.done $0x0  }
0x94: {  	[sflag:s30] =	ssyncadd.s32 $0xFFFFEC00  }
0x95: {  	_ =	swait.ge [sflag:s31], $0x1400  }
0x96: {  	[sflag:s31] =	ssyncset.done $0x0  }
0x97: {  	[sflag:s31] =	ssyncadd.s32 $0xFFFFEC00  }
0x98: {  	_ =	swait.ge [sflag:s0], $0x1400  }
0x99: {  	[sflag:s0] =	ssyncset.done $0x0  }
0x9a: {  	[sflag:s0] =	ssyncadd.s32 $0xFFFFEC00  }
0x9b: {  	_ =	swait.ge [sflag:s1], $0x1400  }
0x9c: {  	s17 =	sadd.s32 $0x1, s17;
	[sflag:s1] =	ssyncset.done $0x0  }
0x9d: {  	p0 =	sne.s32 s17, s9;
	[sflag:s1] =	ssyncadd.s32 $0xFFFFEC00  }
.Ltmp1:
0x9e: {  	[bflag:$0x0] =	sbarrier.arrive $0xFFFF;
	(pc) =	sbr.rel @p0 .LBB2_1-.Ltmp1, $4  }
0x9f: {  	[hbm:s8], [sflag:s6] =	dma.local [spmem:s11], $0x2800  }
0xa0: {  	_ =	swait.ge [sflag:s12], $0x2800  }
0xa1: {  	[sflag:s12] =	ssyncset.done $0x0  }
0xa2: {  	[sflag:s12] =	ssyncadd.s32 $0xFFFFD800  }
0xa3: {  	_ =	sfence.sel $0x180000  }
0xa4: {  	[bflag:$0x0] =	sbarrier.arrive $0xFFFF  }
0xa5: {  	_ =	strace $0x90000059  }
0xa6: {  	s0 =	stileid.u32;
	[bflag:$0x2] =	sbarrier.arrive $0xFFFF  }
0xa7: {  	p0 =	sne.s32 s0, $0x0;
	s0 =	rddreg [dreg:$0x2]  }
0xa8: {  	s0 =	sadd.s32 @!p0 $0x100000, s0  }
0xa9: {  	[sflag:s0] =	ssyncadd.tile.s32 @!p0 $0x1;
	_ =	shalt  }
.Lfunc_end2:
_tile_overlayer_lowered:
.L_overlay_start_2:
0xaa: {  	(tag) =	ssettag $0x2  }
0xab: {  	s0 =	rddreg [dreg:$0x0];
	s2 =	stileid.u32  }
0xac: {  	s1 =	rddreg [dreg:$0x1];
	p0 =	sne.s32 s2, $0x0  }
0xad: {  	s3 =	rddreg [dreg:$0x2];
	[bflag:$0x3] =	sbarrier.arrive $0xFFFF;
	s2 =	simm.s32 @!p0 $0x1C0B  }
0xae: {  	[timem:s3], [sflag:s2] =	dma.local @!p0 [hbm:s0], s1  }
0xaf: {  	s0 =	simm.s32 @!p0 $0xB  }
0xb0: {  	_ =	swait.ge @!p0 [sflag:s0], s1  }
0xb1: {  	s1 =	ssub.s32 @!p0 $0x0, s1;
	[sflag:s0] =	ssyncset.done @!p0 $0x0  }
0xb2: {  	[sflag:s0] =	ssyncadd.s32 @!p0 s1  }
0xb3: {  	[bflag:$0x3] =	sbarrier.arrive $0xFFFF  }
0xb4: {  	_ =	shalt  }

</sc_bundles>
